<compile_context>
chip_gen: v7x
topology: tpu7x:2x2x1
jax: 0.10.2.dev20260603
libtpu: 0.0.44.dev20260713+nightly
codegen_flags: <defaults>
</compile_context>

<pallas_src>
import functools

import jax
import jax.numpy as jnp
from jax import lax
from jax.experimental import pallas as pl
from jax.experimental.pallas import tpu as pltpu
from jax.experimental.pallas import tpu_sc as plsc

N = 10000
E = 160000
D_IN = 128
D_E = 16
H = 16
EH = 128
NSTEP_MP = 3
NSTEP_S2S = 6
NLAYER_S2S = 3

_NC = 2
_NS = 16
_NW = _NC * _NS

_CHUNK = 100
_KCH = 50
_BPW = _CHUNK * _KCH
_ET = 3200
_NT_E = E // _ET
_RPT = N // _NS
_NP = N // 8
_ETP = _ET // 8

_sc_mesh = plsc.VectorSubcoreMesh(core_axis_name="c", subcore_axis_name="s")
_sc_params = pltpu.CompilerParams(use_tc_tiling_on_sc=False)




@functools.partial(
    pl.kernel,
    out_type=jax.ShapeDtypeStruct((E, H), jnp.float32),
    mesh=_sc_mesh,
    compiler_params=_sc_params,
    scratch_types=[
        pltpu.VMEM((_KCH, _CHUNK), jnp.int32),
        pltpu.VMEM((_BPW, H), jnp.float32),
        pltpu.SemaphoreType.DMA,
    ],
)
def _sc_gather(table_hbm, idx_hbm, out_hbm, idx_v, rows_v, sem):
    wid = lax.axis_index("s") * _NC + lax.axis_index("c")
    pltpu.sync_copy(idx_hbm.at[wid], idx_v)

    def grp(g, carry):
        for b in range(10):
            j = g * 10 + b
            pltpu.async_copy(
                table_hbm.at[idx_v.at[j]], rows_v.at[pl.ds(j * _CHUNK, _CHUNK)], sem
            )
        for b in range(10):
            j = g * 10 + b
            pltpu.make_async_copy(
                table_hbm.at[idx_v.at[j]], rows_v.at[pl.ds(j * _CHUNK, _CHUNK)], sem
            ).wait()
        return carry

    lax.fori_loop(0, _KCH // 10, grp, 0)
    pltpu.sync_copy(rows_v, out_hbm.at[pl.ds(wid * _BPW, _BPW)])


@functools.partial(
    pl.kernel,
    out_type=jax.ShapeDtypeStruct((_NC, N, H), jnp.float32),
    mesh=_sc_mesh,
    compiler_params=_sc_params,
    scratch_types=[
        pltpu.VMEM((_KCH, _CHUNK), jnp.int32),
        pltpu.VMEM((_BPW, H), jnp.float32),
        pltpu.VMEM_SHARED((N, H), jnp.float32),
    ],
)
def _sc_scatter_add(msg_hbm, dst_hbm, zeros_hbm, out_hbm, idx_v, msg_v, acc_sh):
    c = lax.axis_index("c")
    s = lax.axis_index("s")
    wid = s * _NC + c
    pltpu.sync_copy(zeros_hbm.at[pl.ds(s * _RPT, _RPT)], acc_sh.at[pl.ds(s * _RPT, _RPT)])
    pltpu.sync_copy(dst_hbm.at[wid], idx_v)
    pltpu.sync_copy(msg_hbm.at[pl.ds(wid * _BPW, _BPW)], msg_v)
    plsc.subcore_barrier()

    def body(j, carry):
        pltpu.sync_copy(
            msg_v.at[pl.ds(j * _CHUNK, _CHUNK)], acc_sh.at[idx_v.at[j]], add=True
        )
        return carry

    lax.fori_loop(0, _KCH, body, 0)
    plsc.subcore_barrier()
    pltpu.sync_copy(
        acc_sh.at[pl.ds(s * _RPT, _RPT)], out_hbm.at[c].at[pl.ds(s * _RPT, _RPT)]
    )




def _proj_body(x_ref, wp_ref, bp_ref, o_ref):
    o_ref[...] = jax.nn.relu(
        jnp.dot(x_ref[...], wp_ref[...], preferred_element_type=jnp.float32)
        + bp_ref[...]
    )


def _edgenet_body(ea_ref, we1_ref, be1_ref, we2_ref, be2_ref, w_ref):
    ea = ea_ref[...]
    for m in range(8):
        ea_m = ea[:, m * H : (m + 1) * H]
        z = jax.nn.relu(
            jnp.dot(ea_m, we1_ref[...], preferred_element_type=jnp.float32)
            + be1_ref[...]
        )
        w_ref[m] = (
            jnp.dot(z, we2_ref[...], preferred_element_type=jnp.float32)
            + be2_ref[...]
        ).astype(jnp.bfloat16)


def _msg_body(w_ref, hs_ref, r_ref, s_ref, o_ref):
    hs = hs_ref[...]
    outs = []
    for m in range(8):
        hs_m = hs[:, m * H : (m + 1) * H]
        hs_t = jnp.dot(hs_m, r_ref[...], preferred_element_type=jnp.float32)
        w_m = w_ref[m].astype(jnp.float32)
        outs.append(
            jnp.dot(hs_t * w_m, s_ref[...], preferred_element_type=jnp.float32)
        )
    o_ref[...] = jnp.concatenate(outs, axis=1)


def _gru_body(
    p_ref, hid_ref, bnn_ref, wbih_ref, wbhh_ref, bih_ref, bhh_ref,
    gr_ref, gz_ref, gn_ref, o_ref,
):
    f32 = jnp.float32
    agg = p_ref[0] + p_ref[1]
    hn = jax.nn.relu(agg + bnn_ref[...])
    hid = hid_ref[...]
    gi = jnp.dot(hn, wbih_ref[...], preferred_element_type=f32) + bih_ref[...]
    gh = jnp.dot(hid, wbhh_ref[...], preferred_element_type=f32) + bhh_ref[...]
    s = gi + gh
    r = jax.nn.sigmoid(jnp.dot(s, gr_ref[...], preferred_element_type=f32))
    z = jax.nn.sigmoid(jnp.dot(s, gz_ref[...], preferred_element_type=f32))
    i_n = jnp.dot(gi, gn_ref[...], preferred_element_type=f32)
    h_n = jnp.dot(gh, gn_ref[...], preferred_element_type=f32)
    n = jnp.tanh(i_n + r * h_n)
    o_ref[...] = (1.0 - z) * n + z * hid


def _s2s_body(
    h_ref, rep8_ref, bs_ref, fold_ref,
    wih0T_ref, wih12T_ref, whhT_ref, bih_ref, bhh_ref,
    wp1_ref, bp1_ref, wp2_ref, bp2_ref, o_ref,
):
    h_p = h_ref[...]
    f32 = jnp.float32
    q_star = jnp.zeros((1, 2 * H), dtype=f32)
    hs = [jnp.zeros((1, H), dtype=f32) for _ in range(NLAYER_S2S)]
    cs = [jnp.zeros((1, H), dtype=f32) for _ in range(NLAYER_S2S)]
    for _ in range(NSTEP_S2S):
        inp_l = q_star
        for l in range(NLAYER_S2S):
            wT = wih0T_ref[...] if l == 0 else wih12T_ref[l - 1]
            g = (
                jnp.dot(inp_l, wT, preferred_element_type=f32)
                + bih_ref[l]
                + jnp.dot(hs[l], whhT_ref[l], preferred_element_type=f32)
                + bhh_ref[l]
            )
            i = jax.nn.sigmoid(g[:, 0:H])
            f = jax.nn.sigmoid(g[:, H : 2 * H])
            gg = jnp.tanh(g[:, 2 * H : 3 * H])
            o = jax.nn.sigmoid(g[:, 3 * H : 4 * H])
            cs[l] = f * cs[l] + i * gg
            hs[l] = o * jnp.tanh(cs[l])
            inp_l = hs[l]
        q = inp_l
        qt = jnp.dot(q, rep8_ref[...], preferred_element_type=f32)
        ep = h_p * qt
        er = jnp.dot(ep, bs_ref[...], preferred_element_type=f32)
        m = jnp.max(er)
        p = jnp.exp(er - m)
        alpha = p / (jnp.sum(p) * (1.0 / H))
        ro_p = jnp.sum(alpha * h_p, axis=0, keepdims=True)
        readout = jnp.dot(ro_p, fold_ref[...], preferred_element_type=f32)
        q_star = jnp.concatenate([q, readout], axis=1)
    hid = jax.nn.relu(
        jnp.dot(q_star, wp1_ref[...], preferred_element_type=f32) + bp1_ref[...]
    )
    o_ref[...] = jnp.dot(hid, wp2_ref[...], preferred_element_type=f32) + bp2_ref[...]


def _full(shape):
    nd = len(shape)
    return pl.BlockSpec(shape, lambda g: (0,) * nd)


def kernel(x, edge_index, edge_attr, Wp, bp, We1, be1, We2, be2, b_nn, gru_Wih, gru_Whh, gru_bih, gru_bhh, lstm_Wih0, lstm_Wih12, lstm_Whh, lstm_bih, lstm_bhh, Wp1, bp1, Wp2, bp2):
    f32 = jnp.float32
    src_p = edge_index[0].reshape(_NW, _KCH, _CHUNK)
    dst_p = edge_index[1].reshape(_NW, _KCH, _CHUNK)
    zeros_n = jnp.zeros((N, H), f32)
    ea_pk = edge_attr.reshape(E // 8, 128)

    eye8 = jnp.eye(8, dtype=f32)
    rep = jnp.tile(jnp.eye(H, dtype=f32), (1, H))
    sel = jnp.repeat(jnp.eye(H, dtype=f32), H, axis=0)
    We2p = We2.reshape(EH, H, H).swapaxes(1, 2).reshape(EH, H * H)
    be2p = be2.reshape(H, H).T.reshape(H * H)

    rep8 = jnp.tile(jnp.eye(H, dtype=f32), (1, 8))
    bs = jnp.kron(eye8, jnp.ones((H, H), dtype=f32))
    fold = jnp.tile(jnp.eye(H, dtype=f32), (8, 1))

    gru_args = (
        jnp.tile(b_nn.reshape(1, H), (1, 8)),
        jnp.kron(eye8, gru_Wih.T),
        jnp.kron(eye8, gru_Whh.T),
        jnp.tile(gru_bih.reshape(1, 3 * H), (1, 8)),
        jnp.tile(gru_bhh.reshape(1, 3 * H), (1, 8)),
        jnp.kron(eye8, jnp.eye(3 * H, H, dtype=f32)),
        jnp.kron(eye8, jnp.eye(3 * H, H, k=-H, dtype=f32)),
        jnp.kron(eye8, jnp.eye(3 * H, H, k=-2 * H, dtype=f32)),
    )

    h0 = pl.pallas_call(
        _proj_body,
        grid=(1,),
        in_specs=[_full((N, D_IN)), _full((D_IN, H)), _full((1, H))],
        out_specs=_full((N, H)),
        out_shape=jax.ShapeDtypeStruct((N, H), f32),
    )(x, Wp, bp.reshape(1, H)).reshape(_NP, 128)

    w_edge = pl.pallas_call(
        _edgenet_body,
        grid=(_NT_E,),
        in_specs=[
            pl.BlockSpec((_ETP, 128), lambda g: (g, 0)),
            _full((D_E, EH)),
            _full((1, EH)),
            _full((EH, H * H)),
            _full((1, H * H)),
        ],
        out_specs=pl.BlockSpec((8, _ETP, H * H), lambda g: (0, g, 0)),
        out_shape=jax.ShapeDtypeStruct((8, E // 8, H * H), jnp.bfloat16),
    )(ea_pk, We1, be1.reshape(1, EH), We2p, be2p.reshape(1, H * H))

    hidden = h0
    h_nodes = h0
    for _ in range(NSTEP_MP):
        hs_e = _sc_gather(h_nodes.reshape(N, H), src_p)
        msg = pl.pallas_call(
            _msg_body,
            grid=(_NT_E,),
            in_specs=[
                pl.BlockSpec((8, _ETP, H * H), lambda g: (0, g, 0)),
                pl.BlockSpec((_ETP, 128), lambda g: (g, 0)),
                _full((H, H * H)),
                _full((H * H, H)),
            ],
            out_specs=pl.BlockSpec((_ETP, 128), lambda g: (g, 0)),
            out_shape=jax.ShapeDtypeStruct((E // 8, 128), f32),
        )(w_edge, hs_e.reshape(E // 8, 128), rep, sel)
        parts = _sc_scatter_add(msg.reshape(E, H), dst_p, zeros_n)
        hidden = pl.pallas_call(
            _gru_body,
            grid=(1,),
            in_specs=[
                _full((_NC, _NP, 128)),
                _full((_NP, 128)),
                _full((1, 128)),
                _full((128, 3 * H * 8)),
                _full((128, 3 * H * 8)),
                _full((1, 3 * H * 8)),
                _full((1, 3 * H * 8)),
                _full((3 * H * 8, 128)),
                _full((3 * H * 8, 128)),
                _full((3 * H * 8, 128)),
            ],
            out_specs=_full((_NP, 128)),
            out_shape=jax.ShapeDtypeStruct((_NP, 128), f32),
        )(parts.reshape(_NC, _NP, 128), hidden, *gru_args)
        h_nodes = hidden

    out = pl.pallas_call(
        _s2s_body,
        grid=(1,),
        in_specs=[
            _full((_NP, 128)),
            _full((H, 128)),
            _full((128, 128)),
            _full((128, H)),
            _full((2 * H, 4 * H)),
            _full((NLAYER_S2S - 1, H, 4 * H)),
            _full((NLAYER_S2S, H, 4 * H)),
            _full((NLAYER_S2S, 1, 4 * H)),
            _full((NLAYER_S2S, 1, 4 * H)),
            _full((2 * H, H)),
            _full((1, H)),
            _full((H, 1)),
            _full((1, 1)),
        ],
        out_specs=_full((1, 1)),
        out_shape=jax.ShapeDtypeStruct((1, 1), f32),
    )(
        h_nodes,
        rep8,
        bs,
        fold,
        lstm_Wih0.T,
        jnp.transpose(lstm_Wih12, (0, 2, 1)),
        jnp.transpose(lstm_Whh, (0, 2, 1)),
        lstm_bih.reshape(NLAYER_S2S, 1, 4 * H),
        lstm_bhh.reshape(NLAYER_S2S, 1, 4 * H),
        Wp1,
        bp1.reshape(1, H),
        Wp2,
        bp2.reshape(1, 1),
    )
    return out

# --- scband reference (transcript-rebuilt; emitter-appended) ---
"""Pipeline reference for scband-gilmer-59828894433692 (READ-ONLY COPY).

The authoritative reference and input builder live on the scoring server;
editing this copy changes nothing except your own understanding.
"""

import jax, jax.numpy as jnp
import numpy as np

N = 10000
E = 160000
D_IN = 128
D_E = 16
H = 16
EH = 128
NSTEP_MP = 3
NSTEP_S2S = 6
NLAYER_S2S = 3


def setup_inputs(seed: int = 0) -> dict:
    key = jax.random.key(seed)
    ks = jax.random.split(key, 16)
    s = 0.1
    inp = {}
    inp["x"] = jax.random.normal(ks[0], (N, D_IN), dtype=jnp.float32)
    inp["edge_index"] = jax.random.randint(ks[1], (2, E), 0, N, dtype=jnp.int32)
    inp["edge_attr"] = jax.random.normal(ks[2], (E, D_E), dtype=jnp.float32)
    # project_node_feats: Linear(D_IN, H) + ReLU
    inp["Wp"] = jax.random.normal(ks[3], (D_IN, H), dtype=jnp.float32) * s
    inp["bp"] = jnp.zeros((H,), dtype=jnp.float32)
    # NNConv edge network: Linear(D_E, EH) -> ReLU -> Linear(EH, H*H)
    inp["We1"] = jax.random.normal(ks[4], (D_E, EH), dtype=jnp.float32) * s
    inp["be1"] = jnp.zeros((EH,), dtype=jnp.float32)
    inp["We2"] = jax.random.normal(ks[5], (EH, H * H), dtype=jnp.float32) * 0.05
    inp["be2"] = jnp.zeros((H * H,), dtype=jnp.float32)
    inp["b_nn"] = jnp.zeros((H,), dtype=jnp.float32)
    # GRU(H, H)
    inp["gru_Wih"] = jax.random.normal(ks[6], (3 * H, H), dtype=jnp.float32) * s
    inp["gru_Whh"] = jax.random.normal(ks[7], (3 * H, H), dtype=jnp.float32) * s
    inp["gru_bih"] = jnp.zeros((3 * H,), dtype=jnp.float32)
    inp["gru_bhh"] = jnp.zeros((3 * H,), dtype=jnp.float32)
    # Set2Set LSTM(2H -> H, 3 layers)
    inp["lstm_Wih0"] = jax.random.normal(ks[8], (4 * H, 2 * H), dtype=jnp.float32) * s
    inp["lstm_Wih12"] = jax.random.normal(ks[9], (NLAYER_S2S - 1, 4 * H, H), dtype=jnp.float32) * s
    inp["lstm_Whh"] = jax.random.normal(ks[10], (NLAYER_S2S, 4 * H, H), dtype=jnp.float32) * s
    inp["lstm_bih"] = jnp.zeros((NLAYER_S2S, 4 * H), dtype=jnp.float32)
    inp["lstm_bhh"] = jnp.zeros((NLAYER_S2S, 4 * H), dtype=jnp.float32)
    # predict head: Linear(2H, H) -> ReLU -> Linear(H, n_tasks=1)
    inp["Wp1"] = jax.random.normal(ks[11], (2 * H, H), dtype=jnp.float32) * s
    inp["bp1"] = jnp.zeros((H,), dtype=jnp.float32)
    inp["Wp2"] = jax.random.normal(ks[12], (H, 1), dtype=jnp.float32) * s
    inp["bp2"] = jnp.zeros((1,), dtype=jnp.float32)
    return inp


def _gru_cell(xi, h, Wih, Whh, bih, bhh):
    gi = xi @ Wih.T + bih
    gh = h @ Whh.T + bhh
    i_r, i_z, i_n = jnp.split(gi, 3, axis=-1)
    h_r, h_z, h_n = jnp.split(gh, 3, axis=-1)
    r = jax.nn.sigmoid(i_r + h_r)
    z = jax.nn.sigmoid(i_z + h_z)
    n = jnp.tanh(i_n + r * h_n)
    return (1.0 - z) * n + z * h


def _lstm_cell(xi, h, c, Wih, Whh, bih, bhh):
    g = xi @ Wih.T + bih + h @ Whh.T + bhh
    i, f, gg, o = jnp.split(g, 4, axis=-1)
    i = jax.nn.sigmoid(i)
    f = jax.nn.sigmoid(f)
    gg = jnp.tanh(gg)
    o = jax.nn.sigmoid(o)
    c_new = f * c + i * gg
    h_new = o * jnp.tanh(c_new)
    return h_new, c_new


def _forward(x, edge_attr, Wp, bp, We1, be1, We2, be2, b_nn, gru_Wih, gru_Whh, gru_bih, gru_bhh, lstm_Wih0, lstm_Wih12, lstm_Whh, lstm_bih, lstm_bhh, Wp1, bp1, Wp2, bp2, edge_index):
    src = edge_index[0]
    dst = edge_index[1]
    # project node feats
    h_nodes = jax.nn.relu(x @ Wp + bp)
    hidden = h_nodes
    # edge network -> per-edge [H, H] weight matrix (depends only on edge_attr)
    We = jax.nn.relu(edge_attr @ We1 + be1) @ We2 + be2
    We = We.reshape(E, H, H)
    # message passing with GRU update
    for _ in range(NSTEP_MP):
        msg = jnp.einsum('ei,eij->ej', h_nodes[src], We)
        agg = jax.ops.segment_sum(msg, dst, num_segments=N)
        h_new = jax.nn.relu(agg + b_nn)
        hidden = _gru_cell(h_new, hidden, gru_Wih, gru_Whh, gru_bih, gru_bhh)
        h_nodes = hidden
    # Set2Set readout (single batched graph)
    q_star = jnp.zeros((1, 2 * H), dtype=x.dtype)
    hs = [jnp.zeros((1, H), dtype=x.dtype) for _ in range(NLAYER_S2S)]
    cs = [jnp.zeros((1, H), dtype=x.dtype) for _ in range(NLAYER_S2S)]
    for _ in range(NSTEP_S2S):
        inp_l = q_star
        for l in range(NLAYER_S2S):
            Wih = lstm_Wih0 if l == 0 else lstm_Wih12[l - 1]
            h_l, c_l = _lstm_cell(inp_l, hs[l], cs[l], Wih, lstm_Whh[l], lstm_bih[l], lstm_bhh[l])
            hs[l] = h_l
            cs[l] = c_l
            inp_l = h_l
        q = inp_l
        e = jnp.sum(h_nodes * q, axis=-1)
        alpha = jax.nn.softmax(e)
        readout = jnp.sum(alpha[:, None] * h_nodes, axis=0, keepdims=True)
        q_star = jnp.concatenate([q, readout], axis=1)
    # prediction head (regression mode)
    hid = jax.nn.relu(q_star @ Wp1 + bp1)
    out = hid @ Wp2 + bp2
    return out


def reference(x, edge_index, edge_attr, Wp, bp, We1, be1, We2, be2, b_nn, gru_Wih, gru_Whh, gru_bih, gru_bhh, lstm_Wih0, lstm_Wih12, lstm_Whh, lstm_bih, lstm_bhh, Wp1, bp1, Wp2, bp2):
    return _forward(x, edge_attr, Wp, bp, We1, be1, We2, be2, b_nn, gru_Wih, gru_Whh, gru_bih, gru_bhh, lstm_Wih0, lstm_Wih12, lstm_Whh, lstm_bih, lstm_bhh, Wp1, bp1, Wp2, bp2, edge_index)

if __name__ == "__main__":
    import jax
    _d = setup_inputs()
    print(jax.jit(kernel)(*tuple(_d.values())))

</pallas_src>

<mosaic_0001>
#map = affine_map<(d0, d1) -> (0, 0)>
#map1 = affine_map<(d0, d1) -> (0, 0, 0)>
module attributes {stable_mosaic.version = 14 : i64} {
  func.func @_sc_gather(%arg0: i32, %arg1: i32, %arg2: memref<10000x16xf32, #tpu.memory_space<hbm>>, %arg3: memref<32x50x100xi32, #tpu.memory_space<hbm>>, %arg4: memref<160000x16xf32, #tpu.memory_space<hbm>>, %arg5: memref<50x100xi32, #tpu.memory_space<vmem>>, %arg6: memref<5000x16xf32, #tpu.memory_space<vmem>>, %arg7: memref<!tpu.dma_semaphore, #tpu.memory_space<semaphore_mem>>) attributes {dimension_semantics = [#tpu.dimension_semantics<core_parallel>, #tpu.dimension_semantics<subcore_parallel>], iteration_bounds = array<i64: 2, 16>, scalar_prefetch = 0 : i64, scratch_operands = 3 : i64, tpu.core_type = #tpu.core_type<sc_vector_subcore>, window_params = [{transform_indices = #map}, {transform_indices = #map1}, {transform_indices = #map}]} {
    %mul3A = arith.constant 2 : i32
    %mul3A_0 = arith.muli %arg1, %mul3A : i32
    %add3A = arith.addi %mul3A_0, %arg0 : i32
    "tpu.region"() ({
      %run_scoped3A = tpu.sem_alloc : memref<!tpu.dma_semaphore, #tpu.memory_space<semaphore_mem>>
      %dma_start3A = arith.constant 0 : i32
      %dma_start3A_8 = arith.constant 0 : i32
      %dma_start3A_9 = tpu.memref_slice %arg3[%add3A, %dma_start3A, %dma_start3A_8] : memref<32x50x100xi32, #tpu.memory_space<hbm>> -> memref<1x50x100xi32, #tpu.memory_space<hbm>>
      %dma_start3A_10 = tpu.memref_squeeze %dma_start3A_9 : memref<1x50x100xi32, #tpu.memory_space<hbm>> -> memref<50x100xi32, #tpu.memory_space<hbm>>
      %dma_start3A_11 = arith.constant 0 : i32
      %dma_start3A_12 = arith.constant 0 : i32
      %dma_start3A_13 = tpu.memref_slice %arg3[%add3A, %dma_start3A_11, %dma_start3A_12] : memref<32x50x100xi32, #tpu.memory_space<hbm>> -> memref<1x50x100xi32, #tpu.memory_space<hbm>>
      %dma_start3A_14 = tpu.memref_squeeze %dma_start3A_13 : memref<1x50x100xi32, #tpu.memory_space<hbm>> -> memref<50x100xi32, #tpu.memory_space<hbm>>
      tpu.enqueue_dma source(%dma_start3A_14 : memref<50x100xi32, #tpu.memory_space<hbm>>) target(%arg5 : memref<50x100xi32, #tpu.memory_space<vmem>>) target_semaphore(%run_scoped3A : memref<!tpu.dma_semaphore, #tpu.memory_space<semaphore_mem>>)
      %dma_wait3A = arith.constant 0 : i32
      %dma_wait3A_15 = arith.constant 0 : i32
      %dma_wait3A_16 = tpu.memref_slice %arg3[%add3A, %dma_wait3A, %dma_wait3A_15] : memref<32x50x100xi32, #tpu.memory_space<hbm>> -> memref<1x50x100xi32, #tpu.memory_space<hbm>>
      %dma_wait3A_17 = tpu.memref_squeeze %dma_wait3A_16 : memref<1x50x100xi32, #tpu.memory_space<hbm>> -> memref<50x100xi32, #tpu.memory_space<hbm>>
      %dma_wait3A_18 = arith.constant 0 : i32
      %dma_wait3A_19 = arith.constant 0 : i32
      %dma_wait3A_20 = tpu.memref_slice %arg3[%add3A, %dma_wait3A_18, %dma_wait3A_19] : memref<32x50x100xi32, #tpu.memory_space<hbm>> -> memref<1x50x100xi32, #tpu.memory_space<hbm>>
      %dma_wait3A_21 = tpu.memref_squeeze %dma_wait3A_20 : memref<1x50x100xi32, #tpu.memory_space<hbm>> -> memref<50x100xi32, #tpu.memory_space<hbm>>
      tpu.wait_dma2 semaphore(%run_scoped3A : memref<!tpu.dma_semaphore, #tpu.memory_space<semaphore_mem>>) src(%dma_wait3A_21 : memref<50x100xi32, #tpu.memory_space<hbm>>) dst(%arg5 : memref<50x100xi32, #tpu.memory_space<vmem>>)
      tpu.yield
    }) : () -> ()
    %scan3A = arith.constant 0 : i32
    %scan3A_1 = arith.constant 0 : i32
    %scan3A_2 = arith.constant 5 : i32
    %scan3A_3 = arith.addi %scan3A_1, %scan3A_2 : i32
    %scan3A_4 = arith.constant 1 : i32
    scf.for %scan3A_8 = %scan3A_1 to %scan3A_3 step %scan3A_4  : i32 {
      %mul3A_9 = arith.constant 10 : i32
      %mul3A_10 = arith.muli %scan3A_8, %mul3A_9 : i32
      %add3A_11 = arith.constant 0 : i32
      %add3A_12 = arith.addi %mul3A_10, %add3A_11 : i32
      %mul3A_13 = arith.constant 100 : i32
      %mul3A_14 = arith.muli %add3A_12, %mul3A_13 : i32
      %dma_start3A = arith.constant 0 : i32
      %dma_start3A_15 = tpu.memref_slice %arg6[%mul3A_14, %dma_start3A] : memref<5000x16xf32, #tpu.memory_space<vmem>> -> memref<100x16xf32, #tpu.memory_space<vmem>>
      %dma_start3A_16 = arith.constant 0 : i32
      %dma_start3A_17 = tpu.memref_slice %arg5[%add3A_12, %dma_start3A_16] : memref<50x100xi32, #tpu.memory_space<vmem>> -> memref<1x100xi32, #tpu.memory_space<vmem>>
      %dma_start3A_18 = tpu.memref_squeeze %dma_start3A_17 : memref<1x100xi32, #tpu.memory_space<vmem>> -> memref<100xi32, #tpu.memory_space<vmem>>
      %dma_start3A_19 = arith.constant 0 : i32
      %dma_start3A_20 = arith.constant 0 : i32
      %dma_start3A_21 = tpu.memref_slice %arg2[%dma_start3A_19, %dma_start3A_20] : memref<10000x16xf32, #tpu.memory_space<hbm>> -> memref<10000x16xf32, #tpu.memory_space<hbm>>
      tpu.enqueue_indirect_dma source(%dma_start3A_21 : memref<10000x16xf32, #tpu.memory_space<hbm>>) target(%dma_start3A_15 : memref<100x16xf32, #tpu.memory_space<vmem>>) offsets(%dma_start3A_18 : memref<100xi32, #tpu.memory_space<vmem>>) semaphore(%arg7 : memref<!tpu.dma_semaphore, #tpu.memory_space<semaphore_mem>>)
      %mul3A_22 = arith.constant 10 : i32
      %mul3A_23 = arith.muli %scan3A_8, %mul3A_22 : i32
      %add3A_24 = arith.constant 1 : i32
      %add3A_25 = arith.addi %mul3A_23, %add3A_24 : i32
      %mul3A_26 = arith.constant 100 : i32
      %mul3A_27 = arith.muli %add3A_25, %mul3A_26 : i32
      %dma_start3A_28 = arith.constant 0 : i32
      %dma_start3A_29 = tpu.memref_slice %arg6[%mul3A_27, %dma_start3A_28] : memref<5000x16xf32, #tpu.memory_space<vmem>> -> memref<100x16xf32, #tpu.memory_space<vmem>>
      %dma_start3A_30 = arith.constant 0 : i32
      %dma_start3A_31 = tpu.memref_slice %arg5[%add3A_25, %dma_start3A_30] : memref<50x100xi32, #tpu.memory_space<vmem>> -> memref<1x100xi32, #tpu.memory_space<vmem>>
      %dma_start3A_32 = tpu.memref_squeeze %dma_start3A_31 : memref<1x100xi32, #tpu.memory_space<vmem>> -> memref<100xi32, #tpu.memory_space<vmem>>
      %dma_start3A_33 = arith.constant 0 : i32
      %dma_start3A_34 = arith.constant 0 : i32
      %dma_start3A_35 = tpu.memref_slice %arg2[%dma_start3A_33, %dma_start3A_34] : memref<10000x16xf32, #tpu.memory_space<hbm>> -> memref<10000x16xf32, #tpu.memory_space<hbm>>
      tpu.enqueue_indirect_dma source(%dma_start3A_35 : memref<10000x16xf32, #tpu.memory_space<hbm>>) target(%dma_start3A_29 : memref<100x16xf32, #tpu.memory_space<vmem>>) offsets(%dma_start3A_32 : memref<100xi32, #tpu.memory_space<vmem>>) semaphore(%arg7 : memref<!tpu.dma_semaphore, #tpu.memory_space<semaphore_mem>>)
      %mul3A_36 = arith.constant 10 : i32
      %mul3A_37 = arith.muli %scan3A_8, %mul3A_36 : i32
      %add3A_38 = arith.constant 2 : i32
      %add3A_39 = arith.addi %mul3A_37, %add3A_38 : i32
      %mul3A_40 = arith.constant 100 : i32
      %mul3A_41 = arith.muli %add3A_39, %mul3A_40 : i32
      %dma_start3A_42 = arith.constant 0 : i32
      %dma_start3A_43 = tpu.memref_slice %arg6[%mul3A_41, %dma_start3A_42] : memref<5000x16xf32, #tpu.memory_space<vmem>> -> memref<100x16xf32, #tpu.memory_space<vmem>>
      %dma_start3A_44 = arith.constant 0 : i32
      %dma_start3A_45 = tpu.memref_slice %arg5[%add3A_39, %dma_start3A_44] : memref<50x100xi32, #tpu.memory_space<vmem>> -> memref<1x100xi32, #tpu.memory_space<vmem>>
      %dma_start3A_46 = tpu.memref_squeeze %dma_start3A_45 : memref<1x100xi32, #tpu.memory_space<vmem>> -> memref<100xi32, #tpu.memory_space<vmem>>
      %dma_start3A_47 = arith.constant 0 : i32
      %dma_start3A_48 = arith.constant 0 : i32
      %dma_start3A_49 = tpu.memref_slice %arg2[%dma_start3A_47, %dma_start3A_48] : memref<10000x16xf32, #tpu.memory_space<hbm>> -> memref<10000x16xf32, #tpu.memory_space<hbm>>
      tpu.enqueue_indirect_dma source(%dma_start3A_49 : memref<10000x16xf32, #tpu.memory_space<hbm>>) target(%dma_start3A_43 : memref<100x16xf32, #tpu.memory_space<vmem>>) offsets(%dma_start3A_46 : memref<100xi32, #tpu.memory_space<vmem>>) semaphore(%arg7 : memref<!tpu.dma_semaphore, #tpu.memory_space<semaphore_mem>>)
      %mul3A_50 = arith.constant 10 : i32
      %mul3A_51 = arith.muli %scan3A_8, %mul3A_50 : i32
      %add3A_52 = arith.constant 3 : i32
      %add3A_53 = arith.addi %mul3A_51, %add3A_52 : i32
      %mul3A_54 = arith.constant 100 : i32
      %mul3A_55 = arith.muli %add3A_53, %mul3A_54 : i32
      %dma_start3A_56 = arith.constant 0 : i32
      %dma_start3A_57 = tpu.memref_slice %arg6[%mul3A_55, %dma_start3A_56] : memref<5000x16xf32, #tpu.memory_space<vmem>> -> memref<100x16xf32, #tpu.memory_space<vmem>>
      %dma_start3A_58 = arith.constant 0 : i32
      %dma_start3A_59 = tpu.memref_slice %arg5[%add3A_53, %dma_start3A_58] : memref<50x100xi32, #tpu.memory_space<vmem>> -> memref<1x100xi32, #tpu.memory_space<vmem>>
      %dma_start3A_60 = tpu.memref_squeeze %dma_start3A_59 : memref<1x100xi32, #tpu.memory_space<vmem>> -> memref<100xi32, #tpu.memory_space<vmem>>
      %dma_start3A_61 = arith.constant 0 : i32
      %dma_start3A_62 = arith.constant 0 : i32
      %dma_start3A_63 = tpu.memref_slice %arg2[%dma_start3A_61, %dma_start3A_62] : memref<10000x16xf32, #tpu.memory_space<hbm>> -> memref<10000x16xf32, #tpu.memory_space<hbm>>
      tpu.enqueue_indirect_dma source(%dma_start3A_63 : memref<10000x16xf32, #tpu.memory_space<hbm>>) target(%dma_start3A_57 : memref<100x16xf32, #tpu.memory_space<vmem>>) offsets(%dma_start3A_60 : memref<100xi32, #tpu.memory_space<vmem>>) semaphore(%arg7 : memref<!tpu.dma_semaphore, #tpu.memory_space<semaphore_mem>>)
      %mul3A_64 = arith.constant 10 : i32
      %mul3A_65 = arith.muli %scan3A_8, %mul3A_64 : i32
      %add3A_66 = arith.constant 4 : i32
      %add3A_67 = arith.addi %mul3A_65, %add3A_66 : i32
      %mul3A_68 = arith.constant 100 : i32
      %mul3A_69 = arith.muli %add3A_67, %mul3A_68 : i32
      %dma_start3A_70 = arith.constant 0 : i32
      %dma_start3A_71 = tpu.memref_slice %arg6[%mul3A_69, %dma_start3A_70] : memref<5000x16xf32, #tpu.memory_space<vmem>> -> memref<100x16xf32, #tpu.memory_space<vmem>>
      %dma_start3A_72 = arith.constant 0 : i32
      %dma_start3A_73 = tpu.memref_slice %arg5[%add3A_67, %dma_start3A_72] : memref<50x100xi32, #tpu.memory_space<vmem>> -> memref<1x100xi32, #tpu.memory_space<vmem>>
      %dma_start3A_74 = tpu.memref_squeeze %dma_start3A_73 : memref<1x100xi32, #tpu.memory_space<vmem>> -> memref<100xi32, #tpu.memory_space<vmem>>
      %dma_start3A_75 = arith.constant 0 : i32
      %dma_start3A_76 = arith.constant 0 : i32
      %dma_start3A_77 = tpu.memref_slice %arg2[%dma_start3A_75, %dma_start3A_76] : memref<10000x16xf32, #tpu.memory_space<hbm>> -> memref<10000x16xf32, #tpu.memory_space<hbm>>
      tpu.enqueue_indirect_dma source(%dma_start3A_77 : memref<10000x16xf32, #tpu.memory_space<hbm>>) target(%dma_start3A_71 : memref<100x16xf32, #tpu.memory_space<vmem>>) offsets(%dma_start3A_74 : memref<100xi32, #tpu.memory_space<vmem>>) semaphore(%arg7 : memref<!tpu.dma_semaphore, #tpu.memory_space<semaphore_mem>>)
      %mul3A_78 = arith.constant 10 : i32
      %mul3A_79 = arith.muli %scan3A_8, %mul3A_78 : i32
      %add3A_80 = arith.constant 5 : i32
      %add3A_81 = arith.addi %mul3A_79, %add3A_80 : i32
      %mul3A_82 = arith.constant 100 : i32
      %mul3A_83 = arith.muli %add3A_81, %mul3A_82 : i32
      %dma_start3A_84 = arith.constant 0 : i32
      %dma_start3A_85 = tpu.memref_slice %arg6[%mul3A_83, %dma_start3A_84] : memref<5000x16xf32, #tpu.memory_space<vmem>> -> memref<100x16xf32, #tpu.memory_space<vmem>>
      %dma_start3A_86 = arith.constant 0 : i32
      %dma_start3A_87 = tpu.memref_slice %arg5[%add3A_81, %dma_start3A_86] : memref<50x100xi32, #tpu.memory_space<vmem>> -> memref<1x100xi32, #tpu.memory_space<vmem>>
      %dma_start3A_88 = tpu.memref_squeeze %dma_start3A_87 : memref<1x100xi32, #tpu.memory_space<vmem>> -> memref<100xi32, #tpu.memory_space<vmem>>
      %dma_start3A_89 = arith.constant 0 : i32
      %dma_start3A_90 = arith.constant 0 : i32
      %dma_start3A_91 = tpu.memref_slice %arg2[%dma_start3A_89, %dma_start3A_90] : memref<10000x16xf32, #tpu.memory_space<hbm>> -> memref<10000x16xf32, #tpu.memory_space<hbm>>
      tpu.enqueue_indirect_dma source(%dma_start3A_91 : memref<10000x16xf32, #tpu.memory_space<hbm>>) target(%dma_start3A_85 : memref<100x16xf32, #tpu.memory_space<vmem>>) offsets(%dma_start3A_88 : memref<100xi32, #tpu.memory_space<vmem>>) semaphore(%arg7 : memref<!tpu.dma_semaphore, #tpu.memory_space<semaphore_mem>>)
      %mul3A_92 = arith.constant 10 : i32
      %mul3A_93 = arith.muli %scan3A_8, %mul3A_92 : i32
      %add3A_94 = arith.constant 6 : i32
      %add3A_95 = arith.addi %mul3A_93, %add3A_94 : i32
      %mul3A_96 = arith.constant 100 : i32
      %mul3A_97 = arith.muli %add3A_95, %mul3A_96 : i32
      %dma_start3A_98 = arith.constant 0 : i32
      %dma_start3A_99 = tpu.memref_slice %arg6[%mul3A_97, %dma_start3A_98] : memref<5000x16xf32, #tpu.memory_space<vmem>> -> memref<100x16xf32, #tpu.memory_space<vmem>>
      %dma_start3A_100 = arith.constant 0 : i32
      %dma_start3A_101 = tpu.memref_slice %arg5[%add3A_95, %dma_start3A_100] : memref<50x100xi32, #tpu.memory_space<vmem>> -> memref<1x100xi32, #tpu.memory_space<vmem>>
      %dma_start3A_102 = tpu.memref_squeeze %dma_start3A_101 : memref<1x100xi32, #tpu.memory_space<vmem>> -> memref<100xi32, #tpu.memory_space<vmem>>
      %dma_start3A_103 = arith.constant 0 : i32
      %dma_start3A_104 = arith.constant 0 : i32
      %dma_start3A_105 = tpu.memref_slice %arg2[%dma_start3A_103, %dma_start3A_104] : memref<10000x16xf32, #tpu.memory_space<hbm>> -> memref<10000x16xf32, #tpu.memory_space<hbm>>
      tpu.enqueue_indirect_dma source(%dma_start3A_105 : memref<10000x16xf32, #tpu.memory_space<hbm>>) target(%dma_start3A_99 : memref<100x16xf32, #tpu.memory_space<vmem>>) offsets(%dma_start3A_102 : memref<100xi32, #tpu.memory_space<vmem>>) semaphore(%arg7 : memref<!tpu.dma_semaphore, #tpu.memory_space<semaphore_mem>>)
      %mul3A_106 = arith.constant 10 : i32
      %mul3A_107 = arith.muli %scan3A_8, %mul3A_106 : i32
      %add3A_108 = arith.constant 7 : i32
      %add3A_109 = arith.addi %mul3A_107, %add3A_108 : i32
      %mul3A_110 = arith.constant 100 : i32
      %mul3A_111 = arith.muli %add3A_109, %mul3A_110 : i32
      %dma_start3A_112 = arith.constant 0 : i32
      %dma_start3A_113 = tpu.memref_slice %arg6[%mul3A_111, %dma_start3A_112] : memref<5000x16xf32, #tpu.memory_space<vmem>> -> memref<100x16xf32, #tpu.memory_space<vmem>>
      %dma_start3A_114 = arith.constant 0 : i32
      %dma_start3A_115 = tpu.memref_slice %arg5[%add3A_109, %dma_start3A_114] : memref<50x100xi32, #tpu.memory_space<vmem>> -> memref<1x100xi32, #tpu.memory_space<vmem>>
      %dma_start3A_116 = tpu.memref_squeeze %dma_start3A_115 : memref<1x100xi32, #tpu.memory_space<vmem>> -> memref<100xi32, #tpu.memory_space<vmem>>
      %dma_start3A_117 = arith.constant 0 : i32
      %dma_start3A_118 = arith.constant 0 : i32
      %dma_start3A_119 = tpu.memref_slice %arg2[%dma_start3A_117, %dma_start3A_118] : memref<10000x16xf32, #tpu.memory_space<hbm>> -> memref<10000x16xf32, #tpu.memory_space<hbm>>
      tpu.enqueue_indirect_dma source(%dma_start3A_119 : memref<10000x16xf32, #tpu.memory_space<hbm>>) target(%dma_start3A_113 : memref<100x16xf32, #tpu.memory_space<vmem>>) offsets(%dma_start3A_116 : memref<100xi32, #tpu.memory_space<vmem>>) semaphore(%arg7 : memref<!tpu.dma_semaphore, #tpu.memory_space<semaphore_mem>>)
      %mul3A_120 = arith.constant 10 : i32
      %mul3A_121 = arith.muli %scan3A_8, %mul3A_120 : i32
      %add3A_122 = arith.constant 8 : i32
      %add3A_123 = arith.addi %mul3A_121, %add3A_122 : i32
      %mul3A_124 = arith.constant 100 : i32
      %mul3A_125 = arith.muli %add3A_123, %mul3A_124 : i32
      %dma_start3A_126 = arith.constant 0 : i32
      %dma_start3A_127 = tpu.memref_slice %arg6[%mul3A_125, %dma_start3A_126] : memref<5000x16xf32, #tpu.memory_space<vmem>> -> memref<100x16xf32, #tpu.memory_space<vmem>>
      %dma_start3A_128 = arith.constant 0 : i32
      %dma_start3A_129 = tpu.memref_slice %arg5[%add3A_123, %dma_start3A_128] : memref<50x100xi32, #tpu.memory_space<vmem>> -> memref<1x100xi32, #tpu.memory_space<vmem>>
      %dma_start3A_130 = tpu.memref_squeeze %dma_start3A_129 : memref<1x100xi32, #tpu.memory_space<vmem>> -> memref<100xi32, #tpu.memory_space<vmem>>
      %dma_start3A_131 = arith.constant 0 : i32
      %dma_start3A_132 = arith.constant 0 : i32
      %dma_start3A_133 = tpu.memref_slice %arg2[%dma_start3A_131, %dma_start3A_132] : memref<10000x16xf32, #tpu.memory_space<hbm>> -> memref<10000x16xf32, #tpu.memory_space<hbm>>
      tpu.enqueue_indirect_dma source(%dma_start3A_133 : memref<10000x16xf32, #tpu.memory_space<hbm>>) target(%dma_start3A_127 : memref<100x16xf32, #tpu.memory_space<vmem>>) offsets(%dma_start3A_130 : memref<100xi32, #tpu.memory_space<vmem>>) semaphore(%arg7 : memref<!tpu.dma_semaphore, #tpu.memory_space<semaphore_mem>>)
      %mul3A_134 = arith.constant 10 : i32
      %mul3A_135 = arith.muli %scan3A_8, %mul3A_134 : i32
      %add3A_136 = arith.constant 9 : i32
      %add3A_137 = arith.addi %mul3A_135, %add3A_136 : i32
      %mul3A_138 = arith.constant 100 : i32
      %mul3A_139 = arith.muli %add3A_137, %mul3A_138 : i32
      %dma_start3A_140 = arith.constant 0 : i32
      %dma_start3A_141 = tpu.memref_slice %arg6[%mul3A_139, %dma_start3A_140] : memref<5000x16xf32, #tpu.memory_space<vmem>> -> memref<100x16xf32, #tpu.memory_space<vmem>>
      %dma_start3A_142 = arith.constant 0 : i32
      %dma_start3A_143 = tpu.memref_slice %arg5[%add3A_137, %dma_start3A_142] : memref<50x100xi32, #tpu.memory_space<vmem>> -> memref<1x100xi32, #tpu.memory_space<vmem>>
      %dma_start3A_144 = tpu.memref_squeeze %dma_start3A_143 : memref<1x100xi32, #tpu.memory_space<vmem>> -> memref<100xi32, #tpu.memory_space<vmem>>
      %dma_start3A_145 = arith.constant 0 : i32
      %dma_start3A_146 = arith.constant 0 : i32
      %dma_start3A_147 = tpu.memref_slice %arg2[%dma_start3A_145, %dma_start3A_146] : memref<10000x16xf32, #tpu.memory_space<hbm>> -> memref<10000x16xf32, #tpu.memory_space<hbm>>
      tpu.enqueue_indirect_dma source(%dma_start3A_147 : memref<10000x16xf32, #tpu.memory_space<hbm>>) target(%dma_start3A_141 : memref<100x16xf32, #tpu.memory_space<vmem>>) offsets(%dma_start3A_144 : memref<100xi32, #tpu.memory_space<vmem>>) semaphore(%arg7 : memref<!tpu.dma_semaphore, #tpu.memory_space<semaphore_mem>>)
      %mul3A_148 = arith.constant 10 : i32
      %mul3A_149 = arith.muli %scan3A_8, %mul3A_148 : i32
      %add3A_150 = arith.constant 0 : i32
      %add3A_151 = arith.addi %mul3A_149, %add3A_150 : i32
      %mul3A_152 = arith.constant 100 : i32
      %mul3A_153 = arith.muli %add3A_151, %mul3A_152 : i32
      %dma_wait3A = arith.constant 0 : i32
      %dma_wait3A_154 = tpu.memref_slice %arg6[%mul3A_153, %dma_wait3A] : memref<5000x16xf32, #tpu.memory_space<vmem>> -> memref<100x16xf32, #tpu.memory_space<vmem>>
      %dma_wait3A_155 = arith.constant 0 : i32
      %dma_wait3A_156 = tpu.memref_slice %arg5[%add3A_151, %dma_wait3A_155] : memref<50x100xi32, #tpu.memory_space<vmem>> -> memref<1x100xi32, #tpu.memory_space<vmem>>
      %dma_wait3A_157 = tpu.memref_squeeze %dma_wait3A_156 : memref<1x100xi32, #tpu.memory_space<vmem>> -> memref<100xi32, #tpu.memory_space<vmem>>
      %dma_wait3A_158 = arith.constant 0 : i32
      %dma_wait3A_159 = arith.constant 0 : i32
      %dma_wait3A_160 = tpu.memref_slice %arg2[%dma_wait3A_158, %dma_wait3A_159] : memref<10000x16xf32, #tpu.memory_space<hbm>> -> memref<10000x16xf32, #tpu.memory_space<hbm>>
      tpu.wait_indirect_dma semaphore(%arg7 : memref<!tpu.dma_semaphore, #tpu.memory_space<semaphore_mem>>) src(%dma_wait3A_160 : memref<10000x16xf32, #tpu.memory_space<hbm>>) dst(%dma_wait3A_154 : memref<100x16xf32, #tpu.memory_space<vmem>>)
      %mul3A_161 = arith.constant 10 : i32
      %mul3A_162 = arith.muli %scan3A_8, %mul3A_161 : i32
      %add3A_163 = arith.constant 1 : i32
      %add3A_164 = arith.addi %mul3A_162, %add3A_163 : i32
      %mul3A_165 = arith.constant 100 : i32
      %mul3A_166 = arith.muli %add3A_164, %mul3A_165 : i32
      %dma_wait3A_167 = arith.constant 0 : i32
      %dma_wait3A_168 = tpu.memref_slice %arg6[%mul3A_166, %dma_wait3A_167] : memref<5000x16xf32, #tpu.memory_space<vmem>> -> memref<100x16xf32, #tpu.memory_space<vmem>>
      %dma_wait3A_169 = arith.constant 0 : i32
      %dma_wait3A_170 = tpu.memref_slice %arg5[%add3A_164, %dma_wait3A_169] : memref<50x100xi32, #tpu.memory_space<vmem>> -> memref<1x100xi32, #tpu.memory_space<vmem>>
      %dma_wait3A_171 = tpu.memref_squeeze %dma_wait3A_170 : memref<1x100xi32, #tpu.memory_space<vmem>> -> memref<100xi32, #tpu.memory_space<vmem>>
      %dma_wait3A_172 = arith.constant 0 : i32
      %dma_wait3A_173 = arith.constant 0 : i32
      %dma_wait3A_174 = tpu.memref_slice %arg2[%dma_wait3A_172, %dma_wait3A_173] : memref<10000x16xf32, #tpu.memory_space<hbm>> -> memref<10000x16xf32, #tpu.memory_space<hbm>>
      tpu.wait_indirect_dma semaphore(%arg7 : memref<!tpu.dma_semaphore, #tpu.memory_space<semaphore_mem>>) src(%dma_wait3A_174 : memref<10000x16xf32, #tpu.memory_space<hbm>>) dst(%dma_wait3A_168 : memref<100x16xf32, #tpu.memory_space<vmem>>)
      %mul3A_175 = arith.constant 10 : i32
      %mul3A_176 = arith.muli %scan3A_8, %mul3A_175 : i32
      %add3A_177 = arith.constant 2 : i32
      %add3A_178 = arith.addi %mul3A_176, %add3A_177 : i32
      %mul3A_179 = arith.constant 100 : i32
      %mul3A_180 = arith.muli %add3A_178, %mul3A_179 : i32
      %dma_wait3A_181 = arith.constant 0 : i32
      %dma_wait3A_182 = tpu.memref_slice %arg6[%mul3A_180, %dma_wait3A_181] : memref<5000x16xf32, #tpu.memory_space<vmem>> -> memref<100x16xf32, #tpu.memory_space<vmem>>
      %dma_wait3A_183 = arith.constant 0 : i32
      %dma_wait3A_184 = tpu.memref_slice %arg5[%add3A_178, %dma_wait3A_183] : memref<50x100xi32, #tpu.memory_space<vmem>> -> memref<1x100xi32, #tpu.memory_space<vmem>>
      %dma_wait3A_185 = tpu.memref_squeeze %dma_wait3A_184 : memref<1x100xi32, #tpu.memory_space<vmem>> -> memref<100xi32, #tpu.memory_space<vmem>>
      %dma_wait3A_186 = arith.constant 0 : i32
      %dma_wait3A_187 = arith.constant 0 : i32
      %dma_wait3A_188 = tpu.memref_slice %arg2[%dma_wait3A_186, %dma_wait3A_187] : memref<10000x16xf32, #tpu.memory_space<hbm>> -> memref<10000x16xf32, #tpu.memory_space<hbm>>
      tpu.wait_indirect_dma semaphore(%arg7 : memref<!tpu.dma_semaphore, #tpu.memory_space<semaphore_mem>>) src(%dma_wait3A_188 : memref<10000x16xf32, #tpu.memory_space<hbm>>) dst(%dma_wait3A_182 : memref<100x16xf32, #tpu.memory_space<vmem>>)
      %mul3A_189 = arith.constant 10 : i32
      %mul3A_190 = arith.muli %scan3A_8, %mul3A_189 : i32
      %add3A_191 = arith.constant 3 : i32
      %add3A_192 = arith.addi %mul3A_190, %add3A_191 : i32
      %mul3A_193 = arith.constant 100 : i32
      %mul3A_194 = arith.muli %add3A_192, %mul3A_193 : i32
      %dma_wait3A_195 = arith.constant 0 : i32
      %dma_wait3A_196 = tpu.memref_slice %arg6[%mul3A_194, %dma_wait3A_195] : memref<5000x16xf32, #tpu.memory_space<vmem>> -> memref<100x16xf32, #tpu.memory_space<vmem>>
      %dma_wait3A_197 = arith.constant 0 : i32
      %dma_wait3A_198 = tpu.memref_slice %arg5[%add3A_192, %dma_wait3A_197] : memref<50x100xi32, #tpu.memory_space<vmem>> -> memref<1x100xi32, #tpu.memory_space<vmem>>
      %dma_wait3A_199 = tpu.memref_squeeze %dma_wait3A_198 : memref<1x100xi32, #tpu.memory_space<vmem>> -> memref<100xi32, #tpu.memory_space<vmem>>
      %dma_wait3A_200 = arith.constant 0 : i32
      %dma_wait3A_201 = arith.constant 0 : i32
      %dma_wait3A_202 = tpu.memref_slice %arg2[%dma_wait3A_200, %dma_wait3A_201] : memref<10000x16xf32, #tpu.memory_space<hbm>> -> memref<10000x16xf32, #tpu.memory_space<hbm>>
      tpu.wait_indirect_dma semaphore(%arg7 : memref<!tpu.dma_semaphore, #tpu.memory_space<semaphore_mem>>) src(%dma_wait3A_202 : memref<10000x16xf32, #tpu.memory_space<hbm>>) dst(%dma_wait3A_196 : memref<100x16xf32, #tpu.memory_space<vmem>>)
      %mul3A_203 = arith.constant 10 : i32
      %mul3A_204 = arith.muli %scan3A_8, %mul3A_203 : i32
      %add3A_205 = arith.constant 4 : i32
      %add3A_206 = arith.addi %mul3A_204, %add3A_205 : i32
      %mul3A_207 = arith.constant 100 : i32
      %mul3A_208 = arith.muli %add3A_206, %mul3A_207 : i32
      %dma_wait3A_209 = arith.constant 0 : i32
      %dma_wait3A_210 = tpu.memref_slice %arg6[%mul3A_208, %dma_wait3A_209] : memref<5000x16xf32, #tpu.memory_space<vmem>> -> memref<100x16xf32, #tpu.memory_space<vmem>>
      %dma_wait3A_211 = arith.constant 0 : i32
      %dma_wait3A_212 = tpu.memref_slice %arg5[%add3A_206, %dma_wait3A_211] : memref<50x100xi32, #tpu.memory_space<vmem>> -> memref<1x100xi32, #tpu.memory_space<vmem>>
      %dma_wait3A_213 = tpu.memref_squeeze %dma_wait3A_212 : memref<1x100xi32, #tpu.memory_space<vmem>> -> memref<100xi32, #tpu.memory_space<vmem>>
      %dma_wait3A_214 = arith.constant 0 : i32
      %dma_wait3A_215 = arith.constant 0 : i32
      %dma_wait3A_216 = tpu.memref_slice %arg2[%dma_wait3A_214, %dma_wait3A_215] : memref<10000x16xf32, #tpu.memory_space<hbm>> -> memref<10000x16xf32, #tpu.memory_space<hbm>>
      tpu.wait_indirect_dma semaphore(%arg7 : memref<!tpu.dma_semaphore, #tpu.memory_space<semaphore_mem>>) src(%dma_wait3A_216 : memref<10000x16xf32, #tpu.memory_space<hbm>>) dst(%dma_wait3A_210 : memref<100x16xf32, #tpu.memory_space<vmem>>)
      %mul3A_217 = arith.constant 10 : i32
      %mul3A_218 = arith.muli %scan3A_8, %mul3A_217 : i32
      %add3A_219 = arith.constant 5 : i32
      %add3A_220 = arith.addi %mul3A_218, %add3A_219 : i32
      %mul3A_221 = arith.constant 100 : i32
      %mul3A_222 = arith.muli %add3A_220, %mul3A_221 : i32
      %dma_wait3A_223 = arith.constant 0 : i32
      %dma_wait3A_224 = tpu.memref_slice %arg6[%mul3A_222, %dma_wait3A_223] : memref<5000x16xf32, #tpu.memory_space<vmem>> -> memref<100x16xf32, #tpu.memory_space<vmem>>
      %dma_wait3A_225 = arith.constant 0 : i32
      %dma_wait3A_226 = tpu.memref_slice %arg5[%add3A_220, %dma_wait3A_225] : memref<50x100xi32, #tpu.memory_space<vmem>> -> memref<1x100xi32, #tpu.memory_space<vmem>>
      %dma_wait3A_227 = tpu.memref_squeeze %dma_wait3A_226 : memref<1x100xi32, #tpu.memory_space<vmem>> -> memref<100xi32, #tpu.memory_space<vmem>>
      %dma_wait3A_228 = arith.constant 0 : i32
      %dma_wait3A_229 = arith.constant 0 : i32
      %dma_wait3A_230 = tpu.memref_slice %arg2[%dma_wait3A_228, %dma_wait3A_229] : memref<10000x16xf32, #tpu.memory_space<hbm>> -> memref<10000x16xf32, #tpu.memory_space<hbm>>
      tpu.wait_indirect_dma semaphore(%arg7 : memref<!tpu.dma_semaphore, #tpu.memory_space<semaphore_mem>>) src(%dma_wait3A_230 : memref<10000x16xf32, #tpu.memory_space<hbm>>) dst(%dma_wait3A_224 : memref<100x16xf32, #tpu.memory_space<vmem>>)
      %mul3A_231 = arith.constant 10 : i32
      %mul3A_232 = arith.muli %scan3A_8, %mul3A_231 : i32
      %add3A_233 = arith.constant 6 : i32
      %add3A_234 = arith.addi %mul3A_232, %add3A_233 : i32
      %mul3A_235 = arith.constant 100 : i32
      %mul3A_236 = arith.muli %add3A_234, %mul3A_235 : i32
      %dma_wait3A_237 = arith.constant 0 : i32
      %dma_wait3A_238 = tpu.memref_slice %arg6[%mul3A_236, %dma_wait3A_237] : memref<5000x16xf32, #tpu.memory_space<vmem>> -> memref<100x16xf32, #tpu.memory_space<vmem>>
      %dma_wait3A_239 = arith.constant 0 : i32
      %dma_wait3A_240 = tpu.memref_slice %arg5[%add3A_234, %dma_wait3A_239] : memref<50x100xi32, #tpu.memory_space<vmem>> -> memref<1x100xi32, #tpu.memory_space<vmem>>
      %dma_wait3A_241 = tpu.memref_squeeze %dma_wait3A_240 : memref<1x100xi32, #tpu.memory_space<vmem>> -> memref<100xi32, #tpu.memory_space<vmem>>
      %dma_wait3A_242 = arith.constant 0 : i32
      %dma_wait3A_243 = arith.constant 0 : i32
      %dma_wait3A_244 = tpu.memref_slice %arg2[%dma_wait3A_242, %dma_wait3A_243] : memref<10000x16xf32, #tpu.memory_space<hbm>> -> memref<10000x16xf32, #tpu.memory_space<hbm>>
      tpu.wait_indirect_dma semaphore(%arg7 : memref<!tpu.dma_semaphore, #tpu.memory_space<semaphore_mem>>) src(%dma_wait3A_244 : memref<10000x16xf32, #tpu.memory_space<hbm>>) dst(%dma_wait3A_238 : memref<100x16xf32, #tpu.memory_space<vmem>>)
      %mul3A_245 = arith.constant 10 : i32
      %mul3A_246 = arith.muli %scan3A_8, %mul3A_245 : i32
      %add3A_247 = arith.constant 7 : i32
      %add3A_248 = arith.addi %mul3A_246, %add3A_247 : i32
      %mul3A_249 = arith.constant 100 : i32
      %mul3A_250 = arith.muli %add3A_248, %mul3A_249 : i32
      %dma_wait3A_251 = arith.constant 0 : i32
      %dma_wait3A_252 = tpu.memref_slice %arg6[%mul3A_250, %dma_wait3A_251] : memref<5000x16xf32, #tpu.memory_space<vmem>> -> memref<100x16xf32, #tpu.memory_space<vmem>>
      %dma_wait3A_253 = arith.constant 0 : i32
      %dma_wait3A_254 = tpu.memref_slice %arg5[%add3A_248, %dma_wait3A_253] : memref<50x100xi32, #tpu.memory_space<vmem>> -> memref<1x100xi32, #tpu.memory_space<vmem>>
      %dma_wait3A_255 = tpu.memref_squeeze %dma_wait3A_254 : memref<1x100xi32, #tpu.memory_space<vmem>> -> memref<100xi32, #tpu.memory_space<vmem>>
      %dma_wait3A_256 = arith.constant 0 : i32
      %dma_wait3A_257 = arith.constant 0 : i32
      %dma_wait3A_258 = tpu.memref_slice %arg2[%dma_wait3A_256, %dma_wait3A_257] : memref<10000x16xf32, #tpu.memory_space<hbm>> -> memref<10000x16xf32, #tpu.memory_space<hbm>>
      tpu.wait_indirect_dma semaphore(%arg7 : memref<!tpu.dma_semaphore, #tpu.memory_space<semaphore_mem>>) src(%dma_wait3A_258 : memref<10000x16xf32, #tpu.memory_space<hbm>>) dst(%dma_wait3A_252 : memref<100x16xf32, #tpu.memory_space<vmem>>)
      %mul3A_259 = arith.constant 10 : i32
      %mul3A_260 = arith.muli %scan3A_8, %mul3A_259 : i32
      %add3A_261 = arith.constant 8 : i32
      %add3A_262 = arith.addi %mul3A_260, %add3A_261 : i32
      %mul3A_263 = arith.constant 100 : i32
      %mul3A_264 = arith.muli %add3A_262, %mul3A_263 : i32
      %dma_wait3A_265 = arith.constant 0 : i32
      %dma_wait3A_266 = tpu.memref_slice %arg6[%mul3A_264, %dma_wait3A_265] : memref<5000x16xf32, #tpu.memory_space<vmem>> -> memref<100x16xf32, #tpu.memory_space<vmem>>
      %dma_wait3A_267 = arith.constant 0 : i32
      %dma_wait3A_268 = tpu.memref_slice %arg5[%add3A_262, %dma_wait3A_267] : memref<50x100xi32, #tpu.memory_space<vmem>> -> memref<1x100xi32, #tpu.memory_space<vmem>>
      %dma_wait3A_269 = tpu.memref_squeeze %dma_wait3A_268 : memref<1x100xi32, #tpu.memory_space<vmem>> -> memref<100xi32, #tpu.memory_space<vmem>>
      %dma_wait3A_270 = arith.constant 0 : i32
      %dma_wait3A_271 = arith.constant 0 : i32
      %dma_wait3A_272 = tpu.memref_slice %arg2[%dma_wait3A_270, %dma_wait3A_271] : memref<10000x16xf32, #tpu.memory_space<hbm>> -> memref<10000x16xf32, #tpu.memory_space<hbm>>
      tpu.wait_indirect_dma semaphore(%arg7 : memref<!tpu.dma_semaphore, #tpu.memory_space<semaphore_mem>>) src(%dma_wait3A_272 : memref<10000x16xf32, #tpu.memory_space<hbm>>) dst(%dma_wait3A_266 : memref<100x16xf32, #tpu.memory_space<vmem>>)
      %mul3A_273 = arith.constant 10 : i32
      %mul3A_274 = arith.muli %scan3A_8, %mul3A_273 : i32
      %add3A_275 = arith.constant 9 : i32
      %add3A_276 = arith.addi %mul3A_274, %add3A_275 : i32
      %mul3A_277 = arith.constant 100 : i32
      %mul3A_278 = arith.muli %add3A_276, %mul3A_277 : i32
      %dma_wait3A_279 = arith.constant 0 : i32
      %dma_wait3A_280 = tpu.memref_slice %arg6[%mul3A_278, %dma_wait3A_279] : memref<5000x16xf32, #tpu.memory_space<vmem>> -> memref<100x16xf32, #tpu.memory_space<vmem>>
      %dma_wait3A_281 = arith.constant 0 : i32
      %dma_wait3A_282 = tpu.memref_slice %arg5[%add3A_276, %dma_wait3A_281] : memref<50x100xi32, #tpu.memory_space<vmem>> -> memref<1x100xi32, #tpu.memory_space<vmem>>
      %dma_wait3A_283 = tpu.memref_squeeze %dma_wait3A_282 : memref<1x100xi32, #tpu.memory_space<vmem>> -> memref<100xi32, #tpu.memory_space<vmem>>
      %dma_wait3A_284 = arith.constant 0 : i32
      %dma_wait3A_285 = arith.constant 0 : i32
      %dma_wait3A_286 = tpu.memref_slice %arg2[%dma_wait3A_284, %dma_wait3A_285] : memref<10000x16xf32, #tpu.memory_space<hbm>> -> memref<10000x16xf32, #tpu.memory_space<hbm>>
      tpu.wait_indirect_dma semaphore(%arg7 : memref<!tpu.dma_semaphore, #tpu.memory_space<semaphore_mem>>) src(%dma_wait3A_286 : memref<10000x16xf32, #tpu.memory_space<hbm>>) dst(%dma_wait3A_280 : memref<100x16xf32, #tpu.memory_space<vmem>>)
    }
    %scan3A_5 = arith.constant 5 : i32
    %mul3A_6 = arith.constant 5000 : i32
    %mul3A_7 = arith.muli %add3A, %mul3A_6 : i32
    "tpu.region"() ({
      %run_scoped3A = tpu.sem_alloc : memref<!tpu.dma_semaphore, #tpu.memory_space<semaphore_mem>>
      %dma_start3A = arith.constant 0 : i32
      %dma_start3A_8 = tpu.memref_slice %arg4[%mul3A_7, %dma_start3A] : memref<160000x16xf32, #tpu.memory_space<hbm>> -> memref<5000x16xf32, #tpu.memory_space<hbm>>
      %dma_start3A_9 = arith.constant 0 : i32
      %dma_start3A_10 = tpu.memref_slice %arg4[%mul3A_7, %dma_start3A_9] : memref<160000x16xf32, #tpu.memory_space<hbm>> -> memref<5000x16xf32, #tpu.memory_space<hbm>>
      tpu.enqueue_dma source(%arg6 : memref<5000x16xf32, #tpu.memory_space<vmem>>) target(%dma_start3A_10 : memref<5000x16xf32, #tpu.memory_space<hbm>>) target_semaphore(%run_scoped3A : memref<!tpu.dma_semaphore, #tpu.memory_space<semaphore_mem>>)
      %dma_wait3A = arith.constant 0 : i32
      %dma_wait3A_11 = tpu.memref_slice %arg4[%mul3A_7, %dma_wait3A] : memref<160000x16xf32, #tpu.memory_space<hbm>> -> memref<5000x16xf32, #tpu.memory_space<hbm>>
      %dma_wait3A_12 = arith.constant 0 : i32
      %dma_wait3A_13 = tpu.memref_slice %arg4[%mul3A_7, %dma_wait3A_12] : memref<160000x16xf32, #tpu.memory_space<hbm>> -> memref<5000x16xf32, #tpu.memory_space<hbm>>
      tpu.wait_dma2 semaphore(%run_scoped3A : memref<!tpu.dma_semaphore, #tpu.memory_space<semaphore_mem>>) src(%arg6 : memref<5000x16xf32, #tpu.memory_space<vmem>>) dst(%dma_wait3A_13 : memref<5000x16xf32, #tpu.memory_space<hbm>>)
      tpu.yield
    }) : () -> ()
    return
  }
}

#map = affine_map<(d0, d1) -> (0, 0)>
#map1 = affine_map<(d0, d1) -> (0, 0, 0)>
module attributes {stable_mosaic.version = 14 : i64} {
  func.func @_sc_gather(%arg0: i32, %arg1: i32, %arg2: memref<10000x16xf32, #tpu.memory_space<hbm>>, %arg3: memref<32x50x100xi32, #tpu.memory_space<hbm>>, %arg4: memref<160000x16xf32, #tpu.memory_space<hbm>>, %arg5: memref<50x100xi32, #tpu.memory_space<vmem>>, %arg6: memref<5000x16xf32, #tpu.memory_space<vmem>>, %arg7: memref<!tpu.dma_semaphore, #tpu.memory_space<semaphore_mem>>) attributes {dimension_semantics = [#tpu.dimension_semantics<core_parallel>, #tpu.dimension_semantics<subcore_parallel>], iteration_bounds = array<i64: 2, 16>, scalar_prefetch = 0 : i64, scratch_operands = 3 : i64, tpu.core_type = #tpu.core_type<sc_vector_subcore>, window_params = [{transform_indices = #map}, {transform_indices = #map1}, {transform_indices = #map}]} {
    %mul3A = arith.constant 2 : i32
    %mul3A_0 = arith.muli %arg1, %mul3A : i32
    %add3A = arith.addi %mul3A_0, %arg0 : i32
    "tpu.region"() ({
      %run_scoped3A = tpu.sem_alloc : memref<!tpu.dma_semaphore, #tpu.memory_space<semaphore_mem>>
      %dma_start3A = arith.constant 0 : i32
      %dma_start3A_8 = arith.constant 0 : i32
      %dma_start3A_9 = tpu.memref_slice %arg3[%add3A, %dma_start3A, %dma_start3A_8] : memref<32x50x100xi32, #tpu.memory_space<hbm>> -> memref<1x50x100xi32, #tpu.memory_space<hbm>>
      %dma_start3A_10 = tpu.memref_squeeze %dma_start3A_9 : memref<1x50x100xi32, #tpu.memory_space<hbm>> -> memref<50x100xi32, #tpu.memory_space<hbm>>
      %dma_start3A_11 = arith.constant 0 : i32
      %dma_start3A_12 = arith.constant 0 : i32
      %dma_start3A_13 = tpu.memref_slice %arg3[%add3A, %dma_start3A_11, %dma_start3A_12] : memref<32x50x100xi32, #tpu.memory_space<hbm>> -> memref<1x50x100xi32, #tpu.memory_space<hbm>>
      %dma_start3A_14 = tpu.memref_squeeze %dma_start3A_13 : memref<1x50x100xi32, #tpu.memory_space<hbm>> -> memref<50x100xi32, #tpu.memory_space<hbm>>
      tpu.enqueue_dma source(%dma_start3A_14 : memref<50x100xi32, #tpu.memory_space<hbm>>) target(%arg5 : memref<50x100xi32, #tpu.memory_space<vmem>>) target_semaphore(%run_scoped3A : memref<!tpu.dma_semaphore, #tpu.memory_space<semaphore_mem>>)
      %dma_wait3A = arith.constant 0 : i32
      %dma_wait3A_15 = arith.constant 0 : i32
      %dma_wait3A_16 = tpu.memref_slice %arg3[%add3A, %dma_wait3A, %dma_wait3A_15] : memref<32x50x100xi32, #tpu.memory_space<hbm>> -> memref<1x50x100xi32, #tpu.memory_space<hbm>>
      %dma_wait3A_17 = tpu.memref_squeeze %dma_wait3A_16 : memref<1x50x100xi32, #tpu.memory_space<hbm>> -> memref<50x100xi32, #tpu.memory_space<hbm>>
      %dma_wait3A_18 = arith.constant 0 : i32
      %dma_wait3A_19 = arith.constant 0 : i32
      %dma_wait3A_20 = tpu.memref_slice %arg3[%add3A, %dma_wait3A_18, %dma_wait3A_19] : memref<32x50x100xi32, #tpu.memory_space<hbm>> -> memref<1x50x100xi32, #tpu.memory_space<hbm>>
      %dma_wait3A_21 = tpu.memref_squeeze %dma_wait3A_20 : memref<1x50x100xi32, #tpu.memory_space<hbm>> -> memref<50x100xi32, #tpu.memory_space<hbm>>
      tpu.wait_dma2 semaphore(%run_scoped3A : memref<!tpu.dma_semaphore, #tpu.memory_space<semaphore_mem>>) src(%dma_wait3A_21 : memref<50x100xi32, #tpu.memory_space<hbm>>) dst(%arg5 : memref<50x100xi32, #tpu.memory_space<vmem>>)
      tpu.yield
    }) : () -> ()
    %scan3A = arith.constant 0 : i32
    %scan3A_1 = arith.constant 0 : i32
    %scan3A_2 = arith.constant 5 : i32
    %scan3A_3 = arith.addi %scan3A_1, %scan3A_2 : i32
    %scan3A_4 = arith.constant 1 : i32
    scf.for %scan3A_8 = %scan3A_1 to %scan3A_3 step %scan3A_4  : i32 {
      %mul3A_9 = arith.constant 10 : i32
      %mul3A_10 = arith.muli %scan3A_8, %mul3A_9 : i32
      %add3A_11 = arith.constant 0 : i32
      %add3A_12 = arith.addi %mul3A_10, %add3A_11 : i32
      %mul3A_13 = arith.constant 100 : i32
      %mul3A_14 = arith.muli %add3A_12, %mul3A_13 : i32
      %dma_start3A = arith.constant 0 : i32
      %dma_start3A_15 = tpu.memref_slice %arg6[%mul3A_14, %dma_start3A] : memref<5000x16xf32, #tpu.memory_space<vmem>> -> memref<100x16xf32, #tpu.memory_space<vmem>>
      %dma_start3A_16 = arith.constant 0 : i32
      %dma_start3A_17 = tpu.memref_slice %arg5[%add3A_12, %dma_start3A_16] : memref<50x100xi32, #tpu.memory_space<vmem>> -> memref<1x100xi32, #tpu.memory_space<vmem>>
      %dma_start3A_18 = tpu.memref_squeeze %dma_start3A_17 : memref<1x100xi32, #tpu.memory_space<vmem>> -> memref<100xi32, #tpu.memory_space<vmem>>
      %dma_start3A_19 = arith.constant 0 : i32
      %dma_start3A_20 = arith.constant 0 : i32
      %dma_start3A_21 = tpu.memref_slice %arg2[%dma_start3A_19, %dma_start3A_20] : memref<10000x16xf32, #tpu.memory_space<hbm>> -> memref<10000x16xf32, #tpu.memory_space<hbm>>
      tpu.enqueue_indirect_dma source(%dma_start3A_21 : memref<10000x16xf32, #tpu.memory_space<hbm>>) target(%dma_start3A_15 : memref<100x16xf32, #tpu.memory_space<vmem>>) offsets(%dma_start3A_18 : memref<100xi32, #tpu.memory_space<vmem>>) semaphore(%arg7 : memref<!tpu.dma_semaphore, #tpu.memory_space<semaphore_mem>>)
      %mul3A_22 = arith.constant 10 : i32
      %mul3A_23 = arith.muli %scan3A_8, %mul3A_22 : i32
      %add3A_24 = arith.constant 1 : i32
      %add3A_25 = arith.addi %mul3A_23, %add3A_24 : i32
      %mul3A_26 = arith.constant 100 : i32
      %mul3A_27 = arith.muli %add3A_25, %mul3A_26 : i32
      %dma_start3A_28 = arith.constant 0 : i32
      %dma_start3A_29 = tpu.memref_slice %arg6[%mul3A_27, %dma_start3A_28] : memref<5000x16xf32, #tpu.memory_space<vmem>> -> memref<100x16xf32, #tpu.memory_space<vmem>>
      %dma_start3A_30 = arith.constant 0 : i32
      %dma_start3A_31 = tpu.memref_slice %arg5[%add3A_25, %dma_start3A_30] : memref<50x100xi32, #tpu.memory_space<vmem>> -> memref<1x100xi32, #tpu.memory_space<vmem>>
      %dma_start3A_32 = tpu.memref_squeeze %dma_start3A_31 : memref<1x100xi32, #tpu.memory_space<vmem>> -> memref<100xi32, #tpu.memory_space<vmem>>
      %dma_start3A_33 = arith.constant 0 : i32
      %dma_start3A_34 = arith.constant 0 : i32
      %dma_start3A_35 = tpu.memref_slice %arg2[%dma_start3A_33, %dma_start3A_34] : memref<10000x16xf32, #tpu.memory_space<hbm>> -> memref<10000x16xf32, #tpu.memory_space<hbm>>
      tpu.enqueue_indirect_dma source(%dma_start3A_35 : memref<10000x16xf32, #tpu.memory_space<hbm>>) target(%dma_start3A_29 : memref<100x16xf32, #tpu.memory_space<vmem>>) offsets(%dma_start3A_32 : memref<100xi32, #tpu.memory_space<vmem>>) semaphore(%arg7 : memref<!tpu.dma_semaphore, #tpu.memory_space<semaphore_mem>>)
      %mul3A_36 = arith.constant 10 : i32
      %mul3A_37 = arith.muli %scan3A_8, %mul3A_36 : i32
      %add3A_38 = arith.constant 2 : i32
      %add3A_39 = arith.addi %mul3A_37, %add3A_38 : i32
      %mul3A_40 = arith.constant 100 : i32
      %mul3A_41 = arith.muli %add3A_39, %mul3A_40 : i32
      %dma_start3A_42 = arith.constant 0 : i32
      %dma_start3A_43 = tpu.memref_slice %arg6[%mul3A_41, %dma_start3A_42] : memref<5000x16xf32, #tpu.memory_space<vmem>> -> memref<100x16xf32, #tpu.memory_space<vmem>>
      %dma_start3A_44 = arith.constant 0 : i32
      %dma_start3A_45 = tpu.memref_slice %arg5[%add3A_39, %dma_start3A_44] : memref<50x100xi32, #tpu.memory_space<vmem>> -> memref<1x100xi32, #tpu.memory_space<vmem>>
      %dma_start3A_46 = tpu.memref_squeeze %dma_start3A_45 : memref<1x100xi32, #tpu.memory_space<vmem>> -> memref<100xi32, #tpu.memory_space<vmem>>
      %dma_start3A_47 = arith.constant 0 : i32
      %dma_start3A_48 = arith.constant 0 : i32
      %dma_start3A_49 = tpu.memref_slice %arg2[%dma_start3A_47, %dma_start3A_48] : memref<10000x16xf32, #tpu.memory_space<hbm>> -> memref<10000x16xf32, #tpu.memory_space<hbm>>
      tpu.enqueue_indirect_dma source(%dma_start3A_49 : memref<10000x16xf32, #tpu.memory_space<hbm>>) target(%dma_start3A_43 : memref<100x16xf32, #tpu.memory_space<vmem>>) offsets(%dma_start3A_46 : memref<100xi32, #tpu.memory_space<vmem>>) semaphore(%arg7 : memref<!tpu.dma_semaphore, #tpu.memory_space<semaphore_mem>>)
      %mul3A_50 = arith.constant 10 : i32
      %mul3A_51 = arith.muli %scan3A_8, %mul3A_50 : i32
      %add3A_52 = arith.constant 3 : i32
      %add3A_53 = arith.addi %mul3A_51, %add3A_52 : i32
      %mul3A_54 = arith.constant 100 : i32
      %mul3A_55 = arith.muli %add3A_53, %mul3A_54 : i32
      %dma_start3A_56 = arith.constant 0 : i32
      %dma_start3A_57 = tpu.memref_slice %arg6[%mul3A_55, %dma_start3A_56] : memref<5000x16xf32, #tpu.memory_space<vmem>> -> memref<100x16xf32, #tpu.memory_space<vmem>>
      %dma_start3A_58 = arith.constant 0 : i32
      %dma_start3A_59 = tpu.memref_slice %arg5[%add3A_53, %dma_start3A_58] : memref<50x100xi32, #tpu.memory_space<vmem>> -> memref<1x100xi32, #tpu.memory_space<vmem>>
      %dma_start3A_60 = tpu.memref_squeeze %dma_start3A_59 : memref<1x100xi32, #tpu.memory_space<vmem>> -> memref<100xi32, #tpu.memory_space<vmem>>
      %dma_start3A_61 = arith.constant 0 : i32
      %dma_start3A_62 = arith.constant 0 : i32
      %dma_start3A_63 = tpu.memref_slice %arg2[%dma_start3A_61, %dma_start3A_62] : memref<10000x16xf32, #tpu.memory_space<hbm>> -> memref<10000x16xf32, #tpu.memory_space<hbm>>
      tpu.enqueue_indirect_dma source(%dma_start3A_63 : memref<10000x16xf32, #tpu.memory_space<hbm>>) target(%dma_start3A_57 : memref<100x16xf32, #tpu.memory_space<vmem>>) offsets(%dma_start3A_60 : memref<100xi32, #tpu.memory_space<vmem>>) semaphore(%arg7 : memref<!tpu.dma_semaphore, #tpu.memory_space<semaphore_mem>>)
      %mul3A_64 = arith.constant 10 : i32
      %mul3A_65 = arith.muli %scan3A_8, %mul3A_64 : i32
      %add3A_66 = arith.constant 4 : i32
      %add3A_67 = arith.addi %mul3A_65, %add3A_66 : i32
      %mul3A_68 = arith.constant 100 : i32
      %mul3A_69 = arith.muli %add3A_67, %mul3A_68 : i32
      %dma_start3A_70 = arith.constant 0 : i32
      %dma_start3A_71 = tpu.memref_slice %arg6[%mul3A_69, %dma_start3A_70] : memref<5000x16xf32, #tpu.memory_space<vmem>> -> memref<100x16xf32, #tpu.memory_space<vmem>>
      %dma_start3A_72 = arith.constant 0 : i32
      %dma_start3A_73 = tpu.memref_slice %arg5[%add3A_67, %dma_start3A_72] : memref<50x100xi32, #tpu.memory_space<vmem>> -> memref<1x100xi32, #tpu.memory_space<vmem>>
      %dma_start3A_74 = tpu.memref_squeeze %dma_start3A_73 : memref<1x100xi32, #tpu.memory_space<vmem>> -> memref<100xi32, #tpu.memory_space<vmem>>
      %dma_start3A_75 = arith.constant 0 : i32
      %dma_start3A_76 = arith.constant 0 : i32
      %dma_start3A_77 = tpu.memref_slice %arg2[%dma_start3A_75, %dma_start3A_76] : memref<10000x16xf32, #tpu.memory_space<hbm>> -> memref<10000x16xf32, #tpu.memory_space<hbm>>
      tpu.enqueue_indirect_dma source(%dma_start3A_77 : memref<10000x16xf32, #tpu.memory_space<hbm>>) target(%dma_start3A_71 : memref<100x16xf32, #tpu.memory_space<vmem>>) offsets(%dma_start3A_74 : memref<100xi32, #tpu.memory_space<vmem>>) semaphore(%arg7 : memref<!tpu.dma_semaphore, #tpu.memory_space<semaphore_mem>>)
      %mul3A_78 = arith.constant 10 : i32
      %mul3A_79 = arith.muli %scan3A_8, %mul3A_78 : i32
      %add3A_80 = arith.constant 5 : i32
      %add3A_81 = arith.addi %mul3A_79, %add3A_80 : i32
      %mul3A_82 = arith.constant 100 : i32
      %mul3A_83 = arith.muli %add3A_81, %mul3A_82 : i32
      %dma_start3A_84 = arith.constant 0 : i32
      %dma_start3A_85 = tpu.memref_slice %arg6[%mul3A_83, %dma_start3A_84] : memref<5000x16xf32, #tpu.memory_space<vmem>> -> memref<100x16xf32, #tpu.memory_space<vmem>>
      %dma_start3A_86 = arith.constant 0 : i32
      %dma_start3A_87 = tpu.memref_slice %arg5[%add3A_81, %dma_start3A_86] : memref<50x100xi32, #tpu.memory_space<vmem>> -> memref<1x100xi32, #tpu.memory_space<vmem>>
      %dma_start3A_88 = tpu.memref_squeeze %dma_start3A_87 : memref<1x100xi32, #tpu.memory_space<vmem>> -> memref<100xi32, #tpu.memory_space<vmem>>
      %dma_start3A_89 = arith.constant 0 : i32
      %dma_start3A_90 = arith.constant 0 : i32
      %dma_start3A_91 = tpu.memref_slice %arg2[%dma_start3A_89, %dma_start3A_90] : memref<10000x16xf32, #tpu.memory_space<hbm>> -> memref<10000x16xf32, #tpu.memory_space<hbm>>
      tpu.enqueue_indirect_dma source(%dma_start3A_91 : memref<10000x16xf32, #tpu.memory_space<hbm>>) target(%dma_start3A_85 : memref<100x16xf32, #tpu.memory_space<vmem>>) offsets(%dma_start3A_88 : memref<100xi32, #tpu.memory_space<vmem>>) semaphore(%arg7 : memref<!tpu.dma_semaphore, #tpu.memory_space<semaphore_mem>>)
      %mul3A_92 = arith.constant 10 : i32
      %mul3A_93 = arith.muli %scan3A_8, %mul3A_92 : i32
      %add3A_94 = arith.constant 6 : i32
      %add3A_95 = arith.addi %mul3A_93, %add3A_94 : i32
      %mul3A_96 = arith.constant 100 : i32
      %mul3A_97 = arith.muli %add3A_95, %mul3A_96 : i32
      %dma_start3A_98 = arith.constant 0 : i32
      %dma_start3A_99 = tpu.memref_slice %arg6[%mul3A_97, %dma_start3A_98] : memref<5000x16xf32, #tpu.memory_space<vmem>> -> memref<100x16xf32, #tpu.memory_space<vmem>>
      %dma_start3A_100 = arith.constant 0 : i32
      %dma_start3A_101 = tpu.memref_slice %arg5[%add3A_95, %dma_start3A_100] : memref<50x100xi32, #tpu.memory_space<vmem>> -> memref<1x100xi32, #tpu.memory_space<vmem>>
      %dma_start3A_102 = tpu.memref_squeeze %dma_start3A_101 : memref<1x100xi32, #tpu.memory_space<vmem>> -> memref<100xi32, #tpu.memory_space<vmem>>
      %dma_start3A_103 = arith.constant 0 : i32
      %dma_start3A_104 = arith.constant 0 : i32
      %dma_start3A_105 = tpu.memref_slice %arg2[%dma_start3A_103, %dma_start3A_104] : memref<10000x16xf32, #tpu.memory_space<hbm>> -> memref<10000x16xf32, #tpu.memory_space<hbm>>
      tpu.enqueue_indirect_dma source(%dma_start3A_105 : memref<10000x16xf32, #tpu.memory_space<hbm>>) target(%dma_start3A_99 : memref<100x16xf32, #tpu.memory_space<vmem>>) offsets(%dma_start3A_102 : memref<100xi32, #tpu.memory_space<vmem>>) semaphore(%arg7 : memref<!tpu.dma_semaphore, #tpu.memory_space<semaphore_mem>>)
      %mul3A_106 = arith.constant 10 : i32
      %mul3A_107 = arith.muli %scan3A_8, %mul3A_106 : i32
      %add3A_108 = arith.constant 7 : i32
      %add3A_109 = arith.addi %mul3A_107, %add3A_108 : i32
      %mul3A_110 = arith.constant 100 : i32
      %mul3A_111 = arith.muli %add3A_109, %mul3A_110 : i32
      %dma_start3A_112 = arith.constant 0 : i32
      %dma_start3A_113 = tpu.memref_slice %arg6[%mul3A_111, %dma_start3A_112] : memref<5000x16xf32, #tpu.memory_space<vmem>> -> memref<100x16xf32, #tpu.memory_space<vmem>>
      %dma_start3A_114 = arith.constant 0 : i32
      %dma_start3A_115 = tpu.memref_slice %arg5[%add3A_109, %dma_start3A_114] : memref<50x100xi32, #tpu.memory_space<vmem>> -> memref<1x100xi32, #tpu.memory_space<vmem>>
      %dma_start3A_116 = tpu.memref_squeeze %dma_start3A_115 : memref<1x100xi32, #tpu.memory_space<vmem>> -> memref<100xi32, #tpu.memory_space<vmem>>
      %dma_start3A_117 = arith.constant 0 : i32
      %dma_start3A_118 = arith.constant 0 : i32
      %dma_start3A_119 = tpu.memref_slice %arg2[%dma_start3A_117, %dma_start3A_118] : memref<10000x16xf32, #tpu.memory_space<hbm>> -> memref<10000x16xf32, #tpu.memory_space<hbm>>
      tpu.enqueue_indirect_dma source(%dma_start3A_119 : memref<10000x16xf32, #tpu.memory_space<hbm>>) target(%dma_start3A_113 : memref<100x16xf32, #tpu.memory_space<vmem>>) offsets(%dma_start3A_116 : memref<100xi32, #tpu.memory_space<vmem>>) semaphore(%arg7 : memref<!tpu.dma_semaphore, #tpu.memory_space<semaphore_mem>>)
      %mul3A_120 = arith.constant 10 : i32
      %mul3A_121 = arith.muli %scan3A_8, %mul3A_120 : i32
      %add3A_122 = arith.constant 8 : i32
      %add3A_123 = arith.addi %mul3A_121, %add3A_122 : i32
      %mul3A_124 = arith.constant 100 : i32
      %mul3A_125 = arith.muli %add3A_123, %mul3A_124 : i32
      %dma_start3A_126 = arith.constant 0 : i32
      %dma_start3A_127 = tpu.memref_slice %arg6[%mul3A_125, %dma_start3A_126] : memref<5000x16xf32, #tpu.memory_space<vmem>> -> memref<100x16xf32, #tpu.memory_space<vmem>>
      %dma_start3A_128 = arith.constant 0 : i32
      %dma_start3A_129 = tpu.memref_slice %arg5[%add3A_123, %dma_start3A_128] : memref<50x100xi32, #tpu.memory_space<vmem>> -> memref<1x100xi32, #tpu.memory_space<vmem>>
      %dma_start3A_130 = tpu.memref_squeeze %dma_start3A_129 : memref<1x100xi32, #tpu.memory_space<vmem>> -> memref<100xi32, #tpu.memory_space<vmem>>
      %dma_start3A_131 = arith.constant 0 : i32
      %dma_start3A_132 = arith.constant 0 : i32
      %dma_start3A_133 = tpu.memref_slice %arg2[%dma_start3A_131, %dma_start3A_132] : memref<10000x16xf32, #tpu.memory_space<hbm>> -> memref<10000x16xf32, #tpu.memory_space<hbm>>
      tpu.enqueue_indirect_dma source(%dma_start3A_133 : memref<10000x16xf32, #tpu.memory_space<hbm>>) target(%dma_start3A_127 : memref<100x16xf32, #tpu.memory_space<vmem>>) offsets(%dma_start3A_130 : memref<100xi32, #tpu.memory_space<vmem>>) semaphore(%arg7 : memref<!tpu.dma_semaphore, #tpu.memory_space<semaphore_mem>>)
      %mul3A_134 = arith.constant 10 : i32
      %mul3A_135 = arith.muli %scan3A_8, %mul3A_134 : i32
      %add3A_136 = arith.constant 9 : i32
      %add3A_137 = arith.addi %mul3A_135, %add3A_136 : i32
      %mul3A_138 = arith.constant 100 : i32
      %mul3A_139 = arith.muli %add3A_137, %mul3A_138 : i32
      %dma_start3A_140 = arith.constant 0 : i32
      %dma_start3A_141 = tpu.memref_slice %arg6[%mul3A_139, %dma_start3A_140] : memref<5000x16xf32, #tpu.memory_space<vmem>> -> memref<100x16xf32, #tpu.memory_space<vmem>>
      %dma_start3A_142 = arith.constant 0 : i32
      %dma_start3A_143 = tpu.memref_slice %arg5[%add3A_137, %dma_start3A_142] : memref<50x100xi32, #tpu.memory_space<vmem>> -> memref<1x100xi32, #tpu.memory_space<vmem>>
      %dma_start3A_144 = tpu.memref_squeeze %dma_start3A_143 : memref<1x100xi32, #tpu.memory_space<vmem>> -> memref<100xi32, #tpu.memory_space<vmem>>
      %dma_start3A_145 = arith.constant 0 : i32
      %dma_start3A_146 = arith.constant 0 : i32
      %dma_start3A_147 = tpu.memref_slice %arg2[%dma_start3A_145, %dma_start3A_146] : memref<10000x16xf32, #tpu.memory_space<hbm>> -> memref<10000x16xf32, #tpu.memory_space<hbm>>
      tpu.enqueue_indirect_dma source(%dma_start3A_147 : memref<10000x16xf32, #tpu.memory_space<hbm>>) target(%dma_start3A_141 : memref<100x16xf32, #tpu.memory_space<vmem>>) offsets(%dma_start3A_144 : memref<100xi32, #tpu.memory_space<vmem>>) semaphore(%arg7 : memref<!tpu.dma_semaphore, #tpu.memory_space<semaphore_mem>>)
      %mul3A_148 = arith.constant 10 : i32
      %mul3A_149 = arith.muli %scan3A_8, %mul3A_148 : i32
      %add3A_150 = arith.constant 0 : i32
      %add3A_151 = arith.addi %mul3A_149, %add3A_150 : i32
      %mul3A_152 = arith.constant 100 : i32
      %mul3A_153 = arith.muli %add3A_151, %mul3A_152 : i32
      %dma_wait3A = arith.constant 0 : i32
      %dma_wait3A_154 = tpu.memref_slice %arg6[%mul3A_153, %dma_wait3A] : memref<5000x16xf32, #tpu.memory_space<vmem>> -> memref<100x16xf32, #tpu.memory_space<vmem>>
      %dma_wait3A_155 = arith.constant 0 : i32
      %dma_wait3A_156 = tpu.memref_slice %arg5[%add3A_151, %dma_wait3A_155] : memref<50x100xi32, #tpu.memory_space<vmem>> -> memref<1x100xi32, #tpu.memory_space<vmem>>
      %dma_wait3A_157 = tpu.memref_squeeze %dma_wait3A_156 : memref<1x100xi32, #tpu.memory_space<vmem>> -> memref<100xi32, #tpu.memory_space<vmem>>
      %dma_wait3A_158 = arith.constant 0 : i32
      %dma_wait3A_159 = arith.constant 0 : i32
      %dma_wait3A_160 = tpu.memref_slice %arg2[%dma_wait3A_158, %dma_wait3A_159] : memref<10000x16xf32, #tpu.memory_space<hbm>> -> memref<10000x16xf32, #tpu.memory_space<hbm>>
      tpu.wait_indirect_dma semaphore(%arg7 : memref<!tpu.dma_semaphore, #tpu.memory_space<semaphore_mem>>) src(%dma_wait3A_160 : memref<10000x16xf32, #tpu.memory_space<hbm>>) dst(%dma_wait3A_154 : memref<100x16xf32, #tpu.memory_space<vmem>>)
      %mul3A_161 = arith.constant 10 : i32
      %mul3A_162 = arith.muli %scan3A_8, %mul3A_161 : i32
      %add3A_163 = arith.constant 1 : i32
      %add3A_164 = arith.addi %mul3A_162, %add3A_163 : i32
      %mul3A_165 = arith.constant 100 : i32
      %mul3A_166 = arith.muli %add3A_164, %mul3A_165 : i32
      %dma_wait3A_167 = arith.constant 0 : i32
      %dma_wait3A_168 = tpu.memref_slice %arg6[%mul3A_166, %dma_wait3A_167] : memref<5000x16xf32, #tpu.memory_space<vmem>> -> memref<100x16xf32, #tpu.memory_space<vmem>>
      %dma_wait3A_169 = arith.constant 0 : i32
      %dma_wait3A_170 = tpu.memref_slice %arg5[%add3A_164, %dma_wait3A_169] : memref<50x100xi32, #tpu.memory_space<vmem>> -> memref<1x100xi32, #tpu.memory_space<vmem>>
      %dma_wait3A_171 = tpu.memref_squeeze %dma_wait3A_170 : memref<1x100xi32, #tpu.memory_space<vmem>> -> memref<100xi32, #tpu.memory_space<vmem>>
      %dma_wait3A_172 = arith.constant 0 : i32
      %dma_wait3A_173 = arith.constant 0 : i32
      %dma_wait3A_174 = tpu.memref_slice %arg2[%dma_wait3A_172, %dma_wait3A_173] : memref<10000x16xf32, #tpu.memory_space<hbm>> -> memref<10000x16xf32, #tpu.memory_space<hbm>>
      tpu.wait_indirect_dma semaphore(%arg7 : memref<!tpu.dma_semaphore, #tpu.memory_space<semaphore_mem>>) src(%dma_wait3A_174 : memref<10000x16xf32, #tpu.memory_space<hbm>>) dst(%dma_wait3A_168 : memref<100x16xf32, #tpu.memory_space<vmem>>)
      %mul3A_175 = arith.constant 10 : i32
      %mul3A_176 = arith.muli %scan3A_8, %mul3A_175 : i32
      %add3A_177 = arith.constant 2 : i32
      %add3A_178 = arith.addi %mul3A_176, %add3A_177 : i32
      %mul3A_179 = arith.constant 100 : i32
      %mul3A_180 = arith.muli %add3A_178, %mul3A_179 : i32
      %dma_wait3A_181 = arith.constant 0 : i32
      %dma_wait3A_182 = tpu.memref_slice %arg6[%mul3A_180, %dma_wait3A_181] : memref<5000x16xf32, #tpu.memory_space<vmem>> -> memref<100x16xf32, #tpu.memory_space<vmem>>
      %dma_wait3A_183 = arith.constant 0 : i32
      %dma_wait3A_184 = tpu.memref_slice %arg5[%add3A_178, %dma_wait3A_183] : memref<50x100xi32, #tpu.memory_space<vmem>> -> memref<1x100xi32, #tpu.memory_space<vmem>>
      %dma_wait3A_185 = tpu.memref_squeeze %dma_wait3A_184 : memref<1x100xi32, #tpu.memory_space<vmem>> -> memref<100xi32, #tpu.memory_space<vmem>>
      %dma_wait3A_186 = arith.constant 0 : i32
      %dma_wait3A_187 = arith.constant 0 : i32
      %dma_wait3A_188 = tpu.memref_slice %arg2[%dma_wait3A_186, %dma_wait3A_187] : memref<10000x16xf32, #tpu.memory_space<hbm>> -> memref<10000x16xf32, #tpu.memory_space<hbm>>
      tpu.wait_indirect_dma semaphore(%arg7 : memref<!tpu.dma_semaphore, #tpu.memory_space<semaphore_mem>>) src(%dma_wait3A_188 : memref<10000x16xf32, #tpu.memory_space<hbm>>) dst(%dma_wait3A_182 : memref<100x16xf32, #tpu.memory_space<vmem>>)
      %mul3A_189 = arith.constant 10 : i32
      %mul3A_190 = arith.muli %scan3A_8, %mul3A_189 : i32
      %add3A_191 = arith.constant 3 : i32
      %add3A_192 = arith.addi %mul3A_190, %add3A_191 : i32
      %mul3A_193 = arith.constant 100 : i32
      %mul3A_194 = arith.muli %add3A_192, %mul3A_193 : i32
      %dma_wait3A_195 = arith.constant 0 : i32
      %dma_wait3A_196 = tpu.memref_slice %arg6[%mul3A_194, %dma_wait3A_195] : memref<5000x16xf32, #tpu.memory_space<vmem>> -> memref<100x16xf32, #tpu.memory_space<vmem>>
      %dma_wait3A_197 = arith.constant 0 : i32
      %dma_wait3A_198 = tpu.memref_slice %arg5[%add3A_192, %dma_wait3A_197] : memref<50x100xi32, #tpu.memory_space<vmem>> -> memref<1x100xi32, #tpu.memory_space<vmem>>
      %dma_wait3A_199 = tpu.memref_squeeze %dma_wait3A_198 : memref<1x100xi32, #tpu.memory_space<vmem>> -> memref<100xi32, #tpu.memory_space<vmem>>
      %dma_wait3A_200 = arith.constant 0 : i32
      %dma_wait3A_201 = arith.constant 0 : i32
      %dma_wait3A_202 = tpu.memref_slice %arg2[%dma_wait3A_200, %dma_wait3A_201] : memref<10000x16xf32, #tpu.memory_space<hbm>> -> memref<10000x16xf32, #tpu.memory_space<hbm>>
      tpu.wait_indirect_dma semaphore(%arg7 : memref<!tpu.dma_semaphore, #tpu.memory_space<semaphore_mem>>) src(%dma_wait3A_202 : memref<10000x16xf32, #tpu.memory_space<hbm>>) dst(%dma_wait3A_196 : memref<100x16xf32, #tpu.memory_space<vmem>>)
      %mul3A_203 = arith.constant 10 : i32
      %mul3A_204 = arith.muli %scan3A_8, %mul3A_203 : i32
      %add3A_205 = arith.constant 4 : i32
      %add3A_206 = arith.addi %mul3A_204, %add3A_205 : i32
      %mul3A_207 = arith.constant 100 : i32
      %mul3A_208 = arith.muli %add3A_206, %mul3A_207 : i32
      %dma_wait3A_209 = arith.constant 0 : i32
      %dma_wait3A_210 = tpu.memref_slice %arg6[%mul3A_208, %dma_wait3A_209] : memref<5000x16xf32, #tpu.memory_space<vmem>> -> memref<100x16xf32, #tpu.memory_space<vmem>>
      %dma_wait3A_211 = arith.constant 0 : i32
      %dma_wait3A_212 = tpu.memref_slice %arg5[%add3A_206, %dma_wait3A_211] : memref<50x100xi32, #tpu.memory_space<vmem>> -> memref<1x100xi32, #tpu.memory_space<vmem>>
      %dma_wait3A_213 = tpu.memref_squeeze %dma_wait3A_212 : memref<1x100xi32, #tpu.memory_space<vmem>> -> memref<100xi32, #tpu.memory_space<vmem>>
      %dma_wait3A_214 = arith.constant 0 : i32
      %dma_wait3A_215 = arith.constant 0 : i32
      %dma_wait3A_216 = tpu.memref_slice %arg2[%dma_wait3A_214, %dma_wait3A_215] : memref<10000x16xf32, #tpu.memory_space<hbm>> -> memref<10000x16xf32, #tpu.memory_space<hbm>>
      tpu.wait_indirect_dma semaphore(%arg7 : memref<!tpu.dma_semaphore, #tpu.memory_space<semaphore_mem>>) src(%dma_wait3A_216 : memref<10000x16xf32, #tpu.memory_space<hbm>>) dst(%dma_wait3A_210 : memref<100x16xf32, #tpu.memory_space<vmem>>)
      %mul3A_217 = arith.constant 10 : i32
      %mul3A_218 = arith.muli %scan3A_8, %mul3A_217 : i32
      %add3A_219 = arith.constant 5 : i32
      %add3A_220 = arith.addi %mul3A_218, %add3A_219 : i32
      %mul3A_221 = arith.constant 100 : i32
      %mul3A_222 = arith.muli %add3A_220, %mul3A_221 : i32
      %dma_wait3A_223 = arith.constant 0 : i32
      %dma_wait3A_224 = tpu.memref_slice %arg6[%mul3A_222, %dma_wait3A_223] : memref<5000x16xf32, #tpu.memory_space<vmem>> -> memref<100x16xf32, #tpu.memory_space<vmem>>
      %dma_wait3A_225 = arith.constant 0 : i32
      %dma_wait3A_226 = tpu.memref_slice %arg5[%add3A_220, %dma_wait3A_225] : memref<50x100xi32, #tpu.memory_space<vmem>> -> memref<1x100xi32, #tpu.memory_space<vmem>>
      %dma_wait3A_227 = tpu.memref_squeeze %dma_wait3A_226 : memref<1x100xi32, #tpu.memory_space<vmem>> -> memref<100xi32, #tpu.memory_space<vmem>>
      %dma_wait3A_228 = arith.constant 0 : i32
      %dma_wait3A_229 = arith.constant 0 : i32
      %dma_wait3A_230 = tpu.memref_slice %arg2[%dma_wait3A_228, %dma_wait3A_229] : memref<10000x16xf32, #tpu.memory_space<hbm>> -> memref<10000x16xf32, #tpu.memory_space<hbm>>
      tpu.wait_indirect_dma semaphore(%arg7 : memref<!tpu.dma_semaphore, #tpu.memory_space<semaphore_mem>>) src(%dma_wait3A_230 : memref<10000x16xf32, #tpu.memory_space<hbm>>) dst(%dma_wait3A_224 : memref<100x16xf32, #tpu.memory_space<vmem>>)
      %mul3A_231 = arith.constant 10 : i32
      %mul3A_232 = arith.muli %scan3A_8, %mul3A_231 : i32
      %add3A_233 = arith.constant 6 : i32
      %add3A_234 = arith.addi %mul3A_232, %add3A_233 : i32
      %mul3A_235 = arith.constant 100 : i32
      %mul3A_236 = arith.muli %add3A_234, %mul3A_235 : i32
      %dma_wait3A_237 = arith.constant 0 : i32
      %dma_wait3A_238 = tpu.memref_slice %arg6[%mul3A_236, %dma_wait3A_237] : memref<5000x16xf32, #tpu.memory_space<vmem>> -> memref<100x16xf32, #tpu.memory_space<vmem>>
      %dma_wait3A_239 = arith.constant 0 : i32
      %dma_wait3A_240 = tpu.memref_slice %arg5[%add3A_234, %dma_wait3A_239] : memref<50x100xi32, #tpu.memory_space<vmem>> -> memref<1x100xi32, #tpu.memory_space<vmem>>
      %dma_wait3A_241 = tpu.memref_squeeze %dma_wait3A_240 : memref<1x100xi32, #tpu.memory_space<vmem>> -> memref<100xi32, #tpu.memory_space<vmem>>
      %dma_wait3A_242 = arith.constant 0 : i32
      %dma_wait3A_243 = arith.constant 0 : i32
      %dma_wait3A_244 = tpu.memref_slice %arg2[%dma_wait3A_242, %dma_wait3A_243] : memref<10000x16xf32, #tpu.memory_space<hbm>> -> memref<10000x16xf32, #tpu.memory_space<hbm>>
      tpu.wait_indirect_dma semaphore(%arg7 : memref<!tpu.dma_semaphore, #tpu.memory_space<semaphore_mem>>) src(%dma_wait3A_244 : memref<10000x16xf32, #tpu.memory_space<hbm>>) dst(%dma_wait3A_238 : memref<100x16xf32, #tpu.memory_space<vmem>>)
      %mul3A_245 = arith.constant 10 : i32
      %mul3A_246 = arith.muli %scan3A_8, %mul3A_245 : i32
      %add3A_247 = arith.constant 7 : i32
      %add3A_248 = arith.addi %mul3A_246, %add3A_247 : i32
      %mul3A_249 = arith.constant 100 : i32
      %mul3A_250 = arith.muli %add3A_248, %mul3A_249 : i32
      %dma_wait3A_251 = arith.constant 0 : i32
      %dma_wait3A_252 = tpu.memref_slice %arg6[%mul3A_250, %dma_wait3A_251] : memref<5000x16xf32, #tpu.memory_space<vmem>> -> memref<100x16xf32, #tpu.memory_space<vmem>>
      %dma_wait3A_253 = arith.constant 0 : i32
      %dma_wait3A_254 = tpu.memref_slice %arg5[%add3A_248, %dma_wait3A_253] : memref<50x100xi32, #tpu.memory_space<vmem>> -> memref<1x100xi32, #tpu.memory_space<vmem>>
      %dma_wait3A_255 = tpu.memref_squeeze %dma_wait3A_254 : memref<1x100xi32, #tpu.memory_space<vmem>> -> memref<100xi32, #tpu.memory_space<vmem>>
      %dma_wait3A_256 = arith.constant 0 : i32
      %dma_wait3A_257 = arith.constant 0 : i32
      %dma_wait3A_258 = tpu.memref_slice %arg2[%dma_wait3A_256, %dma_wait3A_257] : memref<10000x16xf32, #tpu.memory_space<hbm>> -> memref<10000x16xf32, #tpu.memory_space<hbm>>
      tpu.wait_indirect_dma semaphore(%arg7 : memref<!tpu.dma_semaphore, #tpu.memory_space<semaphore_mem>>) src(%dma_wait3A_258 : memref<10000x16xf32, #tpu.memory_space<hbm>>) dst(%dma_wait3A_252 : memref<100x16xf32, #tpu.memory_space<vmem>>)
      %mul3A_259 = arith.constant 10 : i32
      %mul3A_260 = arith.muli %scan3A_8, %mul3A_259 : i32
      %add3A_261 = arith.constant 8 : i32
      %add3A_262 = arith.addi %mul3A_260, %add3A_261 : i32
      %mul3A_263 = arith.constant 100 : i32
      %mul3A_264 = arith.muli %add3A_262, %mul3A_263 : i32
      %dma_wait3A_265 = arith.constant 0 : i32
      %dma_wait3A_266 = tpu.memref_slice %arg6[%mul3A_264, %dma_wait3A_265] : memref<5000x16xf32, #tpu.memory_space<vmem>> -> memref<100x16xf32, #tpu.memory_space<vmem>>
      %dma_wait3A_267 = arith.constant 0 : i32
      %dma_wait3A_268 = tpu.memref_slice %arg5[%add3A_262, %dma_wait3A_267] : memref<50x100xi32, #tpu.memory_space<vmem>> -> memref<1x100xi32, #tpu.memory_space<vmem>>
      %dma_wait3A_269 = tpu.memref_squeeze %dma_wait3A_268 : memref<1x100xi32, #tpu.memory_space<vmem>> -> memref<100xi32, #tpu.memory_space<vmem>>
      %dma_wait3A_270 = arith.constant 0 : i32
      %dma_wait3A_271 = arith.constant 0 : i32
      %dma_wait3A_272 = tpu.memref_slice %arg2[%dma_wait3A_270, %dma_wait3A_271] : memref<10000x16xf32, #tpu.memory_space<hbm>> -> memref<10000x16xf32, #tpu.memory_space<hbm>>
      tpu.wait_indirect_dma semaphore(%arg7 : memref<!tpu.dma_semaphore, #tpu.memory_space<semaphore_mem>>) src(%dma_wait3A_272 : memref<10000x16xf32, #tpu.memory_space<hbm>>) dst(%dma_wait3A_266 : memref<100x16xf32, #tpu.memory_space<vmem>>)
      %mul3A_273 = arith.constant 10 : i32
      %mul3A_274 = arith.muli %scan3A_8, %mul3A_273 : i32
      %add3A_275 = arith.constant 9 : i32
      %add3A_276 = arith.addi %mul3A_274, %add3A_275 : i32
      %mul3A_277 = arith.constant 100 : i32
      %mul3A_278 = arith.muli %add3A_276, %mul3A_277 : i32
      %dma_wait3A_279 = arith.constant 0 : i32
      %dma_wait3A_280 = tpu.memref_slice %arg6[%mul3A_278, %dma_wait3A_279] : memref<5000x16xf32, #tpu.memory_space<vmem>> -> memref<100x16xf32, #tpu.memory_space<vmem>>
      %dma_wait3A_281 = arith.constant 0 : i32
      %dma_wait3A_282 = tpu.memref_slice %arg5[%add3A_276, %dma_wait3A_281] : memref<50x100xi32, #tpu.memory_space<vmem>> -> memref<1x100xi32, #tpu.memory_space<vmem>>
      %dma_wait3A_283 = tpu.memref_squeeze %dma_wait3A_282 : memref<1x100xi32, #tpu.memory_space<vmem>> -> memref<100xi32, #tpu.memory_space<vmem>>
      %dma_wait3A_284 = arith.constant 0 : i32
      %dma_wait3A_285 = arith.constant 0 : i32
      %dma_wait3A_286 = tpu.memref_slice %arg2[%dma_wait3A_284, %dma_wait3A_285] : memref<10000x16xf32, #tpu.memory_space<hbm>> -> memref<10000x16xf32, #tpu.memory_space<hbm>>
      tpu.wait_indirect_dma semaphore(%arg7 : memref<!tpu.dma_semaphore, #tpu.memory_space<semaphore_mem>>) src(%dma_wait3A_286 : memref<10000x16xf32, #tpu.memory_space<hbm>>) dst(%dma_wait3A_280 : memref<100x16xf32, #tpu.memory_space<vmem>>)
    }
    %scan3A_5 = arith.constant 5 : i32
    %mul3A_6 = arith.constant 5000 : i32
    %mul3A_7 = arith.muli %add3A, %mul3A_6 : i32
    "tpu.region"() ({
      %run_scoped3A = tpu.sem_alloc : memref<!tpu.dma_semaphore, #tpu.memory_space<semaphore_mem>>
      %dma_start3A = arith.constant 0 : i32
      %dma_start3A_8 = tpu.memref_slice %arg4[%mul3A_7, %dma_start3A] : memref<160000x16xf32, #tpu.memory_space<hbm>> -> memref<5000x16xf32, #tpu.memory_space<hbm>>
      %dma_start3A_9 = arith.constant 0 : i32
      %dma_start3A_10 = tpu.memref_slice %arg4[%mul3A_7, %dma_start3A_9] : memref<160000x16xf32, #tpu.memory_space<hbm>> -> memref<5000x16xf32, #tpu.memory_space<hbm>>
      tpu.enqueue_dma source(%arg6 : memref<5000x16xf32, #tpu.memory_space<vmem>>) target(%dma_start3A_10 : memref<5000x16xf32, #tpu.memory_space<hbm>>) target_semaphore(%run_scoped3A : memref<!tpu.dma_semaphore, #tpu.memory_space<semaphore_mem>>)
      %dma_wait3A = arith.constant 0 : i32
      %dma_wait3A_11 = tpu.memref_slice %arg4[%mul3A_7, %dma_wait3A] : memref<160000x16xf32, #tpu.memory_space<hbm>> -> memref<5000x16xf32, #tpu.memory_space<hbm>>
      %dma_wait3A_12 = arith.constant 0 : i32
      %dma_wait3A_13 = tpu.memref_slice %arg4[%mul3A_7, %dma_wait3A_12] : memref<160000x16xf32, #tpu.memory_space<hbm>> -> memref<5000x16xf32, #tpu.memory_space<hbm>>
      tpu.wait_dma2 semaphore(%run_scoped3A : memref<!tpu.dma_semaphore, #tpu.memory_space<semaphore_mem>>) src(%arg6 : memref<5000x16xf32, #tpu.memory_space<vmem>>) dst(%dma_wait3A_13 : memref<5000x16xf32, #tpu.memory_space<hbm>>)
      tpu.yield
    }) : () -> ()
    return
  }
}

#map = affine_map<(d0, d1) -> (0, 0)>
#map1 = affine_map<(d0, d1) -> (0, 0, 0)>
module attributes {stable_mosaic.version = 14 : i64} {
  func.func @_sc_scatter_add(%arg0: i32, %arg1: i32, %arg2: memref<160000x16xf32, #tpu.memory_space<hbm>>, %arg3: memref<32x50x100xi32, #tpu.memory_space<hbm>>, %arg4: memref<10000x16xf32, #tpu.memory_space<hbm>>, %arg5: memref<2x10000x16xf32, #tpu.memory_space<hbm>>, %arg6: memref<50x100xi32, #tpu.memory_space<vmem>>, %arg7: memref<5000x16xf32, #tpu.memory_space<vmem>>, %arg8: memref<10000x16xf32, #tpu.memory_space<vmem_shared>>) attributes {dimension_semantics = [#tpu.dimension_semantics<core_parallel>, #tpu.dimension_semantics<subcore_parallel>], iteration_bounds = array<i64: 2, 16>, scalar_prefetch = 0 : i64, scratch_operands = 3 : i64, tpu.core_type = #tpu.core_type<sc_vector_subcore>, window_params = [{transform_indices = #map}, {transform_indices = #map1}, {transform_indices = #map}, {transform_indices = #map1}]} {
    %mul3A = arith.constant 2 : i32
    %mul3A_0 = arith.muli %arg1, %mul3A : i32
    %add3A = arith.addi %mul3A_0, %arg0 : i32
    %mul3A_1 = arith.constant 625 : i32
    %mul3A_2 = arith.muli %arg1, %mul3A_1 : i32
    %mul3A_3 = arith.constant 625 : i32
    %mul3A_4 = arith.muli %arg1, %mul3A_3 : i32
    "tpu.region"() ({
      %run_scoped3A = tpu.sem_alloc : memref<!tpu.dma_semaphore, #tpu.memory_space<semaphore_mem>>
      %dma_start3A = arith.constant 0 : i32
      %dma_start3A_17 = tpu.memref_slice %arg8[%mul3A_4, %dma_start3A] : memref<10000x16xf32, #tpu.memory_space<vmem_shared>> -> memref<625x16xf32, #tpu.memory_space<vmem_shared>>
      %dma_start3A_18 = arith.constant 0 : i32
      %dma_start3A_19 = tpu.memref_slice %arg4[%mul3A_2, %dma_start3A_18] : memref<10000x16xf32, #tpu.memory_space<hbm>> -> memref<625x16xf32, #tpu.memory_space<hbm>>
      tpu.enqueue_dma source(%dma_start3A_19 : memref<625x16xf32, #tpu.memory_space<hbm>>) target(%dma_start3A_17 : memref<625x16xf32, #tpu.memory_space<vmem_shared>>) target_semaphore(%run_scoped3A : memref<!tpu.dma_semaphore, #tpu.memory_space<semaphore_mem>>)
      %dma_wait3A = arith.constant 0 : i32
      %dma_wait3A_20 = tpu.memref_slice %arg8[%mul3A_4, %dma_wait3A] : memref<10000x16xf32, #tpu.memory_space<vmem_shared>> -> memref<625x16xf32, #tpu.memory_space<vmem_shared>>
      %dma_wait3A_21 = arith.constant 0 : i32
      %dma_wait3A_22 = tpu.memref_slice %arg4[%mul3A_2, %dma_wait3A_21] : memref<10000x16xf32, #tpu.memory_space<hbm>> -> memref<625x16xf32, #tpu.memory_space<hbm>>
      tpu.wait_dma2 semaphore(%run_scoped3A : memref<!tpu.dma_semaphore, #tpu.memory_space<semaphore_mem>>) src(%dma_wait3A_22 : memref<625x16xf32, #tpu.memory_space<hbm>>) dst(%dma_wait3A_20 : memref<625x16xf32, #tpu.memory_space<vmem_shared>>)
      tpu.yield
    }) : () -> ()
    "tpu.region"() ({
      %run_scoped3A = tpu.sem_alloc : memref<!tpu.dma_semaphore, #tpu.memory_space<semaphore_mem>>
      %dma_start3A = arith.constant 0 : i32
      %dma_start3A_17 = arith.constant 0 : i32
      %dma_start3A_18 = tpu.memref_slice %arg3[%add3A, %dma_start3A, %dma_start3A_17] : memref<32x50x100xi32, #tpu.memory_space<hbm>> -> memref<1x50x100xi32, #tpu.memory_space<hbm>>
      %dma_start3A_19 = tpu.memref_squeeze %dma_start3A_18 : memref<1x50x100xi32, #tpu.memory_space<hbm>> -> memref<50x100xi32, #tpu.memory_space<hbm>>
      %dma_start3A_20 = arith.constant 0 : i32
      %dma_start3A_21 = arith.constant 0 : i32
      %dma_start3A_22 = tpu.memref_slice %arg3[%add3A, %dma_start3A_20, %dma_start3A_21] : memref<32x50x100xi32, #tpu.memory_space<hbm>> -> memref<1x50x100xi32, #tpu.memory_space<hbm>>
      %dma_start3A_23 = tpu.memref_squeeze %dma_start3A_22 : memref<1x50x100xi32, #tpu.memory_space<hbm>> -> memref<50x100xi32, #tpu.memory_space<hbm>>
      tpu.enqueue_dma source(%dma_start3A_23 : memref<50x100xi32, #tpu.memory_space<hbm>>) target(%arg6 : memref<50x100xi32, #tpu.memory_space<vmem>>) target_semaphore(%run_scoped3A : memref<!tpu.dma_semaphore, #tpu.memory_space<semaphore_mem>>)
      %dma_wait3A = arith.constant 0 : i32
      %dma_wait3A_24 = arith.constant 0 : i32
      %dma_wait3A_25 = tpu.memref_slice %arg3[%add3A, %dma_wait3A, %dma_wait3A_24] : memref<32x50x100xi32, #tpu.memory_space<hbm>> -> memref<1x50x100xi32, #tpu.memory_space<hbm>>
      %dma_wait3A_26 = tpu.memref_squeeze %dma_wait3A_25 : memref<1x50x100xi32, #tpu.memory_space<hbm>> -> memref<50x100xi32, #tpu.memory_space<hbm>>
      %dma_wait3A_27 = arith.constant 0 : i32
      %dma_wait3A_28 = arith.constant 0 : i32
      %dma_wait3A_29 = tpu.memref_slice %arg3[%add3A, %dma_wait3A_27, %dma_wait3A_28] : memref<32x50x100xi32, #tpu.memory_space<hbm>> -> memref<1x50x100xi32, #tpu.memory_space<hbm>>
      %dma_wait3A_30 = tpu.memref_squeeze %dma_wait3A_29 : memref<1x50x100xi32, #tpu.memory_space<hbm>> -> memref<50x100xi32, #tpu.memory_space<hbm>>
      tpu.wait_dma2 semaphore(%run_scoped3A : memref<!tpu.dma_semaphore, #tpu.memory_space<semaphore_mem>>) src(%dma_wait3A_30 : memref<50x100xi32, #tpu.memory_space<hbm>>) dst(%arg6 : memref<50x100xi32, #tpu.memory_space<vmem>>)
      tpu.yield
    }) : () -> ()
    %mul3A_5 = arith.constant 5000 : i32
    %mul3A_6 = arith.muli %add3A, %mul3A_5 : i32
    "tpu.region"() ({
      %run_scoped3A = tpu.sem_alloc : memref<!tpu.dma_semaphore, #tpu.memory_space<semaphore_mem>>
      %dma_start3A = arith.constant 0 : i32
      %dma_start3A_17 = tpu.memref_slice %arg2[%mul3A_6, %dma_start3A] : memref<160000x16xf32, #tpu.memory_space<hbm>> -> memref<5000x16xf32, #tpu.memory_space<hbm>>
      %dma_start3A_18 = arith.constant 0 : i32
      %dma_start3A_19 = tpu.memref_slice %arg2[%mul3A_6, %dma_start3A_18] : memref<160000x16xf32, #tpu.memory_space<hbm>> -> memref<5000x16xf32, #tpu.memory_space<hbm>>
      tpu.enqueue_dma source(%dma_start3A_19 : memref<5000x16xf32, #tpu.memory_space<hbm>>) target(%arg7 : memref<5000x16xf32, #tpu.memory_space<vmem>>) target_semaphore(%run_scoped3A : memref<!tpu.dma_semaphore, #tpu.memory_space<semaphore_mem>>)
      %dma_wait3A = arith.constant 0 : i32
      %dma_wait3A_20 = tpu.memref_slice %arg2[%mul3A_6, %dma_wait3A] : memref<160000x16xf32, #tpu.memory_space<hbm>> -> memref<5000x16xf32, #tpu.memory_space<hbm>>
      %dma_wait3A_21 = arith.constant 0 : i32
      %dma_wait3A_22 = tpu.memref_slice %arg2[%mul3A_6, %dma_wait3A_21] : memref<160000x16xf32, #tpu.memory_space<hbm>> -> memref<5000x16xf32, #tpu.memory_space<hbm>>
      tpu.wait_dma2 semaphore(%run_scoped3A : memref<!tpu.dma_semaphore, #tpu.memory_space<semaphore_mem>>) src(%dma_wait3A_22 : memref<5000x16xf32, #tpu.memory_space<hbm>>) dst(%arg7 : memref<5000x16xf32, #tpu.memory_space<vmem>>)
      tpu.yield
    }) : () -> ()
    %barrier3A = arith.constant 0 : index
    tpu.barrier barrier_id(%barrier3A)
    %scan3A = arith.constant 0 : i32
    %scan3A_7 = arith.constant 0 : i32
    %scan3A_8 = arith.constant 50 : i32
    %scan3A_9 = arith.addi %scan3A_7, %scan3A_8 : i32
    %scan3A_10 = arith.constant 1 : i32
    scf.for %scan3A_17 = %scan3A_7 to %scan3A_9 step %scan3A_10  : i32 {
      %mul3A_18 = arith.constant 100 : i32
      %mul3A_19 = arith.muli %scan3A_17, %mul3A_18 : i32
      "tpu.region"() ({
        %run_scoped3A = tpu.sem_alloc : memref<!tpu.dma_semaphore, #tpu.memory_space<semaphore_mem>>
        %dma_start3A = arith.constant 0 : i32
        %dma_start3A_20 = tpu.memref_slice %arg7[%mul3A_19, %dma_start3A] : memref<5000x16xf32, #tpu.memory_space<vmem>> -> memref<100x16xf32, #tpu.memory_space<vmem>>
        %dma_start3A_21 = arith.constant 0 : i32
        %dma_start3A_22 = tpu.memref_slice %arg6[%scan3A_17, %dma_start3A_21] : memref<50x100xi32, #tpu.memory_space<vmem>> -> memref<1x100xi32, #tpu.memory_space<vmem>>
        %dma_start3A_23 = tpu.memref_squeeze %dma_start3A_22 : memref<1x100xi32, #tpu.memory_space<vmem>> -> memref<100xi32, #tpu.memory_space<vmem>>
        %dma_start3A_24 = arith.constant 0 : i32
        %dma_start3A_25 = arith.constant 0 : i32
        %dma_start3A_26 = tpu.memref_slice %arg8[%dma_start3A_24, %dma_start3A_25] : memref<10000x16xf32, #tpu.memory_space<vmem_shared>> -> memref<10000x16xf32, #tpu.memory_space<vmem_shared>>
        tpu.enqueue_indirect_dma source(%dma_start3A_20 : memref<100x16xf32, #tpu.memory_space<vmem>>) target(%dma_start3A_26 : memref<10000x16xf32, #tpu.memory_space<vmem_shared>>) offsets(%dma_start3A_23 : memref<100xi32, #tpu.memory_space<vmem>>) semaphore(%run_scoped3A : memref<!tpu.dma_semaphore, #tpu.memory_space<semaphore_mem>>) {add = true}
        %dma_wait3A = arith.constant 0 : i32
        %dma_wait3A_27 = tpu.memref_slice %arg7[%mul3A_19, %dma_wait3A] : memref<5000x16xf32, #tpu.memory_space<vmem>> -> memref<100x16xf32, #tpu.memory_space<vmem>>
        %dma_wait3A_28 = arith.constant 0 : i32
        %dma_wait3A_29 = tpu.memref_slice %arg6[%scan3A_17, %dma_wait3A_28] : memref<50x100xi32, #tpu.memory_space<vmem>> -> memref<1x100xi32, #tpu.memory_space<vmem>>
        %dma_wait3A_30 = tpu.memref_squeeze %dma_wait3A_29 : memref<1x100xi32, #tpu.memory_space<vmem>> -> memref<100xi32, #tpu.memory_space<vmem>>
        %dma_wait3A_31 = arith.constant 0 : i32
        %dma_wait3A_32 = arith.constant 0 : i32
        %dma_wait3A_33 = tpu.memref_slice %arg8[%dma_wait3A_31, %dma_wait3A_32] : memref<10000x16xf32, #tpu.memory_space<vmem_shared>> -> memref<10000x16xf32, #tpu.memory_space<vmem_shared>>
        tpu.wait_indirect_dma semaphore(%run_scoped3A : memref<!tpu.dma_semaphore, #tpu.memory_space<semaphore_mem>>) src(%dma_wait3A_27 : memref<100x16xf32, #tpu.memory_space<vmem>>) dst(%dma_wait3A_33 : memref<10000x16xf32, #tpu.memory_space<vmem_shared>>)
        tpu.yield
      }) : () -> ()
    }
    %scan3A_11 = arith.constant 50 : i32
    %barrier3A_12 = arith.constant 0 : index
    tpu.barrier barrier_id(%barrier3A_12)
    %mul3A_13 = arith.constant 625 : i32
    %mul3A_14 = arith.muli %arg1, %mul3A_13 : i32
    %mul3A_15 = arith.constant 625 : i32
    %mul3A_16 = arith.muli %arg1, %mul3A_15 : i32
    "tpu.region"() ({
      %run_scoped3A = tpu.sem_alloc : memref<!tpu.dma_semaphore, #tpu.memory_space<semaphore_mem>>
      %dma_start3A = arith.constant 0 : i32
      %dma_start3A_17 = arith.constant 0 : i32
      %dma_start3A_18 = tpu.memref_slice %arg5[%arg0, %dma_start3A, %dma_start3A_17] : memref<2x10000x16xf32, #tpu.memory_space<hbm>> -> memref<1x10000x16xf32, #tpu.memory_space<hbm>>
      %dma_start3A_19 = tpu.memref_squeeze %dma_start3A_18 : memref<1x10000x16xf32, #tpu.memory_space<hbm>> -> memref<10000x16xf32, #tpu.memory_space<hbm>>
      %dma_start3A_20 = arith.constant 0 : i32
      %dma_start3A_21 = tpu.memref_slice %dma_start3A_19[%mul3A_16, %dma_start3A_20] : memref<10000x16xf32, #tpu.memory_space<hbm>> -> memref<625x16xf32, #tpu.memory_space<hbm>>
      %dma_start3A_22 = arith.constant 0 : i32
      %dma_start3A_23 = tpu.memref_slice %arg8[%mul3A_14, %dma_start3A_22] : memref<10000x16xf32, #tpu.memory_space<vmem_shared>> -> memref<625x16xf32, #tpu.memory_space<vmem_shared>>
      tpu.enqueue_dma source(%dma_start3A_23 : memref<625x16xf32, #tpu.memory_space<vmem_shared>>) target(%dma_start3A_21 : memref<625x16xf32, #tpu.memory_space<hbm>>) target_semaphore(%run_scoped3A : memref<!tpu.dma_semaphore, #tpu.memory_space<semaphore_mem>>)
      %dma_wait3A = arith.constant 0 : i32
      %dma_wait3A_24 = arith.constant 0 : i32
      %dma_wait3A_25 = tpu.memref_slice %arg5[%arg0, %dma_wait3A, %dma_wait3A_24] : memref<2x10000x16xf32, #tpu.memory_space<hbm>> -> memref<1x10000x16xf32, #tpu.memory_space<hbm>>
      %dma_wait3A_26 = tpu.memref_squeeze %dma_wait3A_25 : memref<1x10000x16xf32, #tpu.memory_space<hbm>> -> memref<10000x16xf32, #tpu.memory_space<hbm>>
      %dma_wait3A_27 = arith.constant 0 : i32
      %dma_wait3A_28 = tpu.memref_slice %dma_wait3A_26[%mul3A_16, %dma_wait3A_27] : memref<10000x16xf32, #tpu.memory_space<hbm>> -> memref<625x16xf32, #tpu.memory_space<hbm>>
      %dma_wait3A_29 = arith.constant 0 : i32
      %dma_wait3A_30 = tpu.memref_slice %arg8[%mul3A_14, %dma_wait3A_29] : memref<10000x16xf32, #tpu.memory_space<vmem_shared>> -> memref<625x16xf32, #tpu.memory_space<vmem_shared>>
      tpu.wait_dma2 semaphore(%run_scoped3A : memref<!tpu.dma_semaphore, #tpu.memory_space<semaphore_mem>>) src(%dma_wait3A_30 : memref<625x16xf32, #tpu.memory_space<vmem_shared>>) dst(%dma_wait3A_28 : memref<625x16xf32, #tpu.memory_space<hbm>>)
      tpu.yield
    }) : () -> ()
    return
  }
}

#map = affine_map<(d0, d1) -> (0, 0)>
#map1 = affine_map<(d0, d1) -> (0, 0, 0)>
module attributes {stable_mosaic.version = 14 : i64} {
  func.func @_sc_scatter_add(%arg0: i32, %arg1: i32, %arg2: memref<160000x16xf32, #tpu.memory_space<hbm>>, %arg3: memref<32x50x100xi32, #tpu.memory_space<hbm>>, %arg4: memref<10000x16xf32, #tpu.memory_space<hbm>>, %arg5: memref<2x10000x16xf32, #tpu.memory_space<hbm>>, %arg6: memref<50x100xi32, #tpu.memory_space<vmem>>, %arg7: memref<5000x16xf32, #tpu.memory_space<vmem>>, %arg8: memref<10000x16xf32, #tpu.memory_space<vmem_shared>>) attributes {dimension_semantics = [#tpu.dimension_semantics<core_parallel>, #tpu.dimension_semantics<subcore_parallel>], iteration_bounds = array<i64: 2, 16>, scalar_prefetch = 0 : i64, scratch_operands = 3 : i64, tpu.core_type = #tpu.core_type<sc_vector_subcore>, window_params = [{transform_indices = #map}, {transform_indices = #map1}, {transform_indices = #map}, {transform_indices = #map1}]} {
    %mul3A = arith.constant 2 : i32
    %mul3A_0 = arith.muli %arg1, %mul3A : i32
    %add3A = arith.addi %mul3A_0, %arg0 : i32
    %mul3A_1 = arith.constant 625 : i32
    %mul3A_2 = arith.muli %arg1, %mul3A_1 : i32
    %mul3A_3 = arith.constant 625 : i32
    %mul3A_4 = arith.muli %arg1, %mul3A_3 : i32
    "tpu.region"() ({
      %run_scoped3A = tpu.sem_alloc : memref<!tpu.dma_semaphore, #tpu.memory_space<semaphore_mem>>
      %dma_start3A = arith.constant 0 : i32
      %dma_start3A_17 = tpu.memref_slice %arg8[%mul3A_4, %dma_start3A] : memref<10000x16xf32, #tpu.memory_space<vmem_shared>> -> memref<625x16xf32, #tpu.memory_space<vmem_shared>>
      %dma_start3A_18 = arith.constant 0 : i32
      %dma_start3A_19 = tpu.memref_slice %arg4[%mul3A_2, %dma_start3A_18] : memref<10000x16xf32, #tpu.memory_space<hbm>> -> memref<625x16xf32, #tpu.memory_space<hbm>>
      tpu.enqueue_dma source(%dma_start3A_19 : memref<625x16xf32, #tpu.memory_space<hbm>>) target(%dma_start3A_17 : memref<625x16xf32, #tpu.memory_space<vmem_shared>>) target_semaphore(%run_scoped3A : memref<!tpu.dma_semaphore, #tpu.memory_space<semaphore_mem>>)
      %dma_wait3A = arith.constant 0 : i32
      %dma_wait3A_20 = tpu.memref_slice %arg8[%mul3A_4, %dma_wait3A] : memref<10000x16xf32, #tpu.memory_space<vmem_shared>> -> memref<625x16xf32, #tpu.memory_space<vmem_shared>>
      %dma_wait3A_21 = arith.constant 0 : i32
      %dma_wait3A_22 = tpu.memref_slice %arg4[%mul3A_2, %dma_wait3A_21] : memref<10000x16xf32, #tpu.memory_space<hbm>> -> memref<625x16xf32, #tpu.memory_space<hbm>>
      tpu.wait_dma2 semaphore(%run_scoped3A : memref<!tpu.dma_semaphore, #tpu.memory_space<semaphore_mem>>) src(%dma_wait3A_22 : memref<625x16xf32, #tpu.memory_space<hbm>>) dst(%dma_wait3A_20 : memref<625x16xf32, #tpu.memory_space<vmem_shared>>)
      tpu.yield
    }) : () -> ()
    "tpu.region"() ({
      %run_scoped3A = tpu.sem_alloc : memref<!tpu.dma_semaphore, #tpu.memory_space<semaphore_mem>>
      %dma_start3A = arith.constant 0 : i32
      %dma_start3A_17 = arith.constant 0 : i32
      %dma_start3A_18 = tpu.memref_slice %arg3[%add3A, %dma_start3A, %dma_start3A_17] : memref<32x50x100xi32, #tpu.memory_space<hbm>> -> memref<1x50x100xi32, #tpu.memory_space<hbm>>
      %dma_start3A_19 = tpu.memref_squeeze %dma_start3A_18 : memref<1x50x100xi32, #tpu.memory_space<hbm>> -> memref<50x100xi32, #tpu.memory_space<hbm>>
      %dma_start3A_20 = arith.constant 0 : i32
      %dma_start3A_21 = arith.constant 0 : i32
      %dma_start3A_22 = tpu.memref_slice %arg3[%add3A, %dma_start3A_20, %dma_start3A_21] : memref<32x50x100xi32, #tpu.memory_space<hbm>> -> memref<1x50x100xi32, #tpu.memory_space<hbm>>
      %dma_start3A_23 = tpu.memref_squeeze %dma_start3A_22 : memref<1x50x100xi32, #tpu.memory_space<hbm>> -> memref<50x100xi32, #tpu.memory_space<hbm>>
      tpu.enqueue_dma source(%dma_start3A_23 : memref<50x100xi32, #tpu.memory_space<hbm>>) target(%arg6 : memref<50x100xi32, #tpu.memory_space<vmem>>) target_semaphore(%run_scoped3A : memref<!tpu.dma_semaphore, #tpu.memory_space<semaphore_mem>>)
      %dma_wait3A = arith.constant 0 : i32
      %dma_wait3A_24 = arith.constant 0 : i32
      %dma_wait3A_25 = tpu.memref_slice %arg3[%add3A, %dma_wait3A, %dma_wait3A_24] : memref<32x50x100xi32, #tpu.memory_space<hbm>> -> memref<1x50x100xi32, #tpu.memory_space<hbm>>
      %dma_wait3A_26 = tpu.memref_squeeze %dma_wait3A_25 : memref<1x50x100xi32, #tpu.memory_space<hbm>> -> memref<50x100xi32, #tpu.memory_space<hbm>>
      %dma_wait3A_27 = arith.constant 0 : i32
      %dma_wait3A_28 = arith.constant 0 : i32
      %dma_wait3A_29 = tpu.memref_slice %arg3[%add3A, %dma_wait3A_27, %dma_wait3A_28] : memref<32x50x100xi32, #tpu.memory_space<hbm>> -> memref<1x50x100xi32, #tpu.memory_space<hbm>>
      %dma_wait3A_30 = tpu.memref_squeeze %dma_wait3A_29 : memref<1x50x100xi32, #tpu.memory_space<hbm>> -> memref<50x100xi32, #tpu.memory_space<hbm>>
      tpu.wait_dma2 semaphore(%run_scoped3A : memref<!tpu.dma_semaphore, #tpu.memory_space<semaphore_mem>>) src(%dma_wait3A_30 : memref<50x100xi32, #tpu.memory_space<hbm>>) dst(%arg6 : memref<50x100xi32, #tpu.memory_space<vmem>>)
      tpu.yield
    }) : () -> ()
    %mul3A_5 = arith.constant 5000 : i32
    %mul3A_6 = arith.muli %add3A, %mul3A_5 : i32
    "tpu.region"() ({
      %run_scoped3A = tpu.sem_alloc : memref<!tpu.dma_semaphore, #tpu.memory_space<semaphore_mem>>
      %dma_start3A = arith.constant 0 : i32
      %dma_start3A_17 = tpu.memref_slice %arg2[%mul3A_6, %dma_start3A] : memref<160000x16xf32, #tpu.memory_space<hbm>> -> memref<5000x16xf32, #tpu.memory_space<hbm>>
      %dma_start3A_18 = arith.constant 0 : i32
      %dma_start3A_19 = tpu.memref_slice %arg2[%mul3A_6, %dma_start3A_18] : memref<160000x16xf32, #tpu.memory_space<hbm>> -> memref<5000x16xf32, #tpu.memory_space<hbm>>
      tpu.enqueue_dma source(%dma_start3A_19 : memref<5000x16xf32, #tpu.memory_space<hbm>>) target(%arg7 : memref<5000x16xf32, #tpu.memory_space<vmem>>) target_semaphore(%run_scoped3A : memref<!tpu.dma_semaphore, #tpu.memory_space<semaphore_mem>>)
      %dma_wait3A = arith.constant 0 : i32
      %dma_wait3A_20 = tpu.memref_slice %arg2[%mul3A_6, %dma_wait3A] : memref<160000x16xf32, #tpu.memory_space<hbm>> -> memref<5000x16xf32, #tpu.memory_space<hbm>>
      %dma_wait3A_21 = arith.constant 0 : i32
      %dma_wait3A_22 = tpu.memref_slice %arg2[%mul3A_6, %dma_wait3A_21] : memref<160000x16xf32, #tpu.memory_space<hbm>> -> memref<5000x16xf32, #tpu.memory_space<hbm>>
      tpu.wait_dma2 semaphore(%run_scoped3A : memref<!tpu.dma_semaphore, #tpu.memory_space<semaphore_mem>>) src(%dma_wait3A_22 : memref<5000x16xf32, #tpu.memory_space<hbm>>) dst(%arg7 : memref<5000x16xf32, #tpu.memory_space<vmem>>)
      tpu.yield
    }) : () -> ()
    %barrier3A = arith.constant 0 : index
    tpu.barrier barrier_id(%barrier3A)
    %scan3A = arith.constant 0 : i32
    %scan3A_7 = arith.constant 0 : i32
    %scan3A_8 = arith.constant 50 : i32
    %scan3A_9 = arith.addi %scan3A_7, %scan3A_8 : i32
    %scan3A_10 = arith.constant 1 : i32
    scf.for %scan3A_17 = %scan3A_7 to %scan3A_9 step %scan3A_10  : i32 {
      %mul3A_18 = arith.constant 100 : i32
      %mul3A_19 = arith.muli %scan3A_17, %mul3A_18 : i32
      "tpu.region"() ({
        %run_scoped3A = tpu.sem_alloc : memref<!tpu.dma_semaphore, #tpu.memory_space<semaphore_mem>>
        %dma_start3A = arith.constant 0 : i32
        %dma_start3A_20 = tpu.memref_slice %arg7[%mul3A_19, %dma_start3A] : memref<5000x16xf32, #tpu.memory_space<vmem>> -> memref<100x16xf32, #tpu.memory_space<vmem>>
        %dma_start3A_21 = arith.constant 0 : i32
        %dma_start3A_22 = tpu.memref_slice %arg6[%scan3A_17, %dma_start3A_21] : memref<50x100xi32, #tpu.memory_space<vmem>> -> memref<1x100xi32, #tpu.memory_space<vmem>>
        %dma_start3A_23 = tpu.memref_squeeze %dma_start3A_22 : memref<1x100xi32, #tpu.memory_space<vmem>> -> memref<100xi32, #tpu.memory_space<vmem>>
        %dma_start3A_24 = arith.constant 0 : i32
        %dma_start3A_25 = arith.constant 0 : i32
        %dma_start3A_26 = tpu.memref_slice %arg8[%dma_start3A_24, %dma_start3A_25] : memref<10000x16xf32, #tpu.memory_space<vmem_shared>> -> memref<10000x16xf32, #tpu.memory_space<vmem_shared>>
        tpu.enqueue_indirect_dma source(%dma_start3A_20 : memref<100x16xf32, #tpu.memory_space<vmem>>) target(%dma_start3A_26 : memref<10000x16xf32, #tpu.memory_space<vmem_shared>>) offsets(%dma_start3A_23 : memref<100xi32, #tpu.memory_space<vmem>>) semaphore(%run_scoped3A : memref<!tpu.dma_semaphore, #tpu.memory_space<semaphore_mem>>) {add = true}
        %dma_wait3A = arith.constant 0 : i32
        %dma_wait3A_27 = tpu.memref_slice %arg7[%mul3A_19, %dma_wait3A] : memref<5000x16xf32, #tpu.memory_space<vmem>> -> memref<100x16xf32, #tpu.memory_space<vmem>>
        %dma_wait3A_28 = arith.constant 0 : i32
        %dma_wait3A_29 = tpu.memref_slice %arg6[%scan3A_17, %dma_wait3A_28] : memref<50x100xi32, #tpu.memory_space<vmem>> -> memref<1x100xi32, #tpu.memory_space<vmem>>
        %dma_wait3A_30 = tpu.memref_squeeze %dma_wait3A_29 : memref<1x100xi32, #tpu.memory_space<vmem>> -> memref<100xi32, #tpu.memory_space<vmem>>
        %dma_wait3A_31 = arith.constant 0 : i32
        %dma_wait3A_32 = arith.constant 0 : i32
        %dma_wait3A_33 = tpu.memref_slice %arg8[%dma_wait3A_31, %dma_wait3A_32] : memref<10000x16xf32, #tpu.memory_space<vmem_shared>> -> memref<10000x16xf32, #tpu.memory_space<vmem_shared>>
        tpu.wait_indirect_dma semaphore(%run_scoped3A : memref<!tpu.dma_semaphore, #tpu.memory_space<semaphore_mem>>) src(%dma_wait3A_27 : memref<100x16xf32, #tpu.memory_space<vmem>>) dst(%dma_wait3A_33 : memref<10000x16xf32, #tpu.memory_space<vmem_shared>>)
        tpu.yield
      }) : () -> ()
    }
    %scan3A_11 = arith.constant 50 : i32
    %barrier3A_12 = arith.constant 0 : index
    tpu.barrier barrier_id(%barrier3A_12)
    %mul3A_13 = arith.constant 625 : i32
    %mul3A_14 = arith.muli %arg1, %mul3A_13 : i32
    %mul3A_15 = arith.constant 625 : i32
    %mul3A_16 = arith.muli %arg1, %mul3A_15 : i32
    "tpu.region"() ({
      %run_scoped3A = tpu.sem_alloc : memref<!tpu.dma_semaphore, #tpu.memory_space<semaphore_mem>>
      %dma_start3A = arith.constant 0 : i32
      %dma_start3A_17 = arith.constant 0 : i32
      %dma_start3A_18 = tpu.memref_slice %arg5[%arg0, %dma_start3A, %dma_start3A_17] : memref<2x10000x16xf32, #tpu.memory_space<hbm>> -> memref<1x10000x16xf32, #tpu.memory_space<hbm>>
      %dma_start3A_19 = tpu.memref_squeeze %dma_start3A_18 : memref<1x10000x16xf32, #tpu.memory_space<hbm>> -> memref<10000x16xf32, #tpu.memory_space<hbm>>
      %dma_start3A_20 = arith.constant 0 : i32
      %dma_start3A_21 = tpu.memref_slice %dma_start3A_19[%mul3A_16, %dma_start3A_20] : memref<10000x16xf32, #tpu.memory_space<hbm>> -> memref<625x16xf32, #tpu.memory_space<hbm>>
      %dma_start3A_22 = arith.constant 0 : i32
      %dma_start3A_23 = tpu.memref_slice %arg8[%mul3A_14, %dma_start3A_22] : memref<10000x16xf32, #tpu.memory_space<vmem_shared>> -> memref<625x16xf32, #tpu.memory_space<vmem_shared>>
      tpu.enqueue_dma source(%dma_start3A_23 : memref<625x16xf32, #tpu.memory_space<vmem_shared>>) target(%dma_start3A_21 : memref<625x16xf32, #tpu.memory_space<hbm>>) target_semaphore(%run_scoped3A : memref<!tpu.dma_semaphore, #tpu.memory_space<semaphore_mem>>)
      %dma_wait3A = arith.constant 0 : i32
      %dma_wait3A_24 = arith.constant 0 : i32
      %dma_wait3A_25 = tpu.memref_slice %arg5[%arg0, %dma_wait3A, %dma_wait3A_24] : memref<2x10000x16xf32, #tpu.memory_space<hbm>> -> memref<1x10000x16xf32, #tpu.memory_space<hbm>>
      %dma_wait3A_26 = tpu.memref_squeeze %dma_wait3A_25 : memref<1x10000x16xf32, #tpu.memory_space<hbm>> -> memref<10000x16xf32, #tpu.memory_space<hbm>>
      %dma_wait3A_27 = arith.constant 0 : i32
      %dma_wait3A_28 = tpu.memref_slice %dma_wait3A_26[%mul3A_16, %dma_wait3A_27] : memref<10000x16xf32, #tpu.memory_space<hbm>> -> memref<625x16xf32, #tpu.memory_space<hbm>>
      %dma_wait3A_29 = arith.constant 0 : i32
      %dma_wait3A_30 = tpu.memref_slice %arg8[%mul3A_14, %dma_wait3A_29] : memref<10000x16xf32, #tpu.memory_space<vmem_shared>> -> memref<625x16xf32, #tpu.memory_space<vmem_shared>>
      tpu.wait_dma2 semaphore(%run_scoped3A : memref<!tpu.dma_semaphore, #tpu.memory_space<semaphore_mem>>) src(%dma_wait3A_30 : memref<625x16xf32, #tpu.memory_space<vmem_shared>>) dst(%dma_wait3A_28 : memref<625x16xf32, #tpu.memory_space<hbm>>)
      tpu.yield
    }) : () -> ()
    return
  }
}

#map = affine_map<(d0, d1) -> (0, 0)>
#map1 = affine_map<(d0, d1) -> (0, 0, 0)>
module attributes {stable_mosaic.version = 14 : i64} {
  func.func @_sc_gather(%arg0: i32, %arg1: i32, %arg2: memref<10000x16xf32, #tpu.memory_space<hbm>>, %arg3: memref<32x50x100xi32, #tpu.memory_space<hbm>>, %arg4: memref<160000x16xf32, #tpu.memory_space<hbm>>, %arg5: memref<50x100xi32, #tpu.memory_space<vmem>>, %arg6: memref<5000x16xf32, #tpu.memory_space<vmem>>, %arg7: memref<!tpu.dma_semaphore, #tpu.memory_space<semaphore_mem>>) attributes {dimension_semantics = [#tpu.dimension_semantics<core_parallel>, #tpu.dimension_semantics<subcore_parallel>], iteration_bounds = array<i64: 2, 16>, scalar_prefetch = 0 : i64, scratch_operands = 3 : i64, tpu.core_type = #tpu.core_type<sc_vector_subcore>, window_params = [{transform_indices = #map}, {transform_indices = #map1}, {transform_indices = #map}]} {
    %mul3A = arith.constant 2 : i32
    %mul3A_0 = arith.muli %arg1, %mul3A : i32
    %add3A = arith.addi %mul3A_0, %arg0 : i32
    "tpu.region"() ({
      %run_scoped3A = tpu.sem_alloc : memref<!tpu.dma_semaphore, #tpu.memory_space<semaphore_mem>>
      %dma_start3A = arith.constant 0 : i32
      %dma_start3A_8 = arith.constant 0 : i32
      %dma_start3A_9 = tpu.memref_slice %arg3[%add3A, %dma_start3A, %dma_start3A_8] : memref<32x50x100xi32, #tpu.memory_space<hbm>> -> memref<1x50x100xi32, #tpu.memory_space<hbm>>
      %dma_start3A_10 = tpu.memref_squeeze %dma_start3A_9 : memref<1x50x100xi32, #tpu.memory_space<hbm>> -> memref<50x100xi32, #tpu.memory_space<hbm>>
      %dma_start3A_11 = arith.constant 0 : i32
      %dma_start3A_12 = arith.constant 0 : i32
      %dma_start3A_13 = tpu.memref_slice %arg3[%add3A, %dma_start3A_11, %dma_start3A_12] : memref<32x50x100xi32, #tpu.memory_space<hbm>> -> memref<1x50x100xi32, #tpu.memory_space<hbm>>
      %dma_start3A_14 = tpu.memref_squeeze %dma_start3A_13 : memref<1x50x100xi32, #tpu.memory_space<hbm>> -> memref<50x100xi32, #tpu.memory_space<hbm>>
      tpu.enqueue_dma source(%dma_start3A_14 : memref<50x100xi32, #tpu.memory_space<hbm>>) target(%arg5 : memref<50x100xi32, #tpu.memory_space<vmem>>) target_semaphore(%run_scoped3A : memref<!tpu.dma_semaphore, #tpu.memory_space<semaphore_mem>>)
      %dma_wait3A = arith.constant 0 : i32
      %dma_wait3A_15 = arith.constant 0 : i32
      %dma_wait3A_16 = tpu.memref_slice %arg3[%add3A, %dma_wait3A, %dma_wait3A_15] : memref<32x50x100xi32, #tpu.memory_space<hbm>> -> memref<1x50x100xi32, #tpu.memory_space<hbm>>
      %dma_wait3A_17 = tpu.memref_squeeze %dma_wait3A_16 : memref<1x50x100xi32, #tpu.memory_space<hbm>> -> memref<50x100xi32, #tpu.memory_space<hbm>>
      %dma_wait3A_18 = arith.constant 0 : i32
      %dma_wait3A_19 = arith.constant 0 : i32
      %dma_wait3A_20 = tpu.memref_slice %arg3[%add3A, %dma_wait3A_18, %dma_wait3A_19] : memref<32x50x100xi32, #tpu.memory_space<hbm>> -> memref<1x50x100xi32, #tpu.memory_space<hbm>>
      %dma_wait3A_21 = tpu.memref_squeeze %dma_wait3A_20 : memref<1x50x100xi32, #tpu.memory_space<hbm>> -> memref<50x100xi32, #tpu.memory_space<hbm>>
      tpu.wait_dma2 semaphore(%run_scoped3A : memref<!tpu.dma_semaphore, #tpu.memory_space<semaphore_mem>>) src(%dma_wait3A_21 : memref<50x100xi32, #tpu.memory_space<hbm>>) dst(%arg5 : memref<50x100xi32, #tpu.memory_space<vmem>>)
      tpu.yield
    }) : () -> ()
    %scan3A = arith.constant 0 : i32
    %scan3A_1 = arith.constant 0 : i32
    %scan3A_2 = arith.constant 5 : i32
    %scan3A_3 = arith.addi %scan3A_1, %scan3A_2 : i32
    %scan3A_4 = arith.constant 1 : i32
    scf.for %scan3A_8 = %scan3A_1 to %scan3A_3 step %scan3A_4  : i32 {
      %mul3A_9 = arith.constant 10 : i32
      %mul3A_10 = arith.muli %scan3A_8, %mul3A_9 : i32
      %add3A_11 = arith.constant 0 : i32
      %add3A_12 = arith.addi %mul3A_10, %add3A_11 : i32
      %mul3A_13 = arith.constant 100 : i32
      %mul3A_14 = arith.muli %add3A_12, %mul3A_13 : i32
      %dma_start3A = arith.constant 0 : i32
      %dma_start3A_15 = tpu.memref_slice %arg6[%mul3A_14, %dma_start3A] : memref<5000x16xf32, #tpu.memory_space<vmem>> -> memref<100x16xf32, #tpu.memory_space<vmem>>
      %dma_start3A_16 = arith.constant 0 : i32
      %dma_start3A_17 = tpu.memref_slice %arg5[%add3A_12, %dma_start3A_16] : memref<50x100xi32, #tpu.memory_space<vmem>> -> memref<1x100xi32, #tpu.memory_space<vmem>>
      %dma_start3A_18 = tpu.memref_squeeze %dma_start3A_17 : memref<1x100xi32, #tpu.memory_space<vmem>> -> memref<100xi32, #tpu.memory_space<vmem>>
      %dma_start3A_19 = arith.constant 0 : i32
      %dma_start3A_20 = arith.constant 0 : i32
      %dma_start3A_21 = tpu.memref_slice %arg2[%dma_start3A_19, %dma_start3A_20] : memref<10000x16xf32, #tpu.memory_space<hbm>> -> memref<10000x16xf32, #tpu.memory_space<hbm>>
      tpu.enqueue_indirect_dma source(%dma_start3A_21 : memref<10000x16xf32, #tpu.memory_space<hbm>>) target(%dma_start3A_15 : memref<100x16xf32, #tpu.memory_space<vmem>>) offsets(%dma_start3A_18 : memref<100xi32, #tpu.memory_space<vmem>>) semaphore(%arg7 : memref<!tpu.dma_semaphore, #tpu.memory_space<semaphore_mem>>)
      %mul3A_22 = arith.constant 10 : i32
      %mul3A_23 = arith.muli %scan3A_8, %mul3A_22 : i32
      %add3A_24 = arith.constant 1 : i32
      %add3A_25 = arith.addi %mul3A_23, %add3A_24 : i32
      %mul3A_26 = arith.constant 100 : i32
      %mul3A_27 = arith.muli %add3A_25, %mul3A_26 : i32
      %dma_start3A_28 = arith.constant 0 : i32
      %dma_start3A_29 = tpu.memref_slice %arg6[%mul3A_27, %dma_start3A_28] : memref<5000x16xf32, #tpu.memory_space<vmem>> -> memref<100x16xf32, #tpu.memory_space<vmem>>
      %dma_start3A_30 = arith.constant 0 : i32
      %dma_start3A_31 = tpu.memref_slice %arg5[%add3A_25, %dma_start3A_30] : memref<50x100xi32, #tpu.memory_space<vmem>> -> memref<1x100xi32, #tpu.memory_space<vmem>>
      %dma_start3A_32 = tpu.memref_squeeze %dma_start3A_31 : memref<1x100xi32, #tpu.memory_space<vmem>> -> memref<100xi32, #tpu.memory_space<vmem>>
      %dma_start3A_33 = arith.constant 0 : i32
      %dma_start3A_34 = arith.constant 0 : i32
      %dma_start3A_35 = tpu.memref_slice %arg2[%dma_start3A_33, %dma_start3A_34] : memref<10000x16xf32, #tpu.memory_space<hbm>> -> memref<10000x16xf32, #tpu.memory_space<hbm>>
      tpu.enqueue_indirect_dma source(%dma_start3A_35 : memref<10000x16xf32, #tpu.memory_space<hbm>>) target(%dma_start3A_29 : memref<100x16xf32, #tpu.memory_space<vmem>>) offsets(%dma_start3A_32 : memref<100xi32, #tpu.memory_space<vmem>>) semaphore(%arg7 : memref<!tpu.dma_semaphore, #tpu.memory_space<semaphore_mem>>)
      %mul3A_36 = arith.constant 10 : i32
      %mul3A_37 = arith.muli %scan3A_8, %mul3A_36 : i32
      %add3A_38 = arith.constant 2 : i32
      %add3A_39 = arith.addi %mul3A_37, %add3A_38 : i32
      %mul3A_40 = arith.constant 100 : i32
      %mul3A_41 = arith.muli %add3A_39, %mul3A_40 : i32
      %dma_start3A_42 = arith.constant 0 : i32
      %dma_start3A_43 = tpu.memref_slice %arg6[%mul3A_41, %dma_start3A_42] : memref<5000x16xf32, #tpu.memory_space<vmem>> -> memref<100x16xf32, #tpu.memory_space<vmem>>
      %dma_start3A_44 = arith.constant 0 : i32
      %dma_start3A_45 = tpu.memref_slice %arg5[%add3A_39, %dma_start3A_44] : memref<50x100xi32, #tpu.memory_space<vmem>> -> memref<1x100xi32, #tpu.memory_space<vmem>>
      %dma_start3A_46 = tpu.memref_squeeze %dma_start3A_45 : memref<1x100xi32, #tpu.memory_space<vmem>> -> memref<100xi32, #tpu.memory_space<vmem>>
      %dma_start3A_47 = arith.constant 0 : i32
      %dma_start3A_48 = arith.constant 0 : i32
      %dma_start3A_49 = tpu.memref_slice %arg2[%dma_start3A_47, %dma_start3A_48] : memref<10000x16xf32, #tpu.memory_space<hbm>> -> memref<10000x16xf32, #tpu.memory_space<hbm>>
      tpu.enqueue_indirect_dma source(%dma_start3A_49 : memref<10000x16xf32, #tpu.memory_space<hbm>>) target(%dma_start3A_43 : memref<100x16xf32, #tpu.memory_space<vmem>>) offsets(%dma_start3A_46 : memref<100xi32, #tpu.memory_space<vmem>>) semaphore(%arg7 : memref<!tpu.dma_semaphore, #tpu.memory_space<semaphore_mem>>)
      %mul3A_50 = arith.constant 10 : i32
      %mul3A_51 = arith.muli %scan3A_8, %mul3A_50 : i32
      %add3A_52 = arith.constant 3 : i32
      %add3A_53 = arith.addi %mul3A_51, %add3A_52 : i32
      %mul3A_54 = arith.constant 100 : i32
      %mul3A_55 = arith.muli %add3A_53, %mul3A_54 : i32
      %dma_start3A_56 = arith.constant 0 : i32
      %dma_start3A_57 = tpu.memref_slice %arg6[%mul3A_55, %dma_start3A_56] : memref<5000x16xf32, #tpu.memory_space<vmem>> -> memref<100x16xf32, #tpu.memory_space<vmem>>
      %dma_start3A_58 = arith.constant 0 : i32
      %dma_start3A_59 = tpu.memref_slice %arg5[%add3A_53, %dma_start3A_58] : memref<50x100xi32, #tpu.memory_space<vmem>> -> memref<1x100xi32, #tpu.memory_space<vmem>>
      %dma_start3A_60 = tpu.memref_squeeze %dma_start3A_59 : memref<1x100xi32, #tpu.memory_space<vmem>> -> memref<100xi32, #tpu.memory_space<vmem>>
      %dma_start3A_61 = arith.constant 0 : i32
      %dma_start3A_62 = arith.constant 0 : i32
      %dma_start3A_63 = tpu.memref_slice %arg2[%dma_start3A_61, %dma_start3A_62] : memref<10000x16xf32, #tpu.memory_space<hbm>> -> memref<10000x16xf32, #tpu.memory_space<hbm>>
      tpu.enqueue_indirect_dma source(%dma_start3A_63 : memref<10000x16xf32, #tpu.memory_space<hbm>>) target(%dma_start3A_57 : memref<100x16xf32, #tpu.memory_space<vmem>>) offsets(%dma_start3A_60 : memref<100xi32, #tpu.memory_space<vmem>>) semaphore(%arg7 : memref<!tpu.dma_semaphore, #tpu.memory_space<semaphore_mem>>)
      %mul3A_64 = arith.constant 10 : i32
      %mul3A_65 = arith.muli %scan3A_8, %mul3A_64 : i32
      %add3A_66 = arith.constant 4 : i32
      %add3A_67 = arith.addi %mul3A_65, %add3A_66 : i32
      %mul3A_68 = arith.constant 100 : i32
      %mul3A_69 = arith.muli %add3A_67, %mul3A_68 : i32
      %dma_start3A_70 = arith.constant 0 : i32
      %dma_start3A_71 = tpu.memref_slice %arg6[%mul3A_69, %dma_start3A_70] : memref<5000x16xf32, #tpu.memory_space<vmem>> -> memref<100x16xf32, #tpu.memory_space<vmem>>
      %dma_start3A_72 = arith.constant 0 : i32
      %dma_start3A_73 = tpu.memref_slice %arg5[%add3A_67, %dma_start3A_72] : memref<50x100xi32, #tpu.memory_space<vmem>> -> memref<1x100xi32, #tpu.memory_space<vmem>>
      %dma_start3A_74 = tpu.memref_squeeze %dma_start3A_73 : memref<1x100xi32, #tpu.memory_space<vmem>> -> memref<100xi32, #tpu.memory_space<vmem>>
      %dma_start3A_75 = arith.constant 0 : i32
      %dma_start3A_76 = arith.constant 0 : i32
      %dma_start3A_77 = tpu.memref_slice %arg2[%dma_start3A_75, %dma_start3A_76] : memref<10000x16xf32, #tpu.memory_space<hbm>> -> memref<10000x16xf32, #tpu.memory_space<hbm>>
      tpu.enqueue_indirect_dma source(%dma_start3A_77 : memref<10000x16xf32, #tpu.memory_space<hbm>>) target(%dma_start3A_71 : memref<100x16xf32, #tpu.memory_space<vmem>>) offsets(%dma_start3A_74 : memref<100xi32, #tpu.memory_space<vmem>>) semaphore(%arg7 : memref<!tpu.dma_semaphore, #tpu.memory_space<semaphore_mem>>)
      %mul3A_78 = arith.constant 10 : i32
      %mul3A_79 = arith.muli %scan3A_8, %mul3A_78 : i32
      %add3A_80 = arith.constant 5 : i32
      %add3A_81 = arith.addi %mul3A_79, %add3A_80 : i32
      %mul3A_82 = arith.constant 100 : i32
      %mul3A_83 = arith.muli %add3A_81, %mul3A_82 : i32
      %dma_start3A_84 = arith.constant 0 : i32
      %dma_start3A_85 = tpu.memref_slice %arg6[%mul3A_83, %dma_start3A_84] : memref<5000x16xf32, #tpu.memory_space<vmem>> -> memref<100x16xf32, #tpu.memory_space<vmem>>
      %dma_start3A_86 = arith.constant 0 : i32
      %dma_start3A_87 = tpu.memref_slice %arg5[%add3A_81, %dma_start3A_86] : memref<50x100xi32, #tpu.memory_space<vmem>> -> memref<1x100xi32, #tpu.memory_space<vmem>>
      %dma_start3A_88 = tpu.memref_squeeze %dma_start3A_87 : memref<1x100xi32, #tpu.memory_space<vmem>> -> memref<100xi32, #tpu.memory_space<vmem>>
      %dma_start3A_89 = arith.constant 0 : i32
      %dma_start3A_90 = arith.constant 0 : i32
      %dma_start3A_91 = tpu.memref_slice %arg2[%dma_start3A_89, %dma_start3A_90] : memref<10000x16xf32, #tpu.memory_space<hbm>> -> memref<10000x16xf32, #tpu.memory_space<hbm>>
      tpu.enqueue_indirect_dma source(%dma_start3A_91 : memref<10000x16xf32, #tpu.memory_space<hbm>>) target(%dma_start3A_85 : memref<100x16xf32, #tpu.memory_space<vmem>>) offsets(%dma_start3A_88 : memref<100xi32, #tpu.memory_space<vmem>>) semaphore(%arg7 : memref<!tpu.dma_semaphore, #tpu.memory_space<semaphore_mem>>)
      %mul3A_92 = arith.constant 10 : i32
      %mul3A_93 = arith.muli %scan3A_8, %mul3A_92 : i32
      %add3A_94 = arith.constant 6 : i32
      %add3A_95 = arith.addi %mul3A_93, %add3A_94 : i32
      %mul3A_96 = arith.constant 100 : i32
      %mul3A_97 = arith.muli %add3A_95, %mul3A_96 : i32
      %dma_start3A_98 = arith.constant 0 : i32
      %dma_start3A_99 = tpu.memref_slice %arg6[%mul3A_97, %dma_start3A_98] : memref<5000x16xf32, #tpu.memory_space<vmem>> -> memref<100x16xf32, #tpu.memory_space<vmem>>
      %dma_start3A_100 = arith.constant 0 : i32
      %dma_start3A_101 = tpu.memref_slice %arg5[%add3A_95, %dma_start3A_100] : memref<50x100xi32, #tpu.memory_space<vmem>> -> memref<1x100xi32, #tpu.memory_space<vmem>>
      %dma_start3A_102 = tpu.memref_squeeze %dma_start3A_101 : memref<1x100xi32, #tpu.memory_space<vmem>> -> memref<100xi32, #tpu.memory_space<vmem>>
      %dma_start3A_103 = arith.constant 0 : i32
      %dma_start3A_104 = arith.constant 0 : i32
      %dma_start3A_105 = tpu.memref_slice %arg2[%dma_start3A_103, %dma_start3A_104] : memref<10000x16xf32, #tpu.memory_space<hbm>> -> memref<10000x16xf32, #tpu.memory_space<hbm>>
      tpu.enqueue_indirect_dma source(%dma_start3A_105 : memref<10000x16xf32, #tpu.memory_space<hbm>>) target(%dma_start3A_99 : memref<100x16xf32, #tpu.memory_space<vmem>>) offsets(%dma_start3A_102 : memref<100xi32, #tpu.memory_space<vmem>>) semaphore(%arg7 : memref<!tpu.dma_semaphore, #tpu.memory_space<semaphore_mem>>)
      %mul3A_106 = arith.constant 10 : i32
      %mul3A_107 = arith.muli %scan3A_8, %mul3A_106 : i32
      %add3A_108 = arith.constant 7 : i32
      %add3A_109 = arith.addi %mul3A_107, %add3A_108 : i32
      %mul3A_110 = arith.constant 100 : i32
      %mul3A_111 = arith.muli %add3A_109, %mul3A_110 : i32
      %dma_start3A_112 = arith.constant 0 : i32
      %dma_start3A_113 = tpu.memref_slice %arg6[%mul3A_111, %dma_start3A_112] : memref<5000x16xf32, #tpu.memory_space<vmem>> -> memref<100x16xf32, #tpu.memory_space<vmem>>
      %dma_start3A_114 = arith.constant 0 : i32
      %dma_start3A_115 = tpu.memref_slice %arg5[%add3A_109, %dma_start3A_114] : memref<50x100xi32, #tpu.memory_space<vmem>> -> memref<1x100xi32, #tpu.memory_space<vmem>>
      %dma_start3A_116 = tpu.memref_squeeze %dma_start3A_115 : memref<1x100xi32, #tpu.memory_space<vmem>> -> memref<100xi32, #tpu.memory_space<vmem>>
      %dma_start3A_117 = arith.constant 0 : i32
      %dma_start3A_118 = arith.constant 0 : i32
      %dma_start3A_119 = tpu.memref_slice %arg2[%dma_start3A_117, %dma_start3A_118] : memref<10000x16xf32, #tpu.memory_space<hbm>> -> memref<10000x16xf32, #tpu.memory_space<hbm>>
      tpu.enqueue_indirect_dma source(%dma_start3A_119 : memref<10000x16xf32, #tpu.memory_space<hbm>>) target(%dma_start3A_113 : memref<100x16xf32, #tpu.memory_space<vmem>>) offsets(%dma_start3A_116 : memref<100xi32, #tpu.memory_space<vmem>>) semaphore(%arg7 : memref<!tpu.dma_semaphore, #tpu.memory_space<semaphore_mem>>)
      %mul3A_120 = arith.constant 10 : i32
      %mul3A_121 = arith.muli %scan3A_8, %mul3A_120 : i32
      %add3A_122 = arith.constant 8 : i32
      %add3A_123 = arith.addi %mul3A_121, %add3A_122 : i32
      %mul3A_124 = arith.constant 100 : i32
      %mul3A_125 = arith.muli %add3A_123, %mul3A_124 : i32
      %dma_start3A_126 = arith.constant 0 : i32
      %dma_start3A_127 = tpu.memref_slice %arg6[%mul3A_125, %dma_start3A_126] : memref<5000x16xf32, #tpu.memory_space<vmem>> -> memref<100x16xf32, #tpu.memory_space<vmem>>
      %dma_start3A_128 = arith.constant 0 : i32
      %dma_start3A_129 = tpu.memref_slice %arg5[%add3A_123, %dma_start3A_128] : memref<50x100xi32, #tpu.memory_space<vmem>> -> memref<1x100xi32, #tpu.memory_space<vmem>>
      %dma_start3A_130 = tpu.memref_squeeze %dma_start3A_129 : memref<1x100xi32, #tpu.memory_space<vmem>> -> memref<100xi32, #tpu.memory_space<vmem>>
      %dma_start3A_131 = arith.constant 0 : i32
      %dma_start3A_132 = arith.constant 0 : i32
      %dma_start3A_133 = tpu.memref_slice %arg2[%dma_start3A_131, %dma_start3A_132] : memref<10000x16xf32, #tpu.memory_space<hbm>> -> memref<10000x16xf32, #tpu.memory_space<hbm>>
      tpu.enqueue_indirect_dma source(%dma_start3A_133 : memref<10000x16xf32, #tpu.memory_space<hbm>>) target(%dma_start3A_127 : memref<100x16xf32, #tpu.memory_space<vmem>>) offsets(%dma_start3A_130 : memref<100xi32, #tpu.memory_space<vmem>>) semaphore(%arg7 : memref<!tpu.dma_semaphore, #tpu.memory_space<semaphore_mem>>)
      %mul3A_134 = arith.constant 10 : i32
      %mul3A_135 = arith.muli %scan3A_8, %mul3A_134 : i32
      %add3A_136 = arith.constant 9 : i32
      %add3A_137 = arith.addi %mul3A_135, %add3A_136 : i32
      %mul3A_138 = arith.constant 100 : i32
      %mul3A_139 = arith.muli %add3A_137, %mul3A_138 : i32
      %dma_start3A_140 = arith.constant 0 : i32
      %dma_start3A_141 = tpu.memref_slice %arg6[%mul3A_139, %dma_start3A_140] : memref<5000x16xf32, #tpu.memory_space<vmem>> -> memref<100x16xf32, #tpu.memory_space<vmem>>
      %dma_start3A_142 = arith.constant 0 : i32
      %dma_start3A_143 = tpu.memref_slice %arg5[%add3A_137, %dma_start3A_142] : memref<50x100xi32, #tpu.memory_space<vmem>> -> memref<1x100xi32, #tpu.memory_space<vmem>>
      %dma_start3A_144 = tpu.memref_squeeze %dma_start3A_143 : memref<1x100xi32, #tpu.memory_space<vmem>> -> memref<100xi32, #tpu.memory_space<vmem>>
      %dma_start3A_145 = arith.constant 0 : i32
      %dma_start3A_146 = arith.constant 0 : i32
      %dma_start3A_147 = tpu.memref_slice %arg2[%dma_start3A_145, %dma_start3A_146] : memref<10000x16xf32, #tpu.memory_space<hbm>> -> memref<10000x16xf32, #tpu.memory_space<hbm>>
      tpu.enqueue_indirect_dma source(%dma_start3A_147 : memref<10000x16xf32, #tpu.memory_space<hbm>>) target(%dma_start3A_141 : memref<100x16xf32, #tpu.memory_space<vmem>>) offsets(%dma_start3A_144 : memref<100xi32, #tpu.memory_space<vmem>>) semaphore(%arg7 : memref<!tpu.dma_semaphore, #tpu.memory_space<semaphore_mem>>)
      %mul3A_148 = arith.constant 10 : i32
      %mul3A_149 = arith.muli %scan3A_8, %mul3A_148 : i32
      %add3A_150 = arith.constant 0 : i32
      %add3A_151 = arith.addi %mul3A_149, %add3A_150 : i32
      %mul3A_152 = arith.constant 100 : i32
      %mul3A_153 = arith.muli %add3A_151, %mul3A_152 : i32
      %dma_wait3A = arith.constant 0 : i32
      %dma_wait3A_154 = tpu.memref_slice %arg6[%mul3A_153, %dma_wait3A] : memref<5000x16xf32, #tpu.memory_space<vmem>> -> memref<100x16xf32, #tpu.memory_space<vmem>>
      %dma_wait3A_155 = arith.constant 0 : i32
      %dma_wait3A_156 = tpu.memref_slice %arg5[%add3A_151, %dma_wait3A_155] : memref<50x100xi32, #tpu.memory_space<vmem>> -> memref<1x100xi32, #tpu.memory_space<vmem>>
      %dma_wait3A_157 = tpu.memref_squeeze %dma_wait3A_156 : memref<1x100xi32, #tpu.memory_space<vmem>> -> memref<100xi32, #tpu.memory_space<vmem>>
      %dma_wait3A_158 = arith.constant 0 : i32
      %dma_wait3A_159 = arith.constant 0 : i32
      %dma_wait3A_160 = tpu.memref_slice %arg2[%dma_wait3A_158, %dma_wait3A_159] : memref<10000x16xf32, #tpu.memory_space<hbm>> -> memref<10000x16xf32, #tpu.memory_space<hbm>>
      tpu.wait_indirect_dma semaphore(%arg7 : memref<!tpu.dma_semaphore, #tpu.memory_space<semaphore_mem>>) src(%dma_wait3A_160 : memref<10000x16xf32, #tpu.memory_space<hbm>>) dst(%dma_wait3A_154 : memref<100x16xf32, #tpu.memory_space<vmem>>)
      %mul3A_161 = arith.constant 10 : i32
      %mul3A_162 = arith.muli %scan3A_8, %mul3A_161 : i32
      %add3A_163 = arith.constant 1 : i32
      %add3A_164 = arith.addi %mul3A_162, %add3A_163 : i32
      %mul3A_165 = arith.constant 100 : i32
      %mul3A_166 = arith.muli %add3A_164, %mul3A_165 : i32
      %dma_wait3A_167 = arith.constant 0 : i32
      %dma_wait3A_168 = tpu.memref_slice %arg6[%mul3A_166, %dma_wait3A_167] : memref<5000x16xf32, #tpu.memory_space<vmem>> -> memref<100x16xf32, #tpu.memory_space<vmem>>
      %dma_wait3A_169 = arith.constant 0 : i32
      %dma_wait3A_170 = tpu.memref_slice %arg5[%add3A_164, %dma_wait3A_169] : memref<50x100xi32, #tpu.memory_space<vmem>> -> memref<1x100xi32, #tpu.memory_space<vmem>>
      %dma_wait3A_171 = tpu.memref_squeeze %dma_wait3A_170 : memref<1x100xi32, #tpu.memory_space<vmem>> -> memref<100xi32, #tpu.memory_space<vmem>>
      %dma_wait3A_172 = arith.constant 0 : i32
      %dma_wait3A_173 = arith.constant 0 : i32
      %dma_wait3A_174 = tpu.memref_slice %arg2[%dma_wait3A_172, %dma_wait3A_173] : memref<10000x16xf32, #tpu.memory_space<hbm>> -> memref<10000x16xf32, #tpu.memory_space<hbm>>
      tpu.wait_indirect_dma semaphore(%arg7 : memref<!tpu.dma_semaphore, #tpu.memory_space<semaphore_mem>>) src(%dma_wait3A_174 : memref<10000x16xf32, #tpu.memory_space<hbm>>) dst(%dma_wait3A_168 : memref<100x16xf32, #tpu.memory_space<vmem>>)
      %mul3A_175 = arith.constant 10 : i32
      %mul3A_176 = arith.muli %scan3A_8, %mul3A_175 : i32
      %add3A_177 = arith.constant 2 : i32
      %add3A_178 = arith.addi %mul3A_176, %add3A_177 : i32
      %mul3A_179 = arith.constant 100 : i32
      %mul3A_180 = arith.muli %add3A_178, %mul3A_179 : i32
      %dma_wait3A_181 = arith.constant 0 : i32
      %dma_wait3A_182 = tpu.memref_slice %arg6[%mul3A_180, %dma_wait3A_181] : memref<5000x16xf32, #tpu.memory_space<vmem>> -> memref<100x16xf32, #tpu.memory_space<vmem>>
      %dma_wait3A_183 = arith.constant 0 : i32
      %dma_wait3A_184 = tpu.memref_slice %arg5[%add3A_178, %dma_wait3A_183] : memref<50x100xi32, #tpu.memory_space<vmem>> -> memref<1x100xi32, #tpu.memory_space<vmem>>
      %dma_wait3A_185 = tpu.memref_squeeze %dma_wait3A_184 : memref<1x100xi32, #tpu.memory_space<vmem>> -> memref<100xi32, #tpu.memory_space<vmem>>
      %dma_wait3A_186 = arith.constant 0 : i32
      %dma_wait3A_187 = arith.constant 0 : i32
      %dma_wait3A_188 = tpu.memref_slice %arg2[%dma_wait3A_186, %dma_wait3A_187] : memref<10000x16xf32, #tpu.memory_space<hbm>> -> memref<10000x16xf32, #tpu.memory_space<hbm>>
      tpu.wait_indirect_dma semaphore(%arg7 : memref<!tpu.dma_semaphore, #tpu.memory_space<semaphore_mem>>) src(%dma_wait3A_188 : memref<10000x16xf32, #tpu.memory_space<hbm>>) dst(%dma_wait3A_182 : memref<100x16xf32, #tpu.memory_space<vmem>>)
      %mul3A_189 = arith.constant 10 : i32
      %mul3A_190 = arith.muli %scan3A_8, %mul3A_189 : i32
      %add3A_191 = arith.constant 3 : i32
      %add3A_192 = arith.addi %mul3A_190, %add3A_191 : i32
      %mul3A_193 = arith.constant 100 : i32
      %mul3A_194 = arith.muli %add3A_192, %mul3A_193 : i32
      %dma_wait3A_195 = arith.constant 0 : i32
      %dma_wait3A_196 = tpu.memref_slice %arg6[%mul3A_194, %dma_wait3A_195] : memref<5000x16xf32, #tpu.memory_space<vmem>> -> memref<100x16xf32, #tpu.memory_space<vmem>>
      %dma_wait3A_197 = arith.constant 0 : i32
      %dma_wait3A_198 = tpu.memref_slice %arg5[%add3A_192, %dma_wait3A_197] : memref<50x100xi32, #tpu.memory_space<vmem>> -> memref<1x100xi32, #tpu.memory_space<vmem>>
      %dma_wait3A_199 = tpu.memref_squeeze %dma_wait3A_198 : memref<1x100xi32, #tpu.memory_space<vmem>> -> memref<100xi32, #tpu.memory_space<vmem>>
      %dma_wait3A_200 = arith.constant 0 : i32
      %dma_wait3A_201 = arith.constant 0 : i32
      %dma_wait3A_202 = tpu.memref_slice %arg2[%dma_wait3A_200, %dma_wait3A_201] : memref<10000x16xf32, #tpu.memory_space<hbm>> -> memref<10000x16xf32, #tpu.memory_space<hbm>>
      tpu.wait_indirect_dma semaphore(%arg7 : memref<!tpu.dma_semaphore, #tpu.memory_space<semaphore_mem>>) src(%dma_wait3A_202 : memref<10000x16xf32, #tpu.memory_space<hbm>>) dst(%dma_wait3A_196 : memref<100x16xf32, #tpu.memory_space<vmem>>)
      %mul3A_203 = arith.constant 10 : i32
      %mul3A_204 = arith.muli %scan3A_8, %mul3A_203 : i32
      %add3A_205 = arith.constant 4 : i32
      %add3A_206 = arith.addi %mul3A_204, %add3A_205 : i32
      %mul3A_207 = arith.constant 100 : i32
      %mul3A_208 = arith.muli %add3A_206, %mul3A_207 : i32
      %dma_wait3A_209 = arith.constant 0 : i32
      %dma_wait3A_210 = tpu.memref_slice %arg6[%mul3A_208, %dma_wait3A_209] : memref<5000x16xf32, #tpu.memory_space<vmem>> -> memref<100x16xf32, #tpu.memory_space<vmem>>
      %dma_wait3A_211 = arith.constant 0 : i32
      %dma_wait3A_212 = tpu.memref_slice %arg5[%add3A_206, %dma_wait3A_211] : memref<50x100xi32, #tpu.memory_space<vmem>> -> memref<1x100xi32, #tpu.memory_space<vmem>>
      %dma_wait3A_213 = tpu.memref_squeeze %dma_wait3A_212 : memref<1x100xi32, #tpu.memory_space<vmem>> -> memref<100xi32, #tpu.memory_space<vmem>>
      %dma_wait3A_214 = arith.constant 0 : i32
      %dma_wait3A_215 = arith.constant 0 : i32
      %dma_wait3A_216 = tpu.memref_slice %arg2[%dma_wait3A_214, %dma_wait3A_215] : memref<10000x16xf32, #tpu.memory_space<hbm>> -> memref<10000x16xf32, #tpu.memory_space<hbm>>
      tpu.wait_indirect_dma semaphore(%arg7 : memref<!tpu.dma_semaphore, #tpu.memory_space<semaphore_mem>>) src(%dma_wait3A_216 : memref<10000x16xf32, #tpu.memory_space<hbm>>) dst(%dma_wait3A_210 : memref<100x16xf32, #tpu.memory_space<vmem>>)
      %mul3A_217 = arith.constant 10 : i32
      %mul3A_218 = arith.muli %scan3A_8, %mul3A_217 : i32
      %add3A_219 = arith.constant 5 : i32
      %add3A_220 = arith.addi %mul3A_218, %add3A_219 : i32
      %mul3A_221 = arith.constant 100 : i32
      %mul3A_222 = arith.muli %add3A_220, %mul3A_221 : i32
      %dma_wait3A_223 = arith.constant 0 : i32
      %dma_wait3A_224 = tpu.memref_slice %arg6[%mul3A_222, %dma_wait3A_223] : memref<5000x16xf32, #tpu.memory_space<vmem>> -> memref<100x16xf32, #tpu.memory_space<vmem>>
      %dma_wait3A_225 = arith.constant 0 : i32
      %dma_wait3A_226 = tpu.memref_slice %arg5[%add3A_220, %dma_wait3A_225] : memref<50x100xi32, #tpu.memory_space<vmem>> -> memref<1x100xi32, #tpu.memory_space<vmem>>
      %dma_wait3A_227 = tpu.memref_squeeze %dma_wait3A_226 : memref<1x100xi32, #tpu.memory_space<vmem>> -> memref<100xi32, #tpu.memory_space<vmem>>
      %dma_wait3A_228 = arith.constant 0 : i32
      %dma_wait3A_229 = arith.constant 0 : i32
      %dma_wait3A_230 = tpu.memref_slice %arg2[%dma_wait3A_228, %dma_wait3A_229] : memref<10000x16xf32, #tpu.memory_space<hbm>> -> memref<10000x16xf32, #tpu.memory_space<hbm>>
      tpu.wait_indirect_dma semaphore(%arg7 : memref<!tpu.dma_semaphore, #tpu.memory_space<semaphore_mem>>) src(%dma_wait3A_230 : memref<10000x16xf32, #tpu.memory_space<hbm>>) dst(%dma_wait3A_224 : memref<100x16xf32, #tpu.memory_space<vmem>>)
      %mul3A_231 = arith.constant 10 : i32
      %mul3A_232 = arith.muli %scan3A_8, %mul3A_231 : i32
      %add3A_233 = arith.constant 6 : i32
      %add3A_234 = arith.addi %mul3A_232, %add3A_233 : i32
      %mul3A_235 = arith.constant 100 : i32
      %mul3A_236 = arith.muli %add3A_234, %mul3A_235 : i32
      %dma_wait3A_237 = arith.constant 0 : i32
      %dma_wait3A_238 = tpu.memref_slice %arg6[%mul3A_236, %dma_wait3A_237] : memref<5000x16xf32, #tpu.memory_space<vmem>> -> memref<100x16xf32, #tpu.memory_space<vmem>>
      %dma_wait3A_239 = arith.constant 0 : i32
      %dma_wait3A_240 = tpu.memref_slice %arg5[%add3A_234, %dma_wait3A_239] : memref<50x100xi32, #tpu.memory_space<vmem>> -> memref<1x100xi32, #tpu.memory_space<vmem>>
      %dma_wait3A_241 = tpu.memref_squeeze %dma_wait3A_240 : memref<1x100xi32, #tpu.memory_space<vmem>> -> memref<100xi32, #tpu.memory_space<vmem>>
      %dma_wait3A_242 = arith.constant 0 : i32
      %dma_wait3A_243 = arith.constant 0 : i32
      %dma_wait3A_244 = tpu.memref_slice %arg2[%dma_wait3A_242, %dma_wait3A_243] : memref<10000x16xf32, #tpu.memory_space<hbm>> -> memref<10000x16xf32, #tpu.memory_space<hbm>>
      tpu.wait_indirect_dma semaphore(%arg7 : memref<!tpu.dma_semaphore, #tpu.memory_space<semaphore_mem>>) src(%dma_wait3A_244 : memref<10000x16xf32, #tpu.memory_space<hbm>>) dst(%dma_wait3A_238 : memref<100x16xf32, #tpu.memory_space<vmem>>)
      %mul3A_245 = arith.constant 10 : i32
      %mul3A_246 = arith.muli %scan3A_8, %mul3A_245 : i32
      %add3A_247 = arith.constant 7 : i32
      %add3A_248 = arith.addi %mul3A_246, %add3A_247 : i32
      %mul3A_249 = arith.constant 100 : i32
      %mul3A_250 = arith.muli %add3A_248, %mul3A_249 : i32
      %dma_wait3A_251 = arith.constant 0 : i32
      %dma_wait3A_252 = tpu.memref_slice %arg6[%mul3A_250, %dma_wait3A_251] : memref<5000x16xf32, #tpu.memory_space<vmem>> -> memref<100x16xf32, #tpu.memory_space<vmem>>
      %dma_wait3A_253 = arith.constant 0 : i32
      %dma_wait3A_254 = tpu.memref_slice %arg5[%add3A_248, %dma_wait3A_253] : memref<50x100xi32, #tpu.memory_space<vmem>> -> memref<1x100xi32, #tpu.memory_space<vmem>>
      %dma_wait3A_255 = tpu.memref_squeeze %dma_wait3A_254 : memref<1x100xi32, #tpu.memory_space<vmem>> -> memref<100xi32, #tpu.memory_space<vmem>>
      %dma_wait3A_256 = arith.constant 0 : i32
      %dma_wait3A_257 = arith.constant 0 : i32
      %dma_wait3A_258 = tpu.memref_slice %arg2[%dma_wait3A_256, %dma_wait3A_257] : memref<10000x16xf32, #tpu.memory_space<hbm>> -> memref<10000x16xf32, #tpu.memory_space<hbm>>
      tpu.wait_indirect_dma semaphore(%arg7 : memref<!tpu.dma_semaphore, #tpu.memory_space<semaphore_mem>>) src(%dma_wait3A_258 : memref<10000x16xf32, #tpu.memory_space<hbm>>) dst(%dma_wait3A_252 : memref<100x16xf32, #tpu.memory_space<vmem>>)
      %mul3A_259 = arith.constant 10 : i32
      %mul3A_260 = arith.muli %scan3A_8, %mul3A_259 : i32
      %add3A_261 = arith.constant 8 : i32
      %add3A_262 = arith.addi %mul3A_260, %add3A_261 : i32
      %mul3A_263 = arith.constant 100 : i32
      %mul3A_264 = arith.muli %add3A_262, %mul3A_263 : i32
      %dma_wait3A_265 = arith.constant 0 : i32
      %dma_wait3A_266 = tpu.memref_slice %arg6[%mul3A_264, %dma_wait3A_265] : memref<5000x16xf32, #tpu.memory_space<vmem>> -> memref<100x16xf32, #tpu.memory_space<vmem>>
      %dma_wait3A_267 = arith.constant 0 : i32
      %dma_wait3A_268 = tpu.memref_slice %arg5[%add3A_262, %dma_wait3A_267] : memref<50x100xi32, #tpu.memory_space<vmem>> -> memref<1x100xi32, #tpu.memory_space<vmem>>
      %dma_wait3A_269 = tpu.memref_squeeze %dma_wait3A_268 : memref<1x100xi32, #tpu.memory_space<vmem>> -> memref<100xi32, #tpu.memory_space<vmem>>
      %dma_wait3A_270 = arith.constant 0 : i32
      %dma_wait3A_271 = arith.constant 0 : i32
      %dma_wait3A_272 = tpu.memref_slice %arg2[%dma_wait3A_270, %dma_wait3A_271] : memref<10000x16xf32, #tpu.memory_space<hbm>> -> memref<10000x16xf32, #tpu.memory_space<hbm>>
      tpu.wait_indirect_dma semaphore(%arg7 : memref<!tpu.dma_semaphore, #tpu.memory_space<semaphore_mem>>) src(%dma_wait3A_272 : memref<10000x16xf32, #tpu.memory_space<hbm>>) dst(%dma_wait3A_266 : memref<100x16xf32, #tpu.memory_space<vmem>>)
      %mul3A_273 = arith.constant 10 : i32
      %mul3A_274 = arith.muli %scan3A_8, %mul3A_273 : i32
      %add3A_275 = arith.constant 9 : i32
      %add3A_276 = arith.addi %mul3A_274, %add3A_275 : i32
      %mul3A_277 = arith.constant 100 : i32
      %mul3A_278 = arith.muli %add3A_276, %mul3A_277 : i32
      %dma_wait3A_279 = arith.constant 0 : i32
      %dma_wait3A_280 = tpu.memref_slice %arg6[%mul3A_278, %dma_wait3A_279] : memref<5000x16xf32, #tpu.memory_space<vmem>> -> memref<100x16xf32, #tpu.memory_space<vmem>>
      %dma_wait3A_281 = arith.constant 0 : i32
      %dma_wait3A_282 = tpu.memref_slice %arg5[%add3A_276, %dma_wait3A_281] : memref<50x100xi32, #tpu.memory_space<vmem>> -> memref<1x100xi32, #tpu.memory_space<vmem>>
      %dma_wait3A_283 = tpu.memref_squeeze %dma_wait3A_282 : memref<1x100xi32, #tpu.memory_space<vmem>> -> memref<100xi32, #tpu.memory_space<vmem>>
      %dma_wait3A_284 = arith.constant 0 : i32
      %dma_wait3A_285 = arith.constant 0 : i32
      %dma_wait3A_286 = tpu.memref_slice %arg2[%dma_wait3A_284, %dma_wait3A_285] : memref<10000x16xf32, #tpu.memory_space<hbm>> -> memref<10000x16xf32, #tpu.memory_space<hbm>>
      tpu.wait_indirect_dma semaphore(%arg7 : memref<!tpu.dma_semaphore, #tpu.memory_space<semaphore_mem>>) src(%dma_wait3A_286 : memref<10000x16xf32, #tpu.memory_space<hbm>>) dst(%dma_wait3A_280 : memref<100x16xf32, #tpu.memory_space<vmem>>)
    }
    %scan3A_5 = arith.constant 5 : i32
    %mul3A_6 = arith.constant 5000 : i32
    %mul3A_7 = arith.muli %add3A, %mul3A_6 : i32
    "tpu.region"() ({
      %run_scoped3A = tpu.sem_alloc : memref<!tpu.dma_semaphore, #tpu.memory_space<semaphore_mem>>
      %dma_start3A = arith.constant 0 : i32
      %dma_start3A_8 = tpu.memref_slice %arg4[%mul3A_7, %dma_start3A] : memref<160000x16xf32, #tpu.memory_space<hbm>> -> memref<5000x16xf32, #tpu.memory_space<hbm>>
      %dma_start3A_9 = arith.constant 0 : i32
      %dma_start3A_10 = tpu.memref_slice %arg4[%mul3A_7, %dma_start3A_9] : memref<160000x16xf32, #tpu.memory_space<hbm>> -> memref<5000x16xf32, #tpu.memory_space<hbm>>
      tpu.enqueue_dma source(%arg6 : memref<5000x16xf32, #tpu.memory_space<vmem>>) target(%dma_start3A_10 : memref<5000x16xf32, #tpu.memory_space<hbm>>) target_semaphore(%run_scoped3A : memref<!tpu.dma_semaphore, #tpu.memory_space<semaphore_mem>>)
      %dma_wait3A = arith.constant 0 : i32
      %dma_wait3A_11 = tpu.memref_slice %arg4[%mul3A_7, %dma_wait3A] : memref<160000x16xf32, #tpu.memory_space<hbm>> -> memref<5000x16xf32, #tpu.memory_space<hbm>>
      %dma_wait3A_12 = arith.constant 0 : i32
      %dma_wait3A_13 = tpu.memref_slice %arg4[%mul3A_7, %dma_wait3A_12] : memref<160000x16xf32, #tpu.memory_space<hbm>> -> memref<5000x16xf32, #tpu.memory_space<hbm>>
      tpu.wait_dma2 semaphore(%run_scoped3A : memref<!tpu.dma_semaphore, #tpu.memory_space<semaphore_mem>>) src(%arg6 : memref<5000x16xf32, #tpu.memory_space<vmem>>) dst(%dma_wait3A_13 : memref<5000x16xf32, #tpu.memory_space<hbm>>)
      tpu.yield
    }) : () -> ()
    return
  }
}

#map = affine_map<(d0, d1) -> (0, 0)>
#map1 = affine_map<(d0, d1) -> (0, 0, 0)>
module attributes {stable_mosaic.version = 14 : i64} {
  func.func @_sc_scatter_add(%arg0: i32, %arg1: i32, %arg2: memref<160000x16xf32, #tpu.memory_space<hbm>>, %arg3: memref<32x50x100xi32, #tpu.memory_space<hbm>>, %arg4: memref<10000x16xf32, #tpu.memory_space<hbm>>, %arg5: memref<2x10000x16xf32, #tpu.memory_space<hbm>>, %arg6: memref<50x100xi32, #tpu.memory_space<vmem>>, %arg7: memref<5000x16xf32, #tpu.memory_space<vmem>>, %arg8: memref<10000x16xf32, #tpu.memory_space<vmem_shared>>) attributes {dimension_semantics = [#tpu.dimension_semantics<core_parallel>, #tpu.dimension_semantics<subcore_parallel>], iteration_bounds = array<i64: 2, 16>, scalar_prefetch = 0 : i64, scratch_operands = 3 : i64, tpu.core_type = #tpu.core_type<sc_vector_subcore>, window_params = [{transform_indices = #map}, {transform_indices = #map1}, {transform_indices = #map}, {transform_indices = #map1}]} {
    %mul3A = arith.constant 2 : i32
    %mul3A_0 = arith.muli %arg1, %mul3A : i32
    %add3A = arith.addi %mul3A_0, %arg0 : i32
    %mul3A_1 = arith.constant 625 : i32
    %mul3A_2 = arith.muli %arg1, %mul3A_1 : i32
    %mul3A_3 = arith.constant 625 : i32
    %mul3A_4 = arith.muli %arg1, %mul3A_3 : i32
    "tpu.region"() ({
      %run_scoped3A = tpu.sem_alloc : memref<!tpu.dma_semaphore, #tpu.memory_space<semaphore_mem>>
      %dma_start3A = arith.constant 0 : i32
      %dma_start3A_17 = tpu.memref_slice %arg8[%mul3A_4, %dma_start3A] : memref<10000x16xf32, #tpu.memory_space<vmem_shared>> -> memref<625x16xf32, #tpu.memory_space<vmem_shared>>
      %dma_start3A_18 = arith.constant 0 : i32
      %dma_start3A_19 = tpu.memref_slice %arg4[%mul3A_2, %dma_start3A_18] : memref<10000x16xf32, #tpu.memory_space<hbm>> -> memref<625x16xf32, #tpu.memory_space<hbm>>
      tpu.enqueue_dma source(%dma_start3A_19 : memref<625x16xf32, #tpu.memory_space<hbm>>) target(%dma_start3A_17 : memref<625x16xf32, #tpu.memory_space<vmem_shared>>) target_semaphore(%run_scoped3A : memref<!tpu.dma_semaphore, #tpu.memory_space<semaphore_mem>>)
      %dma_wait3A = arith.constant 0 : i32
      %dma_wait3A_20 = tpu.memref_slice %arg8[%mul3A_4, %dma_wait3A] : memref<10000x16xf32, #tpu.memory_space<vmem_shared>> -> memref<625x16xf32, #tpu.memory_space<vmem_shared>>
      %dma_wait3A_21 = arith.constant 0 : i32
      %dma_wait3A_22 = tpu.memref_slice %arg4[%mul3A_2, %dma_wait3A_21] : memref<10000x16xf32, #tpu.memory_space<hbm>> -> memref<625x16xf32, #tpu.memory_space<hbm>>
      tpu.wait_dma2 semaphore(%run_scoped3A : memref<!tpu.dma_semaphore, #tpu.memory_space<semaphore_mem>>) src(%dma_wait3A_22 : memref<625x16xf32, #tpu.memory_space<hbm>>) dst(%dma_wait3A_20 : memref<625x16xf32, #tpu.memory_space<vmem_shared>>)
      tpu.yield
    }) : () -> ()
    "tpu.region"() ({
      %run_scoped3A = tpu.sem_alloc : memref<!tpu.dma_semaphore, #tpu.memory_space<semaphore_mem>>
      %dma_start3A = arith.constant 0 : i32
      %dma_start3A_17 = arith.constant 0 : i32
      %dma_start3A_18 = tpu.memref_slice %arg3[%add3A, %dma_start3A, %dma_start3A_17] : memref<32x50x100xi32, #tpu.memory_space<hbm>> -> memref<1x50x100xi32, #tpu.memory_space<hbm>>
      %dma_start3A_19 = tpu.memref_squeeze %dma_start3A_18 : memref<1x50x100xi32, #tpu.memory_space<hbm>> -> memref<50x100xi32, #tpu.memory_space<hbm>>
      %dma_start3A_20 = arith.constant 0 : i32
      %dma_start3A_21 = arith.constant 0 : i32
      %dma_start3A_22 = tpu.memref_slice %arg3[%add3A, %dma_start3A_20, %dma_start3A_21] : memref<32x50x100xi32, #tpu.memory_space<hbm>> -> memref<1x50x100xi32, #tpu.memory_space<hbm>>
      %dma_start3A_23 = tpu.memref_squeeze %dma_start3A_22 : memref<1x50x100xi32, #tpu.memory_space<hbm>> -> memref<50x100xi32, #tpu.memory_space<hbm>>
      tpu.enqueue_dma source(%dma_start3A_23 : memref<50x100xi32, #tpu.memory_space<hbm>>) target(%arg6 : memref<50x100xi32, #tpu.memory_space<vmem>>) target_semaphore(%run_scoped3A : memref<!tpu.dma_semaphore, #tpu.memory_space<semaphore_mem>>)
      %dma_wait3A = arith.constant 0 : i32
      %dma_wait3A_24 = arith.constant 0 : i32
      %dma_wait3A_25 = tpu.memref_slice %arg3[%add3A, %dma_wait3A, %dma_wait3A_24] : memref<32x50x100xi32, #tpu.memory_space<hbm>> -> memref<1x50x100xi32, #tpu.memory_space<hbm>>
      %dma_wait3A_26 = tpu.memref_squeeze %dma_wait3A_25 : memref<1x50x100xi32, #tpu.memory_space<hbm>> -> memref<50x100xi32, #tpu.memory_space<hbm>>
      %dma_wait3A_27 = arith.constant 0 : i32
      %dma_wait3A_28 = arith.constant 0 : i32
      %dma_wait3A_29 = tpu.memref_slice %arg3[%add3A, %dma_wait3A_27, %dma_wait3A_28] : memref<32x50x100xi32, #tpu.memory_space<hbm>> -> memref<1x50x100xi32, #tpu.memory_space<hbm>>
      %dma_wait3A_30 = tpu.memref_squeeze %dma_wait3A_29 : memref<1x50x100xi32, #tpu.memory_space<hbm>> -> memref<50x100xi32, #tpu.memory_space<hbm>>
      tpu.wait_dma2 semaphore(%run_scoped3A : memref<!tpu.dma_semaphore, #tpu.memory_space<semaphore_mem>>) src(%dma_wait3A_30 : memref<50x100xi32, #tpu.memory_space<hbm>>) dst(%arg6 : memref<50x100xi32, #tpu.memory_space<vmem>>)
      tpu.yield
    }) : () -> ()
    %mul3A_5 = arith.constant 5000 : i32
    %mul3A_6 = arith.muli %add3A, %mul3A_5 : i32
    "tpu.region"() ({
      %run_scoped3A = tpu.sem_alloc : memref<!tpu.dma_semaphore, #tpu.memory_space<semaphore_mem>>
      %dma_start3A = arith.constant 0 : i32
      %dma_start3A_17 = tpu.memref_slice %arg2[%mul3A_6, %dma_start3A] : memref<160000x16xf32, #tpu.memory_space<hbm>> -> memref<5000x16xf32, #tpu.memory_space<hbm>>
      %dma_start3A_18 = arith.constant 0 : i32
      %dma_start3A_19 = tpu.memref_slice %arg2[%mul3A_6, %dma_start3A_18] : memref<160000x16xf32, #tpu.memory_space<hbm>> -> memref<5000x16xf32, #tpu.memory_space<hbm>>
      tpu.enqueue_dma source(%dma_start3A_19 : memref<5000x16xf32, #tpu.memory_space<hbm>>) target(%arg7 : memref<5000x16xf32, #tpu.memory_space<vmem>>) target_semaphore(%run_scoped3A : memref<!tpu.dma_semaphore, #tpu.memory_space<semaphore_mem>>)
      %dma_wait3A = arith.constant 0 : i32
      %dma_wait3A_20 = tpu.memref_slice %arg2[%mul3A_6, %dma_wait3A] : memref<160000x16xf32, #tpu.memory_space<hbm>> -> memref<5000x16xf32, #tpu.memory_space<hbm>>
      %dma_wait3A_21 = arith.constant 0 : i32
      %dma_wait3A_22 = tpu.memref_slice %arg2[%mul3A_6, %dma_wait3A_21] : memref<160000x16xf32, #tpu.memory_space<hbm>> -> memref<5000x16xf32, #tpu.memory_space<hbm>>
      tpu.wait_dma2 semaphore(%run_scoped3A : memref<!tpu.dma_semaphore, #tpu.memory_space<semaphore_mem>>) src(%dma_wait3A_22 : memref<5000x16xf32, #tpu.memory_space<hbm>>) dst(%arg7 : memref<5000x16xf32, #tpu.memory_space<vmem>>)
      tpu.yield
    }) : () -> ()
    %barrier3A = arith.constant 0 : index
    tpu.barrier barrier_id(%barrier3A)
    %scan3A = arith.constant 0 : i32
    %scan3A_7 = arith.constant 0 : i32
    %scan3A_8 = arith.constant 50 : i32
    %scan3A_9 = arith.addi %scan3A_7, %scan3A_8 : i32
    %scan3A_10 = arith.constant 1 : i32
    scf.for %scan3A_17 = %scan3A_7 to %scan3A_9 step %scan3A_10  : i32 {
      %mul3A_18 = arith.constant 100 : i32
      %mul3A_19 = arith.muli %scan3A_17, %mul3A_18 : i32
      "tpu.region"() ({
        %run_scoped3A = tpu.sem_alloc : memref<!tpu.dma_semaphore, #tpu.memory_space<semaphore_mem>>
        %dma_start3A = arith.constant 0 : i32
        %dma_start3A_20 = tpu.memref_slice %arg7[%mul3A_19, %dma_start3A] : memref<5000x16xf32, #tpu.memory_space<vmem>> -> memref<100x16xf32, #tpu.memory_space<vmem>>
        %dma_start3A_21 = arith.constant 0 : i32
        %dma_start3A_22 = tpu.memref_slice %arg6[%scan3A_17, %dma_start3A_21] : memref<50x100xi32, #tpu.memory_space<vmem>> -> memref<1x100xi32, #tpu.memory_space<vmem>>
        %dma_start3A_23 = tpu.memref_squeeze %dma_start3A_22 : memref<1x100xi32, #tpu.memory_space<vmem>> -> memref<100xi32, #tpu.memory_space<vmem>>
        %dma_start3A_24 = arith.constant 0 : i32
        %dma_start3A_25 = arith.constant 0 : i32
        %dma_start3A_26 = tpu.memref_slice %arg8[%dma_start3A_24, %dma_start3A_25] : memref<10000x16xf32, #tpu.memory_space<vmem_shared>> -> memref<10000x16xf32, #tpu.memory_space<vmem_shared>>
        tpu.enqueue_indirect_dma source(%dma_start3A_20 : memref<100x16xf32, #tpu.memory_space<vmem>>) target(%dma_start3A_26 : memref<10000x16xf32, #tpu.memory_space<vmem_shared>>) offsets(%dma_start3A_23 : memref<100xi32, #tpu.memory_space<vmem>>) semaphore(%run_scoped3A : memref<!tpu.dma_semaphore, #tpu.memory_space<semaphore_mem>>) {add = true}
        %dma_wait3A = arith.constant 0 : i32
        %dma_wait3A_27 = tpu.memref_slice %arg7[%mul3A_19, %dma_wait3A] : memref<5000x16xf32, #tpu.memory_space<vmem>> -> memref<100x16xf32, #tpu.memory_space<vmem>>
        %dma_wait3A_28 = arith.constant 0 : i32
        %dma_wait3A_29 = tpu.memref_slice %arg6[%scan3A_17, %dma_wait3A_28] : memref<50x100xi32, #tpu.memory_space<vmem>> -> memref<1x100xi32, #tpu.memory_space<vmem>>
        %dma_wait3A_30 = tpu.memref_squeeze %dma_wait3A_29 : memref<1x100xi32, #tpu.memory_space<vmem>> -> memref<100xi32, #tpu.memory_space<vmem>>
        %dma_wait3A_31 = arith.constant 0 : i32
        %dma_wait3A_32 = arith.constant 0 : i32
        %dma_wait3A_33 = tpu.memref_slice %arg8[%dma_wait3A_31, %dma_wait3A_32] : memref<10000x16xf32, #tpu.memory_space<vmem_shared>> -> memref<10000x16xf32, #tpu.memory_space<vmem_shared>>
        tpu.wait_indirect_dma semaphore(%run_scoped3A : memref<!tpu.dma_semaphore, #tpu.memory_space<semaphore_mem>>) src(%dma_wait3A_27 : memref<100x16xf32, #tpu.memory_space<vmem>>) dst(%dma_wait3A_33 : memref<10000x16xf32, #tpu.memory_space<vmem_shared>>)
        tpu.yield
      }) : () -> ()
    }
    %scan3A_11 = arith.constant 50 : i32
    %barrier3A_12 = arith.constant 0 : index
    tpu.barrier barrier_id(%barrier3A_12)
    %mul3A_13 = arith.constant 625 : i32
    %mul3A_14 = arith.muli %arg1, %mul3A_13 : i32
    %mul3A_15 = arith.constant 625 : i32
    %mul3A_16 = arith.muli %arg1, %mul3A_15 : i32
    "tpu.region"() ({
      %run_scoped3A = tpu.sem_alloc : memref<!tpu.dma_semaphore, #tpu.memory_space<semaphore_mem>>
      %dma_start3A = arith.constant 0 : i32
      %dma_start3A_17 = arith.constant 0 : i32
      %dma_start3A_18 = tpu.memref_slice %arg5[%arg0, %dma_start3A, %dma_start3A_17] : memref<2x10000x16xf32, #tpu.memory_space<hbm>> -> memref<1x10000x16xf32, #tpu.memory_space<hbm>>
      %dma_start3A_19 = tpu.memref_squeeze %dma_start3A_18 : memref<1x10000x16xf32, #tpu.memory_space<hbm>> -> memref<10000x16xf32, #tpu.memory_space<hbm>>
      %dma_start3A_20 = arith.constant 0 : i32
      %dma_start3A_21 = tpu.memref_slice %dma_start3A_19[%mul3A_16, %dma_start3A_20] : memref<10000x16xf32, #tpu.memory_space<hbm>> -> memref<625x16xf32, #tpu.memory_space<hbm>>
      %dma_start3A_22 = arith.constant 0 : i32
      %dma_start3A_23 = tpu.memref_slice %arg8[%mul3A_14, %dma_start3A_22] : memref<10000x16xf32, #tpu.memory_space<vmem_shared>> -> memref<625x16xf32, #tpu.memory_space<vmem_shared>>
      tpu.enqueue_dma source(%dma_start3A_23 : memref<625x16xf32, #tpu.memory_space<vmem_shared>>) target(%dma_start3A_21 : memref<625x16xf32, #tpu.memory_space<hbm>>) target_semaphore(%run_scoped3A : memref<!tpu.dma_semaphore, #tpu.memory_space<semaphore_mem>>)
      %dma_wait3A = arith.constant 0 : i32
      %dma_wait3A_24 = arith.constant 0 : i32
      %dma_wait3A_25 = tpu.memref_slice %arg5[%arg0, %dma_wait3A, %dma_wait3A_24] : memref<2x10000x16xf32, #tpu.memory_space<hbm>> -> memref<1x10000x16xf32, #tpu.memory_space<hbm>>
      %dma_wait3A_26 = tpu.memref_squeeze %dma_wait3A_25 : memref<1x10000x16xf32, #tpu.memory_space<hbm>> -> memref<10000x16xf32, #tpu.memory_space<hbm>>
      %dma_wait3A_27 = arith.constant 0 : i32
      %dma_wait3A_28 = tpu.memref_slice %dma_wait3A_26[%mul3A_16, %dma_wait3A_27] : memref<10000x16xf32, #tpu.memory_space<hbm>> -> memref<625x16xf32, #tpu.memory_space<hbm>>
      %dma_wait3A_29 = arith.constant 0 : i32
      %dma_wait3A_30 = tpu.memref_slice %arg8[%mul3A_14, %dma_wait3A_29] : memref<10000x16xf32, #tpu.memory_space<vmem_shared>> -> memref<625x16xf32, #tpu.memory_space<vmem_shared>>
      tpu.wait_dma2 semaphore(%run_scoped3A : memref<!tpu.dma_semaphore, #tpu.memory_space<semaphore_mem>>) src(%dma_wait3A_30 : memref<625x16xf32, #tpu.memory_space<vmem_shared>>) dst(%dma_wait3A_28 : memref<625x16xf32, #tpu.memory_space<hbm>>)
      tpu.yield
    }) : () -> ()
    return
  }
}

module attributes {stable_mosaic.version = 14 : i64} {
  func.func @_proj_body(%arg0: i32, %arg1: memref<10000x128xf32, #tpu.memory_space<vmem>>, %arg2: memref<128x16xf32, #tpu.memory_space<vmem>>, %arg3: memref<1x16xf32, #tpu.memory_space<vmem>>, %arg4: memref<10000x16xf32, #tpu.memory_space<vmem>>) attributes {dimension_semantics = [#tpu.dimension_semantics<arbitrary>], iteration_bounds = array<i64: 1>, scalar_prefetch = 0 : i64, scratch_operands = 0 : i64, tpu.core_type = #tpu.core_type<tc>, window_params = [{pipeline_mode = #tpu.pipeline_mode<synchronous>, transform_indices = @transform_0, window_bounds = array<i64: 10000, 128>}, {pipeline_mode = #tpu.pipeline_mode<synchronous>, transform_indices = @transform_1, window_bounds = array<i64: 128, 16>}, {pipeline_mode = #tpu.pipeline_mode<synchronous>, transform_indices = @transform_2, window_bounds = array<i64: 1, 16>}, {pipeline_mode = #tpu.pipeline_mode<synchronous>, transform_indices = @transform_3, window_bounds = array<i64: 10000, 16>}]} {
    %get3A = arith.constant 0 : index
    %get3A_0 = arith.constant 0 : index
    %get3A_1 = vector.load %arg1[%get3A, %get3A_0] : memref<10000x128xf32, #tpu.memory_space<vmem>>, vector<10000x128xf32>
    %get3A_2 = arith.constant 0 : index
    %get3A_3 = arith.constant 0 : index
    %get3A_4 = vector.load %arg2[%get3A_2, %get3A_3] : memref<128x16xf32, #tpu.memory_space<vmem>>, vector<128x16xf32>
    %dot_general3A = arith.constant dense<0.000000e+00> : vector<10000x16xf32>
    %dot_general3A_5 = tpu.matmul %get3A_1, %get3A_4, %dot_general3A {dimension_numbers = #tpu.dot_dimension_numbers<[1], [0], [0], [1], [0, 0, 1, 1], [], []>, transpose_lhs_hint = false} : vector<10000x128xf32>, vector<128x16xf32>, vector<10000x16xf32> -> vector<10000x16xf32>
    %get3A_6 = arith.constant 0 : index
    %get3A_7 = arith.constant 0 : index
    %get3A_8 = vector.load %arg3[%get3A_6, %get3A_7] : memref<1x16xf32, #tpu.memory_space<vmem>>, vector<1x16xf32>
    %add3A = vector.broadcast %get3A_8 : vector<1x16xf32> to vector<10000x16xf32>
    %add3A_9 = arith.addf %dot_general3A_5, %add3A : vector<10000x16xf32>
    %max3A = arith.constant 0.000000e+00 : f32
    %max3A_10 = vector.broadcast %max3A : f32 to vector<10000x16xf32>
    %max3A_11 = arith.maximumf %add3A_9, %max3A_10 : vector<10000x16xf32>
    %swap3A = arith.constant 0 : index
    %swap3A_12 = arith.constant 0 : index
    %swap3A_13 = vector.load %arg4[%swap3A, %swap3A_12] : memref<10000x16xf32, #tpu.memory_space<vmem>>, vector<10000x16xf32>
    tpu.vector_store %arg4[%swap3A, %swap3A_12], %max3A_11 {strides = array<i32>} : memref<10000x16xf32, #tpu.memory_space<vmem>>, vector<10000x16xf32>,
    return
  }
  func.func @transform_0(%arg0: i32) -> (i32, i32) {
    %c0_i32 = arith.constant 0 : i32
    %c0_i32_0 = arith.constant 0 : i32
    %c0_i32_1 = arith.constant 0 : i32
    return %c0_i32, %c0_i32_0 : i32, i32
  }
  func.func @transform_1(%arg0: i32) -> (i32, i32) {
    %c0_i32 = arith.constant 0 : i32
    %c0_i32_0 = arith.constant 0 : i32
    %c0_i32_1 = arith.constant 0 : i32
    return %c0_i32, %c0_i32_0 : i32, i32
  }
  func.func @transform_2(%arg0: i32) -> (i32, i32) {
    %c0_i32 = arith.constant 0 : i32
    %c0_i32_0 = arith.constant 0 : i32
    %c0_i32_1 = arith.constant 0 : i32
    return %c0_i32, %c0_i32_0 : i32, i32
  }
  func.func @transform_3(%arg0: i32) -> (i32, i32) {
    %c0_i32 = arith.constant 0 : i32
    %c0_i32_0 = arith.constant 0 : i32
    %c0_i32_1 = arith.constant 0 : i32
    return %c0_i32, %c0_i32_0 : i32, i32
  }
}

module attributes {stable_mosaic.version = 14 : i64} {
  func.func @_edgenet_body(%arg0: i32, %arg1: memref<400x128xf32, #tpu.memory_space<vmem>>, %arg2: memref<16x128xf32, #tpu.memory_space<vmem>>, %arg3: memref<1x128xf32, #tpu.memory_space<vmem>>, %arg4: memref<128x256xf32, #tpu.memory_space<vmem>>, %arg5: memref<1x256xf32, #tpu.memory_space<vmem>>, %arg6: memref<8x400x256xbf16, #tpu.memory_space<vmem>>) attributes {dimension_semantics = [#tpu.dimension_semantics<arbitrary>], iteration_bounds = array<i64: 50>, scalar_prefetch = 0 : i64, scratch_operands = 0 : i64, tpu.core_type = #tpu.core_type<tc>, window_params = [{transform_indices = @transform_0, window_bounds = array<i64: 400, 128>}, {pipeline_mode = #tpu.pipeline_mode<synchronous>, transform_indices = @transform_1, window_bounds = array<i64: 16, 128>}, {pipeline_mode = #tpu.pipeline_mode<synchronous>, transform_indices = @transform_2, window_bounds = array<i64: 1, 128>}, {pipeline_mode = #tpu.pipeline_mode<synchronous>, transform_indices = @transform_3, window_bounds = array<i64: 128, 256>}, {pipeline_mode = #tpu.pipeline_mode<synchronous>, transform_indices = @transform_4, window_bounds = array<i64: 1, 256>}, {transform_indices = @transform_5, window_bounds = array<i64: 8, 400, 256>}]} {
    %get3A = arith.constant 0 : index
    %get3A_0 = arith.constant 0 : index
    %get3A_1 = vector.load %arg1[%get3A, %get3A_0] : memref<400x128xf32, #tpu.memory_space<vmem>>, vector<400x128xf32>
    %slice3A = vector.extract_strided_slice %get3A_1 {offsets = [0, 0], sizes = [400, 16], strides = [1, 1]} : vector<400x128xf32> to vector<400x16xf32>
    %get3A_2 = arith.constant 0 : index
    %get3A_3 = arith.constant 0 : index
    %get3A_4 = vector.load %arg2[%get3A_2, %get3A_3] : memref<16x128xf32, #tpu.memory_space<vmem>>, vector<16x128xf32>
    %dot_general3A = arith.constant dense<0.000000e+00> : vector<400x128xf32>
    %dot_general3A_5 = tpu.matmul %slice3A, %get3A_4, %dot_general3A {dimension_numbers = #tpu.dot_dimension_numbers<[1], [0], [0], [1], [0, 0, 1, 1], [], []>, transpose_lhs_hint = false} : vector<400x16xf32>, vector<16x128xf32>, vector<400x128xf32> -> vector<400x128xf32>
    %get3A_6 = arith.constant 0 : index
    %get3A_7 = arith.constant 0 : index
    %get3A_8 = vector.load %arg3[%get3A_6, %get3A_7] : memref<1x128xf32, #tpu.memory_space<vmem>>, vector<1x128xf32>
    %add3A = vector.broadcast %get3A_8 : vector<1x128xf32> to vector<400x128xf32>
    %add3A_9 = arith.addf %dot_general3A_5, %add3A : vector<400x128xf32>
    %max3A = arith.constant 0.000000e+00 : f32
    %max3A_10 = vector.broadcast %max3A : f32 to vector<400x128xf32>
    %max3A_11 = arith.maximumf %add3A_9, %max3A_10 : vector<400x128xf32>
    %get3A_12 = arith.constant 0 : index
    %get3A_13 = arith.constant 0 : index
    %get3A_14 = vector.load %arg4[%get3A_12, %get3A_13] : memref<128x256xf32, #tpu.memory_space<vmem>>, vector<128x256xf32>
    %dot_general3A_15 = arith.constant dense<0.000000e+00> : vector<400x256xf32>
    %dot_general3A_16 = tpu.matmul %max3A_11, %get3A_14, %dot_general3A_15 {dimension_numbers = #tpu.dot_dimension_numbers<[1], [0], [0], [1], [0, 0, 1, 1], [], []>, transpose_lhs_hint = false} : vector<400x128xf32>, vector<128x256xf32>, vector<400x256xf32> -> vector<400x256xf32>
    %get3A_17 = arith.constant 0 : index
    %get3A_18 = arith.constant 0 : index
    %get3A_19 = vector.load %arg5[%get3A_17, %get3A_18] : memref<1x256xf32, #tpu.memory_space<vmem>>, vector<1x256xf32>
    %add3A_20 = vector.broadcast %get3A_19 : vector<1x256xf32> to vector<400x256xf32>
    %add3A_21 = arith.addf %dot_general3A_16, %add3A_20 : vector<400x256xf32>
    %convert_element_type3A = arith.truncf %add3A_21 : vector<400x256xf32> to vector<400x256xbf16>
    %swap3A = arith.constant 0 : index
    %swap3A_22 = arith.constant 0 : index
    %swap3A_23 = arith.constant 0 : index
    %swap3A_24 = vector.load %arg6[%swap3A, %swap3A_22, %swap3A_23] : memref<8x400x256xbf16, #tpu.memory_space<vmem>>, vector<1x400x256xbf16>
    %swap3A_25 = vector.shape_cast %swap3A_24 : vector<1x400x256xbf16> to vector<400x256xbf16>
    %swap3A_26 = vector.shape_cast %convert_element_type3A : vector<400x256xbf16> to vector<1x400x256xbf16>
    tpu.vector_store %arg6[%swap3A, %swap3A_22, %swap3A_23], %swap3A_26 {strides = array<i32>} : memref<8x400x256xbf16, #tpu.memory_space<vmem>>, vector<1x400x256xbf16>,
    %slice3A_27 = vector.extract_strided_slice %get3A_1 {offsets = [0, 16], sizes = [400, 16], strides = [1, 1]} : vector<400x128xf32> to vector<400x16xf32>
    %get3A_28 = arith.constant 0 : index
    %get3A_29 = arith.constant 0 : index
    %get3A_30 = vector.load %arg2[%get3A_28, %get3A_29] : memref<16x128xf32, #tpu.memory_space<vmem>>, vector<16x128xf32>
    %dot_general3A_31 = arith.constant dense<0.000000e+00> : vector<400x128xf32>
    %dot_general3A_32 = tpu.matmul %slice3A_27, %get3A_30, %dot_general3A_31 {dimension_numbers = #tpu.dot_dimension_numbers<[1], [0], [0], [1], [0, 0, 1, 1], [], []>, transpose_lhs_hint = false} : vector<400x16xf32>, vector<16x128xf32>, vector<400x128xf32> -> vector<400x128xf32>
    %get3A_33 = arith.constant 0 : index
    %get3A_34 = arith.constant 0 : index
    %get3A_35 = vector.load %arg3[%get3A_33, %get3A_34] : memref<1x128xf32, #tpu.memory_space<vmem>>, vector<1x128xf32>
    %add3A_36 = vector.broadcast %get3A_35 : vector<1x128xf32> to vector<400x128xf32>
    %add3A_37 = arith.addf %dot_general3A_32, %add3A_36 : vector<400x128xf32>
    %max3A_38 = arith.constant 0.000000e+00 : f32
    %max3A_39 = vector.broadcast %max3A_38 : f32 to vector<400x128xf32>
    %max3A_40 = arith.maximumf %add3A_37, %max3A_39 : vector<400x128xf32>
    %get3A_41 = arith.constant 0 : index
    %get3A_42 = arith.constant 0 : index
    %get3A_43 = vector.load %arg4[%get3A_41, %get3A_42] : memref<128x256xf32, #tpu.memory_space<vmem>>, vector<128x256xf32>
    %dot_general3A_44 = arith.constant dense<0.000000e+00> : vector<400x256xf32>
    %dot_general3A_45 = tpu.matmul %max3A_40, %get3A_43, %dot_general3A_44 {dimension_numbers = #tpu.dot_dimension_numbers<[1], [0], [0], [1], [0, 0, 1, 1], [], []>, transpose_lhs_hint = false} : vector<400x128xf32>, vector<128x256xf32>, vector<400x256xf32> -> vector<400x256xf32>
    %get3A_46 = arith.constant 0 : index
    %get3A_47 = arith.constant 0 : index
    %get3A_48 = vector.load %arg5[%get3A_46, %get3A_47] : memref<1x256xf32, #tpu.memory_space<vmem>>, vector<1x256xf32>
    %add3A_49 = vector.broadcast %get3A_48 : vector<1x256xf32> to vector<400x256xf32>
    %add3A_50 = arith.addf %dot_general3A_45, %add3A_49 : vector<400x256xf32>
    %convert_element_type3A_51 = arith.truncf %add3A_50 : vector<400x256xf32> to vector<400x256xbf16>
    %swap3A_52 = arith.constant 1 : index
    %swap3A_53 = arith.constant 0 : index
    %swap3A_54 = arith.constant 0 : index
    %swap3A_55 = vector.load %arg6[%swap3A_52, %swap3A_53, %swap3A_54] : memref<8x400x256xbf16, #tpu.memory_space<vmem>>, vector<1x400x256xbf16>
    %swap3A_56 = vector.shape_cast %swap3A_55 : vector<1x400x256xbf16> to vector<400x256xbf16>
    %swap3A_57 = vector.shape_cast %convert_element_type3A_51 : vector<400x256xbf16> to vector<1x400x256xbf16>
    tpu.vector_store %arg6[%swap3A_52, %swap3A_53, %swap3A_54], %swap3A_57 {strides = array<i32>} : memref<8x400x256xbf16, #tpu.memory_space<vmem>>, vector<1x400x256xbf16>,
    %slice3A_58 = vector.extract_strided_slice %get3A_1 {offsets = [0, 32], sizes = [400, 16], strides = [1, 1]} : vector<400x128xf32> to vector<400x16xf32>
    %get3A_59 = arith.constant 0 : index
    %get3A_60 = arith.constant 0 : index
    %get3A_61 = vector.load %arg2[%get3A_59, %get3A_60] : memref<16x128xf32, #tpu.memory_space<vmem>>, vector<16x128xf32>
    %dot_general3A_62 = arith.constant dense<0.000000e+00> : vector<400x128xf32>
    %dot_general3A_63 = tpu.matmul %slice3A_58, %get3A_61, %dot_general3A_62 {dimension_numbers = #tpu.dot_dimension_numbers<[1], [0], [0], [1], [0, 0, 1, 1], [], []>, transpose_lhs_hint = false} : vector<400x16xf32>, vector<16x128xf32>, vector<400x128xf32> -> vector<400x128xf32>
    %get3A_64 = arith.constant 0 : index
    %get3A_65 = arith.constant 0 : index
    %get3A_66 = vector.load %arg3[%get3A_64, %get3A_65] : memref<1x128xf32, #tpu.memory_space<vmem>>, vector<1x128xf32>
    %add3A_67 = vector.broadcast %get3A_66 : vector<1x128xf32> to vector<400x128xf32>
    %add3A_68 = arith.addf %dot_general3A_63, %add3A_67 : vector<400x128xf32>
    %max3A_69 = arith.constant 0.000000e+00 : f32
    %max3A_70 = vector.broadcast %max3A_69 : f32 to vector<400x128xf32>
    %max3A_71 = arith.maximumf %add3A_68, %max3A_70 : vector<400x128xf32>
    %get3A_72 = arith.constant 0 : index
    %get3A_73 = arith.constant 0 : index
    %get3A_74 = vector.load %arg4[%get3A_72, %get3A_73] : memref<128x256xf32, #tpu.memory_space<vmem>>, vector<128x256xf32>
    %dot_general3A_75 = arith.constant dense<0.000000e+00> : vector<400x256xf32>
    %dot_general3A_76 = tpu.matmul %max3A_71, %get3A_74, %dot_general3A_75 {dimension_numbers = #tpu.dot_dimension_numbers<[1], [0], [0], [1], [0, 0, 1, 1], [], []>, transpose_lhs_hint = false} : vector<400x128xf32>, vector<128x256xf32>, vector<400x256xf32> -> vector<400x256xf32>
    %get3A_77 = arith.constant 0 : index
    %get3A_78 = arith.constant 0 : index
    %get3A_79 = vector.load %arg5[%get3A_77, %get3A_78] : memref<1x256xf32, #tpu.memory_space<vmem>>, vector<1x256xf32>
    %add3A_80 = vector.broadcast %get3A_79 : vector<1x256xf32> to vector<400x256xf32>
    %add3A_81 = arith.addf %dot_general3A_76, %add3A_80 : vector<400x256xf32>
    %convert_element_type3A_82 = arith.truncf %add3A_81 : vector<400x256xf32> to vector<400x256xbf16>
    %swap3A_83 = arith.constant 2 : index
    %swap3A_84 = arith.constant 0 : index
    %swap3A_85 = arith.constant 0 : index
    %swap3A_86 = vector.load %arg6[%swap3A_83, %swap3A_84, %swap3A_85] : memref<8x400x256xbf16, #tpu.memory_space<vmem>>, vector<1x400x256xbf16>
    %swap3A_87 = vector.shape_cast %swap3A_86 : vector<1x400x256xbf16> to vector<400x256xbf16>
    %swap3A_88 = vector.shape_cast %convert_element_type3A_82 : vector<400x256xbf16> to vector<1x400x256xbf16>
    tpu.vector_store %arg6[%swap3A_83, %swap3A_84, %swap3A_85], %swap3A_88 {strides = array<i32>} : memref<8x400x256xbf16, #tpu.memory_space<vmem>>, vector<1x400x256xbf16>,
    %slice3A_89 = vector.extract_strided_slice %get3A_1 {offsets = [0, 48], sizes = [400, 16], strides = [1, 1]} : vector<400x128xf32> to vector<400x16xf32>
    %get3A_90 = arith.constant 0 : index
    %get3A_91 = arith.constant 0 : index
    %get3A_92 = vector.load %arg2[%get3A_90, %get3A_91] : memref<16x128xf32, #tpu.memory_space<vmem>>, vector<16x128xf32>
    %dot_general3A_93 = arith.constant dense<0.000000e+00> : vector<400x128xf32>
    %dot_general3A_94 = tpu.matmul %slice3A_89, %get3A_92, %dot_general3A_93 {dimension_numbers = #tpu.dot_dimension_numbers<[1], [0], [0], [1], [0, 0, 1, 1], [], []>, transpose_lhs_hint = false} : vector<400x16xf32>, vector<16x128xf32>, vector<400x128xf32> -> vector<400x128xf32>
    %get3A_95 = arith.constant 0 : index
    %get3A_96 = arith.constant 0 : index
    %get3A_97 = vector.load %arg3[%get3A_95, %get3A_96] : memref<1x128xf32, #tpu.memory_space<vmem>>, vector<1x128xf32>
    %add3A_98 = vector.broadcast %get3A_97 : vector<1x128xf32> to vector<400x128xf32>
    %add3A_99 = arith.addf %dot_general3A_94, %add3A_98 : vector<400x128xf32>
    %max3A_100 = arith.constant 0.000000e+00 : f32
    %max3A_101 = vector.broadcast %max3A_100 : f32 to vector<400x128xf32>
    %max3A_102 = arith.maximumf %add3A_99, %max3A_101 : vector<400x128xf32>
    %get3A_103 = arith.constant 0 : index
    %get3A_104 = arith.constant 0 : index
    %get3A_105 = vector.load %arg4[%get3A_103, %get3A_104] : memref<128x256xf32, #tpu.memory_space<vmem>>, vector<128x256xf32>
    %dot_general3A_106 = arith.constant dense<0.000000e+00> : vector<400x256xf32>
    %dot_general3A_107 = tpu.matmul %max3A_102, %get3A_105, %dot_general3A_106 {dimension_numbers = #tpu.dot_dimension_numbers<[1], [0], [0], [1], [0, 0, 1, 1], [], []>, transpose_lhs_hint = false} : vector<400x128xf32>, vector<128x256xf32>, vector<400x256xf32> -> vector<400x256xf32>
    %get3A_108 = arith.constant 0 : index
    %get3A_109 = arith.constant 0 : index
    %get3A_110 = vector.load %arg5[%get3A_108, %get3A_109] : memref<1x256xf32, #tpu.memory_space<vmem>>, vector<1x256xf32>
    %add3A_111 = vector.broadcast %get3A_110 : vector<1x256xf32> to vector<400x256xf32>
    %add3A_112 = arith.addf %dot_general3A_107, %add3A_111 : vector<400x256xf32>
    %convert_element_type3A_113 = arith.truncf %add3A_112 : vector<400x256xf32> to vector<400x256xbf16>
    %swap3A_114 = arith.constant 3 : index
    %swap3A_115 = arith.constant 0 : index
    %swap3A_116 = arith.constant 0 : index
    %swap3A_117 = vector.load %arg6[%swap3A_114, %swap3A_115, %swap3A_116] : memref<8x400x256xbf16, #tpu.memory_space<vmem>>, vector<1x400x256xbf16>
    %swap3A_118 = vector.shape_cast %swap3A_117 : vector<1x400x256xbf16> to vector<400x256xbf16>
    %swap3A_119 = vector.shape_cast %convert_element_type3A_113 : vector<400x256xbf16> to vector<1x400x256xbf16>
    tpu.vector_store %arg6[%swap3A_114, %swap3A_115, %swap3A_116], %swap3A_119 {strides = array<i32>} : memref<8x400x256xbf16, #tpu.memory_space<vmem>>, vector<1x400x256xbf16>,
    %slice3A_120 = vector.extract_strided_slice %get3A_1 {offsets = [0, 64], sizes = [400, 16], strides = [1, 1]} : vector<400x128xf32> to vector<400x16xf32>
    %get3A_121 = arith.constant 0 : index
    %get3A_122 = arith.constant 0 : index
    %get3A_123 = vector.load %arg2[%get3A_121, %get3A_122] : memref<16x128xf32, #tpu.memory_space<vmem>>, vector<16x128xf32>
    %dot_general3A_124 = arith.constant dense<0.000000e+00> : vector<400x128xf32>
    %dot_general3A_125 = tpu.matmul %slice3A_120, %get3A_123, %dot_general3A_124 {dimension_numbers = #tpu.dot_dimension_numbers<[1], [0], [0], [1], [0, 0, 1, 1], [], []>, transpose_lhs_hint = false} : vector<400x16xf32>, vector<16x128xf32>, vector<400x128xf32> -> vector<400x128xf32>
    %get3A_126 = arith.constant 0 : index
    %get3A_127 = arith.constant 0 : index
    %get3A_128 = vector.load %arg3[%get3A_126, %get3A_127] : memref<1x128xf32, #tpu.memory_space<vmem>>, vector<1x128xf32>
    %add3A_129 = vector.broadcast %get3A_128 : vector<1x128xf32> to vector<400x128xf32>
    %add3A_130 = arith.addf %dot_general3A_125, %add3A_129 : vector<400x128xf32>
    %max3A_131 = arith.constant 0.000000e+00 : f32
    %max3A_132 = vector.broadcast %max3A_131 : f32 to vector<400x128xf32>
    %max3A_133 = arith.maximumf %add3A_130, %max3A_132 : vector<400x128xf32>
    %get3A_134 = arith.constant 0 : index
    %get3A_135 = arith.constant 0 : index
    %get3A_136 = vector.load %arg4[%get3A_134, %get3A_135] : memref<128x256xf32, #tpu.memory_space<vmem>>, vector<128x256xf32>
    %dot_general3A_137 = arith.constant dense<0.000000e+00> : vector<400x256xf32>
    %dot_general3A_138 = tpu.matmul %max3A_133, %get3A_136, %dot_general3A_137 {dimension_numbers = #tpu.dot_dimension_numbers<[1], [0], [0], [1], [0, 0, 1, 1], [], []>, transpose_lhs_hint = false} : vector<400x128xf32>, vector<128x256xf32>, vector<400x256xf32> -> vector<400x256xf32>
    %get3A_139 = arith.constant 0 : index
    %get3A_140 = arith.constant 0 : index
    %get3A_141 = vector.load %arg5[%get3A_139, %get3A_140] : memref<1x256xf32, #tpu.memory_space<vmem>>, vector<1x256xf32>
    %add3A_142 = vector.broadcast %get3A_141 : vector<1x256xf32> to vector<400x256xf32>
    %add3A_143 = arith.addf %dot_general3A_138, %add3A_142 : vector<400x256xf32>
    %convert_element_type3A_144 = arith.truncf %add3A_143 : vector<400x256xf32> to vector<400x256xbf16>
    %swap3A_145 = arith.constant 4 : index
    %swap3A_146 = arith.constant 0 : index
    %swap3A_147 = arith.constant 0 : index
    %swap3A_148 = vector.load %arg6[%swap3A_145, %swap3A_146, %swap3A_147] : memref<8x400x256xbf16, #tpu.memory_space<vmem>>, vector<1x400x256xbf16>
    %swap3A_149 = vector.shape_cast %swap3A_148 : vector<1x400x256xbf16> to vector<400x256xbf16>
    %swap3A_150 = vector.shape_cast %convert_element_type3A_144 : vector<400x256xbf16> to vector<1x400x256xbf16>
    tpu.vector_store %arg6[%swap3A_145, %swap3A_146, %swap3A_147], %swap3A_150 {strides = array<i32>} : memref<8x400x256xbf16, #tpu.memory_space<vmem>>, vector<1x400x256xbf16>,
    %slice3A_151 = vector.extract_strided_slice %get3A_1 {offsets = [0, 80], sizes = [400, 16], strides = [1, 1]} : vector<400x128xf32> to vector<400x16xf32>
    %get3A_152 = arith.constant 0 : index
    %get3A_153 = arith.constant 0 : index
    %get3A_154 = vector.load %arg2[%get3A_152, %get3A_153] : memref<16x128xf32, #tpu.memory_space<vmem>>, vector<16x128xf32>
    %dot_general3A_155 = arith.constant dense<0.000000e+00> : vector<400x128xf32>
    %dot_general3A_156 = tpu.matmul %slice3A_151, %get3A_154, %dot_general3A_155 {dimension_numbers = #tpu.dot_dimension_numbers<[1], [0], [0], [1], [0, 0, 1, 1], [], []>, transpose_lhs_hint = false} : vector<400x16xf32>, vector<16x128xf32>, vector<400x128xf32> -> vector<400x128xf32>
    %get3A_157 = arith.constant 0 : index
    %get3A_158 = arith.constant 0 : index
    %get3A_159 = vector.load %arg3[%get3A_157, %get3A_158] : memref<1x128xf32, #tpu.memory_space<vmem>>, vector<1x128xf32>
    %add3A_160 = vector.broadcast %get3A_159 : vector<1x128xf32> to vector<400x128xf32>
    %add3A_161 = arith.addf %dot_general3A_156, %add3A_160 : vector<400x128xf32>
    %max3A_162 = arith.constant 0.000000e+00 : f32
    %max3A_163 = vector.broadcast %max3A_162 : f32 to vector<400x128xf32>
    %max3A_164 = arith.maximumf %add3A_161, %max3A_163 : vector<400x128xf32>
    %get3A_165 = arith.constant 0 : index
    %get3A_166 = arith.constant 0 : index
    %get3A_167 = vector.load %arg4[%get3A_165, %get3A_166] : memref<128x256xf32, #tpu.memory_space<vmem>>, vector<128x256xf32>
    %dot_general3A_168 = arith.constant dense<0.000000e+00> : vector<400x256xf32>
    %dot_general3A_169 = tpu.matmul %max3A_164, %get3A_167, %dot_general3A_168 {dimension_numbers = #tpu.dot_dimension_numbers<[1], [0], [0], [1], [0, 0, 1, 1], [], []>, transpose_lhs_hint = false} : vector<400x128xf32>, vector<128x256xf32>, vector<400x256xf32> -> vector<400x256xf32>
    %get3A_170 = arith.constant 0 : index
    %get3A_171 = arith.constant 0 : index
    %get3A_172 = vector.load %arg5[%get3A_170, %get3A_171] : memref<1x256xf32, #tpu.memory_space<vmem>>, vector<1x256xf32>
    %add3A_173 = vector.broadcast %get3A_172 : vector<1x256xf32> to vector<400x256xf32>
    %add3A_174 = arith.addf %dot_general3A_169, %add3A_173 : vector<400x256xf32>
    %convert_element_type3A_175 = arith.truncf %add3A_174 : vector<400x256xf32> to vector<400x256xbf16>
    %swap3A_176 = arith.constant 5 : index
    %swap3A_177 = arith.constant 0 : index
    %swap3A_178 = arith.constant 0 : index
    %swap3A_179 = vector.load %arg6[%swap3A_176, %swap3A_177, %swap3A_178] : memref<8x400x256xbf16, #tpu.memory_space<vmem>>, vector<1x400x256xbf16>
    %swap3A_180 = vector.shape_cast %swap3A_179 : vector<1x400x256xbf16> to vector<400x256xbf16>
    %swap3A_181 = vector.shape_cast %convert_element_type3A_175 : vector<400x256xbf16> to vector<1x400x256xbf16>
    tpu.vector_store %arg6[%swap3A_176, %swap3A_177, %swap3A_178], %swap3A_181 {strides = array<i32>} : memref<8x400x256xbf16, #tpu.memory_space<vmem>>, vector<1x400x256xbf16>,
    %slice3A_182 = vector.extract_strided_slice %get3A_1 {offsets = [0, 96], sizes = [400, 16], strides = [1, 1]} : vector<400x128xf32> to vector<400x16xf32>
    %get3A_183 = arith.constant 0 : index
    %get3A_184 = arith.constant 0 : index
    %get3A_185 = vector.load %arg2[%get3A_183, %get3A_184] : memref<16x128xf32, #tpu.memory_space<vmem>>, vector<16x128xf32>
    %dot_general3A_186 = arith.constant dense<0.000000e+00> : vector<400x128xf32>
    %dot_general3A_187 = tpu.matmul %slice3A_182, %get3A_185, %dot_general3A_186 {dimension_numbers = #tpu.dot_dimension_numbers<[1], [0], [0], [1], [0, 0, 1, 1], [], []>, transpose_lhs_hint = false} : vector<400x16xf32>, vector<16x128xf32>, vector<400x128xf32> -> vector<400x128xf32>
    %get3A_188 = arith.constant 0 : index
    %get3A_189 = arith.constant 0 : index
    %get3A_190 = vector.load %arg3[%get3A_188, %get3A_189] : memref<1x128xf32, #tpu.memory_space<vmem>>, vector<1x128xf32>
    %add3A_191 = vector.broadcast %get3A_190 : vector<1x128xf32> to vector<400x128xf32>
    %add3A_192 = arith.addf %dot_general3A_187, %add3A_191 : vector<400x128xf32>
    %max3A_193 = arith.constant 0.000000e+00 : f32
    %max3A_194 = vector.broadcast %max3A_193 : f32 to vector<400x128xf32>
    %max3A_195 = arith.maximumf %add3A_192, %max3A_194 : vector<400x128xf32>
    %get3A_196 = arith.constant 0 : index
    %get3A_197 = arith.constant 0 : index
    %get3A_198 = vector.load %arg4[%get3A_196, %get3A_197] : memref<128x256xf32, #tpu.memory_space<vmem>>, vector<128x256xf32>
    %dot_general3A_199 = arith.constant dense<0.000000e+00> : vector<400x256xf32>
    %dot_general3A_200 = tpu.matmul %max3A_195, %get3A_198, %dot_general3A_199 {dimension_numbers = #tpu.dot_dimension_numbers<[1], [0], [0], [1], [0, 0, 1, 1], [], []>, transpose_lhs_hint = false} : vector<400x128xf32>, vector<128x256xf32>, vector<400x256xf32> -> vector<400x256xf32>
    %get3A_201 = arith.constant 0 : index
    %get3A_202 = arith.constant 0 : index
    %get3A_203 = vector.load %arg5[%get3A_201, %get3A_202] : memref<1x256xf32, #tpu.memory_space<vmem>>, vector<1x256xf32>
    %add3A_204 = vector.broadcast %get3A_203 : vector<1x256xf32> to vector<400x256xf32>
    %add3A_205 = arith.addf %dot_general3A_200, %add3A_204 : vector<400x256xf32>
    %convert_element_type3A_206 = arith.truncf %add3A_205 : vector<400x256xf32> to vector<400x256xbf16>
    %swap3A_207 = arith.constant 6 : index
    %swap3A_208 = arith.constant 0 : index
    %swap3A_209 = arith.constant 0 : index
    %swap3A_210 = vector.load %arg6[%swap3A_207, %swap3A_208, %swap3A_209] : memref<8x400x256xbf16, #tpu.memory_space<vmem>>, vector<1x400x256xbf16>
    %swap3A_211 = vector.shape_cast %swap3A_210 : vector<1x400x256xbf16> to vector<400x256xbf16>
    %swap3A_212 = vector.shape_cast %convert_element_type3A_206 : vector<400x256xbf16> to vector<1x400x256xbf16>
    tpu.vector_store %arg6[%swap3A_207, %swap3A_208, %swap3A_209], %swap3A_212 {strides = array<i32>} : memref<8x400x256xbf16, #tpu.memory_space<vmem>>, vector<1x400x256xbf16>,
    %slice3A_213 = vector.extract_strided_slice %get3A_1 {offsets = [0, 112], sizes = [400, 16], strides = [1, 1]} : vector<400x128xf32> to vector<400x16xf32>
    %get3A_214 = arith.constant 0 : index
    %get3A_215 = arith.constant 0 : index
    %get3A_216 = vector.load %arg2[%get3A_214, %get3A_215] : memref<16x128xf32, #tpu.memory_space<vmem>>, vector<16x128xf32>
    %dot_general3A_217 = arith.constant dense<0.000000e+00> : vector<400x128xf32>
    %dot_general3A_218 = tpu.matmul %slice3A_213, %get3A_216, %dot_general3A_217 {dimension_numbers = #tpu.dot_dimension_numbers<[1], [0], [0], [1], [0, 0, 1, 1], [], []>, transpose_lhs_hint = false} : vector<400x16xf32>, vector<16x128xf32>, vector<400x128xf32> -> vector<400x128xf32>
    %get3A_219 = arith.constant 0 : index
    %get3A_220 = arith.constant 0 : index
    %get3A_221 = vector.load %arg3[%get3A_219, %get3A_220] : memref<1x128xf32, #tpu.memory_space<vmem>>, vector<1x128xf32>
    %add3A_222 = vector.broadcast %get3A_221 : vector<1x128xf32> to vector<400x128xf32>
    %add3A_223 = arith.addf %dot_general3A_218, %add3A_222 : vector<400x128xf32>
    %max3A_224 = arith.constant 0.000000e+00 : f32
    %max3A_225 = vector.broadcast %max3A_224 : f32 to vector<400x128xf32>
    %max3A_226 = arith.maximumf %add3A_223, %max3A_225 : vector<400x128xf32>
    %get3A_227 = arith.constant 0 : index
    %get3A_228 = arith.constant 0 : index
    %get3A_229 = vector.load %arg4[%get3A_227, %get3A_228] : memref<128x256xf32, #tpu.memory_space<vmem>>, vector<128x256xf32>
    %dot_general3A_230 = arith.constant dense<0.000000e+00> : vector<400x256xf32>
    %dot_general3A_231 = tpu.matmul %max3A_226, %get3A_229, %dot_general3A_230 {dimension_numbers = #tpu.dot_dimension_numbers<[1], [0], [0], [1], [0, 0, 1, 1], [], []>, transpose_lhs_hint = false} : vector<400x128xf32>, vector<128x256xf32>, vector<400x256xf32> -> vector<400x256xf32>
    %get3A_232 = arith.constant 0 : index
    %get3A_233 = arith.constant 0 : index
    %get3A_234 = vector.load %arg5[%get3A_232, %get3A_233] : memref<1x256xf32, #tpu.memory_space<vmem>>, vector<1x256xf32>
    %add3A_235 = vector.broadcast %get3A_234 : vector<1x256xf32> to vector<400x256xf32>
    %add3A_236 = arith.addf %dot_general3A_231, %add3A_235 : vector<400x256xf32>
    %convert_element_type3A_237 = arith.truncf %add3A_236 : vector<400x256xf32> to vector<400x256xbf16>
    %swap3A_238 = arith.constant 7 : index
    %swap3A_239 = arith.constant 0 : index
    %swap3A_240 = arith.constant 0 : index
    %swap3A_241 = vector.load %arg6[%swap3A_238, %swap3A_239, %swap3A_240] : memref<8x400x256xbf16, #tpu.memory_space<vmem>>, vector<1x400x256xbf16>
    %swap3A_242 = vector.shape_cast %swap3A_241 : vector<1x400x256xbf16> to vector<400x256xbf16>
    %swap3A_243 = vector.shape_cast %convert_element_type3A_237 : vector<400x256xbf16> to vector<1x400x256xbf16>
    tpu.vector_store %arg6[%swap3A_238, %swap3A_239, %swap3A_240], %swap3A_243 {strides = array<i32>} : memref<8x400x256xbf16, #tpu.memory_space<vmem>>, vector<1x400x256xbf16>,
    return
  }
  func.func @transform_0(%arg0: i32) -> (i32, i32) {
    %c0_i32 = arith.constant 0 : i32
    %c0_i32_0 = arith.constant 0 : i32
    return %arg0, %c0_i32 : i32, i32
  }
  func.func @transform_1(%arg0: i32) -> (i32, i32) {
    %c0_i32 = arith.constant 0 : i32
    %c0_i32_0 = arith.constant 0 : i32
    %c0_i32_1 = arith.constant 0 : i32
    return %c0_i32, %c0_i32_0 : i32, i32
  }
  func.func @transform_2(%arg0: i32) -> (i32, i32) {
    %c0_i32 = arith.constant 0 : i32
    %c0_i32_0 = arith.constant 0 : i32
    %c0_i32_1 = arith.constant 0 : i32
    return %c0_i32, %c0_i32_0 : i32, i32
  }
  func.func @transform_3(%arg0: i32) -> (i32, i32) {
    %c0_i32 = arith.constant 0 : i32
    %c0_i32_0 = arith.constant 0 : i32
    %c0_i32_1 = arith.constant 0 : i32
    return %c0_i32, %c0_i32_0 : i32, i32
  }
  func.func @transform_4(%arg0: i32) -> (i32, i32) {
    %c0_i32 = arith.constant 0 : i32
    %c0_i32_0 = arith.constant 0 : i32
    %c0_i32_1 = arith.constant 0 : i32
    return %c0_i32, %c0_i32_0 : i32, i32
  }
  func.func @transform_5(%arg0: i32) -> (i32, i32, i32) {
    %c0_i32 = arith.constant 0 : i32
    %c0_i32_0 = arith.constant 0 : i32
    %c0_i32_1 = arith.constant 0 : i32
    return %c0_i32, %arg0, %c0_i32_0 : i32, i32, i32
  }
}

module attributes {stable_mosaic.version = 14 : i64} {
  func.func @_msg_body(%arg0: i32, %arg1: memref<8x400x256xbf16, #tpu.memory_space<vmem>>, %arg2: memref<400x128xf32, #tpu.memory_space<vmem>>, %arg3: memref<16x256xf32, #tpu.memory_space<vmem>>, %arg4: memref<256x16xf32, #tpu.memory_space<vmem>>, %arg5: memref<400x128xf32, #tpu.memory_space<vmem>>) attributes {dimension_semantics = [#tpu.dimension_semantics<arbitrary>], iteration_bounds = array<i64: 50>, scalar_prefetch = 0 : i64, scratch_operands = 0 : i64, tpu.core_type = #tpu.core_type<tc>, window_params = [{transform_indices = @transform_0, window_bounds = array<i64: 8, 400, 256>}, {transform_indices = @transform_1, window_bounds = array<i64: 400, 128>}, {pipeline_mode = #tpu.pipeline_mode<synchronous>, transform_indices = @transform_2, window_bounds = array<i64: 16, 256>}, {pipeline_mode = #tpu.pipeline_mode<synchronous>, transform_indices = @transform_3, window_bounds = array<i64: 256, 16>}, {transform_indices = @transform_4, window_bounds = array<i64: 400, 128>}]} {
    %get3A = arith.constant 0 : index
    %get3A_0 = arith.constant 0 : index
    %get3A_1 = vector.load %arg2[%get3A, %get3A_0] : memref<400x128xf32, #tpu.memory_space<vmem>>, vector<400x128xf32>
    %slice3A = vector.extract_strided_slice %get3A_1 {offsets = [0, 0], sizes = [400, 16], strides = [1, 1]} : vector<400x128xf32> to vector<400x16xf32>
    %get3A_2 = arith.constant 0 : index
    %get3A_3 = arith.constant 0 : index
    %get3A_4 = vector.load %arg3[%get3A_2, %get3A_3] : memref<16x256xf32, #tpu.memory_space<vmem>>, vector<16x256xf32>
    %dot_general3A = arith.constant dense<0.000000e+00> : vector<400x256xf32>
    %dot_general3A_5 = tpu.matmul %slice3A, %get3A_4, %dot_general3A {dimension_numbers = #tpu.dot_dimension_numbers<[1], [0], [0], [1], [0, 0, 1, 1], [], []>, transpose_lhs_hint = false} : vector<400x16xf32>, vector<16x256xf32>, vector<400x256xf32> -> vector<400x256xf32>
    %get3A_6 = arith.constant 0 : index
    %get3A_7 = arith.constant 0 : index
    %get3A_8 = arith.constant 0 : index
    %get3A_9 = vector.load %arg1[%get3A_6, %get3A_7, %get3A_8] : memref<8x400x256xbf16, #tpu.memory_space<vmem>>, vector<1x400x256xbf16>
    %get3A_10 = vector.shape_cast %get3A_9 : vector<1x400x256xbf16> to vector<400x256xbf16>
    %convert_element_type3A = arith.extf %get3A_10 : vector<400x256xbf16> to vector<400x256xf32>
    %mul3A = arith.mulf %dot_general3A_5, %convert_element_type3A : vector<400x256xf32>
    %get3A_11 = arith.constant 0 : index
    %get3A_12 = arith.constant 0 : index
    %get3A_13 = vector.load %arg4[%get3A_11, %get3A_12] : memref<256x16xf32, #tpu.memory_space<vmem>>, vector<256x16xf32>
    %dot_general3A_14 = arith.constant dense<0.000000e+00> : vector<400x16xf32>
    %dot_general3A_15 = tpu.matmul %mul3A, %get3A_13, %dot_general3A_14 {dimension_numbers = #tpu.dot_dimension_numbers<[1], [0], [0], [1], [0, 0, 1, 1], [], []>, transpose_lhs_hint = false} : vector<400x256xf32>, vector<256x16xf32>, vector<400x16xf32> -> vector<400x16xf32>
    %slice3A_16 = vector.extract_strided_slice %get3A_1 {offsets = [0, 16], sizes = [400, 16], strides = [1, 1]} : vector<400x128xf32> to vector<400x16xf32>
    %get3A_17 = arith.constant 0 : index
    %get3A_18 = arith.constant 0 : index
    %get3A_19 = vector.load %arg3[%get3A_17, %get3A_18] : memref<16x256xf32, #tpu.memory_space<vmem>>, vector<16x256xf32>
    %dot_general3A_20 = arith.constant dense<0.000000e+00> : vector<400x256xf32>
    %dot_general3A_21 = tpu.matmul %slice3A_16, %get3A_19, %dot_general3A_20 {dimension_numbers = #tpu.dot_dimension_numbers<[1], [0], [0], [1], [0, 0, 1, 1], [], []>, transpose_lhs_hint = false} : vector<400x16xf32>, vector<16x256xf32>, vector<400x256xf32> -> vector<400x256xf32>
    %get3A_22 = arith.constant 1 : index
    %get3A_23 = arith.constant 0 : index
    %get3A_24 = arith.constant 0 : index
    %get3A_25 = vector.load %arg1[%get3A_22, %get3A_23, %get3A_24] : memref<8x400x256xbf16, #tpu.memory_space<vmem>>, vector<1x400x256xbf16>
    %get3A_26 = vector.shape_cast %get3A_25 : vector<1x400x256xbf16> to vector<400x256xbf16>
    %convert_element_type3A_27 = arith.extf %get3A_26 : vector<400x256xbf16> to vector<400x256xf32>
    %mul3A_28 = arith.mulf %dot_general3A_21, %convert_element_type3A_27 : vector<400x256xf32>
    %get3A_29 = arith.constant 0 : index
    %get3A_30 = arith.constant 0 : index
    %get3A_31 = vector.load %arg4[%get3A_29, %get3A_30] : memref<256x16xf32, #tpu.memory_space<vmem>>, vector<256x16xf32>
    %dot_general3A_32 = arith.constant dense<0.000000e+00> : vector<400x16xf32>
    %dot_general3A_33 = tpu.matmul %mul3A_28, %get3A_31, %dot_general3A_32 {dimension_numbers = #tpu.dot_dimension_numbers<[1], [0], [0], [1], [0, 0, 1, 1], [], []>, transpose_lhs_hint = false} : vector<400x256xf32>, vector<256x16xf32>, vector<400x16xf32> -> vector<400x16xf32>
    %slice3A_34 = vector.extract_strided_slice %get3A_1 {offsets = [0, 32], sizes = [400, 16], strides = [1, 1]} : vector<400x128xf32> to vector<400x16xf32>
    %get3A_35 = arith.constant 0 : index
    %get3A_36 = arith.constant 0 : index
    %get3A_37 = vector.load %arg3[%get3A_35, %get3A_36] : memref<16x256xf32, #tpu.memory_space<vmem>>, vector<16x256xf32>
    %dot_general3A_38 = arith.constant dense<0.000000e+00> : vector<400x256xf32>
    %dot_general3A_39 = tpu.matmul %slice3A_34, %get3A_37, %dot_general3A_38 {dimension_numbers = #tpu.dot_dimension_numbers<[1], [0], [0], [1], [0, 0, 1, 1], [], []>, transpose_lhs_hint = false} : vector<400x16xf32>, vector<16x256xf32>, vector<400x256xf32> -> vector<400x256xf32>
    %get3A_40 = arith.constant 2 : index
    %get3A_41 = arith.constant 0 : index
    %get3A_42 = arith.constant 0 : index
    %get3A_43 = vector.load %arg1[%get3A_40, %get3A_41, %get3A_42] : memref<8x400x256xbf16, #tpu.memory_space<vmem>>, vector<1x400x256xbf16>
    %get3A_44 = vector.shape_cast %get3A_43 : vector<1x400x256xbf16> to vector<400x256xbf16>
    %convert_element_type3A_45 = arith.extf %get3A_44 : vector<400x256xbf16> to vector<400x256xf32>
    %mul3A_46 = arith.mulf %dot_general3A_39, %convert_element_type3A_45 : vector<400x256xf32>
    %get3A_47 = arith.constant 0 : index
    %get3A_48 = arith.constant 0 : index
    %get3A_49 = vector.load %arg4[%get3A_47, %get3A_48] : memref<256x16xf32, #tpu.memory_space<vmem>>, vector<256x16xf32>
    %dot_general3A_50 = arith.constant dense<0.000000e+00> : vector<400x16xf32>
    %dot_general3A_51 = tpu.matmul %mul3A_46, %get3A_49, %dot_general3A_50 {dimension_numbers = #tpu.dot_dimension_numbers<[1], [0], [0], [1], [0, 0, 1, 1], [], []>, transpose_lhs_hint = false} : vector<400x256xf32>, vector<256x16xf32>, vector<400x16xf32> -> vector<400x16xf32>
    %slice3A_52 = vector.extract_strided_slice %get3A_1 {offsets = [0, 48], sizes = [400, 16], strides = [1, 1]} : vector<400x128xf32> to vector<400x16xf32>
    %get3A_53 = arith.constant 0 : index
    %get3A_54 = arith.constant 0 : index
    %get3A_55 = vector.load %arg3[%get3A_53, %get3A_54] : memref<16x256xf32, #tpu.memory_space<vmem>>, vector<16x256xf32>
    %dot_general3A_56 = arith.constant dense<0.000000e+00> : vector<400x256xf32>
    %dot_general3A_57 = tpu.matmul %slice3A_52, %get3A_55, %dot_general3A_56 {dimension_numbers = #tpu.dot_dimension_numbers<[1], [0], [0], [1], [0, 0, 1, 1], [], []>, transpose_lhs_hint = false} : vector<400x16xf32>, vector<16x256xf32>, vector<400x256xf32> -> vector<400x256xf32>
    %get3A_58 = arith.constant 3 : index
    %get3A_59 = arith.constant 0 : index
    %get3A_60 = arith.constant 0 : index
    %get3A_61 = vector.load %arg1[%get3A_58, %get3A_59, %get3A_60] : memref<8x400x256xbf16, #tpu.memory_space<vmem>>, vector<1x400x256xbf16>
    %get3A_62 = vector.shape_cast %get3A_61 : vector<1x400x256xbf16> to vector<400x256xbf16>
    %convert_element_type3A_63 = arith.extf %get3A_62 : vector<400x256xbf16> to vector<400x256xf32>
    %mul3A_64 = arith.mulf %dot_general3A_57, %convert_element_type3A_63 : vector<400x256xf32>
    %get3A_65 = arith.constant 0 : index
    %get3A_66 = arith.constant 0 : index
    %get3A_67 = vector.load %arg4[%get3A_65, %get3A_66] : memref<256x16xf32, #tpu.memory_space<vmem>>, vector<256x16xf32>
    %dot_general3A_68 = arith.constant dense<0.000000e+00> : vector<400x16xf32>
    %dot_general3A_69 = tpu.matmul %mul3A_64, %get3A_67, %dot_general3A_68 {dimension_numbers = #tpu.dot_dimension_numbers<[1], [0], [0], [1], [0, 0, 1, 1], [], []>, transpose_lhs_hint = false} : vector<400x256xf32>, vector<256x16xf32>, vector<400x16xf32> -> vector<400x16xf32>
    %slice3A_70 = vector.extract_strided_slice %get3A_1 {offsets = [0, 64], sizes = [400, 16], strides = [1, 1]} : vector<400x128xf32> to vector<400x16xf32>
    %get3A_71 = arith.constant 0 : index
    %get3A_72 = arith.constant 0 : index
    %get3A_73 = vector.load %arg3[%get3A_71, %get3A_72] : memref<16x256xf32, #tpu.memory_space<vmem>>, vector<16x256xf32>
    %dot_general3A_74 = arith.constant dense<0.000000e+00> : vector<400x256xf32>
    %dot_general3A_75 = tpu.matmul %slice3A_70, %get3A_73, %dot_general3A_74 {dimension_numbers = #tpu.dot_dimension_numbers<[1], [0], [0], [1], [0, 0, 1, 1], [], []>, transpose_lhs_hint = false} : vector<400x16xf32>, vector<16x256xf32>, vector<400x256xf32> -> vector<400x256xf32>
    %get3A_76 = arith.constant 4 : index
    %get3A_77 = arith.constant 0 : index
    %get3A_78 = arith.constant 0 : index
    %get3A_79 = vector.load %arg1[%get3A_76, %get3A_77, %get3A_78] : memref<8x400x256xbf16, #tpu.memory_space<vmem>>, vector<1x400x256xbf16>
    %get3A_80 = vector.shape_cast %get3A_79 : vector<1x400x256xbf16> to vector<400x256xbf16>
    %convert_element_type3A_81 = arith.extf %get3A_80 : vector<400x256xbf16> to vector<400x256xf32>
    %mul3A_82 = arith.mulf %dot_general3A_75, %convert_element_type3A_81 : vector<400x256xf32>
    %get3A_83 = arith.constant 0 : index
    %get3A_84 = arith.constant 0 : index
    %get3A_85 = vector.load %arg4[%get3A_83, %get3A_84] : memref<256x16xf32, #tpu.memory_space<vmem>>, vector<256x16xf32>
    %dot_general3A_86 = arith.constant dense<0.000000e+00> : vector<400x16xf32>
    %dot_general3A_87 = tpu.matmul %mul3A_82, %get3A_85, %dot_general3A_86 {dimension_numbers = #tpu.dot_dimension_numbers<[1], [0], [0], [1], [0, 0, 1, 1], [], []>, transpose_lhs_hint = false} : vector<400x256xf32>, vector<256x16xf32>, vector<400x16xf32> -> vector<400x16xf32>
    %slice3A_88 = vector.extract_strided_slice %get3A_1 {offsets = [0, 80], sizes = [400, 16], strides = [1, 1]} : vector<400x128xf32> to vector<400x16xf32>
    %get3A_89 = arith.constant 0 : index
    %get3A_90 = arith.constant 0 : index
    %get3A_91 = vector.load %arg3[%get3A_89, %get3A_90] : memref<16x256xf32, #tpu.memory_space<vmem>>, vector<16x256xf32>
    %dot_general3A_92 = arith.constant dense<0.000000e+00> : vector<400x256xf32>
    %dot_general3A_93 = tpu.matmul %slice3A_88, %get3A_91, %dot_general3A_92 {dimension_numbers = #tpu.dot_dimension_numbers<[1], [0], [0], [1], [0, 0, 1, 1], [], []>, transpose_lhs_hint = false} : vector<400x16xf32>, vector<16x256xf32>, vector<400x256xf32> -> vector<400x256xf32>
    %get3A_94 = arith.constant 5 : index
    %get3A_95 = arith.constant 0 : index
    %get3A_96 = arith.constant 0 : index
    %get3A_97 = vector.load %arg1[%get3A_94, %get3A_95, %get3A_96] : memref<8x400x256xbf16, #tpu.memory_space<vmem>>, vector<1x400x256xbf16>
    %get3A_98 = vector.shape_cast %get3A_97 : vector<1x400x256xbf16> to vector<400x256xbf16>
    %convert_element_type3A_99 = arith.extf %get3A_98 : vector<400x256xbf16> to vector<400x256xf32>
    %mul3A_100 = arith.mulf %dot_general3A_93, %convert_element_type3A_99 : vector<400x256xf32>
    %get3A_101 = arith.constant 0 : index
    %get3A_102 = arith.constant 0 : index
    %get3A_103 = vector.load %arg4[%get3A_101, %get3A_102] : memref<256x16xf32, #tpu.memory_space<vmem>>, vector<256x16xf32>
    %dot_general3A_104 = arith.constant dense<0.000000e+00> : vector<400x16xf32>
    %dot_general3A_105 = tpu.matmul %mul3A_100, %get3A_103, %dot_general3A_104 {dimension_numbers = #tpu.dot_dimension_numbers<[1], [0], [0], [1], [0, 0, 1, 1], [], []>, transpose_lhs_hint = false} : vector<400x256xf32>, vector<256x16xf32>, vector<400x16xf32> -> vector<400x16xf32>
    %slice3A_106 = vector.extract_strided_slice %get3A_1 {offsets = [0, 96], sizes = [400, 16], strides = [1, 1]} : vector<400x128xf32> to vector<400x16xf32>
    %get3A_107 = arith.constant 0 : index
    %get3A_108 = arith.constant 0 : index
    %get3A_109 = vector.load %arg3[%get3A_107, %get3A_108] : memref<16x256xf32, #tpu.memory_space<vmem>>, vector<16x256xf32>
    %dot_general3A_110 = arith.constant dense<0.000000e+00> : vector<400x256xf32>
    %dot_general3A_111 = tpu.matmul %slice3A_106, %get3A_109, %dot_general3A_110 {dimension_numbers = #tpu.dot_dimension_numbers<[1], [0], [0], [1], [0, 0, 1, 1], [], []>, transpose_lhs_hint = false} : vector<400x16xf32>, vector<16x256xf32>, vector<400x256xf32> -> vector<400x256xf32>
    %get3A_112 = arith.constant 6 : index
    %get3A_113 = arith.constant 0 : index
    %get3A_114 = arith.constant 0 : index
    %get3A_115 = vector.load %arg1[%get3A_112, %get3A_113, %get3A_114] : memref<8x400x256xbf16, #tpu.memory_space<vmem>>, vector<1x400x256xbf16>
    %get3A_116 = vector.shape_cast %get3A_115 : vector<1x400x256xbf16> to vector<400x256xbf16>
    %convert_element_type3A_117 = arith.extf %get3A_116 : vector<400x256xbf16> to vector<400x256xf32>
    %mul3A_118 = arith.mulf %dot_general3A_111, %convert_element_type3A_117 : vector<400x256xf32>
    %get3A_119 = arith.constant 0 : index
    %get3A_120 = arith.constant 0 : index
    %get3A_121 = vector.load %arg4[%get3A_119, %get3A_120] : memref<256x16xf32, #tpu.memory_space<vmem>>, vector<256x16xf32>
    %dot_general3A_122 = arith.constant dense<0.000000e+00> : vector<400x16xf32>
    %dot_general3A_123 = tpu.matmul %mul3A_118, %get3A_121, %dot_general3A_122 {dimension_numbers = #tpu.dot_dimension_numbers<[1], [0], [0], [1], [0, 0, 1, 1], [], []>, transpose_lhs_hint = false} : vector<400x256xf32>, vector<256x16xf32>, vector<400x16xf32> -> vector<400x16xf32>
    %slice3A_124 = vector.extract_strided_slice %get3A_1 {offsets = [0, 112], sizes = [400, 16], strides = [1, 1]} : vector<400x128xf32> to vector<400x16xf32>
    %get3A_125 = arith.constant 0 : index
    %get3A_126 = arith.constant 0 : index
    %get3A_127 = vector.load %arg3[%get3A_125, %get3A_126] : memref<16x256xf32, #tpu.memory_space<vmem>>, vector<16x256xf32>
    %dot_general3A_128 = arith.constant dense<0.000000e+00> : vector<400x256xf32>
    %dot_general3A_129 = tpu.matmul %slice3A_124, %get3A_127, %dot_general3A_128 {dimension_numbers = #tpu.dot_dimension_numbers<[1], [0], [0], [1], [0, 0, 1, 1], [], []>, transpose_lhs_hint = false} : vector<400x16xf32>, vector<16x256xf32>, vector<400x256xf32> -> vector<400x256xf32>
    %get3A_130 = arith.constant 7 : index
    %get3A_131 = arith.constant 0 : index
    %get3A_132 = arith.constant 0 : index
    %get3A_133 = vector.load %arg1[%get3A_130, %get3A_131, %get3A_132] : memref<8x400x256xbf16, #tpu.memory_space<vmem>>, vector<1x400x256xbf16>
    %get3A_134 = vector.shape_cast %get3A_133 : vector<1x400x256xbf16> to vector<400x256xbf16>
    %convert_element_type3A_135 = arith.extf %get3A_134 : vector<400x256xbf16> to vector<400x256xf32>
    %mul3A_136 = arith.mulf %dot_general3A_129, %convert_element_type3A_135 : vector<400x256xf32>
    %get3A_137 = arith.constant 0 : index
    %get3A_138 = arith.constant 0 : index
    %get3A_139 = vector.load %arg4[%get3A_137, %get3A_138] : memref<256x16xf32, #tpu.memory_space<vmem>>, vector<256x16xf32>
    %dot_general3A_140 = arith.constant dense<0.000000e+00> : vector<400x16xf32>
    %dot_general3A_141 = tpu.matmul %mul3A_136, %get3A_139, %dot_general3A_140 {dimension_numbers = #tpu.dot_dimension_numbers<[1], [0], [0], [1], [0, 0, 1, 1], [], []>, transpose_lhs_hint = false} : vector<400x256xf32>, vector<256x16xf32>, vector<400x16xf32> -> vector<400x16xf32>
    %concatenate3A = tpu.concatenate %dot_general3A_15, %dot_general3A_33, %dot_general3A_51, %dot_general3A_69, %dot_general3A_87, %dot_general3A_105, %dot_general3A_123, %dot_general3A_141 in 1 : vector<400x16xf32>, vector<400x16xf32>, vector<400x16xf32>, vector<400x16xf32>, vector<400x16xf32>, vector<400x16xf32>, vector<400x16xf32>, vector<400x16xf32> -> vector<400x128xf32>
    %swap3A = arith.constant 0 : index
    %swap3A_142 = arith.constant 0 : index
    %swap3A_143 = vector.load %arg5[%swap3A, %swap3A_142] : memref<400x128xf32, #tpu.memory_space<vmem>>, vector<400x128xf32>
    tpu.vector_store %arg5[%swap3A, %swap3A_142], %concatenate3A {strides = array<i32>} : memref<400x128xf32, #tpu.memory_space<vmem>>, vector<400x128xf32>,
    return
  }
  func.func @transform_0(%arg0: i32) -> (i32, i32, i32) {
    %c0_i32 = arith.constant 0 : i32
    %c0_i32_0 = arith.constant 0 : i32
    %c0_i32_1 = arith.constant 0 : i32
    return %c0_i32, %arg0, %c0_i32_0 : i32, i32, i32
  }
  func.func @transform_1(%arg0: i32) -> (i32, i32) {
    %c0_i32 = arith.constant 0 : i32
    %c0_i32_0 = arith.constant 0 : i32
    return %arg0, %c0_i32 : i32, i32
  }
  func.func @transform_2(%arg0: i32) -> (i32, i32) {
    %c0_i32 = arith.constant 0 : i32
    %c0_i32_0 = arith.constant 0 : i32
    %c0_i32_1 = arith.constant 0 : i32
    return %c0_i32, %c0_i32_0 : i32, i32
  }
  func.func @transform_3(%arg0: i32) -> (i32, i32) {
    %c0_i32 = arith.constant 0 : i32
    %c0_i32_0 = arith.constant 0 : i32
    %c0_i32_1 = arith.constant 0 : i32
    return %c0_i32, %c0_i32_0 : i32, i32
  }
  func.func @transform_4(%arg0: i32) -> (i32, i32) {
    %c0_i32 = arith.constant 0 : i32
    %c0_i32_0 = arith.constant 0 : i32
    return %arg0, %c0_i32 : i32, i32
  }
}

module attributes {stable_mosaic.version = 14 : i64} {
  func.func @_gru_body(%arg0: i32, %arg1: memref<2x1250x128xf32, #tpu.memory_space<vmem>>, %arg2: memref<1250x128xf32, #tpu.memory_space<vmem>>, %arg3: memref<1x128xf32, #tpu.memory_space<vmem>>, %arg4: memref<128x384xf32, #tpu.memory_space<vmem>>, %arg5: memref<128x384xf32, #tpu.memory_space<vmem>>, %arg6: memref<1x384xf32, #tpu.memory_space<vmem>>, %arg7: memref<1x384xf32, #tpu.memory_space<vmem>>, %arg8: memref<384x128xf32, #tpu.memory_space<vmem>>, %arg9: memref<384x128xf32, #tpu.memory_space<vmem>>, %arg10: memref<384x128xf32, #tpu.memory_space<vmem>>, %arg11: memref<1250x128xf32, #tpu.memory_space<vmem>>) attributes {dimension_semantics = [#tpu.dimension_semantics<arbitrary>], iteration_bounds = array<i64: 1>, scalar_prefetch = 0 : i64, scratch_operands = 0 : i64, tpu.core_type = #tpu.core_type<tc>, window_params = [{pipeline_mode = #tpu.pipeline_mode<synchronous>, transform_indices = @transform_0, window_bounds = array<i64: 2, 1250, 128>}, {pipeline_mode = #tpu.pipeline_mode<synchronous>, transform_indices = @transform_1, window_bounds = array<i64: 1250, 128>}, {pipeline_mode = #tpu.pipeline_mode<synchronous>, transform_indices = @transform_2, window_bounds = array<i64: 1, 128>}, {pipeline_mode = #tpu.pipeline_mode<synchronous>, transform_indices = @transform_3, window_bounds = array<i64: 128, 384>}, {pipeline_mode = #tpu.pipeline_mode<synchronous>, transform_indices = @transform_4, window_bounds = array<i64: 128, 384>}, {pipeline_mode = #tpu.pipeline_mode<synchronous>, transform_indices = @transform_5, window_bounds = array<i64: 1, 384>}, {pipeline_mode = #tpu.pipeline_mode<synchronous>, transform_indices = @transform_6, window_bounds = array<i64: 1, 384>}, {pipeline_mode = #tpu.pipeline_mode<synchronous>, transform_indices = @transform_7, window_bounds = array<i64: 384, 128>}, {pipeline_mode = #tpu.pipeline_mode<synchronous>, transform_indices = @transform_8, window_bounds = array<i64: 384, 128>}, {pipeline_mode = #tpu.pipeline_mode<synchronous>, transform_indices = @transform_9, window_bounds = array<i64: 384, 128>}, {pipeline_mode = #tpu.pipeline_mode<synchronous>, transform_indices = @transform_10, window_bounds = array<i64: 1250, 128>}]} {
    %get3A = arith.constant 0 : index
    %get3A_0 = arith.constant 0 : index
    %get3A_1 = arith.constant 0 : index
    %get3A_2 = vector.load %arg1[%get3A, %get3A_0, %get3A_1] : memref<2x1250x128xf32, #tpu.memory_space<vmem>>, vector<1x1250x128xf32>
    %get3A_3 = vector.shape_cast %get3A_2 : vector<1x1250x128xf32> to vector<1250x128xf32>
    %get3A_4 = arith.constant 1 : index
    %get3A_5 = arith.constant 0 : index
    %get3A_6 = arith.constant 0 : index
    %get3A_7 = vector.load %arg1[%get3A_4, %get3A_5, %get3A_6] : memref<2x1250x128xf32, #tpu.memory_space<vmem>>, vector<1x1250x128xf32>
    %get3A_8 = vector.shape_cast %get3A_7 : vector<1x1250x128xf32> to vector<1250x128xf32>
    %add3A = arith.addf %get3A_3, %get3A_8 : vector<1250x128xf32>
    %get3A_9 = arith.constant 0 : index
    %get3A_10 = arith.constant 0 : index
    %get3A_11 = vector.load %arg3[%get3A_9, %get3A_10] : memref<1x128xf32, #tpu.memory_space<vmem>>, vector<1x128xf32>
    %add3A_12 = vector.broadcast %get3A_11 : vector<1x128xf32> to vector<1250x128xf32>
    %add3A_13 = arith.addf %add3A, %add3A_12 : vector<1250x128xf32>
    %max3A = arith.constant 0.000000e+00 : f32
    %max3A_14 = vector.broadcast %max3A : f32 to vector<1250x128xf32>
    %max3A_15 = arith.maximumf %add3A_13, %max3A_14 : vector<1250x128xf32>
    %get3A_16 = arith.constant 0 : index
    %get3A_17 = arith.constant 0 : index
    %get3A_18 = vector.load %arg2[%get3A_16, %get3A_17] : memref<1250x128xf32, #tpu.memory_space<vmem>>, vector<1250x128xf32>
    %get3A_19 = arith.constant 0 : index
    %get3A_20 = arith.constant 0 : index
    %get3A_21 = vector.load %arg4[%get3A_19, %get3A_20] : memref<128x384xf32, #tpu.memory_space<vmem>>, vector<128x384xf32>
    %dot_general3A = arith.constant dense<0.000000e+00> : vector<1250x384xf32>
    %dot_general3A_22 = tpu.matmul %max3A_15, %get3A_21, %dot_general3A {dimension_numbers = #tpu.dot_dimension_numbers<[1], [0], [0], [1], [0, 0, 1, 1], [], []>, transpose_lhs_hint = false} : vector<1250x128xf32>, vector<128x384xf32>, vector<1250x384xf32> -> vector<1250x384xf32>
    %get3A_23 = arith.constant 0 : index
    %get3A_24 = arith.constant 0 : index
    %get3A_25 = vector.load %arg6[%get3A_23, %get3A_24] : memref<1x384xf32, #tpu.memory_space<vmem>>, vector<1x384xf32>
    %add3A_26 = vector.broadcast %get3A_25 : vector<1x384xf32> to vector<1250x384xf32>
    %add3A_27 = arith.addf %dot_general3A_22, %add3A_26 : vector<1250x384xf32>
    %get3A_28 = arith.constant 0 : index
    %get3A_29 = arith.constant 0 : index
    %get3A_30 = vector.load %arg5[%get3A_28, %get3A_29] : memref<128x384xf32, #tpu.memory_space<vmem>>, vector<128x384xf32>
    %dot_general3A_31 = arith.constant dense<0.000000e+00> : vector<1250x384xf32>
    %dot_general3A_32 = tpu.matmul %get3A_18, %get3A_30, %dot_general3A_31 {dimension_numbers = #tpu.dot_dimension_numbers<[1], [0], [0], [1], [0, 0, 1, 1], [], []>, transpose_lhs_hint = false} : vector<1250x128xf32>, vector<128x384xf32>, vector<1250x384xf32> -> vector<1250x384xf32>
    %get3A_33 = arith.constant 0 : index
    %get3A_34 = arith.constant 0 : index
    %get3A_35 = vector.load %arg7[%get3A_33, %get3A_34] : memref<1x384xf32, #tpu.memory_space<vmem>>, vector<1x384xf32>
    %add3A_36 = vector.broadcast %get3A_35 : vector<1x384xf32> to vector<1250x384xf32>
    %add3A_37 = arith.addf %dot_general3A_32, %add3A_36 : vector<1250x384xf32>
    %add3A_38 = arith.addf %add3A_27, %add3A_37 : vector<1250x384xf32>
    %get3A_39 = arith.constant 0 : index
    %get3A_40 = arith.constant 0 : index
    %get3A_41 = vector.load %arg8[%get3A_39, %get3A_40] : memref<384x128xf32, #tpu.memory_space<vmem>>, vector<384x128xf32>
    %dot_general3A_42 = arith.constant dense<0.000000e+00> : vector<1250x128xf32>
    %dot_general3A_43 = tpu.matmul %add3A_38, %get3A_41, %dot_general3A_42 {dimension_numbers = #tpu.dot_dimension_numbers<[1], [0], [0], [1], [0, 0, 1, 1], [], []>, transpose_lhs_hint = false} : vector<1250x384xf32>, vector<384x128xf32>, vector<1250x128xf32> -> vector<1250x128xf32>
    %logistic3A = arith.negf %dot_general3A_43 : vector<1250x128xf32>
    %logistic3A_44 = math.exp %logistic3A : vector<1250x128xf32>
    %logistic3A_45 = arith.constant 1.000000e+00 : f32
    %logistic3A_46 = vector.broadcast %logistic3A_45 : f32 to vector<1250x128xf32>
    %logistic3A_47 = arith.addf %logistic3A_46, %logistic3A_44 : vector<1250x128xf32>
    %logistic3A_48 = arith.divf %logistic3A_46, %logistic3A_47 : vector<1250x128xf32>
    %get3A_49 = arith.constant 0 : index
    %get3A_50 = arith.constant 0 : index
    %get3A_51 = vector.load %arg9[%get3A_49, %get3A_50] : memref<384x128xf32, #tpu.memory_space<vmem>>, vector<384x128xf32>
    %dot_general3A_52 = arith.constant dense<0.000000e+00> : vector<1250x128xf32>
    %dot_general3A_53 = tpu.matmul %add3A_38, %get3A_51, %dot_general3A_52 {dimension_numbers = #tpu.dot_dimension_numbers<[1], [0], [0], [1], [0, 0, 1, 1], [], []>, transpose_lhs_hint = false} : vector<1250x384xf32>, vector<384x128xf32>, vector<1250x128xf32> -> vector<1250x128xf32>
    %logistic3A_54 = arith.negf %dot_general3A_53 : vector<1250x128xf32>
    %logistic3A_55 = math.exp %logistic3A_54 : vector<1250x128xf32>
    %logistic3A_56 = arith.constant 1.000000e+00 : f32
    %logistic3A_57 = vector.broadcast %logistic3A_56 : f32 to vector<1250x128xf32>
    %logistic3A_58 = arith.addf %logistic3A_57, %logistic3A_55 : vector<1250x128xf32>
    %logistic3A_59 = arith.divf %logistic3A_57, %logistic3A_58 : vector<1250x128xf32>
    %get3A_60 = arith.constant 0 : index
    %get3A_61 = arith.constant 0 : index
    %get3A_62 = vector.load %arg10[%get3A_60, %get3A_61] : memref<384x128xf32, #tpu.memory_space<vmem>>, vector<384x128xf32>
    %dot_general3A_63 = arith.constant dense<0.000000e+00> : vector<1250x128xf32>
    %dot_general3A_64 = tpu.matmul %add3A_27, %get3A_62, %dot_general3A_63 {dimension_numbers = #tpu.dot_dimension_numbers<[1], [0], [0], [1], [0, 0, 1, 1], [], []>, transpose_lhs_hint = false} : vector<1250x384xf32>, vector<384x128xf32>, vector<1250x128xf32> -> vector<1250x128xf32>
    %get3A_65 = arith.constant 0 : index
    %get3A_66 = arith.constant 0 : index
    %get3A_67 = vector.load %arg10[%get3A_65, %get3A_66] : memref<384x128xf32, #tpu.memory_space<vmem>>, vector<384x128xf32>
    %dot_general3A_68 = arith.constant dense<0.000000e+00> : vector<1250x128xf32>
    %dot_general3A_69 = tpu.matmul %add3A_37, %get3A_67, %dot_general3A_68 {dimension_numbers = #tpu.dot_dimension_numbers<[1], [0], [0], [1], [0, 0, 1, 1], [], []>, transpose_lhs_hint = false} : vector<1250x384xf32>, vector<384x128xf32>, vector<1250x128xf32> -> vector<1250x128xf32>
    %mul3A = arith.mulf %logistic3A_48, %dot_general3A_69 : vector<1250x128xf32>
    %add3A_70 = arith.addf %dot_general3A_64, %mul3A : vector<1250x128xf32>
    %tanh3A = math.tanh %add3A_70 : vector<1250x128xf32>
    %sub3A = arith.constant 1.000000e+00 : f32
    %sub3A_71 = vector.broadcast %sub3A : f32 to vector<1250x128xf32>
    %sub3A_72 = arith.subf %sub3A_71, %logistic3A_59 : vector<1250x128xf32>
    %mul3A_73 = arith.mulf %sub3A_72, %tanh3A : vector<1250x128xf32>
    %mul3A_74 = arith.mulf %logistic3A_59, %get3A_18 : vector<1250x128xf32>
    %add3A_75 = arith.addf %mul3A_73, %mul3A_74 : vector<1250x128xf32>
    %swap3A = arith.constant 0 : index
    %swap3A_76 = arith.constant 0 : index
    %swap3A_77 = vector.load %arg11[%swap3A, %swap3A_76] : memref<1250x128xf32, #tpu.memory_space<vmem>>, vector<1250x128xf32>
    tpu.vector_store %arg11[%swap3A, %swap3A_76], %add3A_75 {strides = array<i32>} : memref<1250x128xf32, #tpu.memory_space<vmem>>, vector<1250x128xf32>,
    return
  }
  func.func @transform_0(%arg0: i32) -> (i32, i32, i32) {
    %c0_i32 = arith.constant 0 : i32
    %c0_i32_0 = arith.constant 0 : i32
    %c0_i32_1 = arith.constant 0 : i32
    %c0_i32_2 = arith.constant 0 : i32
    return %c0_i32, %c0_i32_0, %c0_i32_1 : i32, i32, i32
  }
  func.func @transform_1(%arg0: i32) -> (i32, i32) {
    %c0_i32 = arith.constant 0 : i32
    %c0_i32_0 = arith.constant 0 : i32
    %c0_i32_1 = arith.constant 0 : i32
    return %c0_i32, %c0_i32_0 : i32, i32
  }
  func.func @transform_2(%arg0: i32) -> (i32, i32) {
    %c0_i32 = arith.constant 0 : i32
    %c0_i32_0 = arith.constant 0 : i32
    %c0_i32_1 = arith.constant 0 : i32
    return %c0_i32, %c0_i32_0 : i32, i32
  }
  func.func @transform_3(%arg0: i32) -> (i32, i32) {
    %c0_i32 = arith.constant 0 : i32
    %c0_i32_0 = arith.constant 0 : i32
    %c0_i32_1 = arith.constant 0 : i32
    return %c0_i32, %c0_i32_0 : i32, i32
  }
  func.func @transform_4(%arg0: i32) -> (i32, i32) {
    %c0_i32 = arith.constant 0 : i32
    %c0_i32_0 = arith.constant 0 : i32
    %c0_i32_1 = arith.constant 0 : i32
    return %c0_i32, %c0_i32_0 : i32, i32
  }
  func.func @transform_5(%arg0: i32) -> (i32, i32) {
    %c0_i32 = arith.constant 0 : i32
    %c0_i32_0 = arith.constant 0 : i32
    %c0_i32_1 = arith.constant 0 : i32
    return %c0_i32, %c0_i32_0 : i32, i32
  }
  func.func @transform_6(%arg0: i32) -> (i32, i32) {
    %c0_i32 = arith.constant 0 : i32
    %c0_i32_0 = arith.constant 0 : i32
    %c0_i32_1 = arith.constant 0 : i32
    return %c0_i32, %c0_i32_0 : i32, i32
  }
  func.func @transform_7(%arg0: i32) -> (i32, i32) {
    %c0_i32 = arith.constant 0 : i32
    %c0_i32_0 = arith.constant 0 : i32
    %c0_i32_1 = arith.constant 0 : i32
    return %c0_i32, %c0_i32_0 : i32, i32
  }
  func.func @transform_8(%arg0: i32) -> (i32, i32) {
    %c0_i32 = arith.constant 0 : i32
    %c0_i32_0 = arith.constant 0 : i32
    %c0_i32_1 = arith.constant 0 : i32
    return %c0_i32, %c0_i32_0 : i32, i32
  }
  func.func @transform_9(%arg0: i32) -> (i32, i32) {
    %c0_i32 = arith.constant 0 : i32
    %c0_i32_0 = arith.constant 0 : i32
    %c0_i32_1 = arith.constant 0 : i32
    return %c0_i32, %c0_i32_0 : i32, i32
  }
  func.func @transform_10(%arg0: i32) -> (i32, i32) {
    %c0_i32 = arith.constant 0 : i32
    %c0_i32_0 = arith.constant 0 : i32
    %c0_i32_1 = arith.constant 0 : i32
    return %c0_i32, %c0_i32_0 : i32, i32
  }
}

module attributes {stable_mosaic.version = 14 : i64} {
  func.func @_s2s_body(%arg0: i32, %arg1: memref<1250x128xf32, #tpu.memory_space<vmem>>, %arg2: memref<16x128xf32, #tpu.memory_space<vmem>>, %arg3: memref<128x128xf32, #tpu.memory_space<vmem>>, %arg4: memref<128x16xf32, #tpu.memory_space<vmem>>, %arg5: memref<32x64xf32, #tpu.memory_space<vmem>>, %arg6: memref<2x16x64xf32, #tpu.memory_space<vmem>>, %arg7: memref<3x16x64xf32, #tpu.memory_space<vmem>>, %arg8: memref<3x1x64xf32, #tpu.memory_space<vmem>>, %arg9: memref<3x1x64xf32, #tpu.memory_space<vmem>>, %arg10: memref<32x16xf32, #tpu.memory_space<vmem>>, %arg11: memref<1x16xf32, #tpu.memory_space<vmem>>, %arg12: memref<16x1xf32, #tpu.memory_space<vmem>>, %arg13: memref<1x1xf32, #tpu.memory_space<vmem>>, %arg14: memref<1x1xf32, #tpu.memory_space<vmem>>) attributes {dimension_semantics = [#tpu.dimension_semantics<arbitrary>], iteration_bounds = array<i64: 1>, scalar_prefetch = 0 : i64, scratch_operands = 0 : i64, tpu.core_type = #tpu.core_type<tc>, window_params = [{pipeline_mode = #tpu.pipeline_mode<synchronous>, transform_indices = @transform_0, window_bounds = array<i64: 1250, 128>}, {pipeline_mode = #tpu.pipeline_mode<synchronous>, transform_indices = @transform_1, window_bounds = array<i64: 16, 128>}, {pipeline_mode = #tpu.pipeline_mode<synchronous>, transform_indices = @transform_2, window_bounds = array<i64: 128, 128>}, {pipeline_mode = #tpu.pipeline_mode<synchronous>, transform_indices = @transform_3, window_bounds = array<i64: 128, 16>}, {pipeline_mode = #tpu.pipeline_mode<synchronous>, transform_indices = @transform_4, window_bounds = array<i64: 32, 64>}, {pipeline_mode = #tpu.pipeline_mode<synchronous>, transform_indices = @transform_5, window_bounds = array<i64: 2, 16, 64>}, {pipeline_mode = #tpu.pipeline_mode<synchronous>, transform_indices = @transform_6, window_bounds = array<i64: 3, 16, 64>}, {pipeline_mode = #tpu.pipeline_mode<synchronous>, transform_indices = @transform_7, window_bounds = array<i64: 3, 1, 64>}, {pipeline_mode = #tpu.pipeline_mode<synchronous>, transform_indices = @transform_8, window_bounds = array<i64: 3, 1, 64>}, {pipeline_mode = #tpu.pipeline_mode<synchronous>, transform_indices = @transform_9, window_bounds = array<i64: 32, 16>}, {pipeline_mode = #tpu.pipeline_mode<synchronous>, transform_indices = @transform_10, window_bounds = array<i64: 1, 16>}, {pipeline_mode = #tpu.pipeline_mode<synchronous>, transform_indices = @transform_11, window_bounds = array<i64: 16, 1>}, {pipeline_mode = #tpu.pipeline_mode<synchronous>, transform_indices = @transform_12, window_bounds = array<i64: 1, 1>}, {pipeline_mode = #tpu.pipeline_mode<synchronous>, transform_indices = @transform_13, window_bounds = array<i64: 1, 1>}]} {
    %get3A = arith.constant 0 : index
    %get3A_0 = arith.constant 0 : index
    %get3A_1 = vector.load %arg1[%get3A, %get3A_0] : memref<1250x128xf32, #tpu.memory_space<vmem>>, vector<1250x128xf32>
    %broadcast_in_dim3A = arith.constant 0.000000e+00 : f32
    %broadcast_in_dim3A_2 = vector.broadcast %broadcast_in_dim3A : f32 to vector<1x32xf32>
    %broadcast_in_dim3A_3 = arith.constant 0.000000e+00 : f32
    %broadcast_in_dim3A_4 = vector.broadcast %broadcast_in_dim3A_3 : f32 to vector<1x16xf32>
    %broadcast_in_dim3A_5 = arith.constant 0.000000e+00 : f32
    %broadcast_in_dim3A_6 = vector.broadcast %broadcast_in_dim3A_5 : f32 to vector<1x16xf32>
    %broadcast_in_dim3A_7 = arith.constant 0.000000e+00 : f32
    %broadcast_in_dim3A_8 = vector.broadcast %broadcast_in_dim3A_7 : f32 to vector<1x16xf32>
    %broadcast_in_dim3A_9 = arith.constant 0.000000e+00 : f32
    %broadcast_in_dim3A_10 = vector.broadcast %broadcast_in_dim3A_9 : f32 to vector<1x16xf32>
    %broadcast_in_dim3A_11 = arith.constant 0.000000e+00 : f32
    %broadcast_in_dim3A_12 = vector.broadcast %broadcast_in_dim3A_11 : f32 to vector<1x16xf32>
    %broadcast_in_dim3A_13 = arith.constant 0.000000e+00 : f32
    %broadcast_in_dim3A_14 = vector.broadcast %broadcast_in_dim3A_13 : f32 to vector<1x16xf32>
    %get3A_15 = arith.constant 0 : index
    %get3A_16 = arith.constant 0 : index
    %get3A_17 = vector.load %arg5[%get3A_15, %get3A_16] : memref<32x64xf32, #tpu.memory_space<vmem>>, vector<32x64xf32>
    %dot_general3A = arith.constant dense<0.000000e+00> : vector<1x64xf32>
    %dot_general3A_18 = tpu.matmul %broadcast_in_dim3A_2, %get3A_17, %dot_general3A {dimension_numbers = #tpu.dot_dimension_numbers<[1], [0], [0], [1], [0, 0, 1, 1], [], []>, transpose_lhs_hint = false} : vector<1x32xf32>, vector<32x64xf32>, vector<1x64xf32> -> vector<1x64xf32>
    %get3A_19 = arith.constant 0 : index
    %get3A_20 = arith.constant 0 : index
    %get3A_21 = arith.constant 0 : index
    %get3A_22 = vector.load %arg8[%get3A_19, %get3A_20, %get3A_21] : memref<3x1x64xf32, #tpu.memory_space<vmem>>, vector<1x1x64xf32>
    %get3A_23 = vector.shape_cast %get3A_22 : vector<1x1x64xf32> to vector<1x64xf32>
    %add3A = arith.addf %dot_general3A_18, %get3A_23 : vector<1x64xf32>
    %get3A_24 = arith.constant 0 : index
    %get3A_25 = arith.constant 0 : index
    %get3A_26 = arith.constant 0 : index
    %get3A_27 = vector.load %arg7[%get3A_24, %get3A_25, %get3A_26] : memref<3x16x64xf32, #tpu.memory_space<vmem>>, vector<1x16x64xf32>
    %get3A_28 = vector.shape_cast %get3A_27 : vector<1x16x64xf32> to vector<16x64xf32>
    %dot_general3A_29 = arith.constant dense<0.000000e+00> : vector<1x64xf32>
    %dot_general3A_30 = tpu.matmul %broadcast_in_dim3A_4, %get3A_28, %dot_general3A_29 {dimension_numbers = #tpu.dot_dimension_numbers<[1], [0], [0], [1], [0, 0, 1, 1], [], []>, transpose_lhs_hint = false} : vector<1x16xf32>, vector<16x64xf32>, vector<1x64xf32> -> vector<1x64xf32>
    %add3A_31 = arith.addf %add3A, %dot_general3A_30 : vector<1x64xf32>
    %get3A_32 = arith.constant 0 : index
    %get3A_33 = arith.constant 0 : index
    %get3A_34 = arith.constant 0 : index
    %get3A_35 = vector.load %arg9[%get3A_32, %get3A_33, %get3A_34] : memref<3x1x64xf32, #tpu.memory_space<vmem>>, vector<1x1x64xf32>
    %get3A_36 = vector.shape_cast %get3A_35 : vector<1x1x64xf32> to vector<1x64xf32>
    %add3A_37 = arith.addf %add3A_31, %get3A_36 : vector<1x64xf32>
    %slice3A = vector.extract_strided_slice %add3A_37 {offsets = [0, 0], sizes = [1, 16], strides = [1, 1]} : vector<1x64xf32> to vector<1x16xf32>
    %logistic3A = arith.negf %slice3A : vector<1x16xf32>
    %logistic3A_38 = math.exp %logistic3A : vector<1x16xf32>
    %logistic3A_39 = arith.constant 1.000000e+00 : f32
    %logistic3A_40 = vector.broadcast %logistic3A_39 : f32 to vector<1x16xf32>
    %logistic3A_41 = arith.addf %logistic3A_40, %logistic3A_38 : vector<1x16xf32>
    %logistic3A_42 = arith.divf %logistic3A_40, %logistic3A_41 : vector<1x16xf32>
    %slice3A_43 = vector.extract_strided_slice %add3A_37 {offsets = [0, 16], sizes = [1, 16], strides = [1, 1]} : vector<1x64xf32> to vector<1x16xf32>
    %logistic3A_44 = arith.negf %slice3A_43 : vector<1x16xf32>
    %logistic3A_45 = math.exp %logistic3A_44 : vector<1x16xf32>
    %logistic3A_46 = arith.constant 1.000000e+00 : f32
    %logistic3A_47 = vector.broadcast %logistic3A_46 : f32 to vector<1x16xf32>
    %logistic3A_48 = arith.addf %logistic3A_47, %logistic3A_45 : vector<1x16xf32>
    %logistic3A_49 = arith.divf %logistic3A_47, %logistic3A_48 : vector<1x16xf32>
    %slice3A_50 = vector.extract_strided_slice %add3A_37 {offsets = [0, 32], sizes = [1, 16], strides = [1, 1]} : vector<1x64xf32> to vector<1x16xf32>
    %tanh3A = math.tanh %slice3A_50 : vector<1x16xf32>
    %slice3A_51 = vector.extract_strided_slice %add3A_37 {offsets = [0, 48], sizes = [1, 16], strides = [1, 1]} : vector<1x64xf32> to vector<1x16xf32>
    %logistic3A_52 = arith.negf %slice3A_51 : vector<1x16xf32>
    %logistic3A_53 = math.exp %logistic3A_52 : vector<1x16xf32>
    %logistic3A_54 = arith.constant 1.000000e+00 : f32
    %logistic3A_55 = vector.broadcast %logistic3A_54 : f32 to vector<1x16xf32>
    %logistic3A_56 = arith.addf %logistic3A_55, %logistic3A_53 : vector<1x16xf32>
    %logistic3A_57 = arith.divf %logistic3A_55, %logistic3A_56 : vector<1x16xf32>
    %mul3A = arith.mulf %logistic3A_49, %broadcast_in_dim3A_10 : vector<1x16xf32>
    %mul3A_58 = arith.mulf %logistic3A_42, %tanh3A : vector<1x16xf32>
    %add3A_59 = arith.addf %mul3A, %mul3A_58 : vector<1x16xf32>
    %tanh3A_60 = math.tanh %add3A_59 : vector<1x16xf32>
    %mul3A_61 = arith.mulf %logistic3A_57, %tanh3A_60 : vector<1x16xf32>
    %get3A_62 = arith.constant 0 : index
    %get3A_63 = arith.constant 0 : index
    %get3A_64 = arith.constant 0 : index
    %get3A_65 = vector.load %arg6[%get3A_62, %get3A_63, %get3A_64] : memref<2x16x64xf32, #tpu.memory_space<vmem>>, vector<1x16x64xf32>
    %get3A_66 = vector.shape_cast %get3A_65 : vector<1x16x64xf32> to vector<16x64xf32>
    %dot_general3A_67 = arith.constant dense<0.000000e+00> : vector<1x64xf32>
    %dot_general3A_68 = tpu.matmul %mul3A_61, %get3A_66, %dot_general3A_67 {dimension_numbers = #tpu.dot_dimension_numbers<[1], [0], [0], [1], [0, 0, 1, 1], [], []>, transpose_lhs_hint = false} : vector<1x16xf32>, vector<16x64xf32>, vector<1x64xf32> -> vector<1x64xf32>
    %get3A_69 = arith.constant 1 : index
    %get3A_70 = arith.constant 0 : index
    %get3A_71 = arith.constant 0 : index
    %get3A_72 = vector.load %arg8[%get3A_69, %get3A_70, %get3A_71] : memref<3x1x64xf32, #tpu.memory_space<vmem>>, vector<1x1x64xf32>
    %get3A_73 = vector.shape_cast %get3A_72 : vector<1x1x64xf32> to vector<1x64xf32>
    %add3A_74 = arith.addf %dot_general3A_68, %get3A_73 : vector<1x64xf32>
    %get3A_75 = arith.constant 1 : index
    %get3A_76 = arith.constant 0 : index
    %get3A_77 = arith.constant 0 : index
    %get3A_78 = vector.load %arg7[%get3A_75, %get3A_76, %get3A_77] : memref<3x16x64xf32, #tpu.memory_space<vmem>>, vector<1x16x64xf32>
    %get3A_79 = vector.shape_cast %get3A_78 : vector<1x16x64xf32> to vector<16x64xf32>
    %dot_general3A_80 = arith.constant dense<0.000000e+00> : vector<1x64xf32>
    %dot_general3A_81 = tpu.matmul %broadcast_in_dim3A_6, %get3A_79, %dot_general3A_80 {dimension_numbers = #tpu.dot_dimension_numbers<[1], [0], [0], [1], [0, 0, 1, 1], [], []>, transpose_lhs_hint = false} : vector<1x16xf32>, vector<16x64xf32>, vector<1x64xf32> -> vector<1x64xf32>
    %add3A_82 = arith.addf %add3A_74, %dot_general3A_81 : vector<1x64xf32>
    %get3A_83 = arith.constant 1 : index
    %get3A_84 = arith.constant 0 : index
    %get3A_85 = arith.constant 0 : index
    %get3A_86 = vector.load %arg9[%get3A_83, %get3A_84, %get3A_85] : memref<3x1x64xf32, #tpu.memory_space<vmem>>, vector<1x1x64xf32>
    %get3A_87 = vector.shape_cast %get3A_86 : vector<1x1x64xf32> to vector<1x64xf32>
    %add3A_88 = arith.addf %add3A_82, %get3A_87 : vector<1x64xf32>
    %slice3A_89 = vector.extract_strided_slice %add3A_88 {offsets = [0, 0], sizes = [1, 16], strides = [1, 1]} : vector<1x64xf32> to vector<1x16xf32>
    %logistic3A_90 = arith.negf %slice3A_89 : vector<1x16xf32>
    %logistic3A_91 = math.exp %logistic3A_90 : vector<1x16xf32>
    %logistic3A_92 = arith.constant 1.000000e+00 : f32
    %logistic3A_93 = vector.broadcast %logistic3A_92 : f32 to vector<1x16xf32>
    %logistic3A_94 = arith.addf %logistic3A_93, %logistic3A_91 : vector<1x16xf32>
    %logistic3A_95 = arith.divf %logistic3A_93, %logistic3A_94 : vector<1x16xf32>
    %slice3A_96 = vector.extract_strided_slice %add3A_88 {offsets = [0, 16], sizes = [1, 16], strides = [1, 1]} : vector<1x64xf32> to vector<1x16xf32>
    %logistic3A_97 = arith.negf %slice3A_96 : vector<1x16xf32>
    %logistic3A_98 = math.exp %logistic3A_97 : vector<1x16xf32>
    %logistic3A_99 = arith.constant 1.000000e+00 : f32
    %logistic3A_100 = vector.broadcast %logistic3A_99 : f32 to vector<1x16xf32>
    %logistic3A_101 = arith.addf %logistic3A_100, %logistic3A_98 : vector<1x16xf32>
    %logistic3A_102 = arith.divf %logistic3A_100, %logistic3A_101 : vector<1x16xf32>
    %slice3A_103 = vector.extract_strided_slice %add3A_88 {offsets = [0, 32], sizes = [1, 16], strides = [1, 1]} : vector<1x64xf32> to vector<1x16xf32>
    %tanh3A_104 = math.tanh %slice3A_103 : vector<1x16xf32>
    %slice3A_105 = vector.extract_strided_slice %add3A_88 {offsets = [0, 48], sizes = [1, 16], strides = [1, 1]} : vector<1x64xf32> to vector<1x16xf32>
    %logistic3A_106 = arith.negf %slice3A_105 : vector<1x16xf32>
    %logistic3A_107 = math.exp %logistic3A_106 : vector<1x16xf32>
    %logistic3A_108 = arith.constant 1.000000e+00 : f32
    %logistic3A_109 = vector.broadcast %logistic3A_108 : f32 to vector<1x16xf32>
    %logistic3A_110 = arith.addf %logistic3A_109, %logistic3A_107 : vector<1x16xf32>
    %logistic3A_111 = arith.divf %logistic3A_109, %logistic3A_110 : vector<1x16xf32>
    %mul3A_112 = arith.mulf %logistic3A_102, %broadcast_in_dim3A_12 : vector<1x16xf32>
    %mul3A_113 = arith.mulf %logistic3A_95, %tanh3A_104 : vector<1x16xf32>
    %add3A_114 = arith.addf %mul3A_112, %mul3A_113 : vector<1x16xf32>
    %tanh3A_115 = math.tanh %add3A_114 : vector<1x16xf32>
    %mul3A_116 = arith.mulf %logistic3A_111, %tanh3A_115 : vector<1x16xf32>
    %get3A_117 = arith.constant 1 : index
    %get3A_118 = arith.constant 0 : index
    %get3A_119 = arith.constant 0 : index
    %get3A_120 = vector.load %arg6[%get3A_117, %get3A_118, %get3A_119] : memref<2x16x64xf32, #tpu.memory_space<vmem>>, vector<1x16x64xf32>
    %get3A_121 = vector.shape_cast %get3A_120 : vector<1x16x64xf32> to vector<16x64xf32>
    %dot_general3A_122 = arith.constant dense<0.000000e+00> : vector<1x64xf32>
    %dot_general3A_123 = tpu.matmul %mul3A_116, %get3A_121, %dot_general3A_122 {dimension_numbers = #tpu.dot_dimension_numbers<[1], [0], [0], [1], [0, 0, 1, 1], [], []>, transpose_lhs_hint = false} : vector<1x16xf32>, vector<16x64xf32>, vector<1x64xf32> -> vector<1x64xf32>
    %get3A_124 = arith.constant 2 : index
    %get3A_125 = arith.constant 0 : index
    %get3A_126 = arith.constant 0 : index
    %get3A_127 = vector.load %arg8[%get3A_124, %get3A_125, %get3A_126] : memref<3x1x64xf32, #tpu.memory_space<vmem>>, vector<1x1x64xf32>
    %get3A_128 = vector.shape_cast %get3A_127 : vector<1x1x64xf32> to vector<1x64xf32>
    %add3A_129 = arith.addf %dot_general3A_123, %get3A_128 : vector<1x64xf32>
    %get3A_130 = arith.constant 2 : index
    %get3A_131 = arith.constant 0 : index
    %get3A_132 = arith.constant 0 : index
    %get3A_133 = vector.load %arg7[%get3A_130, %get3A_131, %get3A_132] : memref<3x16x64xf32, #tpu.memory_space<vmem>>, vector<1x16x64xf32>
    %get3A_134 = vector.shape_cast %get3A_133 : vector<1x16x64xf32> to vector<16x64xf32>
    %dot_general3A_135 = arith.constant dense<0.000000e+00> : vector<1x64xf32>
    %dot_general3A_136 = tpu.matmul %broadcast_in_dim3A_8, %get3A_134, %dot_general3A_135 {dimension_numbers = #tpu.dot_dimension_numbers<[1], [0], [0], [1], [0, 0, 1, 1], [], []>, transpose_lhs_hint = false} : vector<1x16xf32>, vector<16x64xf32>, vector<1x64xf32> -> vector<1x64xf32>
    %add3A_137 = arith.addf %add3A_129, %dot_general3A_136 : vector<1x64xf32>
    %get3A_138 = arith.constant 2 : index
    %get3A_139 = arith.constant 0 : index
    %get3A_140 = arith.constant 0 : index
    %get3A_141 = vector.load %arg9[%get3A_138, %get3A_139, %get3A_140] : memref<3x1x64xf32, #tpu.memory_space<vmem>>, vector<1x1x64xf32>
    %get3A_142 = vector.shape_cast %get3A_141 : vector<1x1x64xf32> to vector<1x64xf32>
    %add3A_143 = arith.addf %add3A_137, %get3A_142 : vector<1x64xf32>
    %slice3A_144 = vector.extract_strided_slice %add3A_143 {offsets = [0, 0], sizes = [1, 16], strides = [1, 1]} : vector<1x64xf32> to vector<1x16xf32>
    %logistic3A_145 = arith.negf %slice3A_144 : vector<1x16xf32>
    %logistic3A_146 = math.exp %logistic3A_145 : vector<1x16xf32>
    %logistic3A_147 = arith.constant 1.000000e+00 : f32
    %logistic3A_148 = vector.broadcast %logistic3A_147 : f32 to vector<1x16xf32>
    %logistic3A_149 = arith.addf %logistic3A_148, %logistic3A_146 : vector<1x16xf32>
    %logistic3A_150 = arith.divf %logistic3A_148, %logistic3A_149 : vector<1x16xf32>
    %slice3A_151 = vector.extract_strided_slice %add3A_143 {offsets = [0, 16], sizes = [1, 16], strides = [1, 1]} : vector<1x64xf32> to vector<1x16xf32>
    %logistic3A_152 = arith.negf %slice3A_151 : vector<1x16xf32>
    %logistic3A_153 = math.exp %logistic3A_152 : vector<1x16xf32>
    %logistic3A_154 = arith.constant 1.000000e+00 : f32
    %logistic3A_155 = vector.broadcast %logistic3A_154 : f32 to vector<1x16xf32>
    %logistic3A_156 = arith.addf %logistic3A_155, %logistic3A_153 : vector<1x16xf32>
    %logistic3A_157 = arith.divf %logistic3A_155, %logistic3A_156 : vector<1x16xf32>
    %slice3A_158 = vector.extract_strided_slice %add3A_143 {offsets = [0, 32], sizes = [1, 16], strides = [1, 1]} : vector<1x64xf32> to vector<1x16xf32>
    %tanh3A_159 = math.tanh %slice3A_158 : vector<1x16xf32>
    %slice3A_160 = vector.extract_strided_slice %add3A_143 {offsets = [0, 48], sizes = [1, 16], strides = [1, 1]} : vector<1x64xf32> to vector<1x16xf32>
    %logistic3A_161 = arith.negf %slice3A_160 : vector<1x16xf32>
    %logistic3A_162 = math.exp %logistic3A_161 : vector<1x16xf32>
    %logistic3A_163 = arith.constant 1.000000e+00 : f32
    %logistic3A_164 = vector.broadcast %logistic3A_163 : f32 to vector<1x16xf32>
    %logistic3A_165 = arith.addf %logistic3A_164, %logistic3A_162 : vector<1x16xf32>
    %logistic3A_166 = arith.divf %logistic3A_164, %logistic3A_165 : vector<1x16xf32>
    %mul3A_167 = arith.mulf %logistic3A_157, %broadcast_in_dim3A_14 : vector<1x16xf32>
    %mul3A_168 = arith.mulf %logistic3A_150, %tanh3A_159 : vector<1x16xf32>
    %add3A_169 = arith.addf %mul3A_167, %mul3A_168 : vector<1x16xf32>
    %tanh3A_170 = math.tanh %add3A_169 : vector<1x16xf32>
    %mul3A_171 = arith.mulf %logistic3A_166, %tanh3A_170 : vector<1x16xf32>
    %get3A_172 = arith.constant 0 : index
    %get3A_173 = arith.constant 0 : index
    %get3A_174 = vector.load %arg2[%get3A_172, %get3A_173] : memref<16x128xf32, #tpu.memory_space<vmem>>, vector<16x128xf32>
    %dot_general3A_175 = arith.constant dense<0.000000e+00> : vector<1x128xf32>
    %dot_general3A_176 = tpu.matmul %mul3A_171, %get3A_174, %dot_general3A_175 {dimension_numbers = #tpu.dot_dimension_numbers<[1], [0], [0], [1], [0, 0, 1, 1], [], []>, transpose_lhs_hint = false} : vector<1x16xf32>, vector<16x128xf32>, vector<1x128xf32> -> vector<1x128xf32>
    %mul3A_177 = vector.broadcast %dot_general3A_176 : vector<1x128xf32> to vector<1250x128xf32>
    %mul3A_178 = arith.mulf %get3A_1, %mul3A_177 : vector<1250x128xf32>
    %get3A_179 = arith.constant 0 : index
    %get3A_180 = arith.constant 0 : index
    %get3A_181 = vector.load %arg3[%get3A_179, %get3A_180] : memref<128x128xf32, #tpu.memory_space<vmem>>, vector<128x128xf32>
    %dot_general3A_182 = arith.constant dense<0.000000e+00> : vector<1250x128xf32>
    %dot_general3A_183 = tpu.matmul %mul3A_178, %get3A_181, %dot_general3A_182 {dimension_numbers = #tpu.dot_dimension_numbers<[1], [0], [0], [1], [0, 0, 1, 1], [], []>, transpose_lhs_hint = false} : vector<1250x128xf32>, vector<128x128xf32>, vector<1250x128xf32> -> vector<1250x128xf32>
    %reduce_max3A = vector.shape_cast %dot_general3A_183 : vector<1250x128xf32> to vector<1x1250x128xf32>
    %reduce_max3A_184 = arith.constant dense<0xFF800000> : vector<1xf32>
    %reduce_max3A_185 = vector.multi_reduction <maximumf>, %reduce_max3A, %reduce_max3A_184 [1, 2] : vector<1x1250x128xf32> to vector<1xf32>
    %reduce_max3A_186 = vector.shape_cast %reduce_max3A_185 : vector<1xf32> to vector<1x1x1xf32>
    %reduce_max3A_187 = vector.extract %reduce_max3A_186[0, 0, 0] : f32 from vector<1x1x1xf32>
    %sub3A = vector.broadcast %reduce_max3A_187 : f32 to vector<1250x128xf32>
    %sub3A_188 = arith.subf %dot_general3A_183, %sub3A : vector<1250x128xf32>
    %exp3A = math.exp %sub3A_188 : vector<1250x128xf32>
    %reduce_sum3A = vector.shape_cast %exp3A : vector<1250x128xf32> to vector<1x1250x128xf32>
    %reduce_sum3A_189 = arith.constant dense<0.000000e+00> : vector<1xf32>
    %reduce_sum3A_190 = vector.multi_reduction <add>, %reduce_sum3A, %reduce_sum3A_189 [1, 2] : vector<1x1250x128xf32> to vector<1xf32>
    %reduce_sum3A_191 = vector.shape_cast %reduce_sum3A_190 : vector<1xf32> to vector<1x1x1xf32>
    %reduce_sum3A_192 = vector.extract %reduce_sum3A_191[0, 0, 0] : f32 from vector<1x1x1xf32>
    %mul3A_193 = arith.constant 6.250000e-02 : f32
    %mul3A_194 = arith.mulf %reduce_sum3A_192, %mul3A_193 : f32
    %div3A = vector.broadcast %mul3A_194 : f32 to vector<1250x128xf32>
    %div3A_195 = arith.divf %exp3A, %div3A : vector<1250x128xf32>
    %mul3A_196 = arith.mulf %div3A_195, %get3A_1 : vector<1250x128xf32>
    %reduce_sum3A_197 = arith.constant dense<0.000000e+00> : vector<128xf32>
    %reduce_sum3A_198 = vector.multi_reduction <add>, %mul3A_196, %reduce_sum3A_197 [0] : vector<1250x128xf32> to vector<128xf32>
    %broadcast_in_dim3A_199 = vector.shape_cast %reduce_sum3A_198 : vector<128xf32> to vector<1x128xf32>
    %get3A_200 = arith.constant 0 : index
    %get3A_201 = arith.constant 0 : index
    %get3A_202 = vector.load %arg4[%get3A_200, %get3A_201] : memref<128x16xf32, #tpu.memory_space<vmem>>, vector<128x16xf32>
    %dot_general3A_203 = arith.constant dense<0.000000e+00> : vector<1x16xf32>
    %dot_general3A_204 = tpu.matmul %broadcast_in_dim3A_199, %get3A_202, %dot_general3A_203 {dimension_numbers = #tpu.dot_dimension_numbers<[1], [0], [0], [1], [0, 0, 1, 1], [], []>, transpose_lhs_hint = false} : vector<1x128xf32>, vector<128x16xf32>, vector<1x16xf32> -> vector<1x16xf32>
    %concatenate3A = tpu.concatenate %mul3A_171, %dot_general3A_204 in 1 : vector<1x16xf32>, vector<1x16xf32> -> vector<1x32xf32>
    %get3A_205 = arith.constant 0 : index
    %get3A_206 = arith.constant 0 : index
    %get3A_207 = vector.load %arg5[%get3A_205, %get3A_206] : memref<32x64xf32, #tpu.memory_space<vmem>>, vector<32x64xf32>
    %dot_general3A_208 = arith.constant dense<0.000000e+00> : vector<1x64xf32>
    %dot_general3A_209 = tpu.matmul %concatenate3A, %get3A_207, %dot_general3A_208 {dimension_numbers = #tpu.dot_dimension_numbers<[1], [0], [0], [1], [0, 0, 1, 1], [], []>, transpose_lhs_hint = false} : vector<1x32xf32>, vector<32x64xf32>, vector<1x64xf32> -> vector<1x64xf32>
    %get3A_210 = arith.constant 0 : index
    %get3A_211 = arith.constant 0 : index
    %get3A_212 = arith.constant 0 : index
    %get3A_213 = vector.load %arg8[%get3A_210, %get3A_211, %get3A_212] : memref<3x1x64xf32, #tpu.memory_space<vmem>>, vector<1x1x64xf32>
    %get3A_214 = vector.shape_cast %get3A_213 : vector<1x1x64xf32> to vector<1x64xf32>
    %add3A_215 = arith.addf %dot_general3A_209, %get3A_214 : vector<1x64xf32>
    %get3A_216 = arith.constant 0 : index
    %get3A_217 = arith.constant 0 : index
    %get3A_218 = arith.constant 0 : index
    %get3A_219 = vector.load %arg7[%get3A_216, %get3A_217, %get3A_218] : memref<3x16x64xf32, #tpu.memory_space<vmem>>, vector<1x16x64xf32>
    %get3A_220 = vector.shape_cast %get3A_219 : vector<1x16x64xf32> to vector<16x64xf32>
    %dot_general3A_221 = arith.constant dense<0.000000e+00> : vector<1x64xf32>
    %dot_general3A_222 = tpu.matmul %mul3A_61, %get3A_220, %dot_general3A_221 {dimension_numbers = #tpu.dot_dimension_numbers<[1], [0], [0], [1], [0, 0, 1, 1], [], []>, transpose_lhs_hint = false} : vector<1x16xf32>, vector<16x64xf32>, vector<1x64xf32> -> vector<1x64xf32>
    %add3A_223 = arith.addf %add3A_215, %dot_general3A_222 : vector<1x64xf32>
    %get3A_224 = arith.constant 0 : index
    %get3A_225 = arith.constant 0 : index
    %get3A_226 = arith.constant 0 : index
    %get3A_227 = vector.load %arg9[%get3A_224, %get3A_225, %get3A_226] : memref<3x1x64xf32, #tpu.memory_space<vmem>>, vector<1x1x64xf32>
    %get3A_228 = vector.shape_cast %get3A_227 : vector<1x1x64xf32> to vector<1x64xf32>
    %add3A_229 = arith.addf %add3A_223, %get3A_228 : vector<1x64xf32>
    %slice3A_230 = vector.extract_strided_slice %add3A_229 {offsets = [0, 0], sizes = [1, 16], strides = [1, 1]} : vector<1x64xf32> to vector<1x16xf32>
    %logistic3A_231 = arith.negf %slice3A_230 : vector<1x16xf32>
    %logistic3A_232 = math.exp %logistic3A_231 : vector<1x16xf32>
    %logistic3A_233 = arith.constant 1.000000e+00 : f32
    %logistic3A_234 = vector.broadcast %logistic3A_233 : f32 to vector<1x16xf32>
    %logistic3A_235 = arith.addf %logistic3A_234, %logistic3A_232 : vector<1x16xf32>
    %logistic3A_236 = arith.divf %logistic3A_234, %logistic3A_235 : vector<1x16xf32>
    %slice3A_237 = vector.extract_strided_slice %add3A_229 {offsets = [0, 16], sizes = [1, 16], strides = [1, 1]} : vector<1x64xf32> to vector<1x16xf32>
    %logistic3A_238 = arith.negf %slice3A_237 : vector<1x16xf32>
    %logistic3A_239 = math.exp %logistic3A_238 : vector<1x16xf32>
    %logistic3A_240 = arith.constant 1.000000e+00 : f32
    %logistic3A_241 = vector.broadcast %logistic3A_240 : f32 to vector<1x16xf32>
    %logistic3A_242 = arith.addf %logistic3A_241, %logistic3A_239 : vector<1x16xf32>
    %logistic3A_243 = arith.divf %logistic3A_241, %logistic3A_242 : vector<1x16xf32>
    %slice3A_244 = vector.extract_strided_slice %add3A_229 {offsets = [0, 32], sizes = [1, 16], strides = [1, 1]} : vector<1x64xf32> to vector<1x16xf32>
    %tanh3A_245 = math.tanh %slice3A_244 : vector<1x16xf32>
    %slice3A_246 = vector.extract_strided_slice %add3A_229 {offsets = [0, 48], sizes = [1, 16], strides = [1, 1]} : vector<1x64xf32> to vector<1x16xf32>
    %logistic3A_247 = arith.negf %slice3A_246 : vector<1x16xf32>
    %logistic3A_248 = math.exp %logistic3A_247 : vector<1x16xf32>
    %logistic3A_249 = arith.constant 1.000000e+00 : f32
    %logistic3A_250 = vector.broadcast %logistic3A_249 : f32 to vector<1x16xf32>
    %logistic3A_251 = arith.addf %logistic3A_250, %logistic3A_248 : vector<1x16xf32>
    %logistic3A_252 = arith.divf %logistic3A_250, %logistic3A_251 : vector<1x16xf32>
    %mul3A_253 = arith.mulf %logistic3A_243, %add3A_59 : vector<1x16xf32>
    %mul3A_254 = arith.mulf %logistic3A_236, %tanh3A_245 : vector<1x16xf32>
    %add3A_255 = arith.addf %mul3A_253, %mul3A_254 : vector<1x16xf32>
    %tanh3A_256 = math.tanh %add3A_255 : vector<1x16xf32>
    %mul3A_257 = arith.mulf %logistic3A_252, %tanh3A_256 : vector<1x16xf32>
    %get3A_258 = arith.constant 0 : index
    %get3A_259 = arith.constant 0 : index
    %get3A_260 = arith.constant 0 : index
    %get3A_261 = vector.load %arg6[%get3A_258, %get3A_259, %get3A_260] : memref<2x16x64xf32, #tpu.memory_space<vmem>>, vector<1x16x64xf32>
    %get3A_262 = vector.shape_cast %get3A_261 : vector<1x16x64xf32> to vector<16x64xf32>
    %dot_general3A_263 = arith.constant dense<0.000000e+00> : vector<1x64xf32>
    %dot_general3A_264 = tpu.matmul %mul3A_257, %get3A_262, %dot_general3A_263 {dimension_numbers = #tpu.dot_dimension_numbers<[1], [0], [0], [1], [0, 0, 1, 1], [], []>, transpose_lhs_hint = false} : vector<1x16xf32>, vector<16x64xf32>, vector<1x64xf32> -> vector<1x64xf32>
    %get3A_265 = arith.constant 1 : index
    %get3A_266 = arith.constant 0 : index
    %get3A_267 = arith.constant 0 : index
    %get3A_268 = vector.load %arg8[%get3A_265, %get3A_266, %get3A_267] : memref<3x1x64xf32, #tpu.memory_space<vmem>>, vector<1x1x64xf32>
    %get3A_269 = vector.shape_cast %get3A_268 : vector<1x1x64xf32> to vector<1x64xf32>
    %add3A_270 = arith.addf %dot_general3A_264, %get3A_269 : vector<1x64xf32>
    %get3A_271 = arith.constant 1 : index
    %get3A_272 = arith.constant 0 : index
    %get3A_273 = arith.constant 0 : index
    %get3A_274 = vector.load %arg7[%get3A_271, %get3A_272, %get3A_273] : memref<3x16x64xf32, #tpu.memory_space<vmem>>, vector<1x16x64xf32>
    %get3A_275 = vector.shape_cast %get3A_274 : vector<1x16x64xf32> to vector<16x64xf32>
    %dot_general3A_276 = arith.constant dense<0.000000e+00> : vector<1x64xf32>
    %dot_general3A_277 = tpu.matmul %mul3A_116, %get3A_275, %dot_general3A_276 {dimension_numbers = #tpu.dot_dimension_numbers<[1], [0], [0], [1], [0, 0, 1, 1], [], []>, transpose_lhs_hint = false} : vector<1x16xf32>, vector<16x64xf32>, vector<1x64xf32> -> vector<1x64xf32>
    %add3A_278 = arith.addf %add3A_270, %dot_general3A_277 : vector<1x64xf32>
    %get3A_279 = arith.constant 1 : index
    %get3A_280 = arith.constant 0 : index
    %get3A_281 = arith.constant 0 : index
    %get3A_282 = vector.load %arg9[%get3A_279, %get3A_280, %get3A_281] : memref<3x1x64xf32, #tpu.memory_space<vmem>>, vector<1x1x64xf32>
    %get3A_283 = vector.shape_cast %get3A_282 : vector<1x1x64xf32> to vector<1x64xf32>
    %add3A_284 = arith.addf %add3A_278, %get3A_283 : vector<1x64xf32>
    %slice3A_285 = vector.extract_strided_slice %add3A_284 {offsets = [0, 0], sizes = [1, 16], strides = [1, 1]} : vector<1x64xf32> to vector<1x16xf32>
    %logistic3A_286 = arith.negf %slice3A_285 : vector<1x16xf32>
    %logistic3A_287 = math.exp %logistic3A_286 : vector<1x16xf32>
    %logistic3A_288 = arith.constant 1.000000e+00 : f32
    %logistic3A_289 = vector.broadcast %logistic3A_288 : f32 to vector<1x16xf32>
    %logistic3A_290 = arith.addf %logistic3A_289, %logistic3A_287 : vector<1x16xf32>
    %logistic3A_291 = arith.divf %logistic3A_289, %logistic3A_290 : vector<1x16xf32>
    %slice3A_292 = vector.extract_strided_slice %add3A_284 {offsets = [0, 16], sizes = [1, 16], strides = [1, 1]} : vector<1x64xf32> to vector<1x16xf32>
    %logistic3A_293 = arith.negf %slice3A_292 : vector<1x16xf32>
    %logistic3A_294 = math.exp %logistic3A_293 : vector<1x16xf32>
    %logistic3A_295 = arith.constant 1.000000e+00 : f32
    %logistic3A_296 = vector.broadcast %logistic3A_295 : f32 to vector<1x16xf32>
    %logistic3A_297 = arith.addf %logistic3A_296, %logistic3A_294 : vector<1x16xf32>
    %logistic3A_298 = arith.divf %logistic3A_296, %logistic3A_297 : vector<1x16xf32>
    %slice3A_299 = vector.extract_strided_slice %add3A_284 {offsets = [0, 32], sizes = [1, 16], strides = [1, 1]} : vector<1x64xf32> to vector<1x16xf32>
    %tanh3A_300 = math.tanh %slice3A_299 : vector<1x16xf32>
    %slice3A_301 = vector.extract_strided_slice %add3A_284 {offsets = [0, 48], sizes = [1, 16], strides = [1, 1]} : vector<1x64xf32> to vector<1x16xf32>
    %logistic3A_302 = arith.negf %slice3A_301 : vector<1x16xf32>
    %logistic3A_303 = math.exp %logistic3A_302 : vector<1x16xf32>
    %logistic3A_304 = arith.constant 1.000000e+00 : f32
    %logistic3A_305 = vector.broadcast %logistic3A_304 : f32 to vector<1x16xf32>
    %logistic3A_306 = arith.addf %logistic3A_305, %logistic3A_303 : vector<1x16xf32>
    %logistic3A_307 = arith.divf %logistic3A_305, %logistic3A_306 : vector<1x16xf32>
    %mul3A_308 = arith.mulf %logistic3A_298, %add3A_114 : vector<1x16xf32>
    %mul3A_309 = arith.mulf %logistic3A_291, %tanh3A_300 : vector<1x16xf32>
    %add3A_310 = arith.addf %mul3A_308, %mul3A_309 : vector<1x16xf32>
    %tanh3A_311 = math.tanh %add3A_310 : vector<1x16xf32>
    %mul3A_312 = arith.mulf %logistic3A_307, %tanh3A_311 : vector<1x16xf32>
    %get3A_313 = arith.constant 1 : index
    %get3A_314 = arith.constant 0 : index
    %get3A_315 = arith.constant 0 : index
    %get3A_316 = vector.load %arg6[%get3A_313, %get3A_314, %get3A_315] : memref<2x16x64xf32, #tpu.memory_space<vmem>>, vector<1x16x64xf32>
    %get3A_317 = vector.shape_cast %get3A_316 : vector<1x16x64xf32> to vector<16x64xf32>
    %dot_general3A_318 = arith.constant dense<0.000000e+00> : vector<1x64xf32>
    %dot_general3A_319 = tpu.matmul %mul3A_312, %get3A_317, %dot_general3A_318 {dimension_numbers = #tpu.dot_dimension_numbers<[1], [0], [0], [1], [0, 0, 1, 1], [], []>, transpose_lhs_hint = false} : vector<1x16xf32>, vector<16x64xf32>, vector<1x64xf32> -> vector<1x64xf32>
    %get3A_320 = arith.constant 2 : index
    %get3A_321 = arith.constant 0 : index
    %get3A_322 = arith.constant 0 : index
    %get3A_323 = vector.load %arg8[%get3A_320, %get3A_321, %get3A_322] : memref<3x1x64xf32, #tpu.memory_space<vmem>>, vector<1x1x64xf32>
    %get3A_324 = vector.shape_cast %get3A_323 : vector<1x1x64xf32> to vector<1x64xf32>
    %add3A_325 = arith.addf %dot_general3A_319, %get3A_324 : vector<1x64xf32>
    %get3A_326 = arith.constant 2 : index
    %get3A_327 = arith.constant 0 : index
    %get3A_328 = arith.constant 0 : index
    %get3A_329 = vector.load %arg7[%get3A_326, %get3A_327, %get3A_328] : memref<3x16x64xf32, #tpu.memory_space<vmem>>, vector<1x16x64xf32>
    %get3A_330 = vector.shape_cast %get3A_329 : vector<1x16x64xf32> to vector<16x64xf32>
    %dot_general3A_331 = arith.constant dense<0.000000e+00> : vector<1x64xf32>
    %dot_general3A_332 = tpu.matmul %mul3A_171, %get3A_330, %dot_general3A_331 {dimension_numbers = #tpu.dot_dimension_numbers<[1], [0], [0], [1], [0, 0, 1, 1], [], []>, transpose_lhs_hint = false} : vector<1x16xf32>, vector<16x64xf32>, vector<1x64xf32> -> vector<1x64xf32>
    %add3A_333 = arith.addf %add3A_325, %dot_general3A_332 : vector<1x64xf32>
    %get3A_334 = arith.constant 2 : index
    %get3A_335 = arith.constant 0 : index
    %get3A_336 = arith.constant 0 : index
    %get3A_337 = vector.load %arg9[%get3A_334, %get3A_335, %get3A_336] : memref<3x1x64xf32, #tpu.memory_space<vmem>>, vector<1x1x64xf32>
    %get3A_338 = vector.shape_cast %get3A_337 : vector<1x1x64xf32> to vector<1x64xf32>
    %add3A_339 = arith.addf %add3A_333, %get3A_338 : vector<1x64xf32>
    %slice3A_340 = vector.extract_strided_slice %add3A_339 {offsets = [0, 0], sizes = [1, 16], strides = [1, 1]} : vector<1x64xf32> to vector<1x16xf32>
    %logistic3A_341 = arith.negf %slice3A_340 : vector<1x16xf32>
    %logistic3A_342 = math.exp %logistic3A_341 : vector<1x16xf32>
    %logistic3A_343 = arith.constant 1.000000e+00 : f32
    %logistic3A_344 = vector.broadcast %logistic3A_343 : f32 to vector<1x16xf32>
    %logistic3A_345 = arith.addf %logistic3A_344, %logistic3A_342 : vector<1x16xf32>
    %logistic3A_346 = arith.divf %logistic3A_344, %logistic3A_345 : vector<1x16xf32>
    %slice3A_347 = vector.extract_strided_slice %add3A_339 {offsets = [0, 16], sizes = [1, 16], strides = [1, 1]} : vector<1x64xf32> to vector<1x16xf32>
    %logistic3A_348 = arith.negf %slice3A_347 : vector<1x16xf32>
    %logistic3A_349 = math.exp %logistic3A_348 : vector<1x16xf32>
    %logistic3A_350 = arith.constant 1.000000e+00 : f32
    %logistic3A_351 = vector.broadcast %logistic3A_350 : f32 to vector<1x16xf32>
    %logistic3A_352 = arith.addf %logistic3A_351, %logistic3A_349 : vector<1x16xf32>
    %logistic3A_353 = arith.divf %logistic3A_351, %logistic3A_352 : vector<1x16xf32>
    %slice3A_354 = vector.extract_strided_slice %add3A_339 {offsets = [0, 32], sizes = [1, 16], strides = [1, 1]} : vector<1x64xf32> to vector<1x16xf32>
    %tanh3A_355 = math.tanh %slice3A_354 : vector<1x16xf32>
    %slice3A_356 = vector.extract_strided_slice %add3A_339 {offsets = [0, 48], sizes = [1, 16], strides = [1, 1]} : vector<1x64xf32> to vector<1x16xf32>
    %logistic3A_357 = arith.negf %slice3A_356 : vector<1x16xf32>
    %logistic3A_358 = math.exp %logistic3A_357 : vector<1x16xf32>
    %logistic3A_359 = arith.constant 1.000000e+00 : f32
    %logistic3A_360 = vector.broadcast %logistic3A_359 : f32 to vector<1x16xf32>
    %logistic3A_361 = arith.addf %logistic3A_360, %logistic3A_358 : vector<1x16xf32>
    %logistic3A_362 = arith.divf %logistic3A_360, %logistic3A_361 : vector<1x16xf32>
    %mul3A_363 = arith.mulf %logistic3A_353, %add3A_169 : vector<1x16xf32>
    %mul3A_364 = arith.mulf %logistic3A_346, %tanh3A_355 : vector<1x16xf32>
    %add3A_365 = arith.addf %mul3A_363, %mul3A_364 : vector<1x16xf32>
    %tanh3A_366 = math.tanh %add3A_365 : vector<1x16xf32>
    %mul3A_367 = arith.mulf %logistic3A_362, %tanh3A_366 : vector<1x16xf32>
    %get3A_368 = arith.constant 0 : index
    %get3A_369 = arith.constant 0 : index
    %get3A_370 = vector.load %arg2[%get3A_368, %get3A_369] : memref<16x128xf32, #tpu.memory_space<vmem>>, vector<16x128xf32>
    %dot_general3A_371 = arith.constant dense<0.000000e+00> : vector<1x128xf32>
    %dot_general3A_372 = tpu.matmul %mul3A_367, %get3A_370, %dot_general3A_371 {dimension_numbers = #tpu.dot_dimension_numbers<[1], [0], [0], [1], [0, 0, 1, 1], [], []>, transpose_lhs_hint = false} : vector<1x16xf32>, vector<16x128xf32>, vector<1x128xf32> -> vector<1x128xf32>
    %mul3A_373 = vector.broadcast %dot_general3A_372 : vector<1x128xf32> to vector<1250x128xf32>
    %mul3A_374 = arith.mulf %get3A_1, %mul3A_373 : vector<1250x128xf32>
    %get3A_375 = arith.constant 0 : index
    %get3A_376 = arith.constant 0 : index
    %get3A_377 = vector.load %arg3[%get3A_375, %get3A_376] : memref<128x128xf32, #tpu.memory_space<vmem>>, vector<128x128xf32>
    %dot_general3A_378 = arith.constant dense<0.000000e+00> : vector<1250x128xf32>
    %dot_general3A_379 = tpu.matmul %mul3A_374, %get3A_377, %dot_general3A_378 {dimension_numbers = #tpu.dot_dimension_numbers<[1], [0], [0], [1], [0, 0, 1, 1], [], []>, transpose_lhs_hint = false} : vector<1250x128xf32>, vector<128x128xf32>, vector<1250x128xf32> -> vector<1250x128xf32>
    %reduce_max3A_380 = vector.shape_cast %dot_general3A_379 : vector<1250x128xf32> to vector<1x1250x128xf32>
    %reduce_max3A_381 = arith.constant dense<0xFF800000> : vector<1xf32>
    %reduce_max3A_382 = vector.multi_reduction <maximumf>, %reduce_max3A_380, %reduce_max3A_381 [1, 2] : vector<1x1250x128xf32> to vector<1xf32>
    %reduce_max3A_383 = vector.shape_cast %reduce_max3A_382 : vector<1xf32> to vector<1x1x1xf32>
    %reduce_max3A_384 = vector.extract %reduce_max3A_383[0, 0, 0] : f32 from vector<1x1x1xf32>
    %sub3A_385 = vector.broadcast %reduce_max3A_384 : f32 to vector<1250x128xf32>
    %sub3A_386 = arith.subf %dot_general3A_379, %sub3A_385 : vector<1250x128xf32>
    %exp3A_387 = math.exp %sub3A_386 : vector<1250x128xf32>
    %reduce_sum3A_388 = vector.shape_cast %exp3A_387 : vector<1250x128xf32> to vector<1x1250x128xf32>
    %reduce_sum3A_389 = arith.constant dense<0.000000e+00> : vector<1xf32>
    %reduce_sum3A_390 = vector.multi_reduction <add>, %reduce_sum3A_388, %reduce_sum3A_389 [1, 2] : vector<1x1250x128xf32> to vector<1xf32>
    %reduce_sum3A_391 = vector.shape_cast %reduce_sum3A_390 : vector<1xf32> to vector<1x1x1xf32>
    %reduce_sum3A_392 = vector.extract %reduce_sum3A_391[0, 0, 0] : f32 from vector<1x1x1xf32>
    %mul3A_393 = arith.constant 6.250000e-02 : f32
    %mul3A_394 = arith.mulf %reduce_sum3A_392, %mul3A_393 : f32
    %div3A_395 = vector.broadcast %mul3A_394 : f32 to vector<1250x128xf32>
    %div3A_396 = arith.divf %exp3A_387, %div3A_395 : vector<1250x128xf32>
    %mul3A_397 = arith.mulf %div3A_396, %get3A_1 : vector<1250x128xf32>
    %reduce_sum3A_398 = arith.constant dense<0.000000e+00> : vector<128xf32>
    %reduce_sum3A_399 = vector.multi_reduction <add>, %mul3A_397, %reduce_sum3A_398 [0] : vector<1250x128xf32> to vector<128xf32>
    %broadcast_in_dim3A_400 = vector.shape_cast %reduce_sum3A_399 : vector<128xf32> to vector<1x128xf32>
    %get3A_401 = arith.constant 0 : index
    %get3A_402 = arith.constant 0 : index
    %get3A_403 = vector.load %arg4[%get3A_401, %get3A_402] : memref<128x16xf32, #tpu.memory_space<vmem>>, vector<128x16xf32>
    %dot_general3A_404 = arith.constant dense<0.000000e+00> : vector<1x16xf32>
    %dot_general3A_405 = tpu.matmul %broadcast_in_dim3A_400, %get3A_403, %dot_general3A_404 {dimension_numbers = #tpu.dot_dimension_numbers<[1], [0], [0], [1], [0, 0, 1, 1], [], []>, transpose_lhs_hint = false} : vector<1x128xf32>, vector<128x16xf32>, vector<1x16xf32> -> vector<1x16xf32>
    %concatenate3A_406 = tpu.concatenate %mul3A_367, %dot_general3A_405 in 1 : vector<1x16xf32>, vector<1x16xf32> -> vector<1x32xf32>
    %get3A_407 = arith.constant 0 : index
    %get3A_408 = arith.constant 0 : index
    %get3A_409 = vector.load %arg5[%get3A_407, %get3A_408] : memref<32x64xf32, #tpu.memory_space<vmem>>, vector<32x64xf32>
    %dot_general3A_410 = arith.constant dense<0.000000e+00> : vector<1x64xf32>
    %dot_general3A_411 = tpu.matmul %concatenate3A_406, %get3A_409, %dot_general3A_410 {dimension_numbers = #tpu.dot_dimension_numbers<[1], [0], [0], [1], [0, 0, 1, 1], [], []>, transpose_lhs_hint = false} : vector<1x32xf32>, vector<32x64xf32>, vector<1x64xf32> -> vector<1x64xf32>
    %get3A_412 = arith.constant 0 : index
    %get3A_413 = arith.constant 0 : index
    %get3A_414 = arith.constant 0 : index
    %get3A_415 = vector.load %arg8[%get3A_412, %get3A_413, %get3A_414] : memref<3x1x64xf32, #tpu.memory_space<vmem>>, vector<1x1x64xf32>
    %get3A_416 = vector.shape_cast %get3A_415 : vector<1x1x64xf32> to vector<1x64xf32>
    %add3A_417 = arith.addf %dot_general3A_411, %get3A_416 : vector<1x64xf32>
    %get3A_418 = arith.constant 0 : index
    %get3A_419 = arith.constant 0 : index
    %get3A_420 = arith.constant 0 : index
    %get3A_421 = vector.load %arg7[%get3A_418, %get3A_419, %get3A_420] : memref<3x16x64xf32, #tpu.memory_space<vmem>>, vector<1x16x64xf32>
    %get3A_422 = vector.shape_cast %get3A_421 : vector<1x16x64xf32> to vector<16x64xf32>
    %dot_general3A_423 = arith.constant dense<0.000000e+00> : vector<1x64xf32>
    %dot_general3A_424 = tpu.matmul %mul3A_257, %get3A_422, %dot_general3A_423 {dimension_numbers = #tpu.dot_dimension_numbers<[1], [0], [0], [1], [0, 0, 1, 1], [], []>, transpose_lhs_hint = false} : vector<1x16xf32>, vector<16x64xf32>, vector<1x64xf32> -> vector<1x64xf32>
    %add3A_425 = arith.addf %add3A_417, %dot_general3A_424 : vector<1x64xf32>
    %get3A_426 = arith.constant 0 : index
    %get3A_427 = arith.constant 0 : index
    %get3A_428 = arith.constant 0 : index
    %get3A_429 = vector.load %arg9[%get3A_426, %get3A_427, %get3A_428] : memref<3x1x64xf32, #tpu.memory_space<vmem>>, vector<1x1x64xf32>
    %get3A_430 = vector.shape_cast %get3A_429 : vector<1x1x64xf32> to vector<1x64xf32>
    %add3A_431 = arith.addf %add3A_425, %get3A_430 : vector<1x64xf32>
    %slice3A_432 = vector.extract_strided_slice %add3A_431 {offsets = [0, 0], sizes = [1, 16], strides = [1, 1]} : vector<1x64xf32> to vector<1x16xf32>
    %logistic3A_433 = arith.negf %slice3A_432 : vector<1x16xf32>
    %logistic3A_434 = math.exp %logistic3A_433 : vector<1x16xf32>
    %logistic3A_435 = arith.constant 1.000000e+00 : f32
    %logistic3A_436 = vector.broadcast %logistic3A_435 : f32 to vector<1x16xf32>
    %logistic3A_437 = arith.addf %logistic3A_436, %logistic3A_434 : vector<1x16xf32>
    %logistic3A_438 = arith.divf %logistic3A_436, %logistic3A_437 : vector<1x16xf32>
    %slice3A_439 = vector.extract_strided_slice %add3A_431 {offsets = [0, 16], sizes = [1, 16], strides = [1, 1]} : vector<1x64xf32> to vector<1x16xf32>
    %logistic3A_440 = arith.negf %slice3A_439 : vector<1x16xf32>
    %logistic3A_441 = math.exp %logistic3A_440 : vector<1x16xf32>
    %logistic3A_442 = arith.constant 1.000000e+00 : f32
    %logistic3A_443 = vector.broadcast %logistic3A_442 : f32 to vector<1x16xf32>
    %logistic3A_444 = arith.addf %logistic3A_443, %logistic3A_441 : vector<1x16xf32>
    %logistic3A_445 = arith.divf %logistic3A_443, %logistic3A_444 : vector<1x16xf32>
    %slice3A_446 = vector.extract_strided_slice %add3A_431 {offsets = [0, 32], sizes = [1, 16], strides = [1, 1]} : vector<1x64xf32> to vector<1x16xf32>
    %tanh3A_447 = math.tanh %slice3A_446 : vector<1x16xf32>
    %slice3A_448 = vector.extract_strided_slice %add3A_431 {offsets = [0, 48], sizes = [1, 16], strides = [1, 1]} : vector<1x64xf32> to vector<1x16xf32>
    %logistic3A_449 = arith.negf %slice3A_448 : vector<1x16xf32>
    %logistic3A_450 = math.exp %logistic3A_449 : vector<1x16xf32>
    %logistic3A_451 = arith.constant 1.000000e+00 : f32
    %logistic3A_452 = vector.broadcast %logistic3A_451 : f32 to vector<1x16xf32>
    %logistic3A_453 = arith.addf %logistic3A_452, %logistic3A_450 : vector<1x16xf32>
    %logistic3A_454 = arith.divf %logistic3A_452, %logistic3A_453 : vector<1x16xf32>
    %mul3A_455 = arith.mulf %logistic3A_445, %add3A_255 : vector<1x16xf32>
    %mul3A_456 = arith.mulf %logistic3A_438, %tanh3A_447 : vector<1x16xf32>
    %add3A_457 = arith.addf %mul3A_455, %mul3A_456 : vector<1x16xf32>
    %tanh3A_458 = math.tanh %add3A_457 : vector<1x16xf32>
    %mul3A_459 = arith.mulf %logistic3A_454, %tanh3A_458 : vector<1x16xf32>
    %get3A_460 = arith.constant 0 : index
    %get3A_461 = arith.constant 0 : index
    %get3A_462 = arith.constant 0 : index
    %get3A_463 = vector.load %arg6[%get3A_460, %get3A_461, %get3A_462] : memref<2x16x64xf32, #tpu.memory_space<vmem>>, vector<1x16x64xf32>
    %get3A_464 = vector.shape_cast %get3A_463 : vector<1x16x64xf32> to vector<16x64xf32>
    %dot_general3A_465 = arith.constant dense<0.000000e+00> : vector<1x64xf32>
    %dot_general3A_466 = tpu.matmul %mul3A_459, %get3A_464, %dot_general3A_465 {dimension_numbers = #tpu.dot_dimension_numbers<[1], [0], [0], [1], [0, 0, 1, 1], [], []>, transpose_lhs_hint = false} : vector<1x16xf32>, vector<16x64xf32>, vector<1x64xf32> -> vector<1x64xf32>
    %get3A_467 = arith.constant 1 : index
    %get3A_468 = arith.constant 0 : index
    %get3A_469 = arith.constant 0 : index
    %get3A_470 = vector.load %arg8[%get3A_467, %get3A_468, %get3A_469] : memref<3x1x64xf32, #tpu.memory_space<vmem>>, vector<1x1x64xf32>
    %get3A_471 = vector.shape_cast %get3A_470 : vector<1x1x64xf32> to vector<1x64xf32>
    %add3A_472 = arith.addf %dot_general3A_466, %get3A_471 : vector<1x64xf32>
    %get3A_473 = arith.constant 1 : index
    %get3A_474 = arith.constant 0 : index
    %get3A_475 = arith.constant 0 : index
    %get3A_476 = vector.load %arg7[%get3A_473, %get3A_474, %get3A_475] : memref<3x16x64xf32, #tpu.memory_space<vmem>>, vector<1x16x64xf32>
    %get3A_477 = vector.shape_cast %get3A_476 : vector<1x16x64xf32> to vector<16x64xf32>
    %dot_general3A_478 = arith.constant dense<0.000000e+00> : vector<1x64xf32>
    %dot_general3A_479 = tpu.matmul %mul3A_312, %get3A_477, %dot_general3A_478 {dimension_numbers = #tpu.dot_dimension_numbers<[1], [0], [0], [1], [0, 0, 1, 1], [], []>, transpose_lhs_hint = false} : vector<1x16xf32>, vector<16x64xf32>, vector<1x64xf32> -> vector<1x64xf32>
    %add3A_480 = arith.addf %add3A_472, %dot_general3A_479 : vector<1x64xf32>
    %get3A_481 = arith.constant 1 : index
    %get3A_482 = arith.constant 0 : index
    %get3A_483 = arith.constant 0 : index
    %get3A_484 = vector.load %arg9[%get3A_481, %get3A_482, %get3A_483] : memref<3x1x64xf32, #tpu.memory_space<vmem>>, vector<1x1x64xf32>
    %get3A_485 = vector.shape_cast %get3A_484 : vector<1x1x64xf32> to vector<1x64xf32>
    %add3A_486 = arith.addf %add3A_480, %get3A_485 : vector<1x64xf32>
    %slice3A_487 = vector.extract_strided_slice %add3A_486 {offsets = [0, 0], sizes = [1, 16], strides = [1, 1]} : vector<1x64xf32> to vector<1x16xf32>
    %logistic3A_488 = arith.negf %slice3A_487 : vector<1x16xf32>
    %logistic3A_489 = math.exp %logistic3A_488 : vector<1x16xf32>
    %logistic3A_490 = arith.constant 1.000000e+00 : f32
    %logistic3A_491 = vector.broadcast %logistic3A_490 : f32 to vector<1x16xf32>
    %logistic3A_492 = arith.addf %logistic3A_491, %logistic3A_489 : vector<1x16xf32>
    %logistic3A_493 = arith.divf %logistic3A_491, %logistic3A_492 : vector<1x16xf32>
    %slice3A_494 = vector.extract_strided_slice %add3A_486 {offsets = [0, 16], sizes = [1, 16], strides = [1, 1]} : vector<1x64xf32> to vector<1x16xf32>
    %logistic3A_495 = arith.negf %slice3A_494 : vector<1x16xf32>
    %logistic3A_496 = math.exp %logistic3A_495 : vector<1x16xf32>
    %logistic3A_497 = arith.constant 1.000000e+00 : f32
    %logistic3A_498 = vector.broadcast %logistic3A_497 : f32 to vector<1x16xf32>
    %logistic3A_499 = arith.addf %logistic3A_498, %logistic3A_496 : vector<1x16xf32>
    %logistic3A_500 = arith.divf %logistic3A_498, %logistic3A_499 : vector<1x16xf32>
    %slice3A_501 = vector.extract_strided_slice %add3A_486 {offsets = [0, 32], sizes = [1, 16], strides = [1, 1]} : vector<1x64xf32> to vector<1x16xf32>
    %tanh3A_502 = math.tanh %slice3A_501 : vector<1x16xf32>
    %slice3A_503 = vector.extract_strided_slice %add3A_486 {offsets = [0, 48], sizes = [1, 16], strides = [1, 1]} : vector<1x64xf32> to vector<1x16xf32>
    %logistic3A_504 = arith.negf %slice3A_503 : vector<1x16xf32>
    %logistic3A_505 = math.exp %logistic3A_504 : vector<1x16xf32>
    %logistic3A_506 = arith.constant 1.000000e+00 : f32
    %logistic3A_507 = vector.broadcast %logistic3A_506 : f32 to vector<1x16xf32>
    %logistic3A_508 = arith.addf %logistic3A_507, %logistic3A_505 : vector<1x16xf32>
    %logistic3A_509 = arith.divf %logistic3A_507, %logistic3A_508 : vector<1x16xf32>
    %mul3A_510 = arith.mulf %logistic3A_500, %add3A_310 : vector<1x16xf32>
    %mul3A_511 = arith.mulf %logistic3A_493, %tanh3A_502 : vector<1x16xf32>
    %add3A_512 = arith.addf %mul3A_510, %mul3A_511 : vector<1x16xf32>
    %tanh3A_513 = math.tanh %add3A_512 : vector<1x16xf32>
    %mul3A_514 = arith.mulf %logistic3A_509, %tanh3A_513 : vector<1x16xf32>
    %get3A_515 = arith.constant 1 : index
    %get3A_516 = arith.constant 0 : index
    %get3A_517 = arith.constant 0 : index
    %get3A_518 = vector.load %arg6[%get3A_515, %get3A_516, %get3A_517] : memref<2x16x64xf32, #tpu.memory_space<vmem>>, vector<1x16x64xf32>
    %get3A_519 = vector.shape_cast %get3A_518 : vector<1x16x64xf32> to vector<16x64xf32>
    %dot_general3A_520 = arith.constant dense<0.000000e+00> : vector<1x64xf32>
    %dot_general3A_521 = tpu.matmul %mul3A_514, %get3A_519, %dot_general3A_520 {dimension_numbers = #tpu.dot_dimension_numbers<[1], [0], [0], [1], [0, 0, 1, 1], [], []>, transpose_lhs_hint = false} : vector<1x16xf32>, vector<16x64xf32>, vector<1x64xf32> -> vector<1x64xf32>
    %get3A_522 = arith.constant 2 : index
    %get3A_523 = arith.constant 0 : index
    %get3A_524 = arith.constant 0 : index
    %get3A_525 = vector.load %arg8[%get3A_522, %get3A_523, %get3A_524] : memref<3x1x64xf32, #tpu.memory_space<vmem>>, vector<1x1x64xf32>
    %get3A_526 = vector.shape_cast %get3A_525 : vector<1x1x64xf32> to vector<1x64xf32>
    %add3A_527 = arith.addf %dot_general3A_521, %get3A_526 : vector<1x64xf32>
    %get3A_528 = arith.constant 2 : index
    %get3A_529 = arith.constant 0 : index
    %get3A_530 = arith.constant 0 : index
    %get3A_531 = vector.load %arg7[%get3A_528, %get3A_529, %get3A_530] : memref<3x16x64xf32, #tpu.memory_space<vmem>>, vector<1x16x64xf32>
    %get3A_532 = vector.shape_cast %get3A_531 : vector<1x16x64xf32> to vector<16x64xf32>
    %dot_general3A_533 = arith.constant dense<0.000000e+00> : vector<1x64xf32>
    %dot_general3A_534 = tpu.matmul %mul3A_367, %get3A_532, %dot_general3A_533 {dimension_numbers = #tpu.dot_dimension_numbers<[1], [0], [0], [1], [0, 0, 1, 1], [], []>, transpose_lhs_hint = false} : vector<1x16xf32>, vector<16x64xf32>, vector<1x64xf32> -> vector<1x64xf32>
    %add3A_535 = arith.addf %add3A_527, %dot_general3A_534 : vector<1x64xf32>
    %get3A_536 = arith.constant 2 : index
    %get3A_537 = arith.constant 0 : index
    %get3A_538 = arith.constant 0 : index
    %get3A_539 = vector.load %arg9[%get3A_536, %get3A_537, %get3A_538] : memref<3x1x64xf32, #tpu.memory_space<vmem>>, vector<1x1x64xf32>
    %get3A_540 = vector.shape_cast %get3A_539 : vector<1x1x64xf32> to vector<1x64xf32>
    %add3A_541 = arith.addf %add3A_535, %get3A_540 : vector<1x64xf32>
    %slice3A_542 = vector.extract_strided_slice %add3A_541 {offsets = [0, 0], sizes = [1, 16], strides = [1, 1]} : vector<1x64xf32> to vector<1x16xf32>
    %logistic3A_543 = arith.negf %slice3A_542 : vector<1x16xf32>
    %logistic3A_544 = math.exp %logistic3A_543 : vector<1x16xf32>
    %logistic3A_545 = arith.constant 1.000000e+00 : f32
    %logistic3A_546 = vector.broadcast %logistic3A_545 : f32 to vector<1x16xf32>
    %logistic3A_547 = arith.addf %logistic3A_546, %logistic3A_544 : vector<1x16xf32>
    %logistic3A_548 = arith.divf %logistic3A_546, %logistic3A_547 : vector<1x16xf32>
    %slice3A_549 = vector.extract_strided_slice %add3A_541 {offsets = [0, 16], sizes = [1, 16], strides = [1, 1]} : vector<1x64xf32> to vector<1x16xf32>
    %logistic3A_550 = arith.negf %slice3A_549 : vector<1x16xf32>
    %logistic3A_551 = math.exp %logistic3A_550 : vector<1x16xf32>
    %logistic3A_552 = arith.constant 1.000000e+00 : f32
    %logistic3A_553 = vector.broadcast %logistic3A_552 : f32 to vector<1x16xf32>
    %logistic3A_554 = arith.addf %logistic3A_553, %logistic3A_551 : vector<1x16xf32>
    %logistic3A_555 = arith.divf %logistic3A_553, %logistic3A_554 : vector<1x16xf32>
    %slice3A_556 = vector.extract_strided_slice %add3A_541 {offsets = [0, 32], sizes = [1, 16], strides = [1, 1]} : vector<1x64xf32> to vector<1x16xf32>
    %tanh3A_557 = math.tanh %slice3A_556 : vector<1x16xf32>
    %slice3A_558 = vector.extract_strided_slice %add3A_541 {offsets = [0, 48], sizes = [1, 16], strides = [1, 1]} : vector<1x64xf32> to vector<1x16xf32>
    %logistic3A_559 = arith.negf %slice3A_558 : vector<1x16xf32>
    %logistic3A_560 = math.exp %logistic3A_559 : vector<1x16xf32>
    %logistic3A_561 = arith.constant 1.000000e+00 : f32
    %logistic3A_562 = vector.broadcast %logistic3A_561 : f32 to vector<1x16xf32>
    %logistic3A_563 = arith.addf %logistic3A_562, %logistic3A_560 : vector<1x16xf32>
    %logistic3A_564 = arith.divf %logistic3A_562, %logistic3A_563 : vector<1x16xf32>
    %mul3A_565 = arith.mulf %logistic3A_555, %add3A_365 : vector<1x16xf32>
    %mul3A_566 = arith.mulf %logistic3A_548, %tanh3A_557 : vector<1x16xf32>
    %add3A_567 = arith.addf %mul3A_565, %mul3A_566 : vector<1x16xf32>
    %tanh3A_568 = math.tanh %add3A_567 : vector<1x16xf32>
    %mul3A_569 = arith.mulf %logistic3A_564, %tanh3A_568 : vector<1x16xf32>
    %get3A_570 = arith.constant 0 : index
    %get3A_571 = arith.constant 0 : index
    %get3A_572 = vector.load %arg2[%get3A_570, %get3A_571] : memref<16x128xf32, #tpu.memory_space<vmem>>, vector<16x128xf32>
    %dot_general3A_573 = arith.constant dense<0.000000e+00> : vector<1x128xf32>
    %dot_general3A_574 = tpu.matmul %mul3A_569, %get3A_572, %dot_general3A_573 {dimension_numbers = #tpu.dot_dimension_numbers<[1], [0], [0], [1], [0, 0, 1, 1], [], []>, transpose_lhs_hint = false} : vector<1x16xf32>, vector<16x128xf32>, vector<1x128xf32> -> vector<1x128xf32>
    %mul3A_575 = vector.broadcast %dot_general3A_574 : vector<1x128xf32> to vector<1250x128xf32>
    %mul3A_576 = arith.mulf %get3A_1, %mul3A_575 : vector<1250x128xf32>
    %get3A_577 = arith.constant 0 : index
    %get3A_578 = arith.constant 0 : index
    %get3A_579 = vector.load %arg3[%get3A_577, %get3A_578] : memref<128x128xf32, #tpu.memory_space<vmem>>, vector<128x128xf32>
    %dot_general3A_580 = arith.constant dense<0.000000e+00> : vector<1250x128xf32>
    %dot_general3A_581 = tpu.matmul %mul3A_576, %get3A_579, %dot_general3A_580 {dimension_numbers = #tpu.dot_dimension_numbers<[1], [0], [0], [1], [0, 0, 1, 1], [], []>, transpose_lhs_hint = false} : vector<1250x128xf32>, vector<128x128xf32>, vector<1250x128xf32> -> vector<1250x128xf32>
    %reduce_max3A_582 = vector.shape_cast %dot_general3A_581 : vector<1250x128xf32> to vector<1x1250x128xf32>
    %reduce_max3A_583 = arith.constant dense<0xFF800000> : vector<1xf32>
    %reduce_max3A_584 = vector.multi_reduction <maximumf>, %reduce_max3A_582, %reduce_max3A_583 [1, 2] : vector<1x1250x128xf32> to vector<1xf32>
    %reduce_max3A_585 = vector.shape_cast %reduce_max3A_584 : vector<1xf32> to vector<1x1x1xf32>
    %reduce_max3A_586 = vector.extract %reduce_max3A_585[0, 0, 0] : f32 from vector<1x1x1xf32>
    %sub3A_587 = vector.broadcast %reduce_max3A_586 : f32 to vector<1250x128xf32>
    %sub3A_588 = arith.subf %dot_general3A_581, %sub3A_587 : vector<1250x128xf32>
    %exp3A_589 = math.exp %sub3A_588 : vector<1250x128xf32>
    %reduce_sum3A_590 = vector.shape_cast %exp3A_589 : vector<1250x128xf32> to vector<1x1250x128xf32>
    %reduce_sum3A_591 = arith.constant dense<0.000000e+00> : vector<1xf32>
    %reduce_sum3A_592 = vector.multi_reduction <add>, %reduce_sum3A_590, %reduce_sum3A_591 [1, 2] : vector<1x1250x128xf32> to vector<1xf32>
    %reduce_sum3A_593 = vector.shape_cast %reduce_sum3A_592 : vector<1xf32> to vector<1x1x1xf32>
    %reduce_sum3A_594 = vector.extract %reduce_sum3A_593[0, 0, 0] : f32 from vector<1x1x1xf32>
    %mul3A_595 = arith.constant 6.250000e-02 : f32
    %mul3A_596 = arith.mulf %reduce_sum3A_594, %mul3A_595 : f32
    %div3A_597 = vector.broadcast %mul3A_596 : f32 to vector<1250x128xf32>
    %div3A_598 = arith.divf %exp3A_589, %div3A_597 : vector<1250x128xf32>
    %mul3A_599 = arith.mulf %div3A_598, %get3A_1 : vector<1250x128xf32>
    %reduce_sum3A_600 = arith.constant dense<0.000000e+00> : vector<128xf32>
    %reduce_sum3A_601 = vector.multi_reduction <add>, %mul3A_599, %reduce_sum3A_600 [0] : vector<1250x128xf32> to vector<128xf32>
    %broadcast_in_dim3A_602 = vector.shape_cast %reduce_sum3A_601 : vector<128xf32> to vector<1x128xf32>
    %get3A_603 = arith.constant 0 : index
    %get3A_604 = arith.constant 0 : index
    %get3A_605 = vector.load %arg4[%get3A_603, %get3A_604] : memref<128x16xf32, #tpu.memory_space<vmem>>, vector<128x16xf32>
    %dot_general3A_606 = arith.constant dense<0.000000e+00> : vector<1x16xf32>
    %dot_general3A_607 = tpu.matmul %broadcast_in_dim3A_602, %get3A_605, %dot_general3A_606 {dimension_numbers = #tpu.dot_dimension_numbers<[1], [0], [0], [1], [0, 0, 1, 1], [], []>, transpose_lhs_hint = false} : vector<1x128xf32>, vector<128x16xf32>, vector<1x16xf32> -> vector<1x16xf32>
    %concatenate3A_608 = tpu.concatenate %mul3A_569, %dot_general3A_607 in 1 : vector<1x16xf32>, vector<1x16xf32> -> vector<1x32xf32>
    %get3A_609 = arith.constant 0 : index
    %get3A_610 = arith.constant 0 : index
    %get3A_611 = vector.load %arg5[%get3A_609, %get3A_610] : memref<32x64xf32, #tpu.memory_space<vmem>>, vector<32x64xf32>
    %dot_general3A_612 = arith.constant dense<0.000000e+00> : vector<1x64xf32>
    %dot_general3A_613 = tpu.matmul %concatenate3A_608, %get3A_611, %dot_general3A_612 {dimension_numbers = #tpu.dot_dimension_numbers<[1], [0], [0], [1], [0, 0, 1, 1], [], []>, transpose_lhs_hint = false} : vector<1x32xf32>, vector<32x64xf32>, vector<1x64xf32> -> vector<1x64xf32>
    %get3A_614 = arith.constant 0 : index
    %get3A_615 = arith.constant 0 : index
    %get3A_616 = arith.constant 0 : index
    %get3A_617 = vector.load %arg8[%get3A_614, %get3A_615, %get3A_616] : memref<3x1x64xf32, #tpu.memory_space<vmem>>, vector<1x1x64xf32>
    %get3A_618 = vector.shape_cast %get3A_617 : vector<1x1x64xf32> to vector<1x64xf32>
    %add3A_619 = arith.addf %dot_general3A_613, %get3A_618 : vector<1x64xf32>
    %get3A_620 = arith.constant 0 : index
    %get3A_621 = arith.constant 0 : index
    %get3A_622 = arith.constant 0 : index
    %get3A_623 = vector.load %arg7[%get3A_620, %get3A_621, %get3A_622] : memref<3x16x64xf32, #tpu.memory_space<vmem>>, vector<1x16x64xf32>
    %get3A_624 = vector.shape_cast %get3A_623 : vector<1x16x64xf32> to vector<16x64xf32>
    %dot_general3A_625 = arith.constant dense<0.000000e+00> : vector<1x64xf32>
    %dot_general3A_626 = tpu.matmul %mul3A_459, %get3A_624, %dot_general3A_625 {dimension_numbers = #tpu.dot_dimension_numbers<[1], [0], [0], [1], [0, 0, 1, 1], [], []>, transpose_lhs_hint = false} : vector<1x16xf32>, vector<16x64xf32>, vector<1x64xf32> -> vector<1x64xf32>
    %add3A_627 = arith.addf %add3A_619, %dot_general3A_626 : vector<1x64xf32>
    %get3A_628 = arith.constant 0 : index
    %get3A_629 = arith.constant 0 : index
    %get3A_630 = arith.constant 0 : index
    %get3A_631 = vector.load %arg9[%get3A_628, %get3A_629, %get3A_630] : memref<3x1x64xf32, #tpu.memory_space<vmem>>, vector<1x1x64xf32>
    %get3A_632 = vector.shape_cast %get3A_631 : vector<1x1x64xf32> to vector<1x64xf32>
    %add3A_633 = arith.addf %add3A_627, %get3A_632 : vector<1x64xf32>
    %slice3A_634 = vector.extract_strided_slice %add3A_633 {offsets = [0, 0], sizes = [1, 16], strides = [1, 1]} : vector<1x64xf32> to vector<1x16xf32>
    %logistic3A_635 = arith.negf %slice3A_634 : vector<1x16xf32>
    %logistic3A_636 = math.exp %logistic3A_635 : vector<1x16xf32>
    %logistic3A_637 = arith.constant 1.000000e+00 : f32
    %logistic3A_638 = vector.broadcast %logistic3A_637 : f32 to vector<1x16xf32>
    %logistic3A_639 = arith.addf %logistic3A_638, %logistic3A_636 : vector<1x16xf32>
    %logistic3A_640 = arith.divf %logistic3A_638, %logistic3A_639 : vector<1x16xf32>
    %slice3A_641 = vector.extract_strided_slice %add3A_633 {offsets = [0, 16], sizes = [1, 16], strides = [1, 1]} : vector<1x64xf32> to vector<1x16xf32>
    %logistic3A_642 = arith.negf %slice3A_641 : vector<1x16xf32>
    %logistic3A_643 = math.exp %logistic3A_642 : vector<1x16xf32>
    %logistic3A_644 = arith.constant 1.000000e+00 : f32
    %logistic3A_645 = vector.broadcast %logistic3A_644 : f32 to vector<1x16xf32>
    %logistic3A_646 = arith.addf %logistic3A_645, %logistic3A_643 : vector<1x16xf32>
    %logistic3A_647 = arith.divf %logistic3A_645, %logistic3A_646 : vector<1x16xf32>
    %slice3A_648 = vector.extract_strided_slice %add3A_633 {offsets = [0, 32], sizes = [1, 16], strides = [1, 1]} : vector<1x64xf32> to vector<1x16xf32>
    %tanh3A_649 = math.tanh %slice3A_648 : vector<1x16xf32>
    %slice3A_650 = vector.extract_strided_slice %add3A_633 {offsets = [0, 48], sizes = [1, 16], strides = [1, 1]} : vector<1x64xf32> to vector<1x16xf32>
    %logistic3A_651 = arith.negf %slice3A_650 : vector<1x16xf32>
    %logistic3A_652 = math.exp %logistic3A_651 : vector<1x16xf32>
    %logistic3A_653 = arith.constant 1.000000e+00 : f32
    %logistic3A_654 = vector.broadcast %logistic3A_653 : f32 to vector<1x16xf32>
    %logistic3A_655 = arith.addf %logistic3A_654, %logistic3A_652 : vector<1x16xf32>
    %logistic3A_656 = arith.divf %logistic3A_654, %logistic3A_655 : vector<1x16xf32>
    %mul3A_657 = arith.mulf %logistic3A_647, %add3A_457 : vector<1x16xf32>
    %mul3A_658 = arith.mulf %logistic3A_640, %tanh3A_649 : vector<1x16xf32>
    %add3A_659 = arith.addf %mul3A_657, %mul3A_658 : vector<1x16xf32>
    %tanh3A_660 = math.tanh %add3A_659 : vector<1x16xf32>
    %mul3A_661 = arith.mulf %logistic3A_656, %tanh3A_660 : vector<1x16xf32>
    %get3A_662 = arith.constant 0 : index
    %get3A_663 = arith.constant 0 : index
    %get3A_664 = arith.constant 0 : index
    %get3A_665 = vector.load %arg6[%get3A_662, %get3A_663, %get3A_664] : memref<2x16x64xf32, #tpu.memory_space<vmem>>, vector<1x16x64xf32>
    %get3A_666 = vector.shape_cast %get3A_665 : vector<1x16x64xf32> to vector<16x64xf32>
    %dot_general3A_667 = arith.constant dense<0.000000e+00> : vector<1x64xf32>
    %dot_general3A_668 = tpu.matmul %mul3A_661, %get3A_666, %dot_general3A_667 {dimension_numbers = #tpu.dot_dimension_numbers<[1], [0], [0], [1], [0, 0, 1, 1], [], []>, transpose_lhs_hint = false} : vector<1x16xf32>, vector<16x64xf32>, vector<1x64xf32> -> vector<1x64xf32>
    %get3A_669 = arith.constant 1 : index
    %get3A_670 = arith.constant 0 : index
    %get3A_671 = arith.constant 0 : index
    %get3A_672 = vector.load %arg8[%get3A_669, %get3A_670, %get3A_671] : memref<3x1x64xf32, #tpu.memory_space<vmem>>, vector<1x1x64xf32>
    %get3A_673 = vector.shape_cast %get3A_672 : vector<1x1x64xf32> to vector<1x64xf32>
    %add3A_674 = arith.addf %dot_general3A_668, %get3A_673 : vector<1x64xf32>
    %get3A_675 = arith.constant 1 : index
    %get3A_676 = arith.constant 0 : index
    %get3A_677 = arith.constant 0 : index
    %get3A_678 = vector.load %arg7[%get3A_675, %get3A_676, %get3A_677] : memref<3x16x64xf32, #tpu.memory_space<vmem>>, vector<1x16x64xf32>
    %get3A_679 = vector.shape_cast %get3A_678 : vector<1x16x64xf32> to vector<16x64xf32>
    %dot_general3A_680 = arith.constant dense<0.000000e+00> : vector<1x64xf32>
    %dot_general3A_681 = tpu.matmul %mul3A_514, %get3A_679, %dot_general3A_680 {dimension_numbers = #tpu.dot_dimension_numbers<[1], [0], [0], [1], [0, 0, 1, 1], [], []>, transpose_lhs_hint = false} : vector<1x16xf32>, vector<16x64xf32>, vector<1x64xf32> -> vector<1x64xf32>
    %add3A_682 = arith.addf %add3A_674, %dot_general3A_681 : vector<1x64xf32>
    %get3A_683 = arith.constant 1 : index
    %get3A_684 = arith.constant 0 : index
    %get3A_685 = arith.constant 0 : index
    %get3A_686 = vector.load %arg9[%get3A_683, %get3A_684, %get3A_685] : memref<3x1x64xf32, #tpu.memory_space<vmem>>, vector<1x1x64xf32>
    %get3A_687 = vector.shape_cast %get3A_686 : vector<1x1x64xf32> to vector<1x64xf32>
    %add3A_688 = arith.addf %add3A_682, %get3A_687 : vector<1x64xf32>
    %slice3A_689 = vector.extract_strided_slice %add3A_688 {offsets = [0, 0], sizes = [1, 16], strides = [1, 1]} : vector<1x64xf32> to vector<1x16xf32>
    %logistic3A_690 = arith.negf %slice3A_689 : vector<1x16xf32>
    %logistic3A_691 = math.exp %logistic3A_690 : vector<1x16xf32>
    %logistic3A_692 = arith.constant 1.000000e+00 : f32
    %logistic3A_693 = vector.broadcast %logistic3A_692 : f32 to vector<1x16xf32>
    %logistic3A_694 = arith.addf %logistic3A_693, %logistic3A_691 : vector<1x16xf32>
    %logistic3A_695 = arith.divf %logistic3A_693, %logistic3A_694 : vector<1x16xf32>
    %slice3A_696 = vector.extract_strided_slice %add3A_688 {offsets = [0, 16], sizes = [1, 16], strides = [1, 1]} : vector<1x64xf32> to vector<1x16xf32>
    %logistic3A_697 = arith.negf %slice3A_696 : vector<1x16xf32>
    %logistic3A_698 = math.exp %logistic3A_697 : vector<1x16xf32>
    %logistic3A_699 = arith.constant 1.000000e+00 : f32
    %logistic3A_700 = vector.broadcast %logistic3A_699 : f32 to vector<1x16xf32>
    %logistic3A_701 = arith.addf %logistic3A_700, %logistic3A_698 : vector<1x16xf32>
    %logistic3A_702 = arith.divf %logistic3A_700, %logistic3A_701 : vector<1x16xf32>
    %slice3A_703 = vector.extract_strided_slice %add3A_688 {offsets = [0, 32], sizes = [1, 16], strides = [1, 1]} : vector<1x64xf32> to vector<1x16xf32>
    %tanh3A_704 = math.tanh %slice3A_703 : vector<1x16xf32>
    %slice3A_705 = vector.extract_strided_slice %add3A_688 {offsets = [0, 48], sizes = [1, 16], strides = [1, 1]} : vector<1x64xf32> to vector<1x16xf32>
    %logistic3A_706 = arith.negf %slice3A_705 : vector<1x16xf32>
    %logistic3A_707 = math.exp %logistic3A_706 : vector<1x16xf32>
    %logistic3A_708 = arith.constant 1.000000e+00 : f32
    %logistic3A_709 = vector.broadcast %logistic3A_708 : f32 to vector<1x16xf32>
    %logistic3A_710 = arith.addf %logistic3A_709, %logistic3A_707 : vector<1x16xf32>
    %logistic3A_711 = arith.divf %logistic3A_709, %logistic3A_710 : vector<1x16xf32>
    %mul3A_712 = arith.mulf %logistic3A_702, %add3A_512 : vector<1x16xf32>
    %mul3A_713 = arith.mulf %logistic3A_695, %tanh3A_704 : vector<1x16xf32>
    %add3A_714 = arith.addf %mul3A_712, %mul3A_713 : vector<1x16xf32>
    %tanh3A_715 = math.tanh %add3A_714 : vector<1x16xf32>
    %mul3A_716 = arith.mulf %logistic3A_711, %tanh3A_715 : vector<1x16xf32>
    %get3A_717 = arith.constant 1 : index
    %get3A_718 = arith.constant 0 : index
    %get3A_719 = arith.constant 0 : index
    %get3A_720 = vector.load %arg6[%get3A_717, %get3A_718, %get3A_719] : memref<2x16x64xf32, #tpu.memory_space<vmem>>, vector<1x16x64xf32>
    %get3A_721 = vector.shape_cast %get3A_720 : vector<1x16x64xf32> to vector<16x64xf32>
    %dot_general3A_722 = arith.constant dense<0.000000e+00> : vector<1x64xf32>
    %dot_general3A_723 = tpu.matmul %mul3A_716, %get3A_721, %dot_general3A_722 {dimension_numbers = #tpu.dot_dimension_numbers<[1], [0], [0], [1], [0, 0, 1, 1], [], []>, transpose_lhs_hint = false} : vector<1x16xf32>, vector<16x64xf32>, vector<1x64xf32> -> vector<1x64xf32>
    %get3A_724 = arith.constant 2 : index
    %get3A_725 = arith.constant 0 : index
    %get3A_726 = arith.constant 0 : index
    %get3A_727 = vector.load %arg8[%get3A_724, %get3A_725, %get3A_726] : memref<3x1x64xf32, #tpu.memory_space<vmem>>, vector<1x1x64xf32>
    %get3A_728 = vector.shape_cast %get3A_727 : vector<1x1x64xf32> to vector<1x64xf32>
    %add3A_729 = arith.addf %dot_general3A_723, %get3A_728 : vector<1x64xf32>
    %get3A_730 = arith.constant 2 : index
    %get3A_731 = arith.constant 0 : index
    %get3A_732 = arith.constant 0 : index
    %get3A_733 = vector.load %arg7[%get3A_730, %get3A_731, %get3A_732] : memref<3x16x64xf32, #tpu.memory_space<vmem>>, vector<1x16x64xf32>
    %get3A_734 = vector.shape_cast %get3A_733 : vector<1x16x64xf32> to vector<16x64xf32>
    %dot_general3A_735 = arith.constant dense<0.000000e+00> : vector<1x64xf32>
    %dot_general3A_736 = tpu.matmul %mul3A_569, %get3A_734, %dot_general3A_735 {dimension_numbers = #tpu.dot_dimension_numbers<[1], [0], [0], [1], [0, 0, 1, 1], [], []>, transpose_lhs_hint = false} : vector<1x16xf32>, vector<16x64xf32>, vector<1x64xf32> -> vector<1x64xf32>
    %add3A_737 = arith.addf %add3A_729, %dot_general3A_736 : vector<1x64xf32>
    %get3A_738 = arith.constant 2 : index
    %get3A_739 = arith.constant 0 : index
    %get3A_740 = arith.constant 0 : index
    %get3A_741 = vector.load %arg9[%get3A_738, %get3A_739, %get3A_740] : memref<3x1x64xf32, #tpu.memory_space<vmem>>, vector<1x1x64xf32>
    %get3A_742 = vector.shape_cast %get3A_741 : vector<1x1x64xf32> to vector<1x64xf32>
    %add3A_743 = arith.addf %add3A_737, %get3A_742 : vector<1x64xf32>
    %slice3A_744 = vector.extract_strided_slice %add3A_743 {offsets = [0, 0], sizes = [1, 16], strides = [1, 1]} : vector<1x64xf32> to vector<1x16xf32>
    %logistic3A_745 = arith.negf %slice3A_744 : vector<1x16xf32>
    %logistic3A_746 = math.exp %logistic3A_745 : vector<1x16xf32>
    %logistic3A_747 = arith.constant 1.000000e+00 : f32
    %logistic3A_748 = vector.broadcast %logistic3A_747 : f32 to vector<1x16xf32>
    %logistic3A_749 = arith.addf %logistic3A_748, %logistic3A_746 : vector<1x16xf32>
    %logistic3A_750 = arith.divf %logistic3A_748, %logistic3A_749 : vector<1x16xf32>
    %slice3A_751 = vector.extract_strided_slice %add3A_743 {offsets = [0, 16], sizes = [1, 16], strides = [1, 1]} : vector<1x64xf32> to vector<1x16xf32>
    %logistic3A_752 = arith.negf %slice3A_751 : vector<1x16xf32>
    %logistic3A_753 = math.exp %logistic3A_752 : vector<1x16xf32>
    %logistic3A_754 = arith.constant 1.000000e+00 : f32
    %logistic3A_755 = vector.broadcast %logistic3A_754 : f32 to vector<1x16xf32>
    %logistic3A_756 = arith.addf %logistic3A_755, %logistic3A_753 : vector<1x16xf32>
    %logistic3A_757 = arith.divf %logistic3A_755, %logistic3A_756 : vector<1x16xf32>
    %slice3A_758 = vector.extract_strided_slice %add3A_743 {offsets = [0, 32], sizes = [1, 16], strides = [1, 1]} : vector<1x64xf32> to vector<1x16xf32>
    %tanh3A_759 = math.tanh %slice3A_758 : vector<1x16xf32>
    %slice3A_760 = vector.extract_strided_slice %add3A_743 {offsets = [0, 48], sizes = [1, 16], strides = [1, 1]} : vector<1x64xf32> to vector<1x16xf32>
    %logistic3A_761 = arith.negf %slice3A_760 : vector<1x16xf32>
    %logistic3A_762 = math.exp %logistic3A_761 : vector<1x16xf32>
    %logistic3A_763 = arith.constant 1.000000e+00 : f32
    %logistic3A_764 = vector.broadcast %logistic3A_763 : f32 to vector<1x16xf32>
    %logistic3A_765 = arith.addf %logistic3A_764, %logistic3A_762 : vector<1x16xf32>
    %logistic3A_766 = arith.divf %logistic3A_764, %logistic3A_765 : vector<1x16xf32>
    %mul3A_767 = arith.mulf %logistic3A_757, %add3A_567 : vector<1x16xf32>
    %mul3A_768 = arith.mulf %logistic3A_750, %tanh3A_759 : vector<1x16xf32>
    %add3A_769 = arith.addf %mul3A_767, %mul3A_768 : vector<1x16xf32>
    %tanh3A_770 = math.tanh %add3A_769 : vector<1x16xf32>
    %mul3A_771 = arith.mulf %logistic3A_766, %tanh3A_770 : vector<1x16xf32>
    %get3A_772 = arith.constant 0 : index
    %get3A_773 = arith.constant 0 : index
    %get3A_774 = vector.load %arg2[%get3A_772, %get3A_773] : memref<16x128xf32, #tpu.memory_space<vmem>>, vector<16x128xf32>
    %dot_general3A_775 = arith.constant dense<0.000000e+00> : vector<1x128xf32>
    %dot_general3A_776 = tpu.matmul %mul3A_771, %get3A_774, %dot_general3A_775 {dimension_numbers = #tpu.dot_dimension_numbers<[1], [0], [0], [1], [0, 0, 1, 1], [], []>, transpose_lhs_hint = false} : vector<1x16xf32>, vector<16x128xf32>, vector<1x128xf32> -> vector<1x128xf32>
    %mul3A_777 = vector.broadcast %dot_general3A_776 : vector<1x128xf32> to vector<1250x128xf32>
    %mul3A_778 = arith.mulf %get3A_1, %mul3A_777 : vector<1250x128xf32>
    %get3A_779 = arith.constant 0 : index
    %get3A_780 = arith.constant 0 : index
    %get3A_781 = vector.load %arg3[%get3A_779, %get3A_780] : memref<128x128xf32, #tpu.memory_space<vmem>>, vector<128x128xf32>
    %dot_general3A_782 = arith.constant dense<0.000000e+00> : vector<1250x128xf32>
    %dot_general3A_783 = tpu.matmul %mul3A_778, %get3A_781, %dot_general3A_782 {dimension_numbers = #tpu.dot_dimension_numbers<[1], [0], [0], [1], [0, 0, 1, 1], [], []>, transpose_lhs_hint = false} : vector<1250x128xf32>, vector<128x128xf32>, vector<1250x128xf32> -> vector<1250x128xf32>
    %reduce_max3A_784 = vector.shape_cast %dot_general3A_783 : vector<1250x128xf32> to vector<1x1250x128xf32>
    %reduce_max3A_785 = arith.constant dense<0xFF800000> : vector<1xf32>
    %reduce_max3A_786 = vector.multi_reduction <maximumf>, %reduce_max3A_784, %reduce_max3A_785 [1, 2] : vector<1x1250x128xf32> to vector<1xf32>
    %reduce_max3A_787 = vector.shape_cast %reduce_max3A_786 : vector<1xf32> to vector<1x1x1xf32>
    %reduce_max3A_788 = vector.extract %reduce_max3A_787[0, 0, 0] : f32 from vector<1x1x1xf32>
    %sub3A_789 = vector.broadcast %reduce_max3A_788 : f32 to vector<1250x128xf32>
    %sub3A_790 = arith.subf %dot_general3A_783, %sub3A_789 : vector<1250x128xf32>
    %exp3A_791 = math.exp %sub3A_790 : vector<1250x128xf32>
    %reduce_sum3A_792 = vector.shape_cast %exp3A_791 : vector<1250x128xf32> to vector<1x1250x128xf32>
    %reduce_sum3A_793 = arith.constant dense<0.000000e+00> : vector<1xf32>
    %reduce_sum3A_794 = vector.multi_reduction <add>, %reduce_sum3A_792, %reduce_sum3A_793 [1, 2] : vector<1x1250x128xf32> to vector<1xf32>
    %reduce_sum3A_795 = vector.shape_cast %reduce_sum3A_794 : vector<1xf32> to vector<1x1x1xf32>
    %reduce_sum3A_796 = vector.extract %reduce_sum3A_795[0, 0, 0] : f32 from vector<1x1x1xf32>
    %mul3A_797 = arith.constant 6.250000e-02 : f32
    %mul3A_798 = arith.mulf %reduce_sum3A_796, %mul3A_797 : f32
    %div3A_799 = vector.broadcast %mul3A_798 : f32 to vector<1250x128xf32>
    %div3A_800 = arith.divf %exp3A_791, %div3A_799 : vector<1250x128xf32>
    %mul3A_801 = arith.mulf %div3A_800, %get3A_1 : vector<1250x128xf32>
    %reduce_sum3A_802 = arith.constant dense<0.000000e+00> : vector<128xf32>
    %reduce_sum3A_803 = vector.multi_reduction <add>, %mul3A_801, %reduce_sum3A_802 [0] : vector<1250x128xf32> to vector<128xf32>
    %broadcast_in_dim3A_804 = vector.shape_cast %reduce_sum3A_803 : vector<128xf32> to vector<1x128xf32>
    %get3A_805 = arith.constant 0 : index
    %get3A_806 = arith.constant 0 : index
    %get3A_807 = vector.load %arg4[%get3A_805, %get3A_806] : memref<128x16xf32, #tpu.memory_space<vmem>>, vector<128x16xf32>
    %dot_general3A_808 = arith.constant dense<0.000000e+00> : vector<1x16xf32>
    %dot_general3A_809 = tpu.matmul %broadcast_in_dim3A_804, %get3A_807, %dot_general3A_808 {dimension_numbers = #tpu.dot_dimension_numbers<[1], [0], [0], [1], [0, 0, 1, 1], [], []>, transpose_lhs_hint = false} : vector<1x128xf32>, vector<128x16xf32>, vector<1x16xf32> -> vector<1x16xf32>
    %concatenate3A_810 = tpu.concatenate %mul3A_771, %dot_general3A_809 in 1 : vector<1x16xf32>, vector<1x16xf32> -> vector<1x32xf32>
    %get3A_811 = arith.constant 0 : index
    %get3A_812 = arith.constant 0 : index
    %get3A_813 = vector.load %arg5[%get3A_811, %get3A_812] : memref<32x64xf32, #tpu.memory_space<vmem>>, vector<32x64xf32>
    %dot_general3A_814 = arith.constant dense<0.000000e+00> : vector<1x64xf32>
    %dot_general3A_815 = tpu.matmul %concatenate3A_810, %get3A_813, %dot_general3A_814 {dimension_numbers = #tpu.dot_dimension_numbers<[1], [0], [0], [1], [0, 0, 1, 1], [], []>, transpose_lhs_hint = false} : vector<1x32xf32>, vector<32x64xf32>, vector<1x64xf32> -> vector<1x64xf32>
    %get3A_816 = arith.constant 0 : index
    %get3A_817 = arith.constant 0 : index
    %get3A_818 = arith.constant 0 : index
    %get3A_819 = vector.load %arg8[%get3A_816, %get3A_817, %get3A_818] : memref<3x1x64xf32, #tpu.memory_space<vmem>>, vector<1x1x64xf32>
    %get3A_820 = vector.shape_cast %get3A_819 : vector<1x1x64xf32> to vector<1x64xf32>
    %add3A_821 = arith.addf %dot_general3A_815, %get3A_820 : vector<1x64xf32>
    %get3A_822 = arith.constant 0 : index
    %get3A_823 = arith.constant 0 : index
    %get3A_824 = arith.constant 0 : index
    %get3A_825 = vector.load %arg7[%get3A_822, %get3A_823, %get3A_824] : memref<3x16x64xf32, #tpu.memory_space<vmem>>, vector<1x16x64xf32>
    %get3A_826 = vector.shape_cast %get3A_825 : vector<1x16x64xf32> to vector<16x64xf32>
    %dot_general3A_827 = arith.constant dense<0.000000e+00> : vector<1x64xf32>
    %dot_general3A_828 = tpu.matmul %mul3A_661, %get3A_826, %dot_general3A_827 {dimension_numbers = #tpu.dot_dimension_numbers<[1], [0], [0], [1], [0, 0, 1, 1], [], []>, transpose_lhs_hint = false} : vector<1x16xf32>, vector<16x64xf32>, vector<1x64xf32> -> vector<1x64xf32>
    %add3A_829 = arith.addf %add3A_821, %dot_general3A_828 : vector<1x64xf32>
    %get3A_830 = arith.constant 0 : index
    %get3A_831 = arith.constant 0 : index
    %get3A_832 = arith.constant 0 : index
    %get3A_833 = vector.load %arg9[%get3A_830, %get3A_831, %get3A_832] : memref<3x1x64xf32, #tpu.memory_space<vmem>>, vector<1x1x64xf32>
    %get3A_834 = vector.shape_cast %get3A_833 : vector<1x1x64xf32> to vector<1x64xf32>
    %add3A_835 = arith.addf %add3A_829, %get3A_834 : vector<1x64xf32>
    %slice3A_836 = vector.extract_strided_slice %add3A_835 {offsets = [0, 0], sizes = [1, 16], strides = [1, 1]} : vector<1x64xf32> to vector<1x16xf32>
    %logistic3A_837 = arith.negf %slice3A_836 : vector<1x16xf32>
    %logistic3A_838 = math.exp %logistic3A_837 : vector<1x16xf32>
    %logistic3A_839 = arith.constant 1.000000e+00 : f32
    %logistic3A_840 = vector.broadcast %logistic3A_839 : f32 to vector<1x16xf32>
    %logistic3A_841 = arith.addf %logistic3A_840, %logistic3A_838 : vector<1x16xf32>
    %logistic3A_842 = arith.divf %logistic3A_840, %logistic3A_841 : vector<1x16xf32>
    %slice3A_843 = vector.extract_strided_slice %add3A_835 {offsets = [0, 16], sizes = [1, 16], strides = [1, 1]} : vector<1x64xf32> to vector<1x16xf32>
    %logistic3A_844 = arith.negf %slice3A_843 : vector<1x16xf32>
    %logistic3A_845 = math.exp %logistic3A_844 : vector<1x16xf32>
    %logistic3A_846 = arith.constant 1.000000e+00 : f32
    %logistic3A_847 = vector.broadcast %logistic3A_846 : f32 to vector<1x16xf32>
    %logistic3A_848 = arith.addf %logistic3A_847, %logistic3A_845 : vector<1x16xf32>
    %logistic3A_849 = arith.divf %logistic3A_847, %logistic3A_848 : vector<1x16xf32>
    %slice3A_850 = vector.extract_strided_slice %add3A_835 {offsets = [0, 32], sizes = [1, 16], strides = [1, 1]} : vector<1x64xf32> to vector<1x16xf32>
    %tanh3A_851 = math.tanh %slice3A_850 : vector<1x16xf32>
    %slice3A_852 = vector.extract_strided_slice %add3A_835 {offsets = [0, 48], sizes = [1, 16], strides = [1, 1]} : vector<1x64xf32> to vector<1x16xf32>
    %logistic3A_853 = arith.negf %slice3A_852 : vector<1x16xf32>
    %logistic3A_854 = math.exp %logistic3A_853 : vector<1x16xf32>
    %logistic3A_855 = arith.constant 1.000000e+00 : f32
    %logistic3A_856 = vector.broadcast %logistic3A_855 : f32 to vector<1x16xf32>
    %logistic3A_857 = arith.addf %logistic3A_856, %logistic3A_854 : vector<1x16xf32>
    %logistic3A_858 = arith.divf %logistic3A_856, %logistic3A_857 : vector<1x16xf32>
    %mul3A_859 = arith.mulf %logistic3A_849, %add3A_659 : vector<1x16xf32>
    %mul3A_860 = arith.mulf %logistic3A_842, %tanh3A_851 : vector<1x16xf32>
    %add3A_861 = arith.addf %mul3A_859, %mul3A_860 : vector<1x16xf32>
    %tanh3A_862 = math.tanh %add3A_861 : vector<1x16xf32>
    %mul3A_863 = arith.mulf %logistic3A_858, %tanh3A_862 : vector<1x16xf32>
    %get3A_864 = arith.constant 0 : index
    %get3A_865 = arith.constant 0 : index
    %get3A_866 = arith.constant 0 : index
    %get3A_867 = vector.load %arg6[%get3A_864, %get3A_865, %get3A_866] : memref<2x16x64xf32, #tpu.memory_space<vmem>>, vector<1x16x64xf32>
    %get3A_868 = vector.shape_cast %get3A_867 : vector<1x16x64xf32> to vector<16x64xf32>
    %dot_general3A_869 = arith.constant dense<0.000000e+00> : vector<1x64xf32>
    %dot_general3A_870 = tpu.matmul %mul3A_863, %get3A_868, %dot_general3A_869 {dimension_numbers = #tpu.dot_dimension_numbers<[1], [0], [0], [1], [0, 0, 1, 1], [], []>, transpose_lhs_hint = false} : vector<1x16xf32>, vector<16x64xf32>, vector<1x64xf32> -> vector<1x64xf32>
    %get3A_871 = arith.constant 1 : index
    %get3A_872 = arith.constant 0 : index
    %get3A_873 = arith.constant 0 : index
    %get3A_874 = vector.load %arg8[%get3A_871, %get3A_872, %get3A_873] : memref<3x1x64xf32, #tpu.memory_space<vmem>>, vector<1x1x64xf32>
    %get3A_875 = vector.shape_cast %get3A_874 : vector<1x1x64xf32> to vector<1x64xf32>
    %add3A_876 = arith.addf %dot_general3A_870, %get3A_875 : vector<1x64xf32>
    %get3A_877 = arith.constant 1 : index
    %get3A_878 = arith.constant 0 : index
    %get3A_879 = arith.constant 0 : index
    %get3A_880 = vector.load %arg7[%get3A_877, %get3A_878, %get3A_879] : memref<3x16x64xf32, #tpu.memory_space<vmem>>, vector<1x16x64xf32>
    %get3A_881 = vector.shape_cast %get3A_880 : vector<1x16x64xf32> to vector<16x64xf32>
    %dot_general3A_882 = arith.constant dense<0.000000e+00> : vector<1x64xf32>
    %dot_general3A_883 = tpu.matmul %mul3A_716, %get3A_881, %dot_general3A_882 {dimension_numbers = #tpu.dot_dimension_numbers<[1], [0], [0], [1], [0, 0, 1, 1], [], []>, transpose_lhs_hint = false} : vector<1x16xf32>, vector<16x64xf32>, vector<1x64xf32> -> vector<1x64xf32>
    %add3A_884 = arith.addf %add3A_876, %dot_general3A_883 : vector<1x64xf32>
    %get3A_885 = arith.constant 1 : index
    %get3A_886 = arith.constant 0 : index
    %get3A_887 = arith.constant 0 : index
    %get3A_888 = vector.load %arg9[%get3A_885, %get3A_886, %get3A_887] : memref<3x1x64xf32, #tpu.memory_space<vmem>>, vector<1x1x64xf32>
    %get3A_889 = vector.shape_cast %get3A_888 : vector<1x1x64xf32> to vector<1x64xf32>
    %add3A_890 = arith.addf %add3A_884, %get3A_889 : vector<1x64xf32>
    %slice3A_891 = vector.extract_strided_slice %add3A_890 {offsets = [0, 0], sizes = [1, 16], strides = [1, 1]} : vector<1x64xf32> to vector<1x16xf32>
    %logistic3A_892 = arith.negf %slice3A_891 : vector<1x16xf32>
    %logistic3A_893 = math.exp %logistic3A_892 : vector<1x16xf32>
    %logistic3A_894 = arith.constant 1.000000e+00 : f32
    %logistic3A_895 = vector.broadcast %logistic3A_894 : f32 to vector<1x16xf32>
    %logistic3A_896 = arith.addf %logistic3A_895, %logistic3A_893 : vector<1x16xf32>
    %logistic3A_897 = arith.divf %logistic3A_895, %logistic3A_896 : vector<1x16xf32>
    %slice3A_898 = vector.extract_strided_slice %add3A_890 {offsets = [0, 16], sizes = [1, 16], strides = [1, 1]} : vector<1x64xf32> to vector<1x16xf32>
    %logistic3A_899 = arith.negf %slice3A_898 : vector<1x16xf32>
    %logistic3A_900 = math.exp %logistic3A_899 : vector<1x16xf32>
    %logistic3A_901 = arith.constant 1.000000e+00 : f32
    %logistic3A_902 = vector.broadcast %logistic3A_901 : f32 to vector<1x16xf32>
    %logistic3A_903 = arith.addf %logistic3A_902, %logistic3A_900 : vector<1x16xf32>
    %logistic3A_904 = arith.divf %logistic3A_902, %logistic3A_903 : vector<1x16xf32>
    %slice3A_905 = vector.extract_strided_slice %add3A_890 {offsets = [0, 32], sizes = [1, 16], strides = [1, 1]} : vector<1x64xf32> to vector<1x16xf32>
    %tanh3A_906 = math.tanh %slice3A_905 : vector<1x16xf32>
    %slice3A_907 = vector.extract_strided_slice %add3A_890 {offsets = [0, 48], sizes = [1, 16], strides = [1, 1]} : vector<1x64xf32> to vector<1x16xf32>
    %logistic3A_908 = arith.negf %slice3A_907 : vector<1x16xf32>
    %logistic3A_909 = math.exp %logistic3A_908 : vector<1x16xf32>
    %logistic3A_910 = arith.constant 1.000000e+00 : f32
    %logistic3A_911 = vector.broadcast %logistic3A_910 : f32 to vector<1x16xf32>
    %logistic3A_912 = arith.addf %logistic3A_911, %logistic3A_909 : vector<1x16xf32>
    %logistic3A_913 = arith.divf %logistic3A_911, %logistic3A_912 : vector<1x16xf32>
    %mul3A_914 = arith.mulf %logistic3A_904, %add3A_714 : vector<1x16xf32>
    %mul3A_915 = arith.mulf %logistic3A_897, %tanh3A_906 : vector<1x16xf32>
    %add3A_916 = arith.addf %mul3A_914, %mul3A_915 : vector<1x16xf32>
    %tanh3A_917 = math.tanh %add3A_916 : vector<1x16xf32>
    %mul3A_918 = arith.mulf %logistic3A_913, %tanh3A_917 : vector<1x16xf32>
    %get3A_919 = arith.constant 1 : index
    %get3A_920 = arith.constant 0 : index
    %get3A_921 = arith.constant 0 : index
    %get3A_922 = vector.load %arg6[%get3A_919, %get3A_920, %get3A_921] : memref<2x16x64xf32, #tpu.memory_space<vmem>>, vector<1x16x64xf32>
    %get3A_923 = vector.shape_cast %get3A_922 : vector<1x16x64xf32> to vector<16x64xf32>
    %dot_general3A_924 = arith.constant dense<0.000000e+00> : vector<1x64xf32>
    %dot_general3A_925 = tpu.matmul %mul3A_918, %get3A_923, %dot_general3A_924 {dimension_numbers = #tpu.dot_dimension_numbers<[1], [0], [0], [1], [0, 0, 1, 1], [], []>, transpose_lhs_hint = false} : vector<1x16xf32>, vector<16x64xf32>, vector<1x64xf32> -> vector<1x64xf32>
    %get3A_926 = arith.constant 2 : index
    %get3A_927 = arith.constant 0 : index
    %get3A_928 = arith.constant 0 : index
    %get3A_929 = vector.load %arg8[%get3A_926, %get3A_927, %get3A_928] : memref<3x1x64xf32, #tpu.memory_space<vmem>>, vector<1x1x64xf32>
    %get3A_930 = vector.shape_cast %get3A_929 : vector<1x1x64xf32> to vector<1x64xf32>
    %add3A_931 = arith.addf %dot_general3A_925, %get3A_930 : vector<1x64xf32>
    %get3A_932 = arith.constant 2 : index
    %get3A_933 = arith.constant 0 : index
    %get3A_934 = arith.constant 0 : index
    %get3A_935 = vector.load %arg7[%get3A_932, %get3A_933, %get3A_934] : memref<3x16x64xf32, #tpu.memory_space<vmem>>, vector<1x16x64xf32>
    %get3A_936 = vector.shape_cast %get3A_935 : vector<1x16x64xf32> to vector<16x64xf32>
    %dot_general3A_937 = arith.constant dense<0.000000e+00> : vector<1x64xf32>
    %dot_general3A_938 = tpu.matmul %mul3A_771, %get3A_936, %dot_general3A_937 {dimension_numbers = #tpu.dot_dimension_numbers<[1], [0], [0], [1], [0, 0, 1, 1], [], []>, transpose_lhs_hint = false} : vector<1x16xf32>, vector<16x64xf32>, vector<1x64xf32> -> vector<1x64xf32>
    %add3A_939 = arith.addf %add3A_931, %dot_general3A_938 : vector<1x64xf32>
    %get3A_940 = arith.constant 2 : index
    %get3A_941 = arith.constant 0 : index
    %get3A_942 = arith.constant 0 : index
    %get3A_943 = vector.load %arg9[%get3A_940, %get3A_941, %get3A_942] : memref<3x1x64xf32, #tpu.memory_space<vmem>>, vector<1x1x64xf32>
    %get3A_944 = vector.shape_cast %get3A_943 : vector<1x1x64xf32> to vector<1x64xf32>
    %add3A_945 = arith.addf %add3A_939, %get3A_944 : vector<1x64xf32>
    %slice3A_946 = vector.extract_strided_slice %add3A_945 {offsets = [0, 0], sizes = [1, 16], strides = [1, 1]} : vector<1x64xf32> to vector<1x16xf32>
    %logistic3A_947 = arith.negf %slice3A_946 : vector<1x16xf32>
    %logistic3A_948 = math.exp %logistic3A_947 : vector<1x16xf32>
    %logistic3A_949 = arith.constant 1.000000e+00 : f32
    %logistic3A_950 = vector.broadcast %logistic3A_949 : f32 to vector<1x16xf32>
    %logistic3A_951 = arith.addf %logistic3A_950, %logistic3A_948 : vector<1x16xf32>
    %logistic3A_952 = arith.divf %logistic3A_950, %logistic3A_951 : vector<1x16xf32>
    %slice3A_953 = vector.extract_strided_slice %add3A_945 {offsets = [0, 16], sizes = [1, 16], strides = [1, 1]} : vector<1x64xf32> to vector<1x16xf32>
    %logistic3A_954 = arith.negf %slice3A_953 : vector<1x16xf32>
    %logistic3A_955 = math.exp %logistic3A_954 : vector<1x16xf32>
    %logistic3A_956 = arith.constant 1.000000e+00 : f32
    %logistic3A_957 = vector.broadcast %logistic3A_956 : f32 to vector<1x16xf32>
    %logistic3A_958 = arith.addf %logistic3A_957, %logistic3A_955 : vector<1x16xf32>
    %logistic3A_959 = arith.divf %logistic3A_957, %logistic3A_958 : vector<1x16xf32>
    %slice3A_960 = vector.extract_strided_slice %add3A_945 {offsets = [0, 32], sizes = [1, 16], strides = [1, 1]} : vector<1x64xf32> to vector<1x16xf32>
    %tanh3A_961 = math.tanh %slice3A_960 : vector<1x16xf32>
    %slice3A_962 = vector.extract_strided_slice %add3A_945 {offsets = [0, 48], sizes = [1, 16], strides = [1, 1]} : vector<1x64xf32> to vector<1x16xf32>
    %logistic3A_963 = arith.negf %slice3A_962 : vector<1x16xf32>
    %logistic3A_964 = math.exp %logistic3A_963 : vector<1x16xf32>
    %logistic3A_965 = arith.constant 1.000000e+00 : f32
    %logistic3A_966 = vector.broadcast %logistic3A_965 : f32 to vector<1x16xf32>
    %logistic3A_967 = arith.addf %logistic3A_966, %logistic3A_964 : vector<1x16xf32>
    %logistic3A_968 = arith.divf %logistic3A_966, %logistic3A_967 : vector<1x16xf32>
    %mul3A_969 = arith.mulf %logistic3A_959, %add3A_769 : vector<1x16xf32>
    %mul3A_970 = arith.mulf %logistic3A_952, %tanh3A_961 : vector<1x16xf32>
    %add3A_971 = arith.addf %mul3A_969, %mul3A_970 : vector<1x16xf32>
    %tanh3A_972 = math.tanh %add3A_971 : vector<1x16xf32>
    %mul3A_973 = arith.mulf %logistic3A_968, %tanh3A_972 : vector<1x16xf32>
    %get3A_974 = arith.constant 0 : index
    %get3A_975 = arith.constant 0 : index
    %get3A_976 = vector.load %arg2[%get3A_974, %get3A_975] : memref<16x128xf32, #tpu.memory_space<vmem>>, vector<16x128xf32>
    %dot_general3A_977 = arith.constant dense<0.000000e+00> : vector<1x128xf32>
    %dot_general3A_978 = tpu.matmul %mul3A_973, %get3A_976, %dot_general3A_977 {dimension_numbers = #tpu.dot_dimension_numbers<[1], [0], [0], [1], [0, 0, 1, 1], [], []>, transpose_lhs_hint = false} : vector<1x16xf32>, vector<16x128xf32>, vector<1x128xf32> -> vector<1x128xf32>
    %mul3A_979 = vector.broadcast %dot_general3A_978 : vector<1x128xf32> to vector<1250x128xf32>
    %mul3A_980 = arith.mulf %get3A_1, %mul3A_979 : vector<1250x128xf32>
    %get3A_981 = arith.constant 0 : index
    %get3A_982 = arith.constant 0 : index
    %get3A_983 = vector.load %arg3[%get3A_981, %get3A_982] : memref<128x128xf32, #tpu.memory_space<vmem>>, vector<128x128xf32>
    %dot_general3A_984 = arith.constant dense<0.000000e+00> : vector<1250x128xf32>
    %dot_general3A_985 = tpu.matmul %mul3A_980, %get3A_983, %dot_general3A_984 {dimension_numbers = #tpu.dot_dimension_numbers<[1], [0], [0], [1], [0, 0, 1, 1], [], []>, transpose_lhs_hint = false} : vector<1250x128xf32>, vector<128x128xf32>, vector<1250x128xf32> -> vector<1250x128xf32>
    %reduce_max3A_986 = vector.shape_cast %dot_general3A_985 : vector<1250x128xf32> to vector<1x1250x128xf32>
    %reduce_max3A_987 = arith.constant dense<0xFF800000> : vector<1xf32>
    %reduce_max3A_988 = vector.multi_reduction <maximumf>, %reduce_max3A_986, %reduce_max3A_987 [1, 2] : vector<1x1250x128xf32> to vector<1xf32>
    %reduce_max3A_989 = vector.shape_cast %reduce_max3A_988 : vector<1xf32> to vector<1x1x1xf32>
    %reduce_max3A_990 = vector.extract %reduce_max3A_989[0, 0, 0] : f32 from vector<1x1x1xf32>
    %sub3A_991 = vector.broadcast %reduce_max3A_990 : f32 to vector<1250x128xf32>
    %sub3A_992 = arith.subf %dot_general3A_985, %sub3A_991 : vector<1250x128xf32>
    %exp3A_993 = math.exp %sub3A_992 : vector<1250x128xf32>
    %reduce_sum3A_994 = vector.shape_cast %exp3A_993 : vector<1250x128xf32> to vector<1x1250x128xf32>
    %reduce_sum3A_995 = arith.constant dense<0.000000e+00> : vector<1xf32>
    %reduce_sum3A_996 = vector.multi_reduction <add>, %reduce_sum3A_994, %reduce_sum3A_995 [1, 2] : vector<1x1250x128xf32> to vector<1xf32>
    %reduce_sum3A_997 = vector.shape_cast %reduce_sum3A_996 : vector<1xf32> to vector<1x1x1xf32>
    %reduce_sum3A_998 = vector.extract %reduce_sum3A_997[0, 0, 0] : f32 from vector<1x1x1xf32>
    %mul3A_999 = arith.constant 6.250000e-02 : f32
    %mul3A_1000 = arith.mulf %reduce_sum3A_998, %mul3A_999 : f32
    %div3A_1001 = vector.broadcast %mul3A_1000 : f32 to vector<1250x128xf32>
    %div3A_1002 = arith.divf %exp3A_993, %div3A_1001 : vector<1250x128xf32>
    %mul3A_1003 = arith.mulf %div3A_1002, %get3A_1 : vector<1250x128xf32>
    %reduce_sum3A_1004 = arith.constant dense<0.000000e+00> : vector<128xf32>
    %reduce_sum3A_1005 = vector.multi_reduction <add>, %mul3A_1003, %reduce_sum3A_1004 [0] : vector<1250x128xf32> to vector<128xf32>
    %broadcast_in_dim3A_1006 = vector.shape_cast %reduce_sum3A_1005 : vector<128xf32> to vector<1x128xf32>
    %get3A_1007 = arith.constant 0 : index
    %get3A_1008 = arith.constant 0 : index
    %get3A_1009 = vector.load %arg4[%get3A_1007, %get3A_1008] : memref<128x16xf32, #tpu.memory_space<vmem>>, vector<128x16xf32>
    %dot_general3A_1010 = arith.constant dense<0.000000e+00> : vector<1x16xf32>
    %dot_general3A_1011 = tpu.matmul %broadcast_in_dim3A_1006, %get3A_1009, %dot_general3A_1010 {dimension_numbers = #tpu.dot_dimension_numbers<[1], [0], [0], [1], [0, 0, 1, 1], [], []>, transpose_lhs_hint = false} : vector<1x128xf32>, vector<128x16xf32>, vector<1x16xf32> -> vector<1x16xf32>
    %concatenate3A_1012 = tpu.concatenate %mul3A_973, %dot_general3A_1011 in 1 : vector<1x16xf32>, vector<1x16xf32> -> vector<1x32xf32>
    %get3A_1013 = arith.constant 0 : index
    %get3A_1014 = arith.constant 0 : index
    %get3A_1015 = vector.load %arg5[%get3A_1013, %get3A_1014] : memref<32x64xf32, #tpu.memory_space<vmem>>, vector<32x64xf32>
    %dot_general3A_1016 = arith.constant dense<0.000000e+00> : vector<1x64xf32>
    %dot_general3A_1017 = tpu.matmul %concatenate3A_1012, %get3A_1015, %dot_general3A_1016 {dimension_numbers = #tpu.dot_dimension_numbers<[1], [0], [0], [1], [0, 0, 1, 1], [], []>, transpose_lhs_hint = false} : vector<1x32xf32>, vector<32x64xf32>, vector<1x64xf32> -> vector<1x64xf32>
    %get3A_1018 = arith.constant 0 : index
    %get3A_1019 = arith.constant 0 : index
    %get3A_1020 = arith.constant 0 : index
    %get3A_1021 = vector.load %arg8[%get3A_1018, %get3A_1019, %get3A_1020] : memref<3x1x64xf32, #tpu.memory_space<vmem>>, vector<1x1x64xf32>
    %get3A_1022 = vector.shape_cast %get3A_1021 : vector<1x1x64xf32> to vector<1x64xf32>
    %add3A_1023 = arith.addf %dot_general3A_1017, %get3A_1022 : vector<1x64xf32>
    %get3A_1024 = arith.constant 0 : index
    %get3A_1025 = arith.constant 0 : index
    %get3A_1026 = arith.constant 0 : index
    %get3A_1027 = vector.load %arg7[%get3A_1024, %get3A_1025, %get3A_1026] : memref<3x16x64xf32, #tpu.memory_space<vmem>>, vector<1x16x64xf32>
    %get3A_1028 = vector.shape_cast %get3A_1027 : vector<1x16x64xf32> to vector<16x64xf32>
    %dot_general3A_1029 = arith.constant dense<0.000000e+00> : vector<1x64xf32>
    %dot_general3A_1030 = tpu.matmul %mul3A_863, %get3A_1028, %dot_general3A_1029 {dimension_numbers = #tpu.dot_dimension_numbers<[1], [0], [0], [1], [0, 0, 1, 1], [], []>, transpose_lhs_hint = false} : vector<1x16xf32>, vector<16x64xf32>, vector<1x64xf32> -> vector<1x64xf32>
    %add3A_1031 = arith.addf %add3A_1023, %dot_general3A_1030 : vector<1x64xf32>
    %get3A_1032 = arith.constant 0 : index
    %get3A_1033 = arith.constant 0 : index
    %get3A_1034 = arith.constant 0 : index
    %get3A_1035 = vector.load %arg9[%get3A_1032, %get3A_1033, %get3A_1034] : memref<3x1x64xf32, #tpu.memory_space<vmem>>, vector<1x1x64xf32>
    %get3A_1036 = vector.shape_cast %get3A_1035 : vector<1x1x64xf32> to vector<1x64xf32>
    %add3A_1037 = arith.addf %add3A_1031, %get3A_1036 : vector<1x64xf32>
    %slice3A_1038 = vector.extract_strided_slice %add3A_1037 {offsets = [0, 0], sizes = [1, 16], strides = [1, 1]} : vector<1x64xf32> to vector<1x16xf32>
    %logistic3A_1039 = arith.negf %slice3A_1038 : vector<1x16xf32>
    %logistic3A_1040 = math.exp %logistic3A_1039 : vector<1x16xf32>
    %logistic3A_1041 = arith.constant 1.000000e+00 : f32
    %logistic3A_1042 = vector.broadcast %logistic3A_1041 : f32 to vector<1x16xf32>
    %logistic3A_1043 = arith.addf %logistic3A_1042, %logistic3A_1040 : vector<1x16xf32>
    %logistic3A_1044 = arith.divf %logistic3A_1042, %logistic3A_1043 : vector<1x16xf32>
    %slice3A_1045 = vector.extract_strided_slice %add3A_1037 {offsets = [0, 16], sizes = [1, 16], strides = [1, 1]} : vector<1x64xf32> to vector<1x16xf32>
    %logistic3A_1046 = arith.negf %slice3A_1045 : vector<1x16xf32>
    %logistic3A_1047 = math.exp %logistic3A_1046 : vector<1x16xf32>
    %logistic3A_1048 = arith.constant 1.000000e+00 : f32
    %logistic3A_1049 = vector.broadcast %logistic3A_1048 : f32 to vector<1x16xf32>
    %logistic3A_1050 = arith.addf %logistic3A_1049, %logistic3A_1047 : vector<1x16xf32>
    %logistic3A_1051 = arith.divf %logistic3A_1049, %logistic3A_1050 : vector<1x16xf32>
    %slice3A_1052 = vector.extract_strided_slice %add3A_1037 {offsets = [0, 32], sizes = [1, 16], strides = [1, 1]} : vector<1x64xf32> to vector<1x16xf32>
    %tanh3A_1053 = math.tanh %slice3A_1052 : vector<1x16xf32>
    %slice3A_1054 = vector.extract_strided_slice %add3A_1037 {offsets = [0, 48], sizes = [1, 16], strides = [1, 1]} : vector<1x64xf32> to vector<1x16xf32>
    %logistic3A_1055 = arith.negf %slice3A_1054 : vector<1x16xf32>
    %logistic3A_1056 = math.exp %logistic3A_1055 : vector<1x16xf32>
    %logistic3A_1057 = arith.constant 1.000000e+00 : f32
    %logistic3A_1058 = vector.broadcast %logistic3A_1057 : f32 to vector<1x16xf32>
    %logistic3A_1059 = arith.addf %logistic3A_1058, %logistic3A_1056 : vector<1x16xf32>
    %logistic3A_1060 = arith.divf %logistic3A_1058, %logistic3A_1059 : vector<1x16xf32>
    %mul3A_1061 = arith.mulf %logistic3A_1051, %add3A_861 : vector<1x16xf32>
    %mul3A_1062 = arith.mulf %logistic3A_1044, %tanh3A_1053 : vector<1x16xf32>
    %add3A_1063 = arith.addf %mul3A_1061, %mul3A_1062 : vector<1x16xf32>
    %tanh3A_1064 = math.tanh %add3A_1063 : vector<1x16xf32>
    %mul3A_1065 = arith.mulf %logistic3A_1060, %tanh3A_1064 : vector<1x16xf32>
    %get3A_1066 = arith.constant 0 : index
    %get3A_1067 = arith.constant 0 : index
    %get3A_1068 = arith.constant 0 : index
    %get3A_1069 = vector.load %arg6[%get3A_1066, %get3A_1067, %get3A_1068] : memref<2x16x64xf32, #tpu.memory_space<vmem>>, vector<1x16x64xf32>
    %get3A_1070 = vector.shape_cast %get3A_1069 : vector<1x16x64xf32> to vector<16x64xf32>
    %dot_general3A_1071 = arith.constant dense<0.000000e+00> : vector<1x64xf32>
    %dot_general3A_1072 = tpu.matmul %mul3A_1065, %get3A_1070, %dot_general3A_1071 {dimension_numbers = #tpu.dot_dimension_numbers<[1], [0], [0], [1], [0, 0, 1, 1], [], []>, transpose_lhs_hint = false} : vector<1x16xf32>, vector<16x64xf32>, vector<1x64xf32> -> vector<1x64xf32>
    %get3A_1073 = arith.constant 1 : index
    %get3A_1074 = arith.constant 0 : index
    %get3A_1075 = arith.constant 0 : index
    %get3A_1076 = vector.load %arg8[%get3A_1073, %get3A_1074, %get3A_1075] : memref<3x1x64xf32, #tpu.memory_space<vmem>>, vector<1x1x64xf32>
    %get3A_1077 = vector.shape_cast %get3A_1076 : vector<1x1x64xf32> to vector<1x64xf32>
    %add3A_1078 = arith.addf %dot_general3A_1072, %get3A_1077 : vector<1x64xf32>
    %get3A_1079 = arith.constant 1 : index
    %get3A_1080 = arith.constant 0 : index
    %get3A_1081 = arith.constant 0 : index
    %get3A_1082 = vector.load %arg7[%get3A_1079, %get3A_1080, %get3A_1081] : memref<3x16x64xf32, #tpu.memory_space<vmem>>, vector<1x16x64xf32>
    %get3A_1083 = vector.shape_cast %get3A_1082 : vector<1x16x64xf32> to vector<16x64xf32>
    %dot_general3A_1084 = arith.constant dense<0.000000e+00> : vector<1x64xf32>
    %dot_general3A_1085 = tpu.matmul %mul3A_918, %get3A_1083, %dot_general3A_1084 {dimension_numbers = #tpu.dot_dimension_numbers<[1], [0], [0], [1], [0, 0, 1, 1], [], []>, transpose_lhs_hint = false} : vector<1x16xf32>, vector<16x64xf32>, vector<1x64xf32> -> vector<1x64xf32>
    %add3A_1086 = arith.addf %add3A_1078, %dot_general3A_1085 : vector<1x64xf32>
    %get3A_1087 = arith.constant 1 : index
    %get3A_1088 = arith.constant 0 : index
    %get3A_1089 = arith.constant 0 : index
    %get3A_1090 = vector.load %arg9[%get3A_1087, %get3A_1088, %get3A_1089] : memref<3x1x64xf32, #tpu.memory_space<vmem>>, vector<1x1x64xf32>
    %get3A_1091 = vector.shape_cast %get3A_1090 : vector<1x1x64xf32> to vector<1x64xf32>
    %add3A_1092 = arith.addf %add3A_1086, %get3A_1091 : vector<1x64xf32>
    %slice3A_1093 = vector.extract_strided_slice %add3A_1092 {offsets = [0, 0], sizes = [1, 16], strides = [1, 1]} : vector<1x64xf32> to vector<1x16xf32>
    %logistic3A_1094 = arith.negf %slice3A_1093 : vector<1x16xf32>
    %logistic3A_1095 = math.exp %logistic3A_1094 : vector<1x16xf32>
    %logistic3A_1096 = arith.constant 1.000000e+00 : f32
    %logistic3A_1097 = vector.broadcast %logistic3A_1096 : f32 to vector<1x16xf32>
    %logistic3A_1098 = arith.addf %logistic3A_1097, %logistic3A_1095 : vector<1x16xf32>
    %logistic3A_1099 = arith.divf %logistic3A_1097, %logistic3A_1098 : vector<1x16xf32>
    %slice3A_1100 = vector.extract_strided_slice %add3A_1092 {offsets = [0, 16], sizes = [1, 16], strides = [1, 1]} : vector<1x64xf32> to vector<1x16xf32>
    %logistic3A_1101 = arith.negf %slice3A_1100 : vector<1x16xf32>
    %logistic3A_1102 = math.exp %logistic3A_1101 : vector<1x16xf32>
    %logistic3A_1103 = arith.constant 1.000000e+00 : f32
    %logistic3A_1104 = vector.broadcast %logistic3A_1103 : f32 to vector<1x16xf32>
    %logistic3A_1105 = arith.addf %logistic3A_1104, %logistic3A_1102 : vector<1x16xf32>
    %logistic3A_1106 = arith.divf %logistic3A_1104, %logistic3A_1105 : vector<1x16xf32>
    %slice3A_1107 = vector.extract_strided_slice %add3A_1092 {offsets = [0, 32], sizes = [1, 16], strides = [1, 1]} : vector<1x64xf32> to vector<1x16xf32>
    %tanh3A_1108 = math.tanh %slice3A_1107 : vector<1x16xf32>
    %slice3A_1109 = vector.extract_strided_slice %add3A_1092 {offsets = [0, 48], sizes = [1, 16], strides = [1, 1]} : vector<1x64xf32> to vector<1x16xf32>
    %logistic3A_1110 = arith.negf %slice3A_1109 : vector<1x16xf32>
    %logistic3A_1111 = math.exp %logistic3A_1110 : vector<1x16xf32>
    %logistic3A_1112 = arith.constant 1.000000e+00 : f32
    %logistic3A_1113 = vector.broadcast %logistic3A_1112 : f32 to vector<1x16xf32>
    %logistic3A_1114 = arith.addf %logistic3A_1113, %logistic3A_1111 : vector<1x16xf32>
    %logistic3A_1115 = arith.divf %logistic3A_1113, %logistic3A_1114 : vector<1x16xf32>
    %mul3A_1116 = arith.mulf %logistic3A_1106, %add3A_916 : vector<1x16xf32>
    %mul3A_1117 = arith.mulf %logistic3A_1099, %tanh3A_1108 : vector<1x16xf32>
    %add3A_1118 = arith.addf %mul3A_1116, %mul3A_1117 : vector<1x16xf32>
    %tanh3A_1119 = math.tanh %add3A_1118 : vector<1x16xf32>
    %mul3A_1120 = arith.mulf %logistic3A_1115, %tanh3A_1119 : vector<1x16xf32>
    %get3A_1121 = arith.constant 1 : index
    %get3A_1122 = arith.constant 0 : index
    %get3A_1123 = arith.constant 0 : index
    %get3A_1124 = vector.load %arg6[%get3A_1121, %get3A_1122, %get3A_1123] : memref<2x16x64xf32, #tpu.memory_space<vmem>>, vector<1x16x64xf32>
    %get3A_1125 = vector.shape_cast %get3A_1124 : vector<1x16x64xf32> to vector<16x64xf32>
    %dot_general3A_1126 = arith.constant dense<0.000000e+00> : vector<1x64xf32>
    %dot_general3A_1127 = tpu.matmul %mul3A_1120, %get3A_1125, %dot_general3A_1126 {dimension_numbers = #tpu.dot_dimension_numbers<[1], [0], [0], [1], [0, 0, 1, 1], [], []>, transpose_lhs_hint = false} : vector<1x16xf32>, vector<16x64xf32>, vector<1x64xf32> -> vector<1x64xf32>
    %get3A_1128 = arith.constant 2 : index
    %get3A_1129 = arith.constant 0 : index
    %get3A_1130 = arith.constant 0 : index
    %get3A_1131 = vector.load %arg8[%get3A_1128, %get3A_1129, %get3A_1130] : memref<3x1x64xf32, #tpu.memory_space<vmem>>, vector<1x1x64xf32>
    %get3A_1132 = vector.shape_cast %get3A_1131 : vector<1x1x64xf32> to vector<1x64xf32>
    %add3A_1133 = arith.addf %dot_general3A_1127, %get3A_1132 : vector<1x64xf32>
    %get3A_1134 = arith.constant 2 : index
    %get3A_1135 = arith.constant 0 : index
    %get3A_1136 = arith.constant 0 : index
    %get3A_1137 = vector.load %arg7[%get3A_1134, %get3A_1135, %get3A_1136] : memref<3x16x64xf32, #tpu.memory_space<vmem>>, vector<1x16x64xf32>
    %get3A_1138 = vector.shape_cast %get3A_1137 : vector<1x16x64xf32> to vector<16x64xf32>
    %dot_general3A_1139 = arith.constant dense<0.000000e+00> : vector<1x64xf32>
    %dot_general3A_1140 = tpu.matmul %mul3A_973, %get3A_1138, %dot_general3A_1139 {dimension_numbers = #tpu.dot_dimension_numbers<[1], [0], [0], [1], [0, 0, 1, 1], [], []>, transpose_lhs_hint = false} : vector<1x16xf32>, vector<16x64xf32>, vector<1x64xf32> -> vector<1x64xf32>
    %add3A_1141 = arith.addf %add3A_1133, %dot_general3A_1140 : vector<1x64xf32>
    %get3A_1142 = arith.constant 2 : index
    %get3A_1143 = arith.constant 0 : index
    %get3A_1144 = arith.constant 0 : index
    %get3A_1145 = vector.load %arg9[%get3A_1142, %get3A_1143, %get3A_1144] : memref<3x1x64xf32, #tpu.memory_space<vmem>>, vector<1x1x64xf32>
    %get3A_1146 = vector.shape_cast %get3A_1145 : vector<1x1x64xf32> to vector<1x64xf32>
    %add3A_1147 = arith.addf %add3A_1141, %get3A_1146 : vector<1x64xf32>
    %slice3A_1148 = vector.extract_strided_slice %add3A_1147 {offsets = [0, 0], sizes = [1, 16], strides = [1, 1]} : vector<1x64xf32> to vector<1x16xf32>
    %logistic3A_1149 = arith.negf %slice3A_1148 : vector<1x16xf32>
    %logistic3A_1150 = math.exp %logistic3A_1149 : vector<1x16xf32>
    %logistic3A_1151 = arith.constant 1.000000e+00 : f32
    %logistic3A_1152 = vector.broadcast %logistic3A_1151 : f32 to vector<1x16xf32>
    %logistic3A_1153 = arith.addf %logistic3A_1152, %logistic3A_1150 : vector<1x16xf32>
    %logistic3A_1154 = arith.divf %logistic3A_1152, %logistic3A_1153 : vector<1x16xf32>
    %slice3A_1155 = vector.extract_strided_slice %add3A_1147 {offsets = [0, 16], sizes = [1, 16], strides = [1, 1]} : vector<1x64xf32> to vector<1x16xf32>
    %logistic3A_1156 = arith.negf %slice3A_1155 : vector<1x16xf32>
    %logistic3A_1157 = math.exp %logistic3A_1156 : vector<1x16xf32>
    %logistic3A_1158 = arith.constant 1.000000e+00 : f32
    %logistic3A_1159 = vector.broadcast %logistic3A_1158 : f32 to vector<1x16xf32>
    %logistic3A_1160 = arith.addf %logistic3A_1159, %logistic3A_1157 : vector<1x16xf32>
    %logistic3A_1161 = arith.divf %logistic3A_1159, %logistic3A_1160 : vector<1x16xf32>
    %slice3A_1162 = vector.extract_strided_slice %add3A_1147 {offsets = [0, 32], sizes = [1, 16], strides = [1, 1]} : vector<1x64xf32> to vector<1x16xf32>
    %tanh3A_1163 = math.tanh %slice3A_1162 : vector<1x16xf32>
    %slice3A_1164 = vector.extract_strided_slice %add3A_1147 {offsets = [0, 48], sizes = [1, 16], strides = [1, 1]} : vector<1x64xf32> to vector<1x16xf32>
    %logistic3A_1165 = arith.negf %slice3A_1164 : vector<1x16xf32>
    %logistic3A_1166 = math.exp %logistic3A_1165 : vector<1x16xf32>
    %logistic3A_1167 = arith.constant 1.000000e+00 : f32
    %logistic3A_1168 = vector.broadcast %logistic3A_1167 : f32 to vector<1x16xf32>
    %logistic3A_1169 = arith.addf %logistic3A_1168, %logistic3A_1166 : vector<1x16xf32>
    %logistic3A_1170 = arith.divf %logistic3A_1168, %logistic3A_1169 : vector<1x16xf32>
    %mul3A_1171 = arith.mulf %logistic3A_1161, %add3A_971 : vector<1x16xf32>
    %mul3A_1172 = arith.mulf %logistic3A_1154, %tanh3A_1163 : vector<1x16xf32>
    %add3A_1173 = arith.addf %mul3A_1171, %mul3A_1172 : vector<1x16xf32>
    %tanh3A_1174 = math.tanh %add3A_1173 : vector<1x16xf32>
    %mul3A_1175 = arith.mulf %logistic3A_1170, %tanh3A_1174 : vector<1x16xf32>
    %get3A_1176 = arith.constant 0 : index
    %get3A_1177 = arith.constant 0 : index
    %get3A_1178 = vector.load %arg2[%get3A_1176, %get3A_1177] : memref<16x128xf32, #tpu.memory_space<vmem>>, vector<16x128xf32>
    %dot_general3A_1179 = arith.constant dense<0.000000e+00> : vector<1x128xf32>
    %dot_general3A_1180 = tpu.matmul %mul3A_1175, %get3A_1178, %dot_general3A_1179 {dimension_numbers = #tpu.dot_dimension_numbers<[1], [0], [0], [1], [0, 0, 1, 1], [], []>, transpose_lhs_hint = false} : vector<1x16xf32>, vector<16x128xf32>, vector<1x128xf32> -> vector<1x128xf32>
    %mul3A_1181 = vector.broadcast %dot_general3A_1180 : vector<1x128xf32> to vector<1250x128xf32>
    %mul3A_1182 = arith.mulf %get3A_1, %mul3A_1181 : vector<1250x128xf32>
    %get3A_1183 = arith.constant 0 : index
    %get3A_1184 = arith.constant 0 : index
    %get3A_1185 = vector.load %arg3[%get3A_1183, %get3A_1184] : memref<128x128xf32, #tpu.memory_space<vmem>>, vector<128x128xf32>
    %dot_general3A_1186 = arith.constant dense<0.000000e+00> : vector<1250x128xf32>
    %dot_general3A_1187 = tpu.matmul %mul3A_1182, %get3A_1185, %dot_general3A_1186 {dimension_numbers = #tpu.dot_dimension_numbers<[1], [0], [0], [1], [0, 0, 1, 1], [], []>, transpose_lhs_hint = false} : vector<1250x128xf32>, vector<128x128xf32>, vector<1250x128xf32> -> vector<1250x128xf32>
    %reduce_max3A_1188 = vector.shape_cast %dot_general3A_1187 : vector<1250x128xf32> to vector<1x1250x128xf32>
    %reduce_max3A_1189 = arith.constant dense<0xFF800000> : vector<1xf32>
    %reduce_max3A_1190 = vector.multi_reduction <maximumf>, %reduce_max3A_1188, %reduce_max3A_1189 [1, 2] : vector<1x1250x128xf32> to vector<1xf32>
    %reduce_max3A_1191 = vector.shape_cast %reduce_max3A_1190 : vector<1xf32> to vector<1x1x1xf32>
    %reduce_max3A_1192 = vector.extract %reduce_max3A_1191[0, 0, 0] : f32 from vector<1x1x1xf32>
    %sub3A_1193 = vector.broadcast %reduce_max3A_1192 : f32 to vector<1250x128xf32>
    %sub3A_1194 = arith.subf %dot_general3A_1187, %sub3A_1193 : vector<1250x128xf32>
    %exp3A_1195 = math.exp %sub3A_1194 : vector<1250x128xf32>
    %reduce_sum3A_1196 = vector.shape_cast %exp3A_1195 : vector<1250x128xf32> to vector<1x1250x128xf32>
    %reduce_sum3A_1197 = arith.constant dense<0.000000e+00> : vector<1xf32>
    %reduce_sum3A_1198 = vector.multi_reduction <add>, %reduce_sum3A_1196, %reduce_sum3A_1197 [1, 2] : vector<1x1250x128xf32> to vector<1xf32>
    %reduce_sum3A_1199 = vector.shape_cast %reduce_sum3A_1198 : vector<1xf32> to vector<1x1x1xf32>
    %reduce_sum3A_1200 = vector.extract %reduce_sum3A_1199[0, 0, 0] : f32 from vector<1x1x1xf32>
    %mul3A_1201 = arith.constant 6.250000e-02 : f32
    %mul3A_1202 = arith.mulf %reduce_sum3A_1200, %mul3A_1201 : f32
    %div3A_1203 = vector.broadcast %mul3A_1202 : f32 to vector<1250x128xf32>
    %div3A_1204 = arith.divf %exp3A_1195, %div3A_1203 : vector<1250x128xf32>
    %mul3A_1205 = arith.mulf %div3A_1204, %get3A_1 : vector<1250x128xf32>
    %reduce_sum3A_1206 = arith.constant dense<0.000000e+00> : vector<128xf32>
    %reduce_sum3A_1207 = vector.multi_reduction <add>, %mul3A_1205, %reduce_sum3A_1206 [0] : vector<1250x128xf32> to vector<128xf32>
    %broadcast_in_dim3A_1208 = vector.shape_cast %reduce_sum3A_1207 : vector<128xf32> to vector<1x128xf32>
    %get3A_1209 = arith.constant 0 : index
    %get3A_1210 = arith.constant 0 : index
    %get3A_1211 = vector.load %arg4[%get3A_1209, %get3A_1210] : memref<128x16xf32, #tpu.memory_space<vmem>>, vector<128x16xf32>
    %dot_general3A_1212 = arith.constant dense<0.000000e+00> : vector<1x16xf32>
    %dot_general3A_1213 = tpu.matmul %broadcast_in_dim3A_1208, %get3A_1211, %dot_general3A_1212 {dimension_numbers = #tpu.dot_dimension_numbers<[1], [0], [0], [1], [0, 0, 1, 1], [], []>, transpose_lhs_hint = false} : vector<1x128xf32>, vector<128x16xf32>, vector<1x16xf32> -> vector<1x16xf32>
    %concatenate3A_1214 = tpu.concatenate %mul3A_1175, %dot_general3A_1213 in 1 : vector<1x16xf32>, vector<1x16xf32> -> vector<1x32xf32>
    %get3A_1215 = arith.constant 0 : index
    %get3A_1216 = arith.constant 0 : index
    %get3A_1217 = vector.load %arg10[%get3A_1215, %get3A_1216] : memref<32x16xf32, #tpu.memory_space<vmem>>, vector<32x16xf32>
    %dot_general3A_1218 = arith.constant dense<0.000000e+00> : vector<1x16xf32>
    %dot_general3A_1219 = tpu.matmul %concatenate3A_1214, %get3A_1217, %dot_general3A_1218 {dimension_numbers = #tpu.dot_dimension_numbers<[1], [0], [0], [1], [0, 0, 1, 1], [], []>, transpose_lhs_hint = false} : vector<1x32xf32>, vector<32x16xf32>, vector<1x16xf32> -> vector<1x16xf32>
    %get3A_1220 = arith.constant 0 : index
    %get3A_1221 = arith.constant 0 : index
    %get3A_1222 = vector.load %arg11[%get3A_1220, %get3A_1221] : memref<1x16xf32, #tpu.memory_space<vmem>>, vector<1x16xf32>
    %add3A_1223 = arith.addf %dot_general3A_1219, %get3A_1222 : vector<1x16xf32>
    %max3A = arith.constant 0.000000e+00 : f32
    %max3A_1224 = vector.broadcast %max3A : f32 to vector<1x16xf32>
    %max3A_1225 = arith.maximumf %add3A_1223, %max3A_1224 : vector<1x16xf32>
    %get3A_1226 = arith.constant 0 : index
    %get3A_1227 = arith.constant 0 : index
    %get3A_1228 = vector.load %arg12[%get3A_1226, %get3A_1227] : memref<16x1xf32, #tpu.memory_space<vmem>>, vector<16x1xf32>
    %dot_general3A_1229 = arith.constant dense<0.000000e+00> : vector<1x1xf32>
    %dot_general3A_1230 = tpu.matmul %max3A_1225, %get3A_1228, %dot_general3A_1229 {dimension_numbers = #tpu.dot_dimension_numbers<[1], [0], [0], [1], [0, 0, 1, 1], [], []>, transpose_lhs_hint = false} : vector<1x16xf32>, vector<16x1xf32>, vector<1x1xf32> -> vector<1x1xf32>
    %get3A_1231 = arith.constant 0 : index
    %get3A_1232 = arith.constant 0 : index
    %get3A_1233 = vector.load %arg13[%get3A_1231, %get3A_1232] : memref<1x1xf32, #tpu.memory_space<vmem>>, vector<1x1xf32>
    %add3A_1234 = arith.addf %dot_general3A_1230, %get3A_1233 : vector<1x1xf32>
    %swap3A = arith.constant 0 : index
    %swap3A_1235 = arith.constant 0 : index
    %swap3A_1236 = vector.load %arg14[%swap3A, %swap3A_1235] : memref<1x1xf32, #tpu.memory_space<vmem>>, vector<1x1xf32>
    tpu.vector_store %arg14[%swap3A, %swap3A_1235], %add3A_1234 {strides = array<i32>} : memref<1x1xf32, #tpu.memory_space<vmem>>, vector<1x1xf32>,
    return
  }
  func.func @transform_0(%arg0: i32) -> (i32, i32) {
    %c0_i32 = arith.constant 0 : i32
    %c0_i32_0 = arith.constant 0 : i32
    %c0_i32_1 = arith.constant 0 : i32
    return %c0_i32, %c0_i32_0 : i32, i32
  }
  func.func @transform_1(%arg0: i32) -> (i32, i32) {
    %c0_i32 = arith.constant 0 : i32
    %c0_i32_0 = arith.constant 0 : i32
    %c0_i32_1 = arith.constant 0 : i32
    return %c0_i32, %c0_i32_0 : i32, i32
  }
  func.func @transform_2(%arg0: i32) -> (i32, i32) {
    %c0_i32 = arith.constant 0 : i32
    %c0_i32_0 = arith.constant 0 : i32
    %c0_i32_1 = arith.constant 0 : i32
    return %c0_i32, %c0_i32_0 : i32, i32
  }
  func.func @transform_3(%arg0: i32) -> (i32, i32) {
    %c0_i32 = arith.constant 0 : i32
    %c0_i32_0 = arith.constant 0 : i32
    %c0_i32_1 = arith.constant 0 : i32
    return %c0_i32, %c0_i32_0 : i32, i32
  }
  func.func @transform_4(%arg0: i32) -> (i32, i32) {
    %c0_i32 = arith.constant 0 : i32
    %c0_i32_0 = arith.constant 0 : i32
    %c0_i32_1 = arith.constant 0 : i32
    return %c0_i32, %c0_i32_0 : i32, i32
  }
  func.func @transform_5(%arg0: i32) -> (i32, i32, i32) {
    %c0_i32 = arith.constant 0 : i32
    %c0_i32_0 = arith.constant 0 : i32
    %c0_i32_1 = arith.constant 0 : i32
    %c0_i32_2 = arith.constant 0 : i32
    return %c0_i32, %c0_i32_0, %c0_i32_1 : i32, i32, i32
  }
  func.func @transform_6(%arg0: i32) -> (i32, i32, i32) {
    %c0_i32 = arith.constant 0 : i32
    %c0_i32_0 = arith.constant 0 : i32
    %c0_i32_1 = arith.constant 0 : i32
    %c0_i32_2 = arith.constant 0 : i32
    return %c0_i32, %c0_i32_0, %c0_i32_1 : i32, i32, i32
  }
  func.func @transform_7(%arg0: i32) -> (i32, i32, i32) {
    %c0_i32 = arith.constant 0 : i32
    %c0_i32_0 = arith.constant 0 : i32
    %c0_i32_1 = arith.constant 0 : i32
    %c0_i32_2 = arith.constant 0 : i32
    return %c0_i32, %c0_i32_0, %c0_i32_1 : i32, i32, i32
  }
  func.func @transform_8(%arg0: i32) -> (i32, i32, i32) {
    %c0_i32 = arith.constant 0 : i32
    %c0_i32_0 = arith.constant 0 : i32
    %c0_i32_1 = arith.constant 0 : i32
    %c0_i32_2 = arith.constant 0 : i32
    return %c0_i32, %c0_i32_0, %c0_i32_1 : i32, i32, i32
  }
  func.func @transform_9(%arg0: i32) -> (i32, i32) {
    %c0_i32 = arith.constant 0 : i32
    %c0_i32_0 = arith.constant 0 : i32
    %c0_i32_1 = arith.constant 0 : i32
    return %c0_i32, %c0_i32_0 : i32, i32
  }
  func.func @transform_10(%arg0: i32) -> (i32, i32) {
    %c0_i32 = arith.constant 0 : i32
    %c0_i32_0 = arith.constant 0 : i32
    %c0_i32_1 = arith.constant 0 : i32
    return %c0_i32, %c0_i32_0 : i32, i32
  }
  func.func @transform_11(%arg0: i32) -> (i32, i32) {
    %c0_i32 = arith.constant 0 : i32
    %c0_i32_0 = arith.constant 0 : i32
    %c0_i32_1 = arith.constant 0 : i32
    return %c0_i32, %c0_i32_0 : i32, i32
  }
  func.func @transform_12(%arg0: i32) -> (i32, i32) {
    %c0_i32 = arith.constant 0 : i32
    %c0_i32_0 = arith.constant 0 : i32
    %c0_i32_1 = arith.constant 0 : i32
    return %c0_i32, %c0_i32_0 : i32, i32
  }
  func.func @transform_13(%arg0: i32) -> (i32, i32) {
    %c0_i32 = arith.constant 0 : i32
    %c0_i32_0 = arith.constant 0 : i32
    %c0_i32_1 = arith.constant 0 : i32
    return %c0_i32, %c0_i32_0 : i32, i32
  }
}

</mosaic_0001>

<sc_bundles>
// kernel: kernel.17.cloned.1.call-start
scs
__scs_entry_jumppad:
0x0: {  	(pc) =	sbr.rel $0x88, $3  }
0x1: {  	(tag) =	ssettag $0x0;
	lr =	simm.s32 $0x1  }
0x2: {  	[smem:$0x3F8A] =	sst lr;
	_ =	strace $0xD0000000  }
0x3: {  	_ = 	snop  }
0x4: {  	_ = 	snop  }
0x5: {  	_ = 	snop  }
0x6: {  	_ = 	snop  }
0x7: {  	_ = 	snop  }
__scs_overlays_trampoline_lowered:
0x8: {  	[smem:$0x3F99] =	sst s0  }
0x9: {  	[smem:$0x3F9A] =	sst s1  }
0xa: {  	[smem:$0x3F9B] =	sst s2  }
0xb: {  	[smem:$0x3F9C] =	sst s3  }
0xc: {  	[smem:$0x3F9D] =	sst s4  }
0xd: {  	[smem:$0x3F9E] =	sst s5  }
0xe: {  	[smem:$0x3F9F] =	sst s6  }
0xf: {  	[smem:$0x3FA0] =	sst s7  }
0x10: {  	[smem:$0x3FA1] =	sst s8  }
0x11: {  	[smem:$0x3FA2] =	sst s9;
	s0 =	simm.s32 @!p0 $0x0  }
0x12: {  	s1 =	sld [smem:$0x3F88];
	s0 =	simm.s32 @p0 $0x1  }
0x13: {  	[smem:$0x3FA3] =	sst s0;
	s0 =	simm.s32 @!p1 $0x0  }
0x14: {  	s2 =	sld [smem:$0x3F87];
	s0 =	simm.s32 @p1 $0x1  }
0x15: {  	[smem:$0x3FA4] =	sst s0;
	s0 =	simm.s32 @!p2 $0x0  }
0x16: {  	s3 =	sld [smem:$0x3FDB];
	s0 =	simm.s32 @p2 $0x1  }
0x17: {  	s4 =	simm.s32 $0x1BF5;
	[smem:$0x3FA6] =	sst s0  }
0x18: {  	s0 =	sld [smem:$0x3F89];
	_ =	swait.ge [sflag:s4], $0x0  }
0x19: {  	s7 =	sld [smem:$0x3F8A]  }
0x1a: {  	s8 =	sadd.s32 $0xFFFFE003, lr  }
0x1b: {  	s9 =	sadd.s32 $0xFFFFFEF7, lr;
	s5 =	simm.s32 $0xFFFFFFFF;
	p2 =	slt.u32 s8, $0xFFFFF086  }
0x1c: {  	p1 =	slt.u32 s9, $0xF7A;
	s5 =	simm.s32 @!p2 $0x0  }
0x1d: {  	s5 =	simm.s32 @p1 $0x1;
	p0 =	seq.s32 s7, s2  }
0x1e: {  	s7 =	smul.u32 @!p0 $0xF7A, s2;
	p2 =	seq.s32 @!p0 s5, $0x0  }
0x1f: {  	s9 =	smul.u32 $0xF7A, s1;
	s8 =	simm.s32 @!p0 $0x1BF5;
	p2 =	por !p2, p0  }
0x20: {  	[sflag:s8] =	ssyncset.s32 @!p0 $0xFFFFF086;
	s6 =	sadd.s32 @!p0 s3, s7;
	s7 =	simm.s32 @!p0 $0x108  }
0x21: {  	s3 =	sadd.s32 s3, s9;
	s6 =	sadd.s32 @!p0 $0x88, s6;
	s7 =	simm.s32 @p2 $0x1082  }
0x22: {  	[simem:s7], [sflag:s8] =	dma.local @!p0 [hbm:s6], $0xF7A  }
0x23: {  	s9 =	sor.u32 $0xD0000000, s2;
	s6 =	simm.s32 $0x108;
	_ =	swait.ge @!p0 [sflag:s8], $0x0  }
0x24: {  	s3 =	sadd.s32 $0x88, s3;
	s6 =	simm.s32 @!p1 $0x1082;
	[sflag:s4] =	ssyncset.s32 $0xFFFFF086  }
0x25: {  	[simem:s6], [sflag:s4] =	dma.local [hbm:s3], $0xF7A  }
0x26: {  	[smem:$0x3F8A] =	sst s1;
	(tag) =	ssettag s2;
	_ =	strace s9  }
0x27: {  	s1 =	sld [smem:$0x3F9A]  }
0x28: {  	s2 =	sld [smem:$0x3F9B]  }
0x29: {  	s4 =	sld [smem:$0x3F9D]  }
0x2a: {  	p0 =	seq.s32 s5, $0x0;
	s5 =	sld [smem:$0x3F9E]  }
0x2b: {  	s6 =	sld [smem:$0x3F9F]  }
0x2c: {  	s7 =	sld [smem:$0x3FA0]  }
0x2d: {  	s3 =	simm.s32 $0x108;
	s8 =	sld [smem:$0x3FA1]  }
0x2e: {  	s3 =	simm.s32 @!p0 $0x1082;
	s9 =	sld [smem:$0x3FA2]  }
0x2f: {  	lr =	sadd.s32 s0, s3;
	s0 =	sld [smem:$0x3F99]  }
0x30: {  	s3 =	sld [smem:$0x3F9C]  }
0x31: {  	[smem:$0x3FA5] =	sst s10  }
0x32: {  	s10 =	sld [smem:$0x3FA3];
	_ =	sdelay $0x3  }
0x33: {  	p0 =	seq.s32 s10, $0x1;
	s10 =	sld [smem:$0x3FA5];
	_ =	sdelay $0x3  }
0x34: {  	[smem:$0x3FA5] =	sst s10  }
0x35: {  	s10 =	sld [smem:$0x3FA4];
	_ =	sdelay $0x3  }
0x36: {  	p1 =	seq.s32 s10, $0x1;
	s10 =	sld [smem:$0x3FA5];
	_ =	sdelay $0x3  }
0x37: {  	[smem:$0x3FA5] =	sst s10  }
0x38: {  	s10 =	sld [smem:$0x3FA6]  }
0x39: {  	_ = 	snop;
	(pc) =	sbr.ind lr, $3  }
0x3a: {  	_ = 	snop  }
0x3b: {  	_ = 	snop  }
0x3c: {  	p2 =	seq.s32 s10, $0x1;
	s10 =	sld [smem:$0x3FA5]  }
0x3d: {  	_ =	shalt  }
0x3e: {  	_ =	shalt  }
0x3f: {  	_ =	shalt  }
0x40: {  	_ =	shalt  }
0x41: {  	_ =	shalt  }
0x42: {  	_ =	shalt  }
0x43: {  	_ =	shalt  }
0x44: {  	_ =	shalt  }
0x45: {  	_ =	shalt  }
0x46: {  	_ =	shalt  }
0x47: {  	_ =	shalt  }
0x48: {  	_ =	shalt  }
0x49: {  	_ =	shalt  }
0x4a: {  	_ =	shalt  }
0x4b: {  	_ =	shalt  }
0x4c: {  	_ =	shalt  }
0x4d: {  	_ =	shalt  }
0x4e: {  	_ =	shalt  }
0x4f: {  	_ =	shalt  }
0x50: {  	_ =	shalt  }
0x51: {  	_ =	shalt  }
0x52: {  	_ =	shalt  }
0x53: {  	_ =	shalt  }
0x54: {  	_ =	shalt  }
0x55: {  	_ =	shalt  }
0x56: {  	_ =	shalt  }
0x57: {  	_ =	shalt  }
0x58: {  	_ =	shalt  }
0x59: {  	_ =	shalt  }
0x5a: {  	_ =	shalt  }
0x5b: {  	_ =	shalt  }
0x5c: {  	_ =	shalt  }
0x5d: {  	_ =	shalt  }
0x5e: {  	_ =	shalt  }
0x5f: {  	_ =	shalt  }
0x60: {  	_ =	shalt  }
0x61: {  	_ =	shalt  }
0x62: {  	_ =	shalt  }
0x63: {  	_ =	shalt  }
0x64: {  	_ =	shalt  }
0x65: {  	_ =	shalt  }
0x66: {  	_ =	shalt  }
0x67: {  	_ =	shalt  }
0x68: {  	_ =	shalt  }
0x69: {  	_ =	shalt  }
0x6a: {  	_ =	shalt  }
0x6b: {  	_ =	shalt  }
0x6c: {  	_ =	shalt  }
0x6d: {  	_ =	shalt  }
0x6e: {  	_ =	shalt  }
0x6f: {  	_ =	shalt  }
0x70: {  	_ =	shalt  }
0x71: {  	_ =	shalt  }
0x72: {  	_ =	shalt  }
0x73: {  	_ =	shalt  }
0x74: {  	_ =	shalt  }
0x75: {  	_ =	shalt  }
0x76: {  	_ =	shalt  }
0x77: {  	_ =	shalt  }
0x78: {  	_ =	shalt  }
0x79: {  	_ =	shalt  }
0x7a: {  	_ =	shalt  }
0x7b: {  	_ =	shalt  }
0x7c: {  	_ =	shalt  }
0x7d: {  	_ =	shalt  }
0x7e: {  	_ =	shalt  }
0x7f: {  	_ =	shalt  }
0x80: {  	_ =	shalt  }
0x81: {  	_ =	shalt  }
0x82: {  	_ =	shalt  }
0x83: {  	_ =	shalt  }
0x84: {  	_ =	shalt  }
0x85: {  	_ =	shalt  }
0x86: {  	_ =	shalt  }
0x87: {  	_ =	shalt  }
.Lfunc_end0:
.L_simem_size_0:
called_computation_lowered:
.L_overlay_start_0:
0x88: {  	s2 =	sld [smem:$0x3FD9]  }
0x89: {  	s3 =	sld [smem:$0x3FFE];
	_ =	sdelay $0x1  }
0x8a: {  	s1 =	srdreg.scid  }
0x8b: {  	s0 =	sand.u32 $0x1, s1  }
0x8c: {  	s16 =	sshll.u32 s0, $0xA;
	s2 =	sadd.s32 s3, s2  }
0x8d: {  	s2 =	sadd.s32 s2, s16  }
0x8e: {  	[smem:$0x3FB1] =	sst s2  }
0x8f: {  	_ = 	snop  }
0x90: {  	(tm) =	ssettm $0x1  }
0x91: {  	s17 =	sld [smem:$0x3FFB];
	_ =	sdelay $0x3  }
0x92: {  	_ =	strace s17  }
0x93: {  	s2 =	sld [smem:$0x3FFC];
	_ =	sdelay $0x3  }
0x94: {  	_ =	strace s2  }
0x95: {  	s2 =	sld [smem:$0x3FFD];
	_ =	sdelay $0x3  }
0x96: {  	_ =	strace s2  }
0x97: {  	_ =	strace $0x8FFFFFFF  }
0x98: {  	s18 =	sld [smem:$0x3FDB];
	_ =	sdelay $0x1  }
0x99: {  	s19 =	simm.s32 $_scs_section_size  }
0x9a: {  	s4 =	simm.s32 $_size__tile_overlayer_lowered;
	s5 =	simm.s32 $_tile_overlayer_lowered  }
0x9b: {  	s22 =	simm.s32 $0x1BFF;
	s21 =	sshll.u32 s5, $0x1;
	s2 =	sadd.s32 s19, s18  }
0x9c: {  	s6 =	simm.s32 $0x0;
	s20 =	sshll.u32 s4, $0x1;
	s4 =	sadd.s32 s21, s2  }
0x9d: {  	[timem:s6], [sflag:s22] =	dma.local [hbm:s4], s20  }
0x9e: {  	_ =	swait.ge [sflag:s22], s20  }
0x9f: {  	s3 =	ssub.s32 $0x0, s20;
	[sflag:s22] =	ssyncset.done $0x0  }
0xa0: {  	[sflag:s22] =	ssyncadd.s32 s3;
	_ =	sdelay $0x1  }
0xa1: {  	s23 =	simm.s32 $0x1B8B  }
0xa2: {  	_ =	swait.ge [sflag:s23], $0x1  }
0xa3: {  	[sflag:s23] =	ssyncset.done $0x0  }
0xa4: {  	s25 =	simm.s32 $0x1B8E;
	s24 =	sld [smem:$0x3FFE];
	[sflag:s23] =	ssyncadd.s32 $0xFFFFFFFF  }
0xa5: {  	s26 =	simm.s32 $execute0_lowered;
	[smem:$0x3FD2] =	sst s25  }
0xa6: {  	s4 =	sshll.u32 s26, $0x1;
	_ =	strace $0x80000046;
	[dreg:$0x1] =	wrdreg $0xFFFFFFFF  }
0xa7: {  	s28 =	simm.s32 $_size_execute0_lowered;
	s2 =	sadd.s32 s2, s4;
	[dreg:$0x0] =	wrdreg $0x0  }
0xa8: {  	s4 =	sshll.u32 s28, $0x1;
	[dreg:$0x2] =	wrdreg s2  }
0xa9: {  	[dreg:$0x3] =	wrdreg s4  }
0xaa: {  	[dreg:$0x4] =	wrdreg $0xC0  }
0xab: {  	_ =	task [dreg:s6], $0x5FFFF  }
0xac: {  	[dreg:$0x1] =	wrdreg $0xFFFFFFFF  }
0xad: {  	[dreg:$0x0] =	wrdreg $0x60  }
0xae: {  	[dreg:$0x2] =	wrdreg s24  }
0xaf: {  	[dreg:$0x3] =	wrdreg $0x9  }
0xb0: {  	_ =	task.clear_ibuf [dreg:s6], $0x4FFFF;
	_ =	strace $0x90000046  }
0xb1: {  	s29 =	simm.s32 $0x9;
	_ =	strace $0x80000048  }
0xb2: {  	_ =	swait.ge [sflag:s29], $0x1  }
0xb3: {  	[sflag:s29] =	ssyncadd.s32 $0xFFFFFFFF  }
0xb4: {  	_ =	strace $0x90000048  }
0xb5: {  	_ =	sfence  }
0xb6: {  	s30 =	sld [smem:$0x0];
	_ =	sdelay $0x2  }
0xb7: {  	s31 =	sshll.u32 s1, $0xD;
	s1 =	sshrl.u32 s1, $0x2  }
0xb8: {  	s3 =	sand.u32 $0x4000, s31;
	s1 =	sadd.s32 s1, s30  }
0xb9: {  	s0 =	sor.u32 s3, s0;
	s1 =	sshll.u32 s1, $0x11  }
0xba: {  	s0 =	sor.u32 s1, s0  }
0xbb: {  	s0 =	sadd.s32 $0x8F2B, s0  }
0xbc: {  	[sflag:s0] =	ssyncadd.remote.s32 $0x1  }
0xbd: {  	_ =	sfence.sel $0xFFFF  }
0xbe: {  	[dreg:$0x0] =	wrdreg $0xFFFFFFFF;
	(pc) =	sbr.abs _section_cstart, $3  }
0xbf: {  	[dreg:$0x1] =	wrdreg $0xFFFFFFFF  }
0xc0: {  	_ =	task.clear_ibuf [dreg:s6], $0x2FFFF;
	_ =	strace $0x9FFFFFFF  }
0xc1: {  	(tm) =	ssettm $0x7FFFFFFF  }
tec
execute0_lowered:
.L_overlay_start_1:
0x0: {  	(tag) =	ssettag $0x1  }
0x1: {  	s1 =	srdreg.scid;
	s0 =	stileid.u32  }
0x2: {  	s5 =	rddreg [dreg:$0x0];
	s2 =	simm.s32 $0x0;
	s8 =	simm.s32 $0x64  }
0x3: {  	s9 =	simm.s32 $0x1;
	s4 =	sand.u32 $0x1, s1;
	s30 =	sshll.u32 s0, $0x1  }
0x4: {  	s10 =	simm.s32 $0x1450;
	s1 =	rddreg [dreg:$0x1];
	s3 =	sor.u32 s4, s30  }
0x5: {  	s11 =	simm.s32 $0x0;
	[smem:$0x7FF] =	sst s2;
	s6 =	smul.u32 $0x28A, s3  }
0x6: {  	_ =	strace $0x80000047;
	s4 =	ssub.s32 $0x2, s4;
	s7 =	smul.u32 $0x2710, s3  }
0x7: {  	s3 =	sadd.s32 $0xB200, s5;
	s31 =	sshrl.u32 s4, $0x1;
	s6 =	sadd.s32 s6, s5  }
0x8: {  	s5 =	sadd.s32 s7, s5;
	s7 =	ssub.s32 s4, s31;
	s4 =	sadd.s32 $0x6000, s6  }
0x9: {  	s5 =	sadd.s32 $0x10200, s5;
	s6 =	smax.u32 s7, $0x1;
	s7 =	simm.s32 $0x2  }
.LBB2_1:
0xa: {  	[tilespmem:s2], [sflag:$0x2] =	stream.linear.gather [hbm4b:s4+s2], $0x1450, $0x38;
	[tilespmem:$0x14CD0] =	vst v63  }
0xb: {  	_ =	swait.ge [sflag:s7], $0x1450  }
0xc: {  	[sflag:s7] =	ssyncset.done $0x0  }
0xd: {  	s12 =	simm.s32 $0x0;
	[sflag:s7] =	ssyncadd.s32 $0xFFFFEBB0  }
0xe: {  	[tilespmem:s10], [sflag:$0x1] =	stream.indirect.gather [hbm4b:s3+s8], $0x10, s12, s8, $0xb8;
	[tilespmem:$0x14CD0] =	vst v63  }
0xf: {  	s14 =	simm.s32 $0x1A90;
	s13 =	simm.s32 $0x68  }
0x10: {  	[tilespmem:s14], [sflag:$0x1] =	stream.indirect.gather [hbm4b:s3+s8], $0x10, s13, s8, $0xb8;
	[tilespmem:$0x14CD0] =	vst v63  }
0x11: {  	s15 =	simm.s32 $0x20D0;
	s16 =	simm.s32 $0xD0  }
0x12: {  	[tilespmem:s15], [sflag:$0x1] =	stream.indirect.gather [hbm4b:s3+s8], $0x10, s16, s8, $0xb8;
	[tilespmem:$0x14CD0] =	vst v63  }
0x13: {  	s17 =	simm.s32 $0x2710;
	s18 =	simm.s32 $0x138  }
0x14: {  	[tilespmem:s17], [sflag:$0x1] =	stream.indirect.gather [hbm4b:s3+s8], $0x10, s18, s8, $0xb8;
	[tilespmem:$0x14CD0] =	vst v63  }
0x15: {  	s19 =	simm.s32 $0x2D50;
	s20 =	simm.s32 $0x1A0  }
0x16: {  	[tilespmem:s19], [sflag:$0x1] =	stream.indirect.gather [hbm4b:s3+s8], $0x10, s20, s8, $0xb8;
	[tilespmem:$0x14CD0] =	vst v63  }
0x17: {  	s21 =	simm.s32 $0x3390;
	s22 =	simm.s32 $0x208  }
0x18: {  	[tilespmem:s21], [sflag:$0x1] =	stream.indirect.gather [hbm4b:s3+s8], $0x10, s22, s8, $0xb8;
	[tilespmem:$0x14CD0] =	vst v63  }
0x19: {  	s23 =	simm.s32 $0x39D0;
	s24 =	simm.s32 $0x270  }
0x1a: {  	[tilespmem:s23], [sflag:$0x1] =	stream.indirect.gather [hbm4b:s3+s8], $0x10, s24, s8, $0xb8;
	[tilespmem:$0x14CD0] =	vst v63  }
0x1b: {  	s25 =	simm.s32 $0x4010;
	s26 =	simm.s32 $0x2D8  }
0x1c: {  	[tilespmem:s25], [sflag:$0x1] =	stream.indirect.gather [hbm4b:s3+s8], $0x10, s26, s8, $0xb8;
	[tilespmem:$0x14CD0] =	vst v63  }
0x1d: {  	s28 =	simm.s32 $0x4650;
	s29 =	simm.s32 $0x340  }
0x1e: {  	[tilespmem:s28], [sflag:$0x1] =	stream.indirect.gather [hbm4b:s3+s8], $0x10, s29, s8, $0xb8;
	[tilespmem:$0x14CD0] =	vst v63  }
0x1f: {  	s30 =	simm.s32 $0x4C90;
	s31 =	simm.s32 $0x3A8  }
0x20: {  	[tilespmem:s30], [sflag:$0x1] =	stream.indirect.gather [hbm4b:s3+s8], $0x10, s31, s8, $0xb8;
	[tilespmem:$0x14CD0] =	vst v63  }
0x21: {  	_ =	swait.ge [sflag:s9], $0x640  }
0x22: {  	[sflag:s9] =	ssyncset.done $0x0  }
0x23: {  	[sflag:s9] =	ssyncadd.s32 $0xFFFFF9C0  }
0x24: {  	_ =	swait.ge [sflag:s9], $0x640  }
0x25: {  	[sflag:s9] =	ssyncset.done $0x0  }
0x26: {  	[sflag:s9] =	ssyncadd.s32 $0xFFFFF9C0  }
0x27: {  	_ =	swait.ge [sflag:s9], $0x640  }
0x28: {  	[sflag:s9] =	ssyncset.done $0x0  }
0x29: {  	[sflag:s9] =	ssyncadd.s32 $0xFFFFF9C0  }
0x2a: {  	_ =	swait.ge [sflag:s9], $0x640  }
0x2b: {  	[sflag:s9] =	ssyncset.done $0x0  }
0x2c: {  	[sflag:s9] =	ssyncadd.s32 $0xFFFFF9C0  }
0x2d: {  	_ =	swait.ge [sflag:s9], $0x640  }
0x2e: {  	[sflag:s9] =	ssyncset.done $0x0  }
0x2f: {  	[sflag:s9] =	ssyncadd.s32 $0xFFFFF9C0  }
0x30: {  	_ =	swait.ge [sflag:s9], $0x640  }
0x31: {  	[sflag:s9] =	ssyncset.done $0x0  }
0x32: {  	[sflag:s9] =	ssyncadd.s32 $0xFFFFF9C0  }
0x33: {  	_ =	swait.ge [sflag:s9], $0x640  }
0x34: {  	[sflag:s9] =	ssyncset.done $0x0  }
0x35: {  	[sflag:s9] =	ssyncadd.s32 $0xFFFFF9C0  }
0x36: {  	_ =	swait.ge [sflag:s9], $0x640  }
0x37: {  	[sflag:s9] =	ssyncset.done $0x0  }
0x38: {  	[sflag:s9] =	ssyncadd.s32 $0xFFFFF9C0  }
0x39: {  	_ =	swait.ge [sflag:s9], $0x640  }
0x3a: {  	[sflag:s9] =	ssyncset.done $0x0  }
0x3b: {  	[sflag:s9] =	ssyncadd.s32 $0xFFFFF9C0  }
0x3c: {  	s12 =	simm.s32 $0x52D0;
	_ =	swait.ge [sflag:s9], $0x640  }
0x3d: {  	s13 =	simm.s32 $0x1040;
	s15 =	simm.s32 $0x2080;
	[sflag:s9] =	ssyncset.done $0x0  }
.LBB2_2:
0x3e: {  	s16 =	sshra.s32 s13, $0x2  }
0x3f: {  	[sflag:s9] =	ssyncadd.s32 $0xFFFFF9C0;
	s13 =	smov.u32 s15;
	s14 =	sadd.s32 $0x1040, s15  }
0x40: {  	[tilespmem:s12], [sflag:$0x1] =	stream.indirect.gather [hbm4b:s3+s8], $0x10, s16, s8, $0xb8;
	[tilespmem:$0x14CD0] =	vst v63  }
0x41: {  	p0 =	sne.s32 s15, $0x4100;
	s15 =	sadd.s32 $0x640, s12;
	s17 =	sadd.s32 $0x68, s16  }
0x42: {  	[tilespmem:s15], [sflag:$0x1] =	stream.indirect.gather [hbm4b:s3+s8], $0x10, s17, s8, $0xb8;
	[tilespmem:$0x14CD0] =	vst v63  }
0x43: {  	s15 =	sadd.s32 $0xC80, s12;
	s17 =	sadd.s32 $0xD0, s16  }
0x44: {  	[tilespmem:s15], [sflag:$0x1] =	stream.indirect.gather [hbm4b:s3+s8], $0x10, s17, s8, $0xb8;
	[tilespmem:$0x14CD0] =	vst v63  }
0x45: {  	s15 =	sadd.s32 $0x12C0, s12;
	s17 =	sadd.s32 $0x138, s16  }
0x46: {  	[tilespmem:s15], [sflag:$0x1] =	stream.indirect.gather [hbm4b:s3+s8], $0x10, s17, s8, $0xb8;
	[tilespmem:$0x14CD0] =	vst v63  }
0x47: {  	s15 =	sadd.s32 $0x1900, s12;
	s17 =	sadd.s32 $0x1A0, s16  }
0x48: {  	[tilespmem:s15], [sflag:$0x1] =	stream.indirect.gather [hbm4b:s3+s8], $0x10, s17, s8, $0xb8;
	[tilespmem:$0x14CD0] =	vst v63  }
0x49: {  	s15 =	sadd.s32 $0x1F40, s12;
	s17 =	sadd.s32 $0x208, s16  }
0x4a: {  	[tilespmem:s15], [sflag:$0x1] =	stream.indirect.gather [hbm4b:s3+s8], $0x10, s17, s8, $0xb8;
	[tilespmem:$0x14CD0] =	vst v63  }
0x4b: {  	s15 =	sadd.s32 $0x2580, s12;
	s17 =	sadd.s32 $0x270, s16  }
0x4c: {  	[tilespmem:s15], [sflag:$0x1] =	stream.indirect.gather [hbm4b:s3+s8], $0x10, s17, s8, $0xb8;
	[tilespmem:$0x14CD0] =	vst v63  }
0x4d: {  	s15 =	sadd.s32 $0x2BC0, s12;
	s17 =	sadd.s32 $0x2D8, s16  }
0x4e: {  	[tilespmem:s15], [sflag:$0x1] =	stream.indirect.gather [hbm4b:s3+s8], $0x10, s17, s8, $0xb8;
	[tilespmem:$0x14CD0] =	vst v63  }
0x4f: {  	s15 =	sadd.s32 $0x3200, s12;
	s17 =	sadd.s32 $0x340, s16  }
0x50: {  	[tilespmem:s15], [sflag:$0x1] =	stream.indirect.gather [hbm4b:s3+s8], $0x10, s17, s8, $0xb8;
	[tilespmem:$0x14CD0] =	vst v63  }
0x51: {  	s16 =	sadd.s32 $0x3A8, s16;
	s15 =	sadd.s32 $0x3840, s12  }
0x52: {  	[tilespmem:s15], [sflag:$0x1] =	stream.indirect.gather [hbm4b:s3+s8], $0x10, s16, s8, $0xb8;
	[tilespmem:$0x14CD0] =	vst v63  }
0x53: {  	_ =	swait.ge [sflag:s9], $0x640  }
0x54: {  	[sflag:s9] =	ssyncset.done $0x0  }
0x55: {  	[sflag:s9] =	ssyncadd.s32 $0xFFFFF9C0  }
0x56: {  	_ =	swait.ge [sflag:s9], $0x640  }
0x57: {  	[sflag:s9] =	ssyncset.done $0x0  }
0x58: {  	[sflag:s9] =	ssyncadd.s32 $0xFFFFF9C0  }
0x59: {  	_ =	swait.ge [sflag:s9], $0x640  }
0x5a: {  	[sflag:s9] =	ssyncset.done $0x0  }
0x5b: {  	[sflag:s9] =	ssyncadd.s32 $0xFFFFF9C0  }
0x5c: {  	_ =	swait.ge [sflag:s9], $0x640  }
0x5d: {  	[sflag:s9] =	ssyncset.done $0x0  }
0x5e: {  	[sflag:s9] =	ssyncadd.s32 $0xFFFFF9C0  }
0x5f: {  	_ =	swait.ge [sflag:s9], $0x640  }
0x60: {  	[sflag:s9] =	ssyncset.done $0x0  }
0x61: {  	[sflag:s9] =	ssyncadd.s32 $0xFFFFF9C0  }
0x62: {  	_ =	swait.ge [sflag:s9], $0x640  }
0x63: {  	[sflag:s9] =	ssyncset.done $0x0  }
0x64: {  	[sflag:s9] =	ssyncadd.s32 $0xFFFFF9C0  }
0x65: {  	_ =	swait.ge [sflag:s9], $0x640  }
0x66: {  	[sflag:s9] =	ssyncset.done $0x0  }
0x67: {  	[sflag:s9] =	ssyncadd.s32 $0xFFFFF9C0  }
0x68: {  	_ =	swait.ge [sflag:s9], $0x640  }
0x69: {  	[sflag:s9] =	ssyncset.done $0x0  }
0x6a: {  	[sflag:s9] =	ssyncadd.s32 $0xFFFFF9C0  }
.Ltmp0:
0x6b: {  	_ =	swait.ge [sflag:s9], $0x640;
	(pc) =	sbr.rel @p0 .LBB2_2-.Ltmp0, $4  }
0x6c: {  	[sflag:s9] =	ssyncset.done $0x0  }
0x6d: {  	[sflag:s9] =	ssyncadd.s32 $0xFFFFF9C0  }
0x6e: {  	_ =	swait.ge [sflag:s9], $0x640  }
0x6f: {  	s12 =	sadd.s32 $0x3E80, s12;
	s15 =	smov.u32 s14;
	[sflag:s9] =	ssyncset.done $0x0  }
0x70: {  	s13 =	sshra.s32 s13, $0x2;
	[sflag:s9] =	ssyncadd.s32 $0xFFFFF9C0  }
0x71: {  	[tilespmem:s12], [sflag:$0x1] =	stream.indirect.gather [hbm4b:s3+s8], $0x10, s13, s8, $0xb8;
	[tilespmem:$0x14CD0] =	vst v63  }
0x72: {  	s14 =	sadd.s32 $0x640, s12;
	s15 =	sadd.s32 $0x68, s13  }
0x73: {  	[tilespmem:s14], [sflag:$0x1] =	stream.indirect.gather [hbm4b:s3+s8], $0x10, s15, s8, $0xb8;
	[tilespmem:$0x14CD0] =	vst v63  }
0x74: {  	s16 =	sadd.s32 $0xC80, s12;
	s17 =	sadd.s32 $0xD0, s13  }
0x75: {  	[tilespmem:s16], [sflag:$0x1] =	stream.indirect.gather [hbm4b:s3+s8], $0x10, s17, s8, $0xb8;
	[tilespmem:$0x14CD0] =	vst v63  }
0x76: {  	s18 =	sadd.s32 $0x12C0, s12;
	s19 =	sadd.s32 $0x138, s13  }
0x77: {  	[tilespmem:s18], [sflag:$0x1] =	stream.indirect.gather [hbm4b:s3+s8], $0x10, s19, s8, $0xb8;
	[tilespmem:$0x14CD0] =	vst v63  }
0x78: {  	s20 =	sadd.s32 $0x1900, s12;
	s21 =	sadd.s32 $0x1A0, s13  }
0x79: {  	[tilespmem:s20], [sflag:$0x1] =	stream.indirect.gather [hbm4b:s3+s8], $0x10, s21, s8, $0xb8;
	[tilespmem:$0x14CD0] =	vst v63  }
0x7a: {  	s22 =	sadd.s32 $0x1F40, s12;
	s23 =	sadd.s32 $0x208, s13  }
0x7b: {  	[tilespmem:s22], [sflag:$0x1] =	stream.indirect.gather [hbm4b:s3+s8], $0x10, s23, s8, $0xb8;
	[tilespmem:$0x14CD0] =	vst v63  }
0x7c: {  	s24 =	sadd.s32 $0x2580, s12;
	s25 =	sadd.s32 $0x270, s13  }
0x7d: {  	[tilespmem:s24], [sflag:$0x1] =	stream.indirect.gather [hbm4b:s3+s8], $0x10, s25, s8, $0xb8;
	[tilespmem:$0x14CD0] =	vst v63  }
0x7e: {  	s26 =	sadd.s32 $0x2BC0, s12;
	s28 =	sadd.s32 $0x2D8, s13  }
0x7f: {  	[tilespmem:s26], [sflag:$0x1] =	stream.indirect.gather [hbm4b:s3+s8], $0x10, s28, s8, $0xb8;
	[tilespmem:$0x14CD0] =	vst v63  }
0x80: {  	s29 =	sadd.s32 $0x3200, s12;
	s30 =	sadd.s32 $0x340, s13  }
0x81: {  	[tilespmem:s29], [sflag:$0x1] =	stream.indirect.gather [hbm4b:s3+s8], $0x10, s30, s8, $0xb8;
	[tilespmem:$0x14CD0] =	vst v63  }
0x82: {  	s31 =	sadd.s32 $0x3840, s12;
	s13 =	sadd.s32 $0x3A8, s13  }
0x83: {  	[tilespmem:s31], [sflag:$0x1] =	stream.indirect.gather [hbm4b:s3+s8], $0x10, s13, s8, $0xb8;
	[tilespmem:$0x14CD0] =	vst v63  }
0x84: {  	_ =	swait.ge [sflag:s9], $0x640  }
0x85: {  	[sflag:s9] =	ssyncset.done $0x0  }
0x86: {  	[sflag:s9] =	ssyncadd.s32 $0xFFFFF9C0  }
0x87: {  	_ =	swait.ge [sflag:s9], $0x640  }
0x88: {  	[sflag:s9] =	ssyncset.done $0x0  }
0x89: {  	[sflag:s9] =	ssyncadd.s32 $0xFFFFF9C0  }
0x8a: {  	_ =	swait.ge [sflag:s9], $0x640  }
0x8b: {  	[sflag:s9] =	ssyncset.done $0x0  }
0x8c: {  	[sflag:s9] =	ssyncadd.s32 $0xFFFFF9C0  }
0x8d: {  	_ =	swait.ge [sflag:s9], $0x640  }
0x8e: {  	[sflag:s9] =	ssyncset.done $0x0  }
0x8f: {  	[sflag:s9] =	ssyncadd.s32 $0xFFFFF9C0  }
0x90: {  	_ =	swait.ge [sflag:s9], $0x640  }
0x91: {  	[sflag:s9] =	ssyncset.done $0x0  }
0x92: {  	[sflag:s9] =	ssyncadd.s32 $0xFFFFF9C0  }
0x93: {  	_ =	swait.ge [sflag:s9], $0x640  }
0x94: {  	[sflag:s9] =	ssyncset.done $0x0  }
0x95: {  	[sflag:s9] =	ssyncadd.s32 $0xFFFFF9C0  }
0x96: {  	_ =	swait.ge [sflag:s9], $0x640  }
0x97: {  	[sflag:s9] =	ssyncset.done $0x0  }
0x98: {  	[sflag:s9] =	ssyncadd.s32 $0xFFFFF9C0  }
0x99: {  	_ =	swait.ge [sflag:s9], $0x640  }
0x9a: {  	[sflag:s9] =	ssyncset.done $0x0  }
0x9b: {  	[sflag:s9] =	ssyncadd.s32 $0xFFFFF9C0  }
0x9c: {  	_ =	swait.ge [sflag:s9], $0x640  }
0x9d: {  	[sflag:s9] =	ssyncset.done $0x0  }
0x9e: {  	[sflag:s9] =	ssyncadd.s32 $0xFFFFF9C0  }
0x9f: {  	s11 =	sadd.s32 $0x1, s11;
	_ =	swait.ge [sflag:s9], $0x640  }
0xa0: {  	p0 =	sne.s32 s11, s6;
	[sflag:s9] =	ssyncset.done $0x0  }
.Ltmp1:
0xa1: {  	[sflag:s9] =	ssyncadd.s32 $0xFFFFF9C0;
	(pc) =	sbr.rel @p0 .LBB2_1-.Ltmp1, $4  }
0xa2: {  	[hbm4b:s5+s2] =	stream.linear.scatter [tilespmem:s10], [sflag:$0x2], $0x13880, $0x38;
	[tilespmem:$0x14CD0] =	vst v63  }
0xa3: {  	_ =	swait.ge [sflag:s7], $0x13880  }
0xa4: {  	[sflag:s7] =	ssyncset.done $0x0  }
0xa5: {  	[sflag:s7] =	ssyncadd.s32 $0xFFFEC780  }
0xa6: {  	_ =	sfence.sel $0x180000  }
0xa7: {  	[bflag:$0x0] =	sbarrier.arrive $0xFFFF  }
0xa8: {  	p0 =	sne.s32 s0, $0x0;
	_ =	strace $0x90000047  }
0xa9: {  	s0 =	sadd.s32 @!p0 $0x100000, s1;
	[bflag:$0x2] =	sbarrier.arrive $0xFFFF  }
0xaa: {  	[sflag:s0] =	ssyncadd.tile.s32 @!p0 $0x1;
	_ =	shalt  }
.Lfunc_end2:
_tile_overlayer_lowered:
.L_overlay_start_2:
0xab: {  	(tag) =	ssettag $0x2  }
0xac: {  	s0 =	rddreg [dreg:$0x0];
	s2 =	stileid.u32  }
0xad: {  	s1 =	rddreg [dreg:$0x1];
	p0 =	sne.s32 s2, $0x0  }
0xae: {  	s3 =	rddreg [dreg:$0x2];
	[bflag:$0x3] =	sbarrier.arrive $0xFFFF;
	s2 =	simm.s32 @!p0 $0x1C02  }
0xaf: {  	[timem:s3], [sflag:s2] =	dma.local @!p0 [hbm:s0], s1  }
0xb0: {  	s0 =	simm.s32 @!p0 $0x2  }
0xb1: {  	_ =	swait.ge @!p0 [sflag:s0], s1  }
0xb2: {  	s1 =	ssub.s32 @!p0 $0x0, s1;
	[sflag:s0] =	ssyncset.done @!p0 $0x0  }
0xb3: {  	[sflag:s0] =	ssyncadd.s32 @!p0 s1  }
0xb4: {  	[bflag:$0x3] =	sbarrier.arrive $0xFFFF  }
0xb5: {  	_ =	shalt  }

// kernel: kernel.20.cloned.1.call-start
scs
__scs_entry_jumppad:
0x0: {  	(pc) =	sbr.rel $0x88, $3  }
0x1: {  	(tag) =	ssettag $0x0;
	lr =	simm.s32 $0x1  }
0x2: {  	[smem:$0x3F8A] =	sst lr;
	_ =	strace $0xD0000000  }
0x3: {  	_ = 	snop  }
0x4: {  	_ = 	snop  }
0x5: {  	_ = 	snop  }
0x6: {  	_ = 	snop  }
0x7: {  	_ = 	snop  }
__scs_overlays_trampoline_lowered:
0x8: {  	[smem:$0x3F99] =	sst s0  }
0x9: {  	[smem:$0x3F9A] =	sst s1  }
0xa: {  	[smem:$0x3F9B] =	sst s2  }
0xb: {  	[smem:$0x3F9C] =	sst s3  }
0xc: {  	[smem:$0x3F9D] =	sst s4  }
0xd: {  	[smem:$0x3F9E] =	sst s5  }
0xe: {  	[smem:$0x3F9F] =	sst s6  }
0xf: {  	[smem:$0x3FA0] =	sst s7  }
0x10: {  	[smem:$0x3FA1] =	sst s8  }
0x11: {  	[smem:$0x3FA2] =	sst s9;
	s0 =	simm.s32 @!p0 $0x0  }
0x12: {  	s1 =	sld [smem:$0x3F88];
	s0 =	simm.s32 @p0 $0x1  }
0x13: {  	[smem:$0x3FA3] =	sst s0;
	s0 =	simm.s32 @!p1 $0x0  }
0x14: {  	s2 =	sld [smem:$0x3F87];
	s0 =	simm.s32 @p1 $0x1  }
0x15: {  	[smem:$0x3FA4] =	sst s0;
	s0 =	simm.s32 @!p2 $0x0  }
0x16: {  	s3 =	sld [smem:$0x3FDB];
	s0 =	simm.s32 @p2 $0x1  }
0x17: {  	s4 =	simm.s32 $0x1BF5;
	[smem:$0x3FA6] =	sst s0  }
0x18: {  	s0 =	sld [smem:$0x3F89];
	_ =	swait.ge [sflag:s4], $0x0  }
0x19: {  	s7 =	sld [smem:$0x3F8A]  }
0x1a: {  	s8 =	sadd.s32 $0xFFFFE003, lr  }
0x1b: {  	s9 =	sadd.s32 $0xFFFFFEF7, lr;
	s5 =	simm.s32 $0xFFFFFFFF;
	p2 =	slt.u32 s8, $0xFFFFF086  }
0x1c: {  	p1 =	slt.u32 s9, $0xF7A;
	s5 =	simm.s32 @!p2 $0x0  }
0x1d: {  	s5 =	simm.s32 @p1 $0x1;
	p0 =	seq.s32 s7, s2  }
0x1e: {  	s7 =	smul.u32 @!p0 $0xF7A, s2;
	p2 =	seq.s32 @!p0 s5, $0x0  }
0x1f: {  	s9 =	smul.u32 $0xF7A, s1;
	s8 =	simm.s32 @!p0 $0x1BF5;
	p2 =	por !p2, p0  }
0x20: {  	[sflag:s8] =	ssyncset.s32 @!p0 $0xFFFFF086;
	s6 =	sadd.s32 @!p0 s3, s7;
	s7 =	simm.s32 @!p0 $0x108  }
0x21: {  	s3 =	sadd.s32 s3, s9;
	s6 =	sadd.s32 @!p0 $0x88, s6;
	s7 =	simm.s32 @p2 $0x1082  }
0x22: {  	[simem:s7], [sflag:s8] =	dma.local @!p0 [hbm:s6], $0xF7A  }
0x23: {  	s9 =	sor.u32 $0xD0000000, s2;
	s6 =	simm.s32 $0x108;
	_ =	swait.ge @!p0 [sflag:s8], $0x0  }
0x24: {  	s3 =	sadd.s32 $0x88, s3;
	s6 =	simm.s32 @!p1 $0x1082;
	[sflag:s4] =	ssyncset.s32 $0xFFFFF086  }
0x25: {  	[simem:s6], [sflag:s4] =	dma.local [hbm:s3], $0xF7A  }
0x26: {  	[smem:$0x3F8A] =	sst s1;
	(tag) =	ssettag s2;
	_ =	strace s9  }
0x27: {  	s1 =	sld [smem:$0x3F9A]  }
0x28: {  	s2 =	sld [smem:$0x3F9B]  }
0x29: {  	s4 =	sld [smem:$0x3F9D]  }
0x2a: {  	p0 =	seq.s32 s5, $0x0;
	s5 =	sld [smem:$0x3F9E]  }
0x2b: {  	s6 =	sld [smem:$0x3F9F]  }
0x2c: {  	s7 =	sld [smem:$0x3FA0]  }
0x2d: {  	s3 =	simm.s32 $0x108;
	s8 =	sld [smem:$0x3FA1]  }
0x2e: {  	s3 =	simm.s32 @!p0 $0x1082;
	s9 =	sld [smem:$0x3FA2]  }
0x2f: {  	lr =	sadd.s32 s0, s3;
	s0 =	sld [smem:$0x3F99]  }
0x30: {  	s3 =	sld [smem:$0x3F9C]  }
0x31: {  	[smem:$0x3FA5] =	sst s10  }
0x32: {  	s10 =	sld [smem:$0x3FA3];
	_ =	sdelay $0x3  }
0x33: {  	p0 =	seq.s32 s10, $0x1;
	s10 =	sld [smem:$0x3FA5];
	_ =	sdelay $0x3  }
0x34: {  	[smem:$0x3FA5] =	sst s10  }
0x35: {  	s10 =	sld [smem:$0x3FA4];
	_ =	sdelay $0x3  }
0x36: {  	p1 =	seq.s32 s10, $0x1;
	s10 =	sld [smem:$0x3FA5];
	_ =	sdelay $0x3  }
0x37: {  	[smem:$0x3FA5] =	sst s10  }
0x38: {  	s10 =	sld [smem:$0x3FA6]  }
0x39: {  	_ = 	snop;
	(pc) =	sbr.ind lr, $3  }
0x3a: {  	_ = 	snop  }
0x3b: {  	_ = 	snop  }
0x3c: {  	p2 =	seq.s32 s10, $0x1;
	s10 =	sld [smem:$0x3FA5]  }
0x3d: {  	_ =	shalt  }
0x3e: {  	_ =	shalt  }
0x3f: {  	_ =	shalt  }
0x40: {  	_ =	shalt  }
0x41: {  	_ =	shalt  }
0x42: {  	_ =	shalt  }
0x43: {  	_ =	shalt  }
0x44: {  	_ =	shalt  }
0x45: {  	_ =	shalt  }
0x46: {  	_ =	shalt  }
0x47: {  	_ =	shalt  }
0x48: {  	_ =	shalt  }
0x49: {  	_ =	shalt  }
0x4a: {  	_ =	shalt  }
0x4b: {  	_ =	shalt  }
0x4c: {  	_ =	shalt  }
0x4d: {  	_ =	shalt  }
0x4e: {  	_ =	shalt  }
0x4f: {  	_ =	shalt  }
0x50: {  	_ =	shalt  }
0x51: {  	_ =	shalt  }
0x52: {  	_ =	shalt  }
0x53: {  	_ =	shalt  }
0x54: {  	_ =	shalt  }
0x55: {  	_ =	shalt  }
0x56: {  	_ =	shalt  }
0x57: {  	_ =	shalt  }
0x58: {  	_ =	shalt  }
0x59: {  	_ =	shalt  }
0x5a: {  	_ =	shalt  }
0x5b: {  	_ =	shalt  }
0x5c: {  	_ =	shalt  }
0x5d: {  	_ =	shalt  }
0x5e: {  	_ =	shalt  }
0x5f: {  	_ =	shalt  }
0x60: {  	_ =	shalt  }
0x61: {  	_ =	shalt  }
0x62: {  	_ =	shalt  }
0x63: {  	_ =	shalt  }
0x64: {  	_ =	shalt  }
0x65: {  	_ =	shalt  }
0x66: {  	_ =	shalt  }
0x67: {  	_ =	shalt  }
0x68: {  	_ =	shalt  }
0x69: {  	_ =	shalt  }
0x6a: {  	_ =	shalt  }
0x6b: {  	_ =	shalt  }
0x6c: {  	_ =	shalt  }
0x6d: {  	_ =	shalt  }
0x6e: {  	_ =	shalt  }
0x6f: {  	_ =	shalt  }
0x70: {  	_ =	shalt  }
0x71: {  	_ =	shalt  }
0x72: {  	_ =	shalt  }
0x73: {  	_ =	shalt  }
0x74: {  	_ =	shalt  }
0x75: {  	_ =	shalt  }
0x76: {  	_ =	shalt  }
0x77: {  	_ =	shalt  }
0x78: {  	_ =	shalt  }
0x79: {  	_ =	shalt  }
0x7a: {  	_ =	shalt  }
0x7b: {  	_ =	shalt  }
0x7c: {  	_ =	shalt  }
0x7d: {  	_ =	shalt  }
0x7e: {  	_ =	shalt  }
0x7f: {  	_ =	shalt  }
0x80: {  	_ =	shalt  }
0x81: {  	_ =	shalt  }
0x82: {  	_ =	shalt  }
0x83: {  	_ =	shalt  }
0x84: {  	_ =	shalt  }
0x85: {  	_ =	shalt  }
0x86: {  	_ =	shalt  }
0x87: {  	_ =	shalt  }
.Lfunc_end0:
.L_simem_size_0:
called_computation.1_lowered:
.L_overlay_start_0:
0x88: {  	s2 =	sld [smem:$0x3FD9]  }
0x89: {  	s3 =	sld [smem:$0x3FFE];
	_ =	sdelay $0x1  }
0x8a: {  	s1 =	srdreg.scid  }
0x8b: {  	s0 =	sand.u32 $0x1, s1  }
0x8c: {  	s16 =	sshll.u32 s0, $0xA;
	s2 =	sadd.s32 s3, s2  }
0x8d: {  	s2 =	sadd.s32 s2, s16  }
0x8e: {  	[smem:$0x3FB1] =	sst s2  }
0x8f: {  	_ = 	snop  }
0x90: {  	(tm) =	ssettm $0x1  }
0x91: {  	s17 =	sld [smem:$0x3FFB];
	_ =	sdelay $0x3  }
0x92: {  	_ =	strace s17  }
0x93: {  	s2 =	sld [smem:$0x3FFC];
	_ =	sdelay $0x3  }
0x94: {  	_ =	strace s2  }
0x95: {  	s2 =	sld [smem:$0x3FFD];
	_ =	sdelay $0x3  }
0x96: {  	_ =	strace s2  }
0x97: {  	_ =	strace $0x8FFFFFFF  }
0x98: {  	s18 =	sld [smem:$0x3FDB];
	_ =	sdelay $0x1  }
0x99: {  	s19 =	simm.s32 $_scs_section_size  }
0x9a: {  	s4 =	simm.s32 $_size__tile_overlayer_lowered;
	s5 =	simm.s32 $_tile_overlayer_lowered  }
0x9b: {  	s22 =	simm.s32 $0x1BFF;
	s21 =	sshll.u32 s5, $0x1;
	s2 =	sadd.s32 s19, s18  }
0x9c: {  	s6 =	simm.s32 $0x0;
	s20 =	sshll.u32 s4, $0x1;
	s4 =	sadd.s32 s21, s2  }
0x9d: {  	[timem:s6], [sflag:s22] =	dma.local [hbm:s4], s20  }
0x9e: {  	_ =	swait.ge [sflag:s22], s20  }
0x9f: {  	s3 =	ssub.s32 $0x0, s20;
	[sflag:s22] =	ssyncset.done $0x0  }
0xa0: {  	[sflag:s22] =	ssyncadd.s32 s3;
	_ =	sdelay $0x1  }
0xa1: {  	s23 =	simm.s32 $0x1B8B  }
0xa2: {  	_ =	swait.ge [sflag:s23], $0x1  }
0xa3: {  	[sflag:s23] =	ssyncset.done $0x0  }
0xa4: {  	s25 =	simm.s32 $0x1B8E;
	s24 =	sld [smem:$0x3FFE];
	[sflag:s23] =	ssyncadd.s32 $0xFFFFFFFF  }
0xa5: {  	s26 =	simm.s32 $execute0_lowered;
	[smem:$0x3FD2] =	sst s25  }
0xa6: {  	s4 =	sshll.u32 s26, $0x1;
	_ =	strace $0x80000049;
	[dreg:$0x1] =	wrdreg $0xFFFFFFFF  }
0xa7: {  	s28 =	simm.s32 $_size_execute0_lowered;
	s2 =	sadd.s32 s2, s4;
	[dreg:$0x0] =	wrdreg $0x0  }
0xa8: {  	s4 =	sshll.u32 s28, $0x1;
	[dreg:$0x2] =	wrdreg s2  }
0xa9: {  	[dreg:$0x3] =	wrdreg s4  }
0xaa: {  	[dreg:$0x4] =	wrdreg $0xC0  }
0xab: {  	_ =	task [dreg:s6], $0x5FFFF  }
0xac: {  	[dreg:$0x1] =	wrdreg $0xFFFFFFFF  }
0xad: {  	[dreg:$0x0] =	wrdreg $0x60  }
0xae: {  	[dreg:$0x2] =	wrdreg s24  }
0xaf: {  	[dreg:$0x3] =	wrdreg $0x14CD00  }
0xb0: {  	[dreg:$0x4] =	wrdreg $0x9  }
0xb1: {  	_ =	task.clear_ibuf [dreg:s6], $0x5FFFF;
	_ =	strace $0x90000049  }
0xb2: {  	s29 =	simm.s32 $0x9;
	_ =	strace $0x8000004B  }
0xb3: {  	_ =	swait.ge [sflag:s29], $0x1  }
0xb4: {  	[sflag:s29] =	ssyncadd.s32 $0xFFFFFFFF  }
0xb5: {  	_ =	strace $0x9000004B  }
0xb6: {  	_ =	sfence  }
0xb7: {  	s30 =	sld [smem:$0x0];
	_ =	sdelay $0x2  }
0xb8: {  	s31 =	sshll.u32 s1, $0xD;
	s1 =	sshrl.u32 s1, $0x2  }
0xb9: {  	s3 =	sand.u32 $0x4000, s31;
	s1 =	sadd.s32 s1, s30  }
0xba: {  	s0 =	sor.u32 s3, s0;
	s1 =	sshll.u32 s1, $0x11  }
0xbb: {  	s0 =	sor.u32 s1, s0  }
0xbc: {  	s0 =	sadd.s32 $0x8F2B, s0  }
0xbd: {  	[sflag:s0] =	ssyncadd.remote.s32 $0x1  }
0xbe: {  	_ =	sfence.sel $0xFFFF  }
0xbf: {  	[dreg:$0x0] =	wrdreg $0xFFFFFFFF;
	(pc) =	sbr.abs _section_cstart, $3  }
0xc0: {  	[dreg:$0x1] =	wrdreg $0xFFFFFFFF  }
0xc1: {  	_ =	task.clear_ibuf [dreg:s6], $0x2FFFF;
	_ =	strace $0x9FFFFFFF  }
0xc2: {  	(tm) =	ssettm $0x7FFFFFFF  }
0xc3: {  	_ =	shalt  }
tec
execute0_lowered:
.L_overlay_start_1:
0x0: {  	(tag) =	ssettag $0x1  }
0x1: {  	s1 =	srdreg.scid  }
0x2: {  	s0 =	stileid.u32;
	s4 =	rddreg [dreg:$0x0]  }
0x3: {  	s2 =	rddreg [dreg:$0x1];
	s3 =	simm.s32 $0x0;
	s5 =	sand.u32 $0x1, s1  }
0x4: {  	s30 =	sshll.u32 s0, $0x1;
	s1 =	rddreg [dreg:$0x2];
	s8 =	smul.u32 $0x2710, s0  }
0x5: {  	[smem:$0x7FF] =	sst s3;
	s6 =	sor.u32 s5, s30;
	s9 =	smul.u32 $0x4E20, s5  }
0x6: {  	s31 =	sshll.u32 s0, $0x6;
	_ =	strace $0x8000004A;
	s7 =	smul.u32 $0x2710, s6  }
0x7: {  	s5 =	ssub.s32 $0x2, s5;
	s6 =	smul.u32 $0x28A, s6;
	s12 =	sshrl.u32 s8, $0x3  }
0x8: {  	s11 =	sshrl.u32 s5, $0x1;
	s13 =	sadd.s32 s8, s2;
	s10 =	sadd.s32 s12, s4  }
0x9: {  	s9 =	sadd.s32 s9, s4;
	s11 =	ssub.s32 s5, s11;
	s5 =	sor.u32 $0x1C01, s31  }
0xa: {  	s7 =	sadd.s32 s7, s4;
	s6 =	sadd.s32 s6, s4;
	s4 =	sadd.s32 $0x59400, s10  }
0xb: {  	s14 =	sadd.s32 $0x2D4800, s9;
	s8 =	smax.u32 s11, $0x1;
	s9 =	sshrl.u32 s13, $0x3  }
0xc: {  	s10 =	simm.s32 $0x1;
	s11 =	simm.s32 $0x64;
	s13 =	simm.s32 $0x0  }
0xd: {  	s6 =	sadd.s32 $0x5E600, s6;
	s7 =	sadd.s32 $0xB200, s7;
	s12 =	sadd.s32 s12, s14  }
.LBB2_1:
0xe: {  	[spmem:s9], [sflag:s5] =	dma.local [hbm:s4], $0x4E2  }
0xf: {  	_ =	swait.ge [sflag:s10], $0x4E2  }
0x10: {  	[sflag:s10] =	ssyncset.done $0x0  }
0x11: {  	[sflag:s10] =	ssyncadd.s32 $0xFFFFFB1E  }
0x12: {  	[tilespmem:s3], [sflag:$0x1] =	stream.linear.gather [hbm4b:s6+s3], $0x1450, $0x38;
	[tilespmem:$0x173E0] =	vst v63  }
0x13: {  	_ =	swait.ge [sflag:s10], $0x1450  }
0x14: {  	[sflag:s10] =	ssyncset.done $0x0  }
0x15: {  	s14 =	simm.s32 $0x1450;
	[sflag:s10] =	ssyncadd.s32 $0xFFFFEBB0  }
0x16: {  	[tilespmem:s14], [sflag:$0x1] =	stream.linear.gather [hbm4b:s7+s3], $0x13880, $0x38;
	[tilespmem:$0x173E0] =	vst v63  }
0x17: {  	_ =	swait.ge [sflag:s10], $0x13880  }
0x18: {  	[sflag:s10] =	ssyncset.done $0x0  }
0x19: {  	[sflag:s10] =	ssyncadd.s32 $0xFFFEC780  }
0x1a: {  	s15 =	simm.s32 $0x0;
	[bflag:$0x0] =	sbarrier.arrive $0xFFFF  }
0x1b: {  	[spmem:s2] =	stream.indirect.scatter.add.f32 [tilespmem:s14], [sflag:$0x1], $0x10, s15, s11, $0xb8;
	[tilespmem:$0x173E0] =	vst v63  }
0x1c: {  	_ =	swait.ge [sflag:s10], $0x640  }
0x1d: {  	s15 =	simm.s32 $0x1A0;
	[sflag:s10] =	ssyncset.done $0x0  }
.LBB2_2:
0x1e: {  	s16 =	sshra.s32 s15, $0x2  }
0x1f: {  	[sflag:s10] =	ssyncadd.s32 $0xFFFFF9C0;
	s14 =	sadd.s32 $0x640, s14;
	p0 =	sne.s32 s15, $0x4FA0  }
0x20: {  	[spmem:s2] =	stream.indirect.scatter.add.f32 [tilespmem:s14], [sflag:$0x1], $0x10, s16, s11, $0xb8;
	[tilespmem:$0x173E0] =	vst v63  }
.Ltmp0:
0x21: {  	_ = 	snop;
	(pc) =	sbr.rel @p0 .LBB2_2-.Ltmp0, $4  }
0x22: {  	_ = 	snop  }
0x23: {  	s15 =	sadd.s32 $0x1A0, s15  }
0x24: {  	_ =	swait.ge [sflag:s10], $0x640  }
0x25: {  	[sflag:s10] =	ssyncset.done $0x0  }
0x26: {  	s13 =	sadd.s32 $0x1, s13  }
0x27: {  	[sflag:s10] =	ssyncadd.s32 $0xFFFFF9C0;
	p0 =	sne.s32 s13, s8  }
.Ltmp1:
0x28: {  	[bflag:$0x0] =	sbarrier.arrive $0xFFFF;
	(pc) =	sbr.rel @p0 .LBB2_1-.Ltmp1, $4  }
0x29: {  	[hbm:s12], [sflag:s5] =	dma.local [spmem:s9], $0x4E2  }
0x2a: {  	_ =	swait.ge [sflag:s10], $0x4E2  }
0x2b: {  	[sflag:s10] =	ssyncset.done $0x0  }
0x2c: {  	[sflag:s10] =	ssyncadd.s32 $0xFFFFFB1E  }
0x2d: {  	_ =	sfence.sel $0x180000  }
0x2e: {  	[bflag:$0x0] =	sbarrier.arrive $0xFFFF  }
0x2f: {  	p0 =	sne.s32 s0, $0x0;
	_ =	strace $0x9000004A  }
0x30: {  	s0 =	sadd.s32 @!p0 $0x100000, s1;
	[bflag:$0x2] =	sbarrier.arrive $0xFFFF  }
0x31: {  	[sflag:s0] =	ssyncadd.tile.s32 @!p0 $0x1;
	_ =	shalt  }
.Lfunc_end2:
_tile_overlayer_lowered:
.L_overlay_start_2:
0x32: {  	(tag) =	ssettag $0x2  }
0x33: {  	s0 =	rddreg [dreg:$0x0];
	s2 =	stileid.u32  }
0x34: {  	s1 =	rddreg [dreg:$0x1];
	p0 =	sne.s32 s2, $0x0  }
0x35: {  	s3 =	rddreg [dreg:$0x2];
	[bflag:$0x3] =	sbarrier.arrive $0xFFFF;
	s2 =	simm.s32 @!p0 $0x1C01  }
0x36: {  	[timem:s3], [sflag:s2] =	dma.local @!p0 [hbm:s0], s1  }
0x37: {  	s0 =	simm.s32 @!p0 $0x1  }
0x38: {  	_ =	swait.ge @!p0 [sflag:s0], s1  }
0x39: {  	s1 =	ssub.s32 @!p0 $0x0, s1;
	[sflag:s0] =	ssyncset.done @!p0 $0x0  }
0x3a: {  	[sflag:s0] =	ssyncadd.s32 @!p0 s1  }
0x3b: {  	[bflag:$0x3] =	sbarrier.arrive $0xFFFF  }
0x3c: {  	_ =	shalt  }

// kernel: kernel.23.cloned.1.call-start
scs
__scs_entry_jumppad:
0x0: {  	(pc) =	sbr.rel $0x88, $3  }
0x1: {  	(tag) =	ssettag $0x0;
	lr =	simm.s32 $0x1  }
0x2: {  	[smem:$0x3F8A] =	sst lr;
	_ =	strace $0xD0000000  }
0x3: {  	_ = 	snop  }
0x4: {  	_ = 	snop  }
0x5: {  	_ = 	snop  }
0x6: {  	_ = 	snop  }
0x7: {  	_ = 	snop  }
__scs_overlays_trampoline_lowered:
0x8: {  	[smem:$0x3F99] =	sst s0  }
0x9: {  	[smem:$0x3F9A] =	sst s1  }
0xa: {  	[smem:$0x3F9B] =	sst s2  }
0xb: {  	[smem:$0x3F9C] =	sst s3  }
0xc: {  	[smem:$0x3F9D] =	sst s4  }
0xd: {  	[smem:$0x3F9E] =	sst s5  }
0xe: {  	[smem:$0x3F9F] =	sst s6  }
0xf: {  	[smem:$0x3FA0] =	sst s7  }
0x10: {  	[smem:$0x3FA1] =	sst s8  }
0x11: {  	[smem:$0x3FA2] =	sst s9;
	s0 =	simm.s32 @!p0 $0x0  }
0x12: {  	s1 =	sld [smem:$0x3F88];
	s0 =	simm.s32 @p0 $0x1  }
0x13: {  	[smem:$0x3FA3] =	sst s0;
	s0 =	simm.s32 @!p1 $0x0  }
0x14: {  	s2 =	sld [smem:$0x3F87];
	s0 =	simm.s32 @p1 $0x1  }
0x15: {  	[smem:$0x3FA4] =	sst s0;
	s0 =	simm.s32 @!p2 $0x0  }
0x16: {  	s3 =	sld [smem:$0x3FDB];
	s0 =	simm.s32 @p2 $0x1  }
0x17: {  	s4 =	simm.s32 $0x1BF5;
	[smem:$0x3FA6] =	sst s0  }
0x18: {  	s0 =	sld [smem:$0x3F89];
	_ =	swait.ge [sflag:s4], $0x0  }
0x19: {  	s7 =	sld [smem:$0x3F8A]  }
0x1a: {  	s8 =	sadd.s32 $0xFFFFE003, lr  }
0x1b: {  	s9 =	sadd.s32 $0xFFFFFEF7, lr;
	s5 =	simm.s32 $0xFFFFFFFF;
	p2 =	slt.u32 s8, $0xFFFFF086  }
0x1c: {  	p1 =	slt.u32 s9, $0xF7A;
	s5 =	simm.s32 @!p2 $0x0  }
0x1d: {  	s5 =	simm.s32 @p1 $0x1;
	p0 =	seq.s32 s7, s2  }
0x1e: {  	s7 =	smul.u32 @!p0 $0xF7A, s2;
	p2 =	seq.s32 @!p0 s5, $0x0  }
0x1f: {  	s9 =	smul.u32 $0xF7A, s1;
	s8 =	simm.s32 @!p0 $0x1BF5;
	p2 =	por !p2, p0  }
0x20: {  	[sflag:s8] =	ssyncset.s32 @!p0 $0xFFFFF086;
	s6 =	sadd.s32 @!p0 s3, s7;
	s7 =	simm.s32 @!p0 $0x108  }
0x21: {  	s3 =	sadd.s32 s3, s9;
	s6 =	sadd.s32 @!p0 $0x88, s6;
	s7 =	simm.s32 @p2 $0x1082  }
0x22: {  	[simem:s7], [sflag:s8] =	dma.local @!p0 [hbm:s6], $0xF7A  }
0x23: {  	s9 =	sor.u32 $0xD0000000, s2;
	s6 =	simm.s32 $0x108;
	_ =	swait.ge @!p0 [sflag:s8], $0x0  }
0x24: {  	s3 =	sadd.s32 $0x88, s3;
	s6 =	simm.s32 @!p1 $0x1082;
	[sflag:s4] =	ssyncset.s32 $0xFFFFF086  }
0x25: {  	[simem:s6], [sflag:s4] =	dma.local [hbm:s3], $0xF7A  }
0x26: {  	[smem:$0x3F8A] =	sst s1;
	(tag) =	ssettag s2;
	_ =	strace s9  }
0x27: {  	s1 =	sld [smem:$0x3F9A]  }
0x28: {  	s2 =	sld [smem:$0x3F9B]  }
0x29: {  	s4 =	sld [smem:$0x3F9D]  }
0x2a: {  	p0 =	seq.s32 s5, $0x0;
	s5 =	sld [smem:$0x3F9E]  }
0x2b: {  	s6 =	sld [smem:$0x3F9F]  }
0x2c: {  	s7 =	sld [smem:$0x3FA0]  }
0x2d: {  	s3 =	simm.s32 $0x108;
	s8 =	sld [smem:$0x3FA1]  }
0x2e: {  	s3 =	simm.s32 @!p0 $0x1082;
	s9 =	sld [smem:$0x3FA2]  }
0x2f: {  	lr =	sadd.s32 s0, s3;
	s0 =	sld [smem:$0x3F99]  }
0x30: {  	s3 =	sld [smem:$0x3F9C]  }
0x31: {  	[smem:$0x3FA5] =	sst s10  }
0x32: {  	s10 =	sld [smem:$0x3FA3];
	_ =	sdelay $0x3  }
0x33: {  	p0 =	seq.s32 s10, $0x1;
	s10 =	sld [smem:$0x3FA5];
	_ =	sdelay $0x3  }
0x34: {  	[smem:$0x3FA5] =	sst s10  }
0x35: {  	s10 =	sld [smem:$0x3FA4];
	_ =	sdelay $0x3  }
0x36: {  	p1 =	seq.s32 s10, $0x1;
	s10 =	sld [smem:$0x3FA5];
	_ =	sdelay $0x3  }
0x37: {  	[smem:$0x3FA5] =	sst s10  }
0x38: {  	s10 =	sld [smem:$0x3FA6]  }
0x39: {  	_ = 	snop;
	(pc) =	sbr.ind lr, $3  }
0x3a: {  	_ = 	snop  }
0x3b: {  	_ = 	snop  }
0x3c: {  	p2 =	seq.s32 s10, $0x1;
	s10 =	sld [smem:$0x3FA5]  }
0x3d: {  	_ =	shalt  }
0x3e: {  	_ =	shalt  }
0x3f: {  	_ =	shalt  }
0x40: {  	_ =	shalt  }
0x41: {  	_ =	shalt  }
0x42: {  	_ =	shalt  }
0x43: {  	_ =	shalt  }
0x44: {  	_ =	shalt  }
0x45: {  	_ =	shalt  }
0x46: {  	_ =	shalt  }
0x47: {  	_ =	shalt  }
0x48: {  	_ =	shalt  }
0x49: {  	_ =	shalt  }
0x4a: {  	_ =	shalt  }
0x4b: {  	_ =	shalt  }
0x4c: {  	_ =	shalt  }
0x4d: {  	_ =	shalt  }
0x4e: {  	_ =	shalt  }
0x4f: {  	_ =	shalt  }
0x50: {  	_ =	shalt  }
0x51: {  	_ =	shalt  }
0x52: {  	_ =	shalt  }
0x53: {  	_ =	shalt  }
0x54: {  	_ =	shalt  }
0x55: {  	_ =	shalt  }
0x56: {  	_ =	shalt  }
0x57: {  	_ =	shalt  }
0x58: {  	_ =	shalt  }
0x59: {  	_ =	shalt  }
0x5a: {  	_ =	shalt  }
0x5b: {  	_ =	shalt  }
0x5c: {  	_ =	shalt  }
0x5d: {  	_ =	shalt  }
0x5e: {  	_ =	shalt  }
0x5f: {  	_ =	shalt  }
0x60: {  	_ =	shalt  }
0x61: {  	_ =	shalt  }
0x62: {  	_ =	shalt  }
0x63: {  	_ =	shalt  }
0x64: {  	_ =	shalt  }
0x65: {  	_ =	shalt  }
0x66: {  	_ =	shalt  }
0x67: {  	_ =	shalt  }
0x68: {  	_ =	shalt  }
0x69: {  	_ =	shalt  }
0x6a: {  	_ =	shalt  }
0x6b: {  	_ =	shalt  }
0x6c: {  	_ =	shalt  }
0x6d: {  	_ =	shalt  }
0x6e: {  	_ =	shalt  }
0x6f: {  	_ =	shalt  }
0x70: {  	_ =	shalt  }
0x71: {  	_ =	shalt  }
0x72: {  	_ =	shalt  }
0x73: {  	_ =	shalt  }
0x74: {  	_ =	shalt  }
0x75: {  	_ =	shalt  }
0x76: {  	_ =	shalt  }
0x77: {  	_ =	shalt  }
0x78: {  	_ =	shalt  }
0x79: {  	_ =	shalt  }
0x7a: {  	_ =	shalt  }
0x7b: {  	_ =	shalt  }
0x7c: {  	_ =	shalt  }
0x7d: {  	_ =	shalt  }
0x7e: {  	_ =	shalt  }
0x7f: {  	_ =	shalt  }
0x80: {  	_ =	shalt  }
0x81: {  	_ =	shalt  }
0x82: {  	_ =	shalt  }
0x83: {  	_ =	shalt  }
0x84: {  	_ =	shalt  }
0x85: {  	_ =	shalt  }
0x86: {  	_ =	shalt  }
0x87: {  	_ =	shalt  }
.Lfunc_end0:
.L_simem_size_0:
called_computation.2_lowered:
.L_overlay_start_0:
0x88: {  	s2 =	sld [smem:$0x3FD9]  }
0x89: {  	s3 =	sld [smem:$0x3FFE];
	_ =	sdelay $0x1  }
0x8a: {  	s1 =	srdreg.scid  }
0x8b: {  	s0 =	sand.u32 $0x1, s1  }
0x8c: {  	s16 =	sshll.u32 s0, $0xA;
	s2 =	sadd.s32 s3, s2  }
0x8d: {  	s2 =	sadd.s32 s2, s16  }
0x8e: {  	[smem:$0x3FB1] =	sst s2  }
0x8f: {  	_ = 	snop  }
0x90: {  	(tm) =	ssettm $0x1  }
0x91: {  	s17 =	sld [smem:$0x3FFB];
	_ =	sdelay $0x3  }
0x92: {  	_ =	strace s17  }
0x93: {  	s2 =	sld [smem:$0x3FFC];
	_ =	sdelay $0x3  }
0x94: {  	_ =	strace s2  }
0x95: {  	s2 =	sld [smem:$0x3FFD];
	_ =	sdelay $0x3  }
0x96: {  	_ =	strace s2  }
0x97: {  	_ =	strace $0x8FFFFFFF  }
0x98: {  	s18 =	sld [smem:$0x3FDB];
	_ =	sdelay $0x1  }
0x99: {  	s19 =	simm.s32 $_scs_section_size  }
0x9a: {  	s4 =	simm.s32 $_size__tile_overlayer_lowered;
	s5 =	simm.s32 $_tile_overlayer_lowered  }
0x9b: {  	s22 =	simm.s32 $0x1BFF;
	s21 =	sshll.u32 s5, $0x1;
	s2 =	sadd.s32 s19, s18  }
0x9c: {  	s6 =	simm.s32 $0x0;
	s20 =	sshll.u32 s4, $0x1;
	s4 =	sadd.s32 s21, s2  }
0x9d: {  	[timem:s6], [sflag:s22] =	dma.local [hbm:s4], s20  }
0x9e: {  	_ =	swait.ge [sflag:s22], s20  }
0x9f: {  	s3 =	ssub.s32 $0x0, s20;
	[sflag:s22] =	ssyncset.done $0x0  }
0xa0: {  	[sflag:s22] =	ssyncadd.s32 s3;
	_ =	sdelay $0x1  }
0xa1: {  	s23 =	simm.s32 $0x1B8B  }
0xa2: {  	_ =	swait.ge [sflag:s23], $0x1  }
0xa3: {  	[sflag:s23] =	ssyncset.done $0x0  }
0xa4: {  	s25 =	simm.s32 $0x1B8E;
	s24 =	sld [smem:$0x3FFE];
	[sflag:s23] =	ssyncadd.s32 $0xFFFFFFFF  }
0xa5: {  	s26 =	simm.s32 $execute0_lowered;
	[smem:$0x3FD2] =	sst s25  }
0xa6: {  	s4 =	sshll.u32 s26, $0x1;
	_ =	strace $0x8000004C;
	[dreg:$0x1] =	wrdreg $0xFFFFFFFF  }
0xa7: {  	s28 =	simm.s32 $_size_execute0_lowered;
	s2 =	sadd.s32 s2, s4;
	[dreg:$0x0] =	wrdreg $0x0  }
0xa8: {  	s4 =	sshll.u32 s28, $0x1;
	[dreg:$0x2] =	wrdreg s2  }
0xa9: {  	[dreg:$0x3] =	wrdreg s4  }
0xaa: {  	[dreg:$0x4] =	wrdreg $0xC0  }
0xab: {  	_ =	task [dreg:s6], $0x5FFFF  }
0xac: {  	[dreg:$0x1] =	wrdreg $0xFFFFFFFF  }
0xad: {  	[dreg:$0x0] =	wrdreg $0x60  }
0xae: {  	[dreg:$0x2] =	wrdreg s24  }
0xaf: {  	[dreg:$0x3] =	wrdreg $0x9  }
0xb0: {  	_ =	task.clear_ibuf [dreg:s6], $0x4FFFF;
	_ =	strace $0x9000004C  }
0xb1: {  	s29 =	simm.s32 $0x9;
	_ =	strace $0x8000004E  }
0xb2: {  	_ =	swait.ge [sflag:s29], $0x1  }
0xb3: {  	[sflag:s29] =	ssyncadd.s32 $0xFFFFFFFF  }
0xb4: {  	_ =	strace $0x9000004E  }
0xb5: {  	_ =	sfence  }
0xb6: {  	s30 =	sld [smem:$0x0];
	_ =	sdelay $0x2  }
0xb7: {  	s31 =	sshll.u32 s1, $0xD;
	s1 =	sshrl.u32 s1, $0x2  }
0xb8: {  	s3 =	sand.u32 $0x4000, s31;
	s1 =	sadd.s32 s1, s30  }
0xb9: {  	s0 =	sor.u32 s3, s0;
	s1 =	sshll.u32 s1, $0x11  }
0xba: {  	s0 =	sor.u32 s1, s0  }
0xbb: {  	s0 =	sadd.s32 $0x8F2B, s0  }
0xbc: {  	[sflag:s0] =	ssyncadd.remote.s32 $0x1  }
0xbd: {  	_ =	sfence.sel $0xFFFF  }
0xbe: {  	[dreg:$0x0] =	wrdreg $0xFFFFFFFF;
	(pc) =	sbr.abs _section_cstart, $3  }
0xbf: {  	[dreg:$0x1] =	wrdreg $0xFFFFFFFF  }
0xc0: {  	_ =	task.clear_ibuf [dreg:s6], $0x2FFFF;
	_ =	strace $0x9FFFFFFF  }
0xc1: {  	(tm) =	ssettm $0x7FFFFFFF  }
tec
execute0_lowered:
.L_overlay_start_1:
0x0: {  	(tag) =	ssettag $0x1  }
0x1: {  	s1 =	srdreg.scid;
	s0 =	stileid.u32  }
0x2: {  	s5 =	rddreg [dreg:$0x0];
	s2 =	simm.s32 $0x0;
	s8 =	simm.s32 $0x64  }
0x3: {  	s9 =	simm.s32 $0x1;
	s4 =	sand.u32 $0x1, s1;
	s30 =	sshll.u32 s0, $0x1  }
0x4: {  	s10 =	simm.s32 $0x1450;
	s1 =	rddreg [dreg:$0x1];
	s3 =	sor.u32 s4, s30  }
0x5: {  	s11 =	simm.s32 $0x0;
	[smem:$0x7FF] =	sst s2;
	s6 =	smul.u32 $0x28A, s3  }
0x6: {  	_ =	strace $0x8000004D;
	s4 =	ssub.s32 $0x2, s4;
	s7 =	smul.u32 $0x2710, s3  }
0x7: {  	s3 =	sadd.s32 $0xB200, s5;
	s31 =	sshrl.u32 s4, $0x1;
	s6 =	sadd.s32 s6, s5  }
0x8: {  	s5 =	sadd.s32 s7, s5;
	s7 =	ssub.s32 s4, s31;
	s4 =	sadd.s32 $0x6000, s6  }
0x9: {  	s5 =	sadd.s32 $0x2D4800, s5;
	s6 =	smax.u32 s7, $0x1;
	s7 =	simm.s32 $0x2  }
.LBB2_1:
0xa: {  	[tilespmem:s2], [sflag:$0x2] =	stream.linear.gather [hbm4b:s4+s2], $0x1450, $0x38;
	[tilespmem:$0x14CD0] =	vst v63  }
0xb: {  	_ =	swait.ge [sflag:s7], $0x1450  }
0xc: {  	[sflag:s7] =	ssyncset.done $0x0  }
0xd: {  	s12 =	simm.s32 $0x0;
	[sflag:s7] =	ssyncadd.s32 $0xFFFFEBB0  }
0xe: {  	[tilespmem:s10], [sflag:$0x1] =	stream.indirect.gather [hbm4b:s3+s8], $0x10, s12, s8, $0xb8;
	[tilespmem:$0x14CD0] =	vst v63  }
0xf: {  	s14 =	simm.s32 $0x1A90;
	s13 =	simm.s32 $0x68  }
0x10: {  	[tilespmem:s14], [sflag:$0x1] =	stream.indirect.gather [hbm4b:s3+s8], $0x10, s13, s8, $0xb8;
	[tilespmem:$0x14CD0] =	vst v63  }
0x11: {  	s15 =	simm.s32 $0x20D0;
	s16 =	simm.s32 $0xD0  }
0x12: {  	[tilespmem:s15], [sflag:$0x1] =	stream.indirect.gather [hbm4b:s3+s8], $0x10, s16, s8, $0xb8;
	[tilespmem:$0x14CD0] =	vst v63  }
0x13: {  	s17 =	simm.s32 $0x2710;
	s18 =	simm.s32 $0x138  }
0x14: {  	[tilespmem:s17], [sflag:$0x1] =	stream.indirect.gather [hbm4b:s3+s8], $0x10, s18, s8, $0xb8;
	[tilespmem:$0x14CD0] =	vst v63  }
0x15: {  	s19 =	simm.s32 $0x2D50;
	s20 =	simm.s32 $0x1A0  }
0x16: {  	[tilespmem:s19], [sflag:$0x1] =	stream.indirect.gather [hbm4b:s3+s8], $0x10, s20, s8, $0xb8;
	[tilespmem:$0x14CD0] =	vst v63  }
0x17: {  	s21 =	simm.s32 $0x3390;
	s22 =	simm.s32 $0x208  }
0x18: {  	[tilespmem:s21], [sflag:$0x1] =	stream.indirect.gather [hbm4b:s3+s8], $0x10, s22, s8, $0xb8;
	[tilespmem:$0x14CD0] =	vst v63  }
0x19: {  	s23 =	simm.s32 $0x39D0;
	s24 =	simm.s32 $0x270  }
0x1a: {  	[tilespmem:s23], [sflag:$0x1] =	stream.indirect.gather [hbm4b:s3+s8], $0x10, s24, s8, $0xb8;
	[tilespmem:$0x14CD0] =	vst v63  }
0x1b: {  	s25 =	simm.s32 $0x4010;
	s26 =	simm.s32 $0x2D8  }
0x1c: {  	[tilespmem:s25], [sflag:$0x1] =	stream.indirect.gather [hbm4b:s3+s8], $0x10, s26, s8, $0xb8;
	[tilespmem:$0x14CD0] =	vst v63  }
0x1d: {  	s28 =	simm.s32 $0x4650;
	s29 =	simm.s32 $0x340  }
0x1e: {  	[tilespmem:s28], [sflag:$0x1] =	stream.indirect.gather [hbm4b:s3+s8], $0x10, s29, s8, $0xb8;
	[tilespmem:$0x14CD0] =	vst v63  }
0x1f: {  	s30 =	simm.s32 $0x4C90;
	s31 =	simm.s32 $0x3A8  }
0x20: {  	[tilespmem:s30], [sflag:$0x1] =	stream.indirect.gather [hbm4b:s3+s8], $0x10, s31, s8, $0xb8;
	[tilespmem:$0x14CD0] =	vst v63  }
0x21: {  	_ =	swait.ge [sflag:s9], $0x640  }
0x22: {  	[sflag:s9] =	ssyncset.done $0x0  }
0x23: {  	[sflag:s9] =	ssyncadd.s32 $0xFFFFF9C0  }
0x24: {  	_ =	swait.ge [sflag:s9], $0x640  }
0x25: {  	[sflag:s9] =	ssyncset.done $0x0  }
0x26: {  	[sflag:s9] =	ssyncadd.s32 $0xFFFFF9C0  }
0x27: {  	_ =	swait.ge [sflag:s9], $0x640  }
0x28: {  	[sflag:s9] =	ssyncset.done $0x0  }
0x29: {  	[sflag:s9] =	ssyncadd.s32 $0xFFFFF9C0  }
0x2a: {  	_ =	swait.ge [sflag:s9], $0x640  }
0x2b: {  	[sflag:s9] =	ssyncset.done $0x0  }
0x2c: {  	[sflag:s9] =	ssyncadd.s32 $0xFFFFF9C0  }
0x2d: {  	_ =	swait.ge [sflag:s9], $0x640  }
0x2e: {  	[sflag:s9] =	ssyncset.done $0x0  }
0x2f: {  	[sflag:s9] =	ssyncadd.s32 $0xFFFFF9C0  }
0x30: {  	_ =	swait.ge [sflag:s9], $0x640  }
0x31: {  	[sflag:s9] =	ssyncset.done $0x0  }
0x32: {  	[sflag:s9] =	ssyncadd.s32 $0xFFFFF9C0  }
0x33: {  	_ =	swait.ge [sflag:s9], $0x640  }
0x34: {  	[sflag:s9] =	ssyncset.done $0x0  }
0x35: {  	[sflag:s9] =	ssyncadd.s32 $0xFFFFF9C0  }
0x36: {  	_ =	swait.ge [sflag:s9], $0x640  }
0x37: {  	[sflag:s9] =	ssyncset.done $0x0  }
0x38: {  	[sflag:s9] =	ssyncadd.s32 $0xFFFFF9C0  }
0x39: {  	_ =	swait.ge [sflag:s9], $0x640  }
0x3a: {  	[sflag:s9] =	ssyncset.done $0x0  }
0x3b: {  	[sflag:s9] =	ssyncadd.s32 $0xFFFFF9C0  }
0x3c: {  	s12 =	simm.s32 $0x52D0;
	_ =	swait.ge [sflag:s9], $0x640  }
0x3d: {  	s13 =	simm.s32 $0x1040;
	s15 =	simm.s32 $0x2080;
	[sflag:s9] =	ssyncset.done $0x0  }
.LBB2_2:
0x3e: {  	s16 =	sshra.s32 s13, $0x2  }
0x3f: {  	[sflag:s9] =	ssyncadd.s32 $0xFFFFF9C0;
	s13 =	smov.u32 s15;
	s14 =	sadd.s32 $0x1040, s15  }
0x40: {  	[tilespmem:s12], [sflag:$0x1] =	stream.indirect.gather [hbm4b:s3+s8], $0x10, s16, s8, $0xb8;
	[tilespmem:$0x14CD0] =	vst v63  }
0x41: {  	p0 =	sne.s32 s15, $0x4100;
	s15 =	sadd.s32 $0x640, s12;
	s17 =	sadd.s32 $0x68, s16  }
0x42: {  	[tilespmem:s15], [sflag:$0x1] =	stream.indirect.gather [hbm4b:s3+s8], $0x10, s17, s8, $0xb8;
	[tilespmem:$0x14CD0] =	vst v63  }
0x43: {  	s15 =	sadd.s32 $0xC80, s12;
	s17 =	sadd.s32 $0xD0, s16  }
0x44: {  	[tilespmem:s15], [sflag:$0x1] =	stream.indirect.gather [hbm4b:s3+s8], $0x10, s17, s8, $0xb8;
	[tilespmem:$0x14CD0] =	vst v63  }
0x45: {  	s15 =	sadd.s32 $0x12C0, s12;
	s17 =	sadd.s32 $0x138, s16  }
0x46: {  	[tilespmem:s15], [sflag:$0x1] =	stream.indirect.gather [hbm4b:s3+s8], $0x10, s17, s8, $0xb8;
	[tilespmem:$0x14CD0] =	vst v63  }
0x47: {  	s15 =	sadd.s32 $0x1900, s12;
	s17 =	sadd.s32 $0x1A0, s16  }
0x48: {  	[tilespmem:s15], [sflag:$0x1] =	stream.indirect.gather [hbm4b:s3+s8], $0x10, s17, s8, $0xb8;
	[tilespmem:$0x14CD0] =	vst v63  }
0x49: {  	s15 =	sadd.s32 $0x1F40, s12;
	s17 =	sadd.s32 $0x208, s16  }
0x4a: {  	[tilespmem:s15], [sflag:$0x1] =	stream.indirect.gather [hbm4b:s3+s8], $0x10, s17, s8, $0xb8;
	[tilespmem:$0x14CD0] =	vst v63  }
0x4b: {  	s15 =	sadd.s32 $0x2580, s12;
	s17 =	sadd.s32 $0x270, s16  }
0x4c: {  	[tilespmem:s15], [sflag:$0x1] =	stream.indirect.gather [hbm4b:s3+s8], $0x10, s17, s8, $0xb8;
	[tilespmem:$0x14CD0] =	vst v63  }
0x4d: {  	s15 =	sadd.s32 $0x2BC0, s12;
	s17 =	sadd.s32 $0x2D8, s16  }
0x4e: {  	[tilespmem:s15], [sflag:$0x1] =	stream.indirect.gather [hbm4b:s3+s8], $0x10, s17, s8, $0xb8;
	[tilespmem:$0x14CD0] =	vst v63  }
0x4f: {  	s15 =	sadd.s32 $0x3200, s12;
	s17 =	sadd.s32 $0x340, s16  }
0x50: {  	[tilespmem:s15], [sflag:$0x1] =	stream.indirect.gather [hbm4b:s3+s8], $0x10, s17, s8, $0xb8;
	[tilespmem:$0x14CD0] =	vst v63  }
0x51: {  	s16 =	sadd.s32 $0x3A8, s16;
	s15 =	sadd.s32 $0x3840, s12  }
0x52: {  	[tilespmem:s15], [sflag:$0x1] =	stream.indirect.gather [hbm4b:s3+s8], $0x10, s16, s8, $0xb8;
	[tilespmem:$0x14CD0] =	vst v63  }
0x53: {  	_ =	swait.ge [sflag:s9], $0x640  }
0x54: {  	[sflag:s9] =	ssyncset.done $0x0  }
0x55: {  	[sflag:s9] =	ssyncadd.s32 $0xFFFFF9C0  }
0x56: {  	_ =	swait.ge [sflag:s9], $0x640  }
0x57: {  	[sflag:s9] =	ssyncset.done $0x0  }
0x58: {  	[sflag:s9] =	ssyncadd.s32 $0xFFFFF9C0  }
0x59: {  	_ =	swait.ge [sflag:s9], $0x640  }
0x5a: {  	[sflag:s9] =	ssyncset.done $0x0  }
0x5b: {  	[sflag:s9] =	ssyncadd.s32 $0xFFFFF9C0  }
0x5c: {  	_ =	swait.ge [sflag:s9], $0x640  }
0x5d: {  	[sflag:s9] =	ssyncset.done $0x0  }
0x5e: {  	[sflag:s9] =	ssyncadd.s32 $0xFFFFF9C0  }
0x5f: {  	_ =	swait.ge [sflag:s9], $0x640  }
0x60: {  	[sflag:s9] =	ssyncset.done $0x0  }
0x61: {  	[sflag:s9] =	ssyncadd.s32 $0xFFFFF9C0  }
0x62: {  	_ =	swait.ge [sflag:s9], $0x640  }
0x63: {  	[sflag:s9] =	ssyncset.done $0x0  }
0x64: {  	[sflag:s9] =	ssyncadd.s32 $0xFFFFF9C0  }
0x65: {  	_ =	swait.ge [sflag:s9], $0x640  }
0x66: {  	[sflag:s9] =	ssyncset.done $0x0  }
0x67: {  	[sflag:s9] =	ssyncadd.s32 $0xFFFFF9C0  }
0x68: {  	_ =	swait.ge [sflag:s9], $0x640  }
0x69: {  	[sflag:s9] =	ssyncset.done $0x0  }
0x6a: {  	[sflag:s9] =	ssyncadd.s32 $0xFFFFF9C0  }
.Ltmp0:
0x6b: {  	_ =	swait.ge [sflag:s9], $0x640;
	(pc) =	sbr.rel @p0 .LBB2_2-.Ltmp0, $4  }
0x6c: {  	[sflag:s9] =	ssyncset.done $0x0  }
0x6d: {  	[sflag:s9] =	ssyncadd.s32 $0xFFFFF9C0  }
0x6e: {  	_ =	swait.ge [sflag:s9], $0x640  }
0x6f: {  	s12 =	sadd.s32 $0x3E80, s12;
	s15 =	smov.u32 s14;
	[sflag:s9] =	ssyncset.done $0x0  }
0x70: {  	s13 =	sshra.s32 s13, $0x2;
	[sflag:s9] =	ssyncadd.s32 $0xFFFFF9C0  }
0x71: {  	[tilespmem:s12], [sflag:$0x1] =	stream.indirect.gather [hbm4b:s3+s8], $0x10, s13, s8, $0xb8;
	[tilespmem:$0x14CD0] =	vst v63  }
0x72: {  	s14 =	sadd.s32 $0x640, s12;
	s15 =	sadd.s32 $0x68, s13  }
0x73: {  	[tilespmem:s14], [sflag:$0x1] =	stream.indirect.gather [hbm4b:s3+s8], $0x10, s15, s8, $0xb8;
	[tilespmem:$0x14CD0] =	vst v63  }
0x74: {  	s16 =	sadd.s32 $0xC80, s12;
	s17 =	sadd.s32 $0xD0, s13  }
0x75: {  	[tilespmem:s16], [sflag:$0x1] =	stream.indirect.gather [hbm4b:s3+s8], $0x10, s17, s8, $0xb8;
	[tilespmem:$0x14CD0] =	vst v63  }
0x76: {  	s18 =	sadd.s32 $0x12C0, s12;
	s19 =	sadd.s32 $0x138, s13  }
0x77: {  	[tilespmem:s18], [sflag:$0x1] =	stream.indirect.gather [hbm4b:s3+s8], $0x10, s19, s8, $0xb8;
	[tilespmem:$0x14CD0] =	vst v63  }
0x78: {  	s20 =	sadd.s32 $0x1900, s12;
	s21 =	sadd.s32 $0x1A0, s13  }
0x79: {  	[tilespmem:s20], [sflag:$0x1] =	stream.indirect.gather [hbm4b:s3+s8], $0x10, s21, s8, $0xb8;
	[tilespmem:$0x14CD0] =	vst v63  }
0x7a: {  	s22 =	sadd.s32 $0x1F40, s12;
	s23 =	sadd.s32 $0x208, s13  }
0x7b: {  	[tilespmem:s22], [sflag:$0x1] =	stream.indirect.gather [hbm4b:s3+s8], $0x10, s23, s8, $0xb8;
	[tilespmem:$0x14CD0] =	vst v63  }
0x7c: {  	s24 =	sadd.s32 $0x2580, s12;
	s25 =	sadd.s32 $0x270, s13  }
0x7d: {  	[tilespmem:s24], [sflag:$0x1] =	stream.indirect.gather [hbm4b:s3+s8], $0x10, s25, s8, $0xb8;
	[tilespmem:$0x14CD0] =	vst v63  }
0x7e: {  	s26 =	sadd.s32 $0x2BC0, s12;
	s28 =	sadd.s32 $0x2D8, s13  }
0x7f: {  	[tilespmem:s26], [sflag:$0x1] =	stream.indirect.gather [hbm4b:s3+s8], $0x10, s28, s8, $0xb8;
	[tilespmem:$0x14CD0] =	vst v63  }
0x80: {  	s29 =	sadd.s32 $0x3200, s12;
	s30 =	sadd.s32 $0x340, s13  }
0x81: {  	[tilespmem:s29], [sflag:$0x1] =	stream.indirect.gather [hbm4b:s3+s8], $0x10, s30, s8, $0xb8;
	[tilespmem:$0x14CD0] =	vst v63  }
0x82: {  	s31 =	sadd.s32 $0x3840, s12;
	s13 =	sadd.s32 $0x3A8, s13  }
0x83: {  	[tilespmem:s31], [sflag:$0x1] =	stream.indirect.gather [hbm4b:s3+s8], $0x10, s13, s8, $0xb8;
	[tilespmem:$0x14CD0] =	vst v63  }
0x84: {  	_ =	swait.ge [sflag:s9], $0x640  }
0x85: {  	[sflag:s9] =	ssyncset.done $0x0  }
0x86: {  	[sflag:s9] =	ssyncadd.s32 $0xFFFFF9C0  }
0x87: {  	_ =	swait.ge [sflag:s9], $0x640  }
0x88: {  	[sflag:s9] =	ssyncset.done $0x0  }
0x89: {  	[sflag:s9] =	ssyncadd.s32 $0xFFFFF9C0  }
0x8a: {  	_ =	swait.ge [sflag:s9], $0x640  }
0x8b: {  	[sflag:s9] =	ssyncset.done $0x0  }
0x8c: {  	[sflag:s9] =	ssyncadd.s32 $0xFFFFF9C0  }
0x8d: {  	_ =	swait.ge [sflag:s9], $0x640  }
0x8e: {  	[sflag:s9] =	ssyncset.done $0x0  }
0x8f: {  	[sflag:s9] =	ssyncadd.s32 $0xFFFFF9C0  }
0x90: {  	_ =	swait.ge [sflag:s9], $0x640  }
0x91: {  	[sflag:s9] =	ssyncset.done $0x0  }
0x92: {  	[sflag:s9] =	ssyncadd.s32 $0xFFFFF9C0  }
0x93: {  	_ =	swait.ge [sflag:s9], $0x640  }
0x94: {  	[sflag:s9] =	ssyncset.done $0x0  }
0x95: {  	[sflag:s9] =	ssyncadd.s32 $0xFFFFF9C0  }
0x96: {  	_ =	swait.ge [sflag:s9], $0x640  }
0x97: {  	[sflag:s9] =	ssyncset.done $0x0  }
0x98: {  	[sflag:s9] =	ssyncadd.s32 $0xFFFFF9C0  }
0x99: {  	_ =	swait.ge [sflag:s9], $0x640  }
0x9a: {  	[sflag:s9] =	ssyncset.done $0x0  }
0x9b: {  	[sflag:s9] =	ssyncadd.s32 $0xFFFFF9C0  }
0x9c: {  	_ =	swait.ge [sflag:s9], $0x640  }
0x9d: {  	[sflag:s9] =	ssyncset.done $0x0  }
0x9e: {  	[sflag:s9] =	ssyncadd.s32 $0xFFFFF9C0  }
0x9f: {  	s11 =	sadd.s32 $0x1, s11;
	_ =	swait.ge [sflag:s9], $0x640  }
0xa0: {  	p0 =	sne.s32 s11, s6;
	[sflag:s9] =	ssyncset.done $0x0  }
.Ltmp1:
0xa1: {  	[sflag:s9] =	ssyncadd.s32 $0xFFFFF9C0;
	(pc) =	sbr.rel @p0 .LBB2_1-.Ltmp1, $4  }
0xa2: {  	[hbm4b:s5+s2] =	stream.linear.scatter [tilespmem:s10], [sflag:$0x2], $0x13880, $0x38;
	[tilespmem:$0x14CD0] =	vst v63  }
0xa3: {  	_ =	swait.ge [sflag:s7], $0x13880  }
0xa4: {  	[sflag:s7] =	ssyncset.done $0x0  }
0xa5: {  	[sflag:s7] =	ssyncadd.s32 $0xFFFEC780  }
0xa6: {  	_ =	sfence.sel $0x180000  }
0xa7: {  	[bflag:$0x0] =	sbarrier.arrive $0xFFFF  }
0xa8: {  	p0 =	sne.s32 s0, $0x0;
	_ =	strace $0x9000004D  }
0xa9: {  	s0 =	sadd.s32 @!p0 $0x100000, s1;
	[bflag:$0x2] =	sbarrier.arrive $0xFFFF  }
0xaa: {  	[sflag:s0] =	ssyncadd.tile.s32 @!p0 $0x1;
	_ =	shalt  }
.Lfunc_end2:
_tile_overlayer_lowered:
.L_overlay_start_2:
0xab: {  	(tag) =	ssettag $0x2  }
0xac: {  	s0 =	rddreg [dreg:$0x0];
	s2 =	stileid.u32  }
0xad: {  	s1 =	rddreg [dreg:$0x1];
	p0 =	sne.s32 s2, $0x0  }
0xae: {  	s3 =	rddreg [dreg:$0x2];
	[bflag:$0x3] =	sbarrier.arrive $0xFFFF;
	s2 =	simm.s32 @!p0 $0x1C02  }
0xaf: {  	[timem:s3], [sflag:s2] =	dma.local @!p0 [hbm:s0], s1  }
0xb0: {  	s0 =	simm.s32 @!p0 $0x2  }
0xb1: {  	_ =	swait.ge @!p0 [sflag:s0], s1  }
0xb2: {  	s1 =	ssub.s32 @!p0 $0x0, s1;
	[sflag:s0] =	ssyncset.done @!p0 $0x0  }
0xb3: {  	[sflag:s0] =	ssyncadd.s32 @!p0 s1  }
0xb4: {  	[bflag:$0x3] =	sbarrier.arrive $0xFFFF  }
0xb5: {  	_ =	shalt  }

// kernel: kernel.26.cloned.1.call-start
scs
__scs_entry_jumppad:
0x0: {  	(pc) =	sbr.rel $0x88, $3  }
0x1: {  	(tag) =	ssettag $0x0;
	lr =	simm.s32 $0x1  }
0x2: {  	[smem:$0x3F8A] =	sst lr;
	_ =	strace $0xD0000000  }
0x3: {  	_ = 	snop  }
0x4: {  	_ = 	snop  }
0x5: {  	_ = 	snop  }
0x6: {  	_ = 	snop  }
0x7: {  	_ = 	snop  }
__scs_overlays_trampoline_lowered:
0x8: {  	[smem:$0x3F99] =	sst s0  }
0x9: {  	[smem:$0x3F9A] =	sst s1  }
0xa: {  	[smem:$0x3F9B] =	sst s2  }
0xb: {  	[smem:$0x3F9C] =	sst s3  }
0xc: {  	[smem:$0x3F9D] =	sst s4  }
0xd: {  	[smem:$0x3F9E] =	sst s5  }
0xe: {  	[smem:$0x3F9F] =	sst s6  }
0xf: {  	[smem:$0x3FA0] =	sst s7  }
0x10: {  	[smem:$0x3FA1] =	sst s8  }
0x11: {  	[smem:$0x3FA2] =	sst s9;
	s0 =	simm.s32 @!p0 $0x0  }
0x12: {  	s1 =	sld [smem:$0x3F88];
	s0 =	simm.s32 @p0 $0x1  }
0x13: {  	[smem:$0x3FA3] =	sst s0;
	s0 =	simm.s32 @!p1 $0x0  }
0x14: {  	s2 =	sld [smem:$0x3F87];
	s0 =	simm.s32 @p1 $0x1  }
0x15: {  	[smem:$0x3FA4] =	sst s0;
	s0 =	simm.s32 @!p2 $0x0  }
0x16: {  	s3 =	sld [smem:$0x3FDB];
	s0 =	simm.s32 @p2 $0x1  }
0x17: {  	s4 =	simm.s32 $0x1BF5;
	[smem:$0x3FA6] =	sst s0  }
0x18: {  	s0 =	sld [smem:$0x3F89];
	_ =	swait.ge [sflag:s4], $0x0  }
0x19: {  	s7 =	sld [smem:$0x3F8A]  }
0x1a: {  	s8 =	sadd.s32 $0xFFFFE003, lr  }
0x1b: {  	s9 =	sadd.s32 $0xFFFFFEF7, lr;
	s5 =	simm.s32 $0xFFFFFFFF;
	p2 =	slt.u32 s8, $0xFFFFF086  }
0x1c: {  	p1 =	slt.u32 s9, $0xF7A;
	s5 =	simm.s32 @!p2 $0x0  }
0x1d: {  	s5 =	simm.s32 @p1 $0x1;
	p0 =	seq.s32 s7, s2  }
0x1e: {  	s7 =	smul.u32 @!p0 $0xF7A, s2;
	p2 =	seq.s32 @!p0 s5, $0x0  }
0x1f: {  	s9 =	smul.u32 $0xF7A, s1;
	s8 =	simm.s32 @!p0 $0x1BF5;
	p2 =	por !p2, p0  }
0x20: {  	[sflag:s8] =	ssyncset.s32 @!p0 $0xFFFFF086;
	s6 =	sadd.s32 @!p0 s3, s7;
	s7 =	simm.s32 @!p0 $0x108  }
0x21: {  	s3 =	sadd.s32 s3, s9;
	s6 =	sadd.s32 @!p0 $0x88, s6;
	s7 =	simm.s32 @p2 $0x1082  }
0x22: {  	[simem:s7], [sflag:s8] =	dma.local @!p0 [hbm:s6], $0xF7A  }
0x23: {  	s9 =	sor.u32 $0xD0000000, s2;
	s6 =	simm.s32 $0x108;
	_ =	swait.ge @!p0 [sflag:s8], $0x0  }
0x24: {  	s3 =	sadd.s32 $0x88, s3;
	s6 =	simm.s32 @!p1 $0x1082;
	[sflag:s4] =	ssyncset.s32 $0xFFFFF086  }
0x25: {  	[simem:s6], [sflag:s4] =	dma.local [hbm:s3], $0xF7A  }
0x26: {  	[smem:$0x3F8A] =	sst s1;
	(tag) =	ssettag s2;
	_ =	strace s9  }
0x27: {  	s1 =	sld [smem:$0x3F9A]  }
0x28: {  	s2 =	sld [smem:$0x3F9B]  }
0x29: {  	s4 =	sld [smem:$0x3F9D]  }
0x2a: {  	p0 =	seq.s32 s5, $0x0;
	s5 =	sld [smem:$0x3F9E]  }
0x2b: {  	s6 =	sld [smem:$0x3F9F]  }
0x2c: {  	s7 =	sld [smem:$0x3FA0]  }
0x2d: {  	s3 =	simm.s32 $0x108;
	s8 =	sld [smem:$0x3FA1]  }
0x2e: {  	s3 =	simm.s32 @!p0 $0x1082;
	s9 =	sld [smem:$0x3FA2]  }
0x2f: {  	lr =	sadd.s32 s0, s3;
	s0 =	sld [smem:$0x3F99]  }
0x30: {  	s3 =	sld [smem:$0x3F9C]  }
0x31: {  	[smem:$0x3FA5] =	sst s10  }
0x32: {  	s10 =	sld [smem:$0x3FA3];
	_ =	sdelay $0x3  }
0x33: {  	p0 =	seq.s32 s10, $0x1;
	s10 =	sld [smem:$0x3FA5];
	_ =	sdelay $0x3  }
0x34: {  	[smem:$0x3FA5] =	sst s10  }
0x35: {  	s10 =	sld [smem:$0x3FA4];
	_ =	sdelay $0x3  }
0x36: {  	p1 =	seq.s32 s10, $0x1;
	s10 =	sld [smem:$0x3FA5];
	_ =	sdelay $0x3  }
0x37: {  	[smem:$0x3FA5] =	sst s10  }
0x38: {  	s10 =	sld [smem:$0x3FA6]  }
0x39: {  	_ = 	snop;
	(pc) =	sbr.ind lr, $3  }
0x3a: {  	_ = 	snop  }
0x3b: {  	_ = 	snop  }
0x3c: {  	p2 =	seq.s32 s10, $0x1;
	s10 =	sld [smem:$0x3FA5]  }
0x3d: {  	_ =	shalt  }
0x3e: {  	_ =	shalt  }
0x3f: {  	_ =	shalt  }
0x40: {  	_ =	shalt  }
0x41: {  	_ =	shalt  }
0x42: {  	_ =	shalt  }
0x43: {  	_ =	shalt  }
0x44: {  	_ =	shalt  }
0x45: {  	_ =	shalt  }
0x46: {  	_ =	shalt  }
0x47: {  	_ =	shalt  }
0x48: {  	_ =	shalt  }
0x49: {  	_ =	shalt  }
0x4a: {  	_ =	shalt  }
0x4b: {  	_ =	shalt  }
0x4c: {  	_ =	shalt  }
0x4d: {  	_ =	shalt  }
0x4e: {  	_ =	shalt  }
0x4f: {  	_ =	shalt  }
0x50: {  	_ =	shalt  }
0x51: {  	_ =	shalt  }
0x52: {  	_ =	shalt  }
0x53: {  	_ =	shalt  }
0x54: {  	_ =	shalt  }
0x55: {  	_ =	shalt  }
0x56: {  	_ =	shalt  }
0x57: {  	_ =	shalt  }
0x58: {  	_ =	shalt  }
0x59: {  	_ =	shalt  }
0x5a: {  	_ =	shalt  }
0x5b: {  	_ =	shalt  }
0x5c: {  	_ =	shalt  }
0x5d: {  	_ =	shalt  }
0x5e: {  	_ =	shalt  }
0x5f: {  	_ =	shalt  }
0x60: {  	_ =	shalt  }
0x61: {  	_ =	shalt  }
0x62: {  	_ =	shalt  }
0x63: {  	_ =	shalt  }
0x64: {  	_ =	shalt  }
0x65: {  	_ =	shalt  }
0x66: {  	_ =	shalt  }
0x67: {  	_ =	shalt  }
0x68: {  	_ =	shalt  }
0x69: {  	_ =	shalt  }
0x6a: {  	_ =	shalt  }
0x6b: {  	_ =	shalt  }
0x6c: {  	_ =	shalt  }
0x6d: {  	_ =	shalt  }
0x6e: {  	_ =	shalt  }
0x6f: {  	_ =	shalt  }
0x70: {  	_ =	shalt  }
0x71: {  	_ =	shalt  }
0x72: {  	_ =	shalt  }
0x73: {  	_ =	shalt  }
0x74: {  	_ =	shalt  }
0x75: {  	_ =	shalt  }
0x76: {  	_ =	shalt  }
0x77: {  	_ =	shalt  }
0x78: {  	_ =	shalt  }
0x79: {  	_ =	shalt  }
0x7a: {  	_ =	shalt  }
0x7b: {  	_ =	shalt  }
0x7c: {  	_ =	shalt  }
0x7d: {  	_ =	shalt  }
0x7e: {  	_ =	shalt  }
0x7f: {  	_ =	shalt  }
0x80: {  	_ =	shalt  }
0x81: {  	_ =	shalt  }
0x82: {  	_ =	shalt  }
0x83: {  	_ =	shalt  }
0x84: {  	_ =	shalt  }
0x85: {  	_ =	shalt  }
0x86: {  	_ =	shalt  }
0x87: {  	_ =	shalt  }
.Lfunc_end0:
.L_simem_size_0:
called_computation.3_lowered:
.L_overlay_start_0:
0x88: {  	s2 =	sld [smem:$0x3FD9]  }
0x89: {  	s3 =	sld [smem:$0x3FFE];
	_ =	sdelay $0x1  }
0x8a: {  	s1 =	srdreg.scid  }
0x8b: {  	s0 =	sand.u32 $0x1, s1  }
0x8c: {  	s16 =	sshll.u32 s0, $0xA;
	s2 =	sadd.s32 s3, s2  }
0x8d: {  	s2 =	sadd.s32 s2, s16  }
0x8e: {  	[smem:$0x3FB1] =	sst s2  }
0x8f: {  	_ = 	snop  }
0x90: {  	(tm) =	ssettm $0x1  }
0x91: {  	s17 =	sld [smem:$0x3FFB];
	_ =	sdelay $0x3  }
0x92: {  	_ =	strace s17  }
0x93: {  	s2 =	sld [smem:$0x3FFC];
	_ =	sdelay $0x3  }
0x94: {  	_ =	strace s2  }
0x95: {  	s2 =	sld [smem:$0x3FFD];
	_ =	sdelay $0x3  }
0x96: {  	_ =	strace s2  }
0x97: {  	_ =	strace $0x8FFFFFFF  }
0x98: {  	s18 =	sld [smem:$0x3FDB];
	_ =	sdelay $0x1  }
0x99: {  	s19 =	simm.s32 $_scs_section_size  }
0x9a: {  	s4 =	simm.s32 $_size__tile_overlayer_lowered;
	s5 =	simm.s32 $_tile_overlayer_lowered  }
0x9b: {  	s22 =	simm.s32 $0x1BFF;
	s21 =	sshll.u32 s5, $0x1;
	s2 =	sadd.s32 s19, s18  }
0x9c: {  	s6 =	simm.s32 $0x0;
	s20 =	sshll.u32 s4, $0x1;
	s4 =	sadd.s32 s21, s2  }
0x9d: {  	[timem:s6], [sflag:s22] =	dma.local [hbm:s4], s20  }
0x9e: {  	_ =	swait.ge [sflag:s22], s20  }
0x9f: {  	s3 =	ssub.s32 $0x0, s20;
	[sflag:s22] =	ssyncset.done $0x0  }
0xa0: {  	[sflag:s22] =	ssyncadd.s32 s3;
	_ =	sdelay $0x1  }
0xa1: {  	s23 =	simm.s32 $0x1B8B  }
0xa2: {  	_ =	swait.ge [sflag:s23], $0x1  }
0xa3: {  	[sflag:s23] =	ssyncset.done $0x0  }
0xa4: {  	s25 =	simm.s32 $0x1B8E;
	s24 =	sld [smem:$0x3FFE];
	[sflag:s23] =	ssyncadd.s32 $0xFFFFFFFF  }
0xa5: {  	s26 =	simm.s32 $execute0_lowered;
	[smem:$0x3FD2] =	sst s25  }
0xa6: {  	s4 =	sshll.u32 s26, $0x1;
	_ =	strace $0x8000004F;
	[dreg:$0x1] =	wrdreg $0xFFFFFFFF  }
0xa7: {  	s28 =	simm.s32 $_size_execute0_lowered;
	s2 =	sadd.s32 s2, s4;
	[dreg:$0x0] =	wrdreg $0x0  }
0xa8: {  	s4 =	sshll.u32 s28, $0x1;
	[dreg:$0x2] =	wrdreg s2  }
0xa9: {  	[dreg:$0x3] =	wrdreg s4  }
0xaa: {  	[dreg:$0x4] =	wrdreg $0xC0  }
0xab: {  	_ =	task [dreg:s6], $0x5FFFF  }
0xac: {  	[dreg:$0x1] =	wrdreg $0xFFFFFFFF  }
0xad: {  	[dreg:$0x0] =	wrdreg $0x60  }
0xae: {  	[dreg:$0x2] =	wrdreg s24  }
0xaf: {  	[dreg:$0x3] =	wrdreg $0x14CD00  }
0xb0: {  	[dreg:$0x4] =	wrdreg $0x9  }
0xb1: {  	_ =	task.clear_ibuf [dreg:s6], $0x5FFFF;
	_ =	strace $0x9000004F  }
0xb2: {  	s29 =	simm.s32 $0x9;
	_ =	strace $0x80000051  }
0xb3: {  	_ =	swait.ge [sflag:s29], $0x1  }
0xb4: {  	[sflag:s29] =	ssyncadd.s32 $0xFFFFFFFF  }
0xb5: {  	_ =	strace $0x90000051  }
0xb6: {  	_ =	sfence  }
0xb7: {  	s30 =	sld [smem:$0x0];
	_ =	sdelay $0x2  }
0xb8: {  	s31 =	sshll.u32 s1, $0xD;
	s1 =	sshrl.u32 s1, $0x2  }
0xb9: {  	s3 =	sand.u32 $0x4000, s31;
	s1 =	sadd.s32 s1, s30  }
0xba: {  	s0 =	sor.u32 s3, s0;
	s1 =	sshll.u32 s1, $0x11  }
0xbb: {  	s0 =	sor.u32 s1, s0  }
0xbc: {  	s0 =	sadd.s32 $0x8F2B, s0  }
0xbd: {  	[sflag:s0] =	ssyncadd.remote.s32 $0x1  }
0xbe: {  	_ =	sfence.sel $0xFFFF  }
0xbf: {  	[dreg:$0x0] =	wrdreg $0xFFFFFFFF;
	(pc) =	sbr.abs _section_cstart, $3  }
0xc0: {  	[dreg:$0x1] =	wrdreg $0xFFFFFFFF  }
0xc1: {  	_ =	task.clear_ibuf [dreg:s6], $0x2FFFF;
	_ =	strace $0x9FFFFFFF  }
0xc2: {  	(tm) =	ssettm $0x7FFFFFFF  }
0xc3: {  	_ =	shalt  }
tec
execute0_lowered:
.L_overlay_start_1:
0x0: {  	(tag) =	ssettag $0x1  }
0x1: {  	s1 =	srdreg.scid  }
0x2: {  	s0 =	stileid.u32;
	s4 =	rddreg [dreg:$0x0]  }
0x3: {  	s2 =	rddreg [dreg:$0x1];
	s3 =	simm.s32 $0x0;
	s5 =	sand.u32 $0x1, s1  }
0x4: {  	s30 =	sshll.u32 s0, $0x1;
	s1 =	rddreg [dreg:$0x2];
	s8 =	smul.u32 $0x2710, s0  }
0x5: {  	[smem:$0x7FF] =	sst s3;
	s6 =	sor.u32 s5, s30;
	s9 =	smul.u32 $0x4E20, s5  }
0x6: {  	s31 =	sshll.u32 s0, $0x6;
	_ =	strace $0x80000050;
	s7 =	smul.u32 $0x2710, s6  }
0x7: {  	s5 =	ssub.s32 $0x2, s5;
	s6 =	smul.u32 $0x28A, s6;
	s12 =	sshrl.u32 s8, $0x3  }
0x8: {  	s11 =	sshrl.u32 s5, $0x1;
	s13 =	sadd.s32 s8, s2;
	s10 =	sadd.s32 s12, s4  }
0x9: {  	s9 =	sadd.s32 s9, s4;
	s11 =	ssub.s32 s5, s11;
	s5 =	sor.u32 $0x1C01, s31  }
0xa: {  	s7 =	sadd.s32 s7, s4;
	s6 =	sadd.s32 s6, s4;
	s4 =	sadd.s32 $0x59400, s10  }
0xb: {  	s14 =	sadd.s32 $0x10200, s9;
	s8 =	smax.u32 s11, $0x1;
	s9 =	sshrl.u32 s13, $0x3  }
0xc: {  	s10 =	simm.s32 $0x1;
	s11 =	simm.s32 $0x64;
	s13 =	simm.s32 $0x0  }
0xd: {  	s6 =	sadd.s32 $0x5E600, s6;
	s7 =	sadd.s32 $0x2D4800, s7;
	s12 =	sadd.s32 s12, s14  }
.LBB2_1:
0xe: {  	[spmem:s9], [sflag:s5] =	dma.local [hbm:s4], $0x4E2  }
0xf: {  	_ =	swait.ge [sflag:s10], $0x4E2  }
0x10: {  	[sflag:s10] =	ssyncset.done $0x0  }
0x11: {  	[sflag:s10] =	ssyncadd.s32 $0xFFFFFB1E  }
0x12: {  	[tilespmem:s3], [sflag:$0x1] =	stream.linear.gather [hbm4b:s6+s3], $0x1450, $0x38;
	[tilespmem:$0x173E0] =	vst v63  }
0x13: {  	_ =	swait.ge [sflag:s10], $0x1450  }
0x14: {  	[sflag:s10] =	ssyncset.done $0x0  }
0x15: {  	s14 =	simm.s32 $0x1450;
	[sflag:s10] =	ssyncadd.s32 $0xFFFFEBB0  }
0x16: {  	[tilespmem:s14], [sflag:$0x1] =	stream.linear.gather [hbm4b:s7+s3], $0x13880, $0x38;
	[tilespmem:$0x173E0] =	vst v63  }
0x17: {  	_ =	swait.ge [sflag:s10], $0x13880  }
0x18: {  	[sflag:s10] =	ssyncset.done $0x0  }
0x19: {  	[sflag:s10] =	ssyncadd.s32 $0xFFFEC780  }
0x1a: {  	s15 =	simm.s32 $0x0;
	[bflag:$0x0] =	sbarrier.arrive $0xFFFF  }
0x1b: {  	[spmem:s2] =	stream.indirect.scatter.add.f32 [tilespmem:s14], [sflag:$0x1], $0x10, s15, s11, $0xb8;
	[tilespmem:$0x173E0] =	vst v63  }
0x1c: {  	_ =	swait.ge [sflag:s10], $0x640  }
0x1d: {  	s15 =	simm.s32 $0x1A0;
	[sflag:s10] =	ssyncset.done $0x0  }
.LBB2_2:
0x1e: {  	s16 =	sshra.s32 s15, $0x2  }
0x1f: {  	[sflag:s10] =	ssyncadd.s32 $0xFFFFF9C0;
	s14 =	sadd.s32 $0x640, s14;
	p0 =	sne.s32 s15, $0x4FA0  }
0x20: {  	[spmem:s2] =	stream.indirect.scatter.add.f32 [tilespmem:s14], [sflag:$0x1], $0x10, s16, s11, $0xb8;
	[tilespmem:$0x173E0] =	vst v63  }
.Ltmp0:
0x21: {  	_ = 	snop;
	(pc) =	sbr.rel @p0 .LBB2_2-.Ltmp0, $4  }
0x22: {  	_ = 	snop  }
0x23: {  	s15 =	sadd.s32 $0x1A0, s15  }
0x24: {  	_ =	swait.ge [sflag:s10], $0x640  }
0x25: {  	[sflag:s10] =	ssyncset.done $0x0  }
0x26: {  	s13 =	sadd.s32 $0x1, s13  }
0x27: {  	[sflag:s10] =	ssyncadd.s32 $0xFFFFF9C0;
	p0 =	sne.s32 s13, s8  }
.Ltmp1:
0x28: {  	[bflag:$0x0] =	sbarrier.arrive $0xFFFF;
	(pc) =	sbr.rel @p0 .LBB2_1-.Ltmp1, $4  }
0x29: {  	[hbm:s12], [sflag:s5] =	dma.local [spmem:s9], $0x4E2  }
0x2a: {  	_ =	swait.ge [sflag:s10], $0x4E2  }
0x2b: {  	[sflag:s10] =	ssyncset.done $0x0  }
0x2c: {  	[sflag:s10] =	ssyncadd.s32 $0xFFFFFB1E  }
0x2d: {  	_ =	sfence.sel $0x180000  }
0x2e: {  	[bflag:$0x0] =	sbarrier.arrive $0xFFFF  }
0x2f: {  	p0 =	sne.s32 s0, $0x0;
	_ =	strace $0x90000050  }
0x30: {  	s0 =	sadd.s32 @!p0 $0x100000, s1;
	[bflag:$0x2] =	sbarrier.arrive $0xFFFF  }
0x31: {  	[sflag:s0] =	ssyncadd.tile.s32 @!p0 $0x1;
	_ =	shalt  }
.Lfunc_end2:
_tile_overlayer_lowered:
.L_overlay_start_2:
0x32: {  	(tag) =	ssettag $0x2  }
0x33: {  	s0 =	rddreg [dreg:$0x0];
	s2 =	stileid.u32  }
0x34: {  	s1 =	rddreg [dreg:$0x1];
	p0 =	sne.s32 s2, $0x0  }
0x35: {  	s3 =	rddreg [dreg:$0x2];
	[bflag:$0x3] =	sbarrier.arrive $0xFFFF;
	s2 =	simm.s32 @!p0 $0x1C01  }
0x36: {  	[timem:s3], [sflag:s2] =	dma.local @!p0 [hbm:s0], s1  }
0x37: {  	s0 =	simm.s32 @!p0 $0x1  }
0x38: {  	_ =	swait.ge @!p0 [sflag:s0], s1  }
0x39: {  	s1 =	ssub.s32 @!p0 $0x0, s1;
	[sflag:s0] =	ssyncset.done @!p0 $0x0  }
0x3a: {  	[sflag:s0] =	ssyncadd.s32 @!p0 s1  }
0x3b: {  	[bflag:$0x3] =	sbarrier.arrive $0xFFFF  }
0x3c: {  	_ =	shalt  }

// kernel: kernel.29.cloned.1.call-start
scs
__scs_entry_jumppad:
0x0: {  	(pc) =	sbr.rel $0x88, $3  }
0x1: {  	(tag) =	ssettag $0x0;
	lr =	simm.s32 $0x1  }
0x2: {  	[smem:$0x3F8A] =	sst lr;
	_ =	strace $0xD0000000  }
0x3: {  	_ = 	snop  }
0x4: {  	_ = 	snop  }
0x5: {  	_ = 	snop  }
0x6: {  	_ = 	snop  }
0x7: {  	_ = 	snop  }
__scs_overlays_trampoline_lowered:
0x8: {  	[smem:$0x3F99] =	sst s0  }
0x9: {  	[smem:$0x3F9A] =	sst s1  }
0xa: {  	[smem:$0x3F9B] =	sst s2  }
0xb: {  	[smem:$0x3F9C] =	sst s3  }
0xc: {  	[smem:$0x3F9D] =	sst s4  }
0xd: {  	[smem:$0x3F9E] =	sst s5  }
0xe: {  	[smem:$0x3F9F] =	sst s6  }
0xf: {  	[smem:$0x3FA0] =	sst s7  }
0x10: {  	[smem:$0x3FA1] =	sst s8  }
0x11: {  	[smem:$0x3FA2] =	sst s9;
	s0 =	simm.s32 @!p0 $0x0  }
0x12: {  	s1 =	sld [smem:$0x3F88];
	s0 =	simm.s32 @p0 $0x1  }
0x13: {  	[smem:$0x3FA3] =	sst s0;
	s0 =	simm.s32 @!p1 $0x0  }
0x14: {  	s2 =	sld [smem:$0x3F87];
	s0 =	simm.s32 @p1 $0x1  }
0x15: {  	[smem:$0x3FA4] =	sst s0;
	s0 =	simm.s32 @!p2 $0x0  }
0x16: {  	s3 =	sld [smem:$0x3FDB];
	s0 =	simm.s32 @p2 $0x1  }
0x17: {  	s4 =	simm.s32 $0x1BF5;
	[smem:$0x3FA6] =	sst s0  }
0x18: {  	s0 =	sld [smem:$0x3F89];
	_ =	swait.ge [sflag:s4], $0x0  }
0x19: {  	s7 =	sld [smem:$0x3F8A]  }
0x1a: {  	s8 =	sadd.s32 $0xFFFFE003, lr  }
0x1b: {  	s9 =	sadd.s32 $0xFFFFFEF7, lr;
	s5 =	simm.s32 $0xFFFFFFFF;
	p2 =	slt.u32 s8, $0xFFFFF086  }
0x1c: {  	p1 =	slt.u32 s9, $0xF7A;
	s5 =	simm.s32 @!p2 $0x0  }
0x1d: {  	s5 =	simm.s32 @p1 $0x1;
	p0 =	seq.s32 s7, s2  }
0x1e: {  	s7 =	smul.u32 @!p0 $0xF7A, s2;
	p2 =	seq.s32 @!p0 s5, $0x0  }
0x1f: {  	s9 =	smul.u32 $0xF7A, s1;
	s8 =	simm.s32 @!p0 $0x1BF5;
	p2 =	por !p2, p0  }
0x20: {  	[sflag:s8] =	ssyncset.s32 @!p0 $0xFFFFF086;
	s6 =	sadd.s32 @!p0 s3, s7;
	s7 =	simm.s32 @!p0 $0x108  }
0x21: {  	s3 =	sadd.s32 s3, s9;
	s6 =	sadd.s32 @!p0 $0x88, s6;
	s7 =	simm.s32 @p2 $0x1082  }
0x22: {  	[simem:s7], [sflag:s8] =	dma.local @!p0 [hbm:s6], $0xF7A  }
0x23: {  	s9 =	sor.u32 $0xD0000000, s2;
	s6 =	simm.s32 $0x108;
	_ =	swait.ge @!p0 [sflag:s8], $0x0  }
0x24: {  	s3 =	sadd.s32 $0x88, s3;
	s6 =	simm.s32 @!p1 $0x1082;
	[sflag:s4] =	ssyncset.s32 $0xFFFFF086  }
0x25: {  	[simem:s6], [sflag:s4] =	dma.local [hbm:s3], $0xF7A  }
0x26: {  	[smem:$0x3F8A] =	sst s1;
	(tag) =	ssettag s2;
	_ =	strace s9  }
0x27: {  	s1 =	sld [smem:$0x3F9A]  }
0x28: {  	s2 =	sld [smem:$0x3F9B]  }
0x29: {  	s4 =	sld [smem:$0x3F9D]  }
0x2a: {  	p0 =	seq.s32 s5, $0x0;
	s5 =	sld [smem:$0x3F9E]  }
0x2b: {  	s6 =	sld [smem:$0x3F9F]  }
0x2c: {  	s7 =	sld [smem:$0x3FA0]  }
0x2d: {  	s3 =	simm.s32 $0x108;
	s8 =	sld [smem:$0x3FA1]  }
0x2e: {  	s3 =	simm.s32 @!p0 $0x1082;
	s9 =	sld [smem:$0x3FA2]  }
0x2f: {  	lr =	sadd.s32 s0, s3;
	s0 =	sld [smem:$0x3F99]  }
0x30: {  	s3 =	sld [smem:$0x3F9C]  }
0x31: {  	[smem:$0x3FA5] =	sst s10  }
0x32: {  	s10 =	sld [smem:$0x3FA3];
	_ =	sdelay $0x3  }
0x33: {  	p0 =	seq.s32 s10, $0x1;
	s10 =	sld [smem:$0x3FA5];
	_ =	sdelay $0x3  }
0x34: {  	[smem:$0x3FA5] =	sst s10  }
0x35: {  	s10 =	sld [smem:$0x3FA4];
	_ =	sdelay $0x3  }
0x36: {  	p1 =	seq.s32 s10, $0x1;
	s10 =	sld [smem:$0x3FA5];
	_ =	sdelay $0x3  }
0x37: {  	[smem:$0x3FA5] =	sst s10  }
0x38: {  	s10 =	sld [smem:$0x3FA6]  }
0x39: {  	_ = 	snop;
	(pc) =	sbr.ind lr, $3  }
0x3a: {  	_ = 	snop  }
0x3b: {  	_ = 	snop  }
0x3c: {  	p2 =	seq.s32 s10, $0x1;
	s10 =	sld [smem:$0x3FA5]  }
0x3d: {  	_ =	shalt  }
0x3e: {  	_ =	shalt  }
0x3f: {  	_ =	shalt  }
0x40: {  	_ =	shalt  }
0x41: {  	_ =	shalt  }
0x42: {  	_ =	shalt  }
0x43: {  	_ =	shalt  }
0x44: {  	_ =	shalt  }
0x45: {  	_ =	shalt  }
0x46: {  	_ =	shalt  }
0x47: {  	_ =	shalt  }
0x48: {  	_ =	shalt  }
0x49: {  	_ =	shalt  }
0x4a: {  	_ =	shalt  }
0x4b: {  	_ =	shalt  }
0x4c: {  	_ =	shalt  }
0x4d: {  	_ =	shalt  }
0x4e: {  	_ =	shalt  }
0x4f: {  	_ =	shalt  }
0x50: {  	_ =	shalt  }
0x51: {  	_ =	shalt  }
0x52: {  	_ =	shalt  }
0x53: {  	_ =	shalt  }
0x54: {  	_ =	shalt  }
0x55: {  	_ =	shalt  }
0x56: {  	_ =	shalt  }
0x57: {  	_ =	shalt  }
0x58: {  	_ =	shalt  }
0x59: {  	_ =	shalt  }
0x5a: {  	_ =	shalt  }
0x5b: {  	_ =	shalt  }
0x5c: {  	_ =	shalt  }
0x5d: {  	_ =	shalt  }
0x5e: {  	_ =	shalt  }
0x5f: {  	_ =	shalt  }
0x60: {  	_ =	shalt  }
0x61: {  	_ =	shalt  }
0x62: {  	_ =	shalt  }
0x63: {  	_ =	shalt  }
0x64: {  	_ =	shalt  }
0x65: {  	_ =	shalt  }
0x66: {  	_ =	shalt  }
0x67: {  	_ =	shalt  }
0x68: {  	_ =	shalt  }
0x69: {  	_ =	shalt  }
0x6a: {  	_ =	shalt  }
0x6b: {  	_ =	shalt  }
0x6c: {  	_ =	shalt  }
0x6d: {  	_ =	shalt  }
0x6e: {  	_ =	shalt  }
0x6f: {  	_ =	shalt  }
0x70: {  	_ =	shalt  }
0x71: {  	_ =	shalt  }
0x72: {  	_ =	shalt  }
0x73: {  	_ =	shalt  }
0x74: {  	_ =	shalt  }
0x75: {  	_ =	shalt  }
0x76: {  	_ =	shalt  }
0x77: {  	_ =	shalt  }
0x78: {  	_ =	shalt  }
0x79: {  	_ =	shalt  }
0x7a: {  	_ =	shalt  }
0x7b: {  	_ =	shalt  }
0x7c: {  	_ =	shalt  }
0x7d: {  	_ =	shalt  }
0x7e: {  	_ =	shalt  }
0x7f: {  	_ =	shalt  }
0x80: {  	_ =	shalt  }
0x81: {  	_ =	shalt  }
0x82: {  	_ =	shalt  }
0x83: {  	_ =	shalt  }
0x84: {  	_ =	shalt  }
0x85: {  	_ =	shalt  }
0x86: {  	_ =	shalt  }
0x87: {  	_ =	shalt  }
.Lfunc_end0:
.L_simem_size_0:
called_computation.4_lowered:
.L_overlay_start_0:
0x88: {  	s2 =	sld [smem:$0x3FD9]  }
0x89: {  	s3 =	sld [smem:$0x3FFE];
	_ =	sdelay $0x1  }
0x8a: {  	s1 =	srdreg.scid  }
0x8b: {  	s0 =	sand.u32 $0x1, s1  }
0x8c: {  	s16 =	sshll.u32 s0, $0xA;
	s2 =	sadd.s32 s3, s2  }
0x8d: {  	s2 =	sadd.s32 s2, s16  }
0x8e: {  	[smem:$0x3FB1] =	sst s2  }
0x8f: {  	_ = 	snop  }
0x90: {  	(tm) =	ssettm $0x1  }
0x91: {  	s17 =	sld [smem:$0x3FFB];
	_ =	sdelay $0x3  }
0x92: {  	_ =	strace s17  }
0x93: {  	s2 =	sld [smem:$0x3FFC];
	_ =	sdelay $0x3  }
0x94: {  	_ =	strace s2  }
0x95: {  	s2 =	sld [smem:$0x3FFD];
	_ =	sdelay $0x3  }
0x96: {  	_ =	strace s2  }
0x97: {  	_ =	strace $0x8FFFFFFF  }
0x98: {  	s18 =	sld [smem:$0x3FDB];
	_ =	sdelay $0x1  }
0x99: {  	s19 =	simm.s32 $_scs_section_size  }
0x9a: {  	s4 =	simm.s32 $_size__tile_overlayer_lowered;
	s5 =	simm.s32 $_tile_overlayer_lowered  }
0x9b: {  	s22 =	simm.s32 $0x1BFF;
	s21 =	sshll.u32 s5, $0x1;
	s2 =	sadd.s32 s19, s18  }
0x9c: {  	s6 =	simm.s32 $0x0;
	s20 =	sshll.u32 s4, $0x1;
	s4 =	sadd.s32 s21, s2  }
0x9d: {  	[timem:s6], [sflag:s22] =	dma.local [hbm:s4], s20  }
0x9e: {  	_ =	swait.ge [sflag:s22], s20  }
0x9f: {  	s3 =	ssub.s32 $0x0, s20;
	[sflag:s22] =	ssyncset.done $0x0  }
0xa0: {  	[sflag:s22] =	ssyncadd.s32 s3;
	_ =	sdelay $0x1  }
0xa1: {  	s23 =	simm.s32 $0x1B8B  }
0xa2: {  	_ =	swait.ge [sflag:s23], $0x1  }
0xa3: {  	[sflag:s23] =	ssyncset.done $0x0  }
0xa4: {  	s25 =	simm.s32 $0x1B8E;
	s24 =	sld [smem:$0x3FFE];
	[sflag:s23] =	ssyncadd.s32 $0xFFFFFFFF  }
0xa5: {  	s26 =	simm.s32 $execute0_lowered;
	[smem:$0x3FD2] =	sst s25  }
0xa6: {  	s4 =	sshll.u32 s26, $0x1;
	_ =	strace $0x80000052;
	[dreg:$0x1] =	wrdreg $0xFFFFFFFF  }
0xa7: {  	s28 =	simm.s32 $_size_execute0_lowered;
	s2 =	sadd.s32 s2, s4;
	[dreg:$0x0] =	wrdreg $0x0  }
0xa8: {  	s4 =	sshll.u32 s28, $0x1;
	[dreg:$0x2] =	wrdreg s2  }
0xa9: {  	[dreg:$0x3] =	wrdreg s4  }
0xaa: {  	[dreg:$0x4] =	wrdreg $0xC0  }
0xab: {  	_ =	task [dreg:s6], $0x5FFFF  }
0xac: {  	[dreg:$0x1] =	wrdreg $0xFFFFFFFF  }
0xad: {  	[dreg:$0x0] =	wrdreg $0x60  }
0xae: {  	[dreg:$0x2] =	wrdreg s24  }
0xaf: {  	[dreg:$0x3] =	wrdreg $0x9  }
0xb0: {  	_ =	task.clear_ibuf [dreg:s6], $0x4FFFF;
	_ =	strace $0x90000052  }
0xb1: {  	s29 =	simm.s32 $0x9;
	_ =	strace $0x80000054  }
0xb2: {  	_ =	swait.ge [sflag:s29], $0x1  }
0xb3: {  	[sflag:s29] =	ssyncadd.s32 $0xFFFFFFFF  }
0xb4: {  	_ =	strace $0x90000054  }
0xb5: {  	_ =	sfence  }
0xb6: {  	s30 =	sld [smem:$0x0];
	_ =	sdelay $0x2  }
0xb7: {  	s31 =	sshll.u32 s1, $0xD;
	s1 =	sshrl.u32 s1, $0x2  }
0xb8: {  	s3 =	sand.u32 $0x4000, s31;
	s1 =	sadd.s32 s1, s30  }
0xb9: {  	s0 =	sor.u32 s3, s0;
	s1 =	sshll.u32 s1, $0x11  }
0xba: {  	s0 =	sor.u32 s1, s0  }
0xbb: {  	s0 =	sadd.s32 $0x8F2B, s0  }
0xbc: {  	[sflag:s0] =	ssyncadd.remote.s32 $0x1  }
0xbd: {  	_ =	sfence.sel $0xFFFF  }
0xbe: {  	[dreg:$0x0] =	wrdreg $0xFFFFFFFF;
	(pc) =	sbr.abs _section_cstart, $3  }
0xbf: {  	[dreg:$0x1] =	wrdreg $0xFFFFFFFF  }
0xc0: {  	_ =	task.clear_ibuf [dreg:s6], $0x2FFFF;
	_ =	strace $0x9FFFFFFF  }
0xc1: {  	(tm) =	ssettm $0x7FFFFFFF  }
tec
execute0_lowered:
.L_overlay_start_1:
0x0: {  	(tag) =	ssettag $0x1  }
0x1: {  	s1 =	srdreg.scid;
	s0 =	stileid.u32  }
0x2: {  	s5 =	rddreg [dreg:$0x0];
	s2 =	simm.s32 $0x0;
	s8 =	simm.s32 $0x64  }
0x3: {  	s9 =	simm.s32 $0x1;
	s4 =	sand.u32 $0x1, s1;
	s30 =	sshll.u32 s0, $0x1  }
0x4: {  	s10 =	simm.s32 $0x1450;
	s1 =	rddreg [dreg:$0x1];
	s3 =	sor.u32 s4, s30  }
0x5: {  	s11 =	simm.s32 $0x0;
	[smem:$0x7FF] =	sst s2;
	s6 =	smul.u32 $0x28A, s3  }
0x6: {  	_ =	strace $0x80000053;
	s4 =	ssub.s32 $0x2, s4;
	s7 =	smul.u32 $0x2710, s3  }
0x7: {  	s3 =	sadd.s32 $0xB200, s5;
	s31 =	sshrl.u32 s4, $0x1;
	s6 =	sadd.s32 s6, s5  }
0x8: {  	s5 =	sadd.s32 s7, s5;
	s7 =	ssub.s32 s4, s31;
	s4 =	sadd.s32 $0x6000, s6  }
0x9: {  	s5 =	sadd.s32 $0x2D4800, s5;
	s6 =	smax.u32 s7, $0x1;
	s7 =	simm.s32 $0x2  }
.LBB2_1:
0xa: {  	[tilespmem:s2], [sflag:$0x2] =	stream.linear.gather [hbm4b:s4+s2], $0x1450, $0x38;
	[tilespmem:$0x14CD0] =	vst v63  }
0xb: {  	_ =	swait.ge [sflag:s7], $0x1450  }
0xc: {  	[sflag:s7] =	ssyncset.done $0x0  }
0xd: {  	s12 =	simm.s32 $0x0;
	[sflag:s7] =	ssyncadd.s32 $0xFFFFEBB0  }
0xe: {  	[tilespmem:s10], [sflag:$0x1] =	stream.indirect.gather [hbm4b:s3+s8], $0x10, s12, s8, $0xb8;
	[tilespmem:$0x14CD0] =	vst v63  }
0xf: {  	s14 =	simm.s32 $0x1A90;
	s13 =	simm.s32 $0x68  }
0x10: {  	[tilespmem:s14], [sflag:$0x1] =	stream.indirect.gather [hbm4b:s3+s8], $0x10, s13, s8, $0xb8;
	[tilespmem:$0x14CD0] =	vst v63  }
0x11: {  	s15 =	simm.s32 $0x20D0;
	s16 =	simm.s32 $0xD0  }
0x12: {  	[tilespmem:s15], [sflag:$0x1] =	stream.indirect.gather [hbm4b:s3+s8], $0x10, s16, s8, $0xb8;
	[tilespmem:$0x14CD0] =	vst v63  }
0x13: {  	s17 =	simm.s32 $0x2710;
	s18 =	simm.s32 $0x138  }
0x14: {  	[tilespmem:s17], [sflag:$0x1] =	stream.indirect.gather [hbm4b:s3+s8], $0x10, s18, s8, $0xb8;
	[tilespmem:$0x14CD0] =	vst v63  }
0x15: {  	s19 =	simm.s32 $0x2D50;
	s20 =	simm.s32 $0x1A0  }
0x16: {  	[tilespmem:s19], [sflag:$0x1] =	stream.indirect.gather [hbm4b:s3+s8], $0x10, s20, s8, $0xb8;
	[tilespmem:$0x14CD0] =	vst v63  }
0x17: {  	s21 =	simm.s32 $0x3390;
	s22 =	simm.s32 $0x208  }
0x18: {  	[tilespmem:s21], [sflag:$0x1] =	stream.indirect.gather [hbm4b:s3+s8], $0x10, s22, s8, $0xb8;
	[tilespmem:$0x14CD0] =	vst v63  }
0x19: {  	s23 =	simm.s32 $0x39D0;
	s24 =	simm.s32 $0x270  }
0x1a: {  	[tilespmem:s23], [sflag:$0x1] =	stream.indirect.gather [hbm4b:s3+s8], $0x10, s24, s8, $0xb8;
	[tilespmem:$0x14CD0] =	vst v63  }
0x1b: {  	s25 =	simm.s32 $0x4010;
	s26 =	simm.s32 $0x2D8  }
0x1c: {  	[tilespmem:s25], [sflag:$0x1] =	stream.indirect.gather [hbm4b:s3+s8], $0x10, s26, s8, $0xb8;
	[tilespmem:$0x14CD0] =	vst v63  }
0x1d: {  	s28 =	simm.s32 $0x4650;
	s29 =	simm.s32 $0x340  }
0x1e: {  	[tilespmem:s28], [sflag:$0x1] =	stream.indirect.gather [hbm4b:s3+s8], $0x10, s29, s8, $0xb8;
	[tilespmem:$0x14CD0] =	vst v63  }
0x1f: {  	s30 =	simm.s32 $0x4C90;
	s31 =	simm.s32 $0x3A8  }
0x20: {  	[tilespmem:s30], [sflag:$0x1] =	stream.indirect.gather [hbm4b:s3+s8], $0x10, s31, s8, $0xb8;
	[tilespmem:$0x14CD0] =	vst v63  }
0x21: {  	_ =	swait.ge [sflag:s9], $0x640  }
0x22: {  	[sflag:s9] =	ssyncset.done $0x0  }
0x23: {  	[sflag:s9] =	ssyncadd.s32 $0xFFFFF9C0  }
0x24: {  	_ =	swait.ge [sflag:s9], $0x640  }
0x25: {  	[sflag:s9] =	ssyncset.done $0x0  }
0x26: {  	[sflag:s9] =	ssyncadd.s32 $0xFFFFF9C0  }
0x27: {  	_ =	swait.ge [sflag:s9], $0x640  }
0x28: {  	[sflag:s9] =	ssyncset.done $0x0  }
0x29: {  	[sflag:s9] =	ssyncadd.s32 $0xFFFFF9C0  }
0x2a: {  	_ =	swait.ge [sflag:s9], $0x640  }
0x2b: {  	[sflag:s9] =	ssyncset.done $0x0  }
0x2c: {  	[sflag:s9] =	ssyncadd.s32 $0xFFFFF9C0  }
0x2d: {  	_ =	swait.ge [sflag:s9], $0x640  }
0x2e: {  	[sflag:s9] =	ssyncset.done $0x0  }
0x2f: {  	[sflag:s9] =	ssyncadd.s32 $0xFFFFF9C0  }
0x30: {  	_ =	swait.ge [sflag:s9], $0x640  }
0x31: {  	[sflag:s9] =	ssyncset.done $0x0  }
0x32: {  	[sflag:s9] =	ssyncadd.s32 $0xFFFFF9C0  }
0x33: {  	_ =	swait.ge [sflag:s9], $0x640  }
0x34: {  	[sflag:s9] =	ssyncset.done $0x0  }
0x35: {  	[sflag:s9] =	ssyncadd.s32 $0xFFFFF9C0  }
0x36: {  	_ =	swait.ge [sflag:s9], $0x640  }
0x37: {  	[sflag:s9] =	ssyncset.done $0x0  }
0x38: {  	[sflag:s9] =	ssyncadd.s32 $0xFFFFF9C0  }
0x39: {  	_ =	swait.ge [sflag:s9], $0x640  }
0x3a: {  	[sflag:s9] =	ssyncset.done $0x0  }
0x3b: {  	[sflag:s9] =	ssyncadd.s32 $0xFFFFF9C0  }
0x3c: {  	s12 =	simm.s32 $0x52D0;
	_ =	swait.ge [sflag:s9], $0x640  }
0x3d: {  	s13 =	simm.s32 $0x1040;
	s15 =	simm.s32 $0x2080;
	[sflag:s9] =	ssyncset.done $0x0  }
.LBB2_2:
0x3e: {  	s16 =	sshra.s32 s13, $0x2  }
0x3f: {  	[sflag:s9] =	ssyncadd.s32 $0xFFFFF9C0;
	s13 =	smov.u32 s15;
	s14 =	sadd.s32 $0x1040, s15  }
0x40: {  	[tilespmem:s12], [sflag:$0x1] =	stream.indirect.gather [hbm4b:s3+s8], $0x10, s16, s8, $0xb8;
	[tilespmem:$0x14CD0] =	vst v63  }
0x41: {  	p0 =	sne.s32 s15, $0x4100;
	s15 =	sadd.s32 $0x640, s12;
	s17 =	sadd.s32 $0x68, s16  }
0x42: {  	[tilespmem:s15], [sflag:$0x1] =	stream.indirect.gather [hbm4b:s3+s8], $0x10, s17, s8, $0xb8;
	[tilespmem:$0x14CD0] =	vst v63  }
0x43: {  	s15 =	sadd.s32 $0xC80, s12;
	s17 =	sadd.s32 $0xD0, s16  }
0x44: {  	[tilespmem:s15], [sflag:$0x1] =	stream.indirect.gather [hbm4b:s3+s8], $0x10, s17, s8, $0xb8;
	[tilespmem:$0x14CD0] =	vst v63  }
0x45: {  	s15 =	sadd.s32 $0x12C0, s12;
	s17 =	sadd.s32 $0x138, s16  }
0x46: {  	[tilespmem:s15], [sflag:$0x1] =	stream.indirect.gather [hbm4b:s3+s8], $0x10, s17, s8, $0xb8;
	[tilespmem:$0x14CD0] =	vst v63  }
0x47: {  	s15 =	sadd.s32 $0x1900, s12;
	s17 =	sadd.s32 $0x1A0, s16  }
0x48: {  	[tilespmem:s15], [sflag:$0x1] =	stream.indirect.gather [hbm4b:s3+s8], $0x10, s17, s8, $0xb8;
	[tilespmem:$0x14CD0] =	vst v63  }
0x49: {  	s15 =	sadd.s32 $0x1F40, s12;
	s17 =	sadd.s32 $0x208, s16  }
0x4a: {  	[tilespmem:s15], [sflag:$0x1] =	stream.indirect.gather [hbm4b:s3+s8], $0x10, s17, s8, $0xb8;
	[tilespmem:$0x14CD0] =	vst v63  }
0x4b: {  	s15 =	sadd.s32 $0x2580, s12;
	s17 =	sadd.s32 $0x270, s16  }
0x4c: {  	[tilespmem:s15], [sflag:$0x1] =	stream.indirect.gather [hbm4b:s3+s8], $0x10, s17, s8, $0xb8;
	[tilespmem:$0x14CD0] =	vst v63  }
0x4d: {  	s15 =	sadd.s32 $0x2BC0, s12;
	s17 =	sadd.s32 $0x2D8, s16  }
0x4e: {  	[tilespmem:s15], [sflag:$0x1] =	stream.indirect.gather [hbm4b:s3+s8], $0x10, s17, s8, $0xb8;
	[tilespmem:$0x14CD0] =	vst v63  }
0x4f: {  	s15 =	sadd.s32 $0x3200, s12;
	s17 =	sadd.s32 $0x340, s16  }
0x50: {  	[tilespmem:s15], [sflag:$0x1] =	stream.indirect.gather [hbm4b:s3+s8], $0x10, s17, s8, $0xb8;
	[tilespmem:$0x14CD0] =	vst v63  }
0x51: {  	s16 =	sadd.s32 $0x3A8, s16;
	s15 =	sadd.s32 $0x3840, s12  }
0x52: {  	[tilespmem:s15], [sflag:$0x1] =	stream.indirect.gather [hbm4b:s3+s8], $0x10, s16, s8, $0xb8;
	[tilespmem:$0x14CD0] =	vst v63  }
0x53: {  	_ =	swait.ge [sflag:s9], $0x640  }
0x54: {  	[sflag:s9] =	ssyncset.done $0x0  }
0x55: {  	[sflag:s9] =	ssyncadd.s32 $0xFFFFF9C0  }
0x56: {  	_ =	swait.ge [sflag:s9], $0x640  }
0x57: {  	[sflag:s9] =	ssyncset.done $0x0  }
0x58: {  	[sflag:s9] =	ssyncadd.s32 $0xFFFFF9C0  }
0x59: {  	_ =	swait.ge [sflag:s9], $0x640  }
0x5a: {  	[sflag:s9] =	ssyncset.done $0x0  }
0x5b: {  	[sflag:s9] =	ssyncadd.s32 $0xFFFFF9C0  }
0x5c: {  	_ =	swait.ge [sflag:s9], $0x640  }
0x5d: {  	[sflag:s9] =	ssyncset.done $0x0  }
0x5e: {  	[sflag:s9] =	ssyncadd.s32 $0xFFFFF9C0  }
0x5f: {  	_ =	swait.ge [sflag:s9], $0x640  }
0x60: {  	[sflag:s9] =	ssyncset.done $0x0  }
0x61: {  	[sflag:s9] =	ssyncadd.s32 $0xFFFFF9C0  }
0x62: {  	_ =	swait.ge [sflag:s9], $0x640  }
0x63: {  	[sflag:s9] =	ssyncset.done $0x0  }
0x64: {  	[sflag:s9] =	ssyncadd.s32 $0xFFFFF9C0  }
0x65: {  	_ =	swait.ge [sflag:s9], $0x640  }
0x66: {  	[sflag:s9] =	ssyncset.done $0x0  }
0x67: {  	[sflag:s9] =	ssyncadd.s32 $0xFFFFF9C0  }
0x68: {  	_ =	swait.ge [sflag:s9], $0x640  }
0x69: {  	[sflag:s9] =	ssyncset.done $0x0  }
0x6a: {  	[sflag:s9] =	ssyncadd.s32 $0xFFFFF9C0  }
.Ltmp0:
0x6b: {  	_ =	swait.ge [sflag:s9], $0x640;
	(pc) =	sbr.rel @p0 .LBB2_2-.Ltmp0, $4  }
0x6c: {  	[sflag:s9] =	ssyncset.done $0x0  }
0x6d: {  	[sflag:s9] =	ssyncadd.s32 $0xFFFFF9C0  }
0x6e: {  	_ =	swait.ge [sflag:s9], $0x640  }
0x6f: {  	s12 =	sadd.s32 $0x3E80, s12;
	s15 =	smov.u32 s14;
	[sflag:s9] =	ssyncset.done $0x0  }
0x70: {  	s13 =	sshra.s32 s13, $0x2;
	[sflag:s9] =	ssyncadd.s32 $0xFFFFF9C0  }
0x71: {  	[tilespmem:s12], [sflag:$0x1] =	stream.indirect.gather [hbm4b:s3+s8], $0x10, s13, s8, $0xb8;
	[tilespmem:$0x14CD0] =	vst v63  }
0x72: {  	s14 =	sadd.s32 $0x640, s12;
	s15 =	sadd.s32 $0x68, s13  }
0x73: {  	[tilespmem:s14], [sflag:$0x1] =	stream.indirect.gather [hbm4b:s3+s8], $0x10, s15, s8, $0xb8;
	[tilespmem:$0x14CD0] =	vst v63  }
0x74: {  	s16 =	sadd.s32 $0xC80, s12;
	s17 =	sadd.s32 $0xD0, s13  }
0x75: {  	[tilespmem:s16], [sflag:$0x1] =	stream.indirect.gather [hbm4b:s3+s8], $0x10, s17, s8, $0xb8;
	[tilespmem:$0x14CD0] =	vst v63  }
0x76: {  	s18 =	sadd.s32 $0x12C0, s12;
	s19 =	sadd.s32 $0x138, s13  }
0x77: {  	[tilespmem:s18], [sflag:$0x1] =	stream.indirect.gather [hbm4b:s3+s8], $0x10, s19, s8, $0xb8;
	[tilespmem:$0x14CD0] =	vst v63  }
0x78: {  	s20 =	sadd.s32 $0x1900, s12;
	s21 =	sadd.s32 $0x1A0, s13  }
0x79: {  	[tilespmem:s20], [sflag:$0x1] =	stream.indirect.gather [hbm4b:s3+s8], $0x10, s21, s8, $0xb8;
	[tilespmem:$0x14CD0] =	vst v63  }
0x7a: {  	s22 =	sadd.s32 $0x1F40, s12;
	s23 =	sadd.s32 $0x208, s13  }
0x7b: {  	[tilespmem:s22], [sflag:$0x1] =	stream.indirect.gather [hbm4b:s3+s8], $0x10, s23, s8, $0xb8;
	[tilespmem:$0x14CD0] =	vst v63  }
0x7c: {  	s24 =	sadd.s32 $0x2580, s12;
	s25 =	sadd.s32 $0x270, s13  }
0x7d: {  	[tilespmem:s24], [sflag:$0x1] =	stream.indirect.gather [hbm4b:s3+s8], $0x10, s25, s8, $0xb8;
	[tilespmem:$0x14CD0] =	vst v63  }
0x7e: {  	s26 =	sadd.s32 $0x2BC0, s12;
	s28 =	sadd.s32 $0x2D8, s13  }
0x7f: {  	[tilespmem:s26], [sflag:$0x1] =	stream.indirect.gather [hbm4b:s3+s8], $0x10, s28, s8, $0xb8;
	[tilespmem:$0x14CD0] =	vst v63  }
0x80: {  	s29 =	sadd.s32 $0x3200, s12;
	s30 =	sadd.s32 $0x340, s13  }
0x81: {  	[tilespmem:s29], [sflag:$0x1] =	stream.indirect.gather [hbm4b:s3+s8], $0x10, s30, s8, $0xb8;
	[tilespmem:$0x14CD0] =	vst v63  }
0x82: {  	s31 =	sadd.s32 $0x3840, s12;
	s13 =	sadd.s32 $0x3A8, s13  }
0x83: {  	[tilespmem:s31], [sflag:$0x1] =	stream.indirect.gather [hbm4b:s3+s8], $0x10, s13, s8, $0xb8;
	[tilespmem:$0x14CD0] =	vst v63  }
0x84: {  	_ =	swait.ge [sflag:s9], $0x640  }
0x85: {  	[sflag:s9] =	ssyncset.done $0x0  }
0x86: {  	[sflag:s9] =	ssyncadd.s32 $0xFFFFF9C0  }
0x87: {  	_ =	swait.ge [sflag:s9], $0x640  }
0x88: {  	[sflag:s9] =	ssyncset.done $0x0  }
0x89: {  	[sflag:s9] =	ssyncadd.s32 $0xFFFFF9C0  }
0x8a: {  	_ =	swait.ge [sflag:s9], $0x640  }
0x8b: {  	[sflag:s9] =	ssyncset.done $0x0  }
0x8c: {  	[sflag:s9] =	ssyncadd.s32 $0xFFFFF9C0  }
0x8d: {  	_ =	swait.ge [sflag:s9], $0x640  }
0x8e: {  	[sflag:s9] =	ssyncset.done $0x0  }
0x8f: {  	[sflag:s9] =	ssyncadd.s32 $0xFFFFF9C0  }
0x90: {  	_ =	swait.ge [sflag:s9], $0x640  }
0x91: {  	[sflag:s9] =	ssyncset.done $0x0  }
0x92: {  	[sflag:s9] =	ssyncadd.s32 $0xFFFFF9C0  }
0x93: {  	_ =	swait.ge [sflag:s9], $0x640  }
0x94: {  	[sflag:s9] =	ssyncset.done $0x0  }
0x95: {  	[sflag:s9] =	ssyncadd.s32 $0xFFFFF9C0  }
0x96: {  	_ =	swait.ge [sflag:s9], $0x640  }
0x97: {  	[sflag:s9] =	ssyncset.done $0x0  }
0x98: {  	[sflag:s9] =	ssyncadd.s32 $0xFFFFF9C0  }
0x99: {  	_ =	swait.ge [sflag:s9], $0x640  }
0x9a: {  	[sflag:s9] =	ssyncset.done $0x0  }
0x9b: {  	[sflag:s9] =	ssyncadd.s32 $0xFFFFF9C0  }
0x9c: {  	_ =	swait.ge [sflag:s9], $0x640  }
0x9d: {  	[sflag:s9] =	ssyncset.done $0x0  }
0x9e: {  	[sflag:s9] =	ssyncadd.s32 $0xFFFFF9C0  }
0x9f: {  	s11 =	sadd.s32 $0x1, s11;
	_ =	swait.ge [sflag:s9], $0x640  }
0xa0: {  	p0 =	sne.s32 s11, s6;
	[sflag:s9] =	ssyncset.done $0x0  }
.Ltmp1:
0xa1: {  	[sflag:s9] =	ssyncadd.s32 $0xFFFFF9C0;
	(pc) =	sbr.rel @p0 .LBB2_1-.Ltmp1, $4  }
0xa2: {  	[hbm4b:s5+s2] =	stream.linear.scatter [tilespmem:s10], [sflag:$0x2], $0x13880, $0x38;
	[tilespmem:$0x14CD0] =	vst v63  }
0xa3: {  	_ =	swait.ge [sflag:s7], $0x13880  }
0xa4: {  	[sflag:s7] =	ssyncset.done $0x0  }
0xa5: {  	[sflag:s7] =	ssyncadd.s32 $0xFFFEC780  }
0xa6: {  	_ =	sfence.sel $0x180000  }
0xa7: {  	[bflag:$0x0] =	sbarrier.arrive $0xFFFF  }
0xa8: {  	p0 =	sne.s32 s0, $0x0;
	_ =	strace $0x90000053  }
0xa9: {  	s0 =	sadd.s32 @!p0 $0x100000, s1;
	[bflag:$0x2] =	sbarrier.arrive $0xFFFF  }
0xaa: {  	[sflag:s0] =	ssyncadd.tile.s32 @!p0 $0x1;
	_ =	shalt  }
.Lfunc_end2:
_tile_overlayer_lowered:
.L_overlay_start_2:
0xab: {  	(tag) =	ssettag $0x2  }
0xac: {  	s0 =	rddreg [dreg:$0x0];
	s2 =	stileid.u32  }
0xad: {  	s1 =	rddreg [dreg:$0x1];
	p0 =	sne.s32 s2, $0x0  }
0xae: {  	s3 =	rddreg [dreg:$0x2];
	[bflag:$0x3] =	sbarrier.arrive $0xFFFF;
	s2 =	simm.s32 @!p0 $0x1C02  }
0xaf: {  	[timem:s3], [sflag:s2] =	dma.local @!p0 [hbm:s0], s1  }
0xb0: {  	s0 =	simm.s32 @!p0 $0x2  }
0xb1: {  	_ =	swait.ge @!p0 [sflag:s0], s1  }
0xb2: {  	s1 =	ssub.s32 @!p0 $0x0, s1;
	[sflag:s0] =	ssyncset.done @!p0 $0x0  }
0xb3: {  	[sflag:s0] =	ssyncadd.s32 @!p0 s1  }
0xb4: {  	[bflag:$0x3] =	sbarrier.arrive $0xFFFF  }
0xb5: {  	_ =	shalt  }

// kernel: kernel.32.cloned.1.call-start
scs
__scs_entry_jumppad:
0x0: {  	(pc) =	sbr.rel $0x88, $3  }
0x1: {  	(tag) =	ssettag $0x0;
	lr =	simm.s32 $0x1  }
0x2: {  	[smem:$0x3F8A] =	sst lr;
	_ =	strace $0xD0000000  }
0x3: {  	_ = 	snop  }
0x4: {  	_ = 	snop  }
0x5: {  	_ = 	snop  }
0x6: {  	_ = 	snop  }
0x7: {  	_ = 	snop  }
__scs_overlays_trampoline_lowered:
0x8: {  	[smem:$0x3F99] =	sst s0  }
0x9: {  	[smem:$0x3F9A] =	sst s1  }
0xa: {  	[smem:$0x3F9B] =	sst s2  }
0xb: {  	[smem:$0x3F9C] =	sst s3  }
0xc: {  	[smem:$0x3F9D] =	sst s4  }
0xd: {  	[smem:$0x3F9E] =	sst s5  }
0xe: {  	[smem:$0x3F9F] =	sst s6  }
0xf: {  	[smem:$0x3FA0] =	sst s7  }
0x10: {  	[smem:$0x3FA1] =	sst s8  }
0x11: {  	[smem:$0x3FA2] =	sst s9;
	s0 =	simm.s32 @!p0 $0x0  }
0x12: {  	s1 =	sld [smem:$0x3F88];
	s0 =	simm.s32 @p0 $0x1  }
0x13: {  	[smem:$0x3FA3] =	sst s0;
	s0 =	simm.s32 @!p1 $0x0  }
0x14: {  	s2 =	sld [smem:$0x3F87];
	s0 =	simm.s32 @p1 $0x1  }
0x15: {  	[smem:$0x3FA4] =	sst s0;
	s0 =	simm.s32 @!p2 $0x0  }
0x16: {  	s3 =	sld [smem:$0x3FDB];
	s0 =	simm.s32 @p2 $0x1  }
0x17: {  	s4 =	simm.s32 $0x1BF5;
	[smem:$0x3FA6] =	sst s0  }
0x18: {  	s0 =	sld [smem:$0x3F89];
	_ =	swait.ge [sflag:s4], $0x0  }
0x19: {  	s7 =	sld [smem:$0x3F8A]  }
0x1a: {  	s8 =	sadd.s32 $0xFFFFE003, lr  }
0x1b: {  	s9 =	sadd.s32 $0xFFFFFEF7, lr;
	s5 =	simm.s32 $0xFFFFFFFF;
	p2 =	slt.u32 s8, $0xFFFFF086  }
0x1c: {  	p1 =	slt.u32 s9, $0xF7A;
	s5 =	simm.s32 @!p2 $0x0  }
0x1d: {  	s5 =	simm.s32 @p1 $0x1;
	p0 =	seq.s32 s7, s2  }
0x1e: {  	s7 =	smul.u32 @!p0 $0xF7A, s2;
	p2 =	seq.s32 @!p0 s5, $0x0  }
0x1f: {  	s9 =	smul.u32 $0xF7A, s1;
	s8 =	simm.s32 @!p0 $0x1BF5;
	p2 =	por !p2, p0  }
0x20: {  	[sflag:s8] =	ssyncset.s32 @!p0 $0xFFFFF086;
	s6 =	sadd.s32 @!p0 s3, s7;
	s7 =	simm.s32 @!p0 $0x108  }
0x21: {  	s3 =	sadd.s32 s3, s9;
	s6 =	sadd.s32 @!p0 $0x88, s6;
	s7 =	simm.s32 @p2 $0x1082  }
0x22: {  	[simem:s7], [sflag:s8] =	dma.local @!p0 [hbm:s6], $0xF7A  }
0x23: {  	s9 =	sor.u32 $0xD0000000, s2;
	s6 =	simm.s32 $0x108;
	_ =	swait.ge @!p0 [sflag:s8], $0x0  }
0x24: {  	s3 =	sadd.s32 $0x88, s3;
	s6 =	simm.s32 @!p1 $0x1082;
	[sflag:s4] =	ssyncset.s32 $0xFFFFF086  }
0x25: {  	[simem:s6], [sflag:s4] =	dma.local [hbm:s3], $0xF7A  }
0x26: {  	[smem:$0x3F8A] =	sst s1;
	(tag) =	ssettag s2;
	_ =	strace s9  }
0x27: {  	s1 =	sld [smem:$0x3F9A]  }
0x28: {  	s2 =	sld [smem:$0x3F9B]  }
0x29: {  	s4 =	sld [smem:$0x3F9D]  }
0x2a: {  	p0 =	seq.s32 s5, $0x0;
	s5 =	sld [smem:$0x3F9E]  }
0x2b: {  	s6 =	sld [smem:$0x3F9F]  }
0x2c: {  	s7 =	sld [smem:$0x3FA0]  }
0x2d: {  	s3 =	simm.s32 $0x108;
	s8 =	sld [smem:$0x3FA1]  }
0x2e: {  	s3 =	simm.s32 @!p0 $0x1082;
	s9 =	sld [smem:$0x3FA2]  }
0x2f: {  	lr =	sadd.s32 s0, s3;
	s0 =	sld [smem:$0x3F99]  }
0x30: {  	s3 =	sld [smem:$0x3F9C]  }
0x31: {  	[smem:$0x3FA5] =	sst s10  }
0x32: {  	s10 =	sld [smem:$0x3FA3];
	_ =	sdelay $0x3  }
0x33: {  	p0 =	seq.s32 s10, $0x1;
	s10 =	sld [smem:$0x3FA5];
	_ =	sdelay $0x3  }
0x34: {  	[smem:$0x3FA5] =	sst s10  }
0x35: {  	s10 =	sld [smem:$0x3FA4];
	_ =	sdelay $0x3  }
0x36: {  	p1 =	seq.s32 s10, $0x1;
	s10 =	sld [smem:$0x3FA5];
	_ =	sdelay $0x3  }
0x37: {  	[smem:$0x3FA5] =	sst s10  }
0x38: {  	s10 =	sld [smem:$0x3FA6]  }
0x39: {  	_ = 	snop;
	(pc) =	sbr.ind lr, $3  }
0x3a: {  	_ = 	snop  }
0x3b: {  	_ = 	snop  }
0x3c: {  	p2 =	seq.s32 s10, $0x1;
	s10 =	sld [smem:$0x3FA5]  }
0x3d: {  	_ =	shalt  }
0x3e: {  	_ =	shalt  }
0x3f: {  	_ =	shalt  }
0x40: {  	_ =	shalt  }
0x41: {  	_ =	shalt  }
0x42: {  	_ =	shalt  }
0x43: {  	_ =	shalt  }
0x44: {  	_ =	shalt  }
0x45: {  	_ =	shalt  }
0x46: {  	_ =	shalt  }
0x47: {  	_ =	shalt  }
0x48: {  	_ =	shalt  }
0x49: {  	_ =	shalt  }
0x4a: {  	_ =	shalt  }
0x4b: {  	_ =	shalt  }
0x4c: {  	_ =	shalt  }
0x4d: {  	_ =	shalt  }
0x4e: {  	_ =	shalt  }
0x4f: {  	_ =	shalt  }
0x50: {  	_ =	shalt  }
0x51: {  	_ =	shalt  }
0x52: {  	_ =	shalt  }
0x53: {  	_ =	shalt  }
0x54: {  	_ =	shalt  }
0x55: {  	_ =	shalt  }
0x56: {  	_ =	shalt  }
0x57: {  	_ =	shalt  }
0x58: {  	_ =	shalt  }
0x59: {  	_ =	shalt  }
0x5a: {  	_ =	shalt  }
0x5b: {  	_ =	shalt  }
0x5c: {  	_ =	shalt  }
0x5d: {  	_ =	shalt  }
0x5e: {  	_ =	shalt  }
0x5f: {  	_ =	shalt  }
0x60: {  	_ =	shalt  }
0x61: {  	_ =	shalt  }
0x62: {  	_ =	shalt  }
0x63: {  	_ =	shalt  }
0x64: {  	_ =	shalt  }
0x65: {  	_ =	shalt  }
0x66: {  	_ =	shalt  }
0x67: {  	_ =	shalt  }
0x68: {  	_ =	shalt  }
0x69: {  	_ =	shalt  }
0x6a: {  	_ =	shalt  }
0x6b: {  	_ =	shalt  }
0x6c: {  	_ =	shalt  }
0x6d: {  	_ =	shalt  }
0x6e: {  	_ =	shalt  }
0x6f: {  	_ =	shalt  }
0x70: {  	_ =	shalt  }
0x71: {  	_ =	shalt  }
0x72: {  	_ =	shalt  }
0x73: {  	_ =	shalt  }
0x74: {  	_ =	shalt  }
0x75: {  	_ =	shalt  }
0x76: {  	_ =	shalt  }
0x77: {  	_ =	shalt  }
0x78: {  	_ =	shalt  }
0x79: {  	_ =	shalt  }
0x7a: {  	_ =	shalt  }
0x7b: {  	_ =	shalt  }
0x7c: {  	_ =	shalt  }
0x7d: {  	_ =	shalt  }
0x7e: {  	_ =	shalt  }
0x7f: {  	_ =	shalt  }
0x80: {  	_ =	shalt  }
0x81: {  	_ =	shalt  }
0x82: {  	_ =	shalt  }
0x83: {  	_ =	shalt  }
0x84: {  	_ =	shalt  }
0x85: {  	_ =	shalt  }
0x86: {  	_ =	shalt  }
0x87: {  	_ =	shalt  }
.Lfunc_end0:
.L_simem_size_0:
called_computation.5_lowered:
.L_overlay_start_0:
0x88: {  	s2 =	sld [smem:$0x3FD9]  }
0x89: {  	s3 =	sld [smem:$0x3FFE];
	_ =	sdelay $0x1  }
0x8a: {  	s1 =	srdreg.scid  }
0x8b: {  	s0 =	sand.u32 $0x1, s1  }
0x8c: {  	s16 =	sshll.u32 s0, $0xA;
	s2 =	sadd.s32 s3, s2  }
0x8d: {  	s2 =	sadd.s32 s2, s16  }
0x8e: {  	[smem:$0x3FB1] =	sst s2  }
0x8f: {  	_ = 	snop  }
0x90: {  	(tm) =	ssettm $0x1  }
0x91: {  	s17 =	sld [smem:$0x3FFB];
	_ =	sdelay $0x3  }
0x92: {  	_ =	strace s17  }
0x93: {  	s2 =	sld [smem:$0x3FFC];
	_ =	sdelay $0x3  }
0x94: {  	_ =	strace s2  }
0x95: {  	s2 =	sld [smem:$0x3FFD];
	_ =	sdelay $0x3  }
0x96: {  	_ =	strace s2  }
0x97: {  	_ =	strace $0x8FFFFFFF  }
0x98: {  	s18 =	sld [smem:$0x3FDB];
	_ =	sdelay $0x1  }
0x99: {  	s19 =	simm.s32 $_scs_section_size  }
0x9a: {  	s4 =	simm.s32 $_size__tile_overlayer_lowered;
	s5 =	simm.s32 $_tile_overlayer_lowered  }
0x9b: {  	s22 =	simm.s32 $0x1BFF;
	s21 =	sshll.u32 s5, $0x1;
	s2 =	sadd.s32 s19, s18  }
0x9c: {  	s6 =	simm.s32 $0x0;
	s20 =	sshll.u32 s4, $0x1;
	s4 =	sadd.s32 s21, s2  }
0x9d: {  	[timem:s6], [sflag:s22] =	dma.local [hbm:s4], s20  }
0x9e: {  	_ =	swait.ge [sflag:s22], s20  }
0x9f: {  	s3 =	ssub.s32 $0x0, s20;
	[sflag:s22] =	ssyncset.done $0x0  }
0xa0: {  	[sflag:s22] =	ssyncadd.s32 s3;
	_ =	sdelay $0x1  }
0xa1: {  	s23 =	simm.s32 $0x1B8B  }
0xa2: {  	_ =	swait.ge [sflag:s23], $0x1  }
0xa3: {  	[sflag:s23] =	ssyncset.done $0x0  }
0xa4: {  	s25 =	simm.s32 $0x1B8E;
	s24 =	sld [smem:$0x3FFE];
	[sflag:s23] =	ssyncadd.s32 $0xFFFFFFFF  }
0xa5: {  	s26 =	simm.s32 $execute0_lowered;
	[smem:$0x3FD2] =	sst s25  }
0xa6: {  	s4 =	sshll.u32 s26, $0x1;
	_ =	strace $0x80000055;
	[dreg:$0x1] =	wrdreg $0xFFFFFFFF  }
0xa7: {  	s28 =	simm.s32 $_size_execute0_lowered;
	s2 =	sadd.s32 s2, s4;
	[dreg:$0x0] =	wrdreg $0x0  }
0xa8: {  	s4 =	sshll.u32 s28, $0x1;
	[dreg:$0x2] =	wrdreg s2  }
0xa9: {  	[dreg:$0x3] =	wrdreg s4  }
0xaa: {  	[dreg:$0x4] =	wrdreg $0xC0  }
0xab: {  	_ =	task [dreg:s6], $0x5FFFF  }
0xac: {  	[dreg:$0x1] =	wrdreg $0xFFFFFFFF  }
0xad: {  	[dreg:$0x0] =	wrdreg $0x60  }
0xae: {  	[dreg:$0x2] =	wrdreg s24  }
0xaf: {  	[dreg:$0x3] =	wrdreg $0x14CD00  }
0xb0: {  	[dreg:$0x4] =	wrdreg $0x9  }
0xb1: {  	_ =	task.clear_ibuf [dreg:s6], $0x5FFFF;
	_ =	strace $0x90000055  }
0xb2: {  	s29 =	simm.s32 $0x9;
	_ =	strace $0x80000057  }
0xb3: {  	_ =	swait.ge [sflag:s29], $0x1  }
0xb4: {  	[sflag:s29] =	ssyncadd.s32 $0xFFFFFFFF  }
0xb5: {  	_ =	strace $0x90000057  }
0xb6: {  	_ =	sfence  }
0xb7: {  	s30 =	sld [smem:$0x0];
	_ =	sdelay $0x2  }
0xb8: {  	s31 =	sshll.u32 s1, $0xD;
	s1 =	sshrl.u32 s1, $0x2  }
0xb9: {  	s3 =	sand.u32 $0x4000, s31;
	s1 =	sadd.s32 s1, s30  }
0xba: {  	s0 =	sor.u32 s3, s0;
	s1 =	sshll.u32 s1, $0x11  }
0xbb: {  	s0 =	sor.u32 s1, s0  }
0xbc: {  	s0 =	sadd.s32 $0x8F2B, s0  }
0xbd: {  	[sflag:s0] =	ssyncadd.remote.s32 $0x1  }
0xbe: {  	_ =	sfence.sel $0xFFFF  }
0xbf: {  	[dreg:$0x0] =	wrdreg $0xFFFFFFFF;
	(pc) =	sbr.abs _section_cstart, $3  }
0xc0: {  	[dreg:$0x1] =	wrdreg $0xFFFFFFFF  }
0xc1: {  	_ =	task.clear_ibuf [dreg:s6], $0x2FFFF;
	_ =	strace $0x9FFFFFFF  }
0xc2: {  	(tm) =	ssettm $0x7FFFFFFF  }
0xc3: {  	_ =	shalt  }
tec
execute0_lowered:
.L_overlay_start_1:
0x0: {  	(tag) =	ssettag $0x1  }
0x1: {  	s1 =	srdreg.scid  }
0x2: {  	s0 =	stileid.u32;
	s4 =	rddreg [dreg:$0x0]  }
0x3: {  	s2 =	rddreg [dreg:$0x1];
	s3 =	simm.s32 $0x0;
	s5 =	sand.u32 $0x1, s1  }
0x4: {  	s30 =	sshll.u32 s0, $0x1;
	s1 =	rddreg [dreg:$0x2];
	s8 =	smul.u32 $0x2710, s0  }
0x5: {  	[smem:$0x7FF] =	sst s3;
	s6 =	sor.u32 s5, s30;
	s9 =	smul.u32 $0x4E20, s5  }
0x6: {  	s31 =	sshll.u32 s0, $0x6;
	_ =	strace $0x80000056;
	s7 =	smul.u32 $0x2710, s6  }
0x7: {  	s5 =	ssub.s32 $0x2, s5;
	s6 =	smul.u32 $0x28A, s6;
	s12 =	sshrl.u32 s8, $0x3  }
0x8: {  	s11 =	sshrl.u32 s5, $0x1;
	s13 =	sadd.s32 s8, s2;
	s10 =	sadd.s32 s12, s4  }
0x9: {  	s9 =	sadd.s32 s9, s4;
	s11 =	ssub.s32 s5, s11;
	s5 =	sor.u32 $0x1C01, s31  }
0xa: {  	s7 =	sadd.s32 s7, s4;
	s6 =	sadd.s32 s6, s4;
	s4 =	sadd.s32 $0x59400, s10  }
0xb: {  	s14 =	sadd.s32 $0x10200, s9;
	s8 =	smax.u32 s11, $0x1;
	s9 =	sshrl.u32 s13, $0x3  }
0xc: {  	s10 =	simm.s32 $0x1;
	s11 =	simm.s32 $0x64;
	s13 =	simm.s32 $0x0  }
0xd: {  	s6 =	sadd.s32 $0x5E600, s6;
	s7 =	sadd.s32 $0x63800, s7;
	s12 =	sadd.s32 s12, s14  }
.LBB2_1:
0xe: {  	[spmem:s9], [sflag:s5] =	dma.local [hbm:s4], $0x4E2  }
0xf: {  	_ =	swait.ge [sflag:s10], $0x4E2  }
0x10: {  	[sflag:s10] =	ssyncset.done $0x0  }
0x11: {  	[sflag:s10] =	ssyncadd.s32 $0xFFFFFB1E  }
0x12: {  	[tilespmem:s3], [sflag:$0x1] =	stream.linear.gather [hbm4b:s6+s3], $0x1450, $0x38;
	[tilespmem:$0x173E0] =	vst v63  }
0x13: {  	_ =	swait.ge [sflag:s10], $0x1450  }
0x14: {  	[sflag:s10] =	ssyncset.done $0x0  }
0x15: {  	s14 =	simm.s32 $0x1450;
	[sflag:s10] =	ssyncadd.s32 $0xFFFFEBB0  }
0x16: {  	[tilespmem:s14], [sflag:$0x1] =	stream.linear.gather [hbm4b:s7+s3], $0x13880, $0x38;
	[tilespmem:$0x173E0] =	vst v63  }
0x17: {  	_ =	swait.ge [sflag:s10], $0x13880  }
0x18: {  	[sflag:s10] =	ssyncset.done $0x0  }
0x19: {  	[sflag:s10] =	ssyncadd.s32 $0xFFFEC780  }
0x1a: {  	s15 =	simm.s32 $0x0;
	[bflag:$0x0] =	sbarrier.arrive $0xFFFF  }
0x1b: {  	[spmem:s2] =	stream.indirect.scatter.add.f32 [tilespmem:s14], [sflag:$0x1], $0x10, s15, s11, $0xb8;
	[tilespmem:$0x173E0] =	vst v63  }
0x1c: {  	_ =	swait.ge [sflag:s10], $0x640  }
0x1d: {  	s15 =	simm.s32 $0x1A0;
	[sflag:s10] =	ssyncset.done $0x0  }
.LBB2_2:
0x1e: {  	s16 =	sshra.s32 s15, $0x2  }
0x1f: {  	[sflag:s10] =	ssyncadd.s32 $0xFFFFF9C0;
	s14 =	sadd.s32 $0x640, s14;
	p0 =	sne.s32 s15, $0x4FA0  }
0x20: {  	[spmem:s2] =	stream.indirect.scatter.add.f32 [tilespmem:s14], [sflag:$0x1], $0x10, s16, s11, $0xb8;
	[tilespmem:$0x173E0] =	vst v63  }
.Ltmp0:
0x21: {  	_ = 	snop;
	(pc) =	sbr.rel @p0 .LBB2_2-.Ltmp0, $4  }
0x22: {  	_ = 	snop  }
0x23: {  	s15 =	sadd.s32 $0x1A0, s15  }
0x24: {  	_ =	swait.ge [sflag:s10], $0x640  }
0x25: {  	[sflag:s10] =	ssyncset.done $0x0  }
0x26: {  	s13 =	sadd.s32 $0x1, s13  }
0x27: {  	[sflag:s10] =	ssyncadd.s32 $0xFFFFF9C0;
	p0 =	sne.s32 s13, s8  }
.Ltmp1:
0x28: {  	[bflag:$0x0] =	sbarrier.arrive $0xFFFF;
	(pc) =	sbr.rel @p0 .LBB2_1-.Ltmp1, $4  }
0x29: {  	[hbm:s12], [sflag:s5] =	dma.local [spmem:s9], $0x4E2  }
0x2a: {  	_ =	swait.ge [sflag:s10], $0x4E2  }
0x2b: {  	[sflag:s10] =	ssyncset.done $0x0  }
0x2c: {  	[sflag:s10] =	ssyncadd.s32 $0xFFFFFB1E  }
0x2d: {  	_ =	sfence.sel $0x180000  }
0x2e: {  	[bflag:$0x0] =	sbarrier.arrive $0xFFFF  }
0x2f: {  	p0 =	sne.s32 s0, $0x0;
	_ =	strace $0x90000056  }
0x30: {  	s0 =	sadd.s32 @!p0 $0x100000, s1;
	[bflag:$0x2] =	sbarrier.arrive $0xFFFF  }
0x31: {  	[sflag:s0] =	ssyncadd.tile.s32 @!p0 $0x1;
	_ =	shalt  }
.Lfunc_end2:
_tile_overlayer_lowered:
.L_overlay_start_2:
0x32: {  	(tag) =	ssettag $0x2  }
0x33: {  	s0 =	rddreg [dreg:$0x0];
	s2 =	stileid.u32  }
0x34: {  	s1 =	rddreg [dreg:$0x1];
	p0 =	sne.s32 s2, $0x0  }
0x35: {  	s3 =	rddreg [dreg:$0x2];
	[bflag:$0x3] =	sbarrier.arrive $0xFFFF;
	s2 =	simm.s32 @!p0 $0x1C01  }
0x36: {  	[timem:s3], [sflag:s2] =	dma.local @!p0 [hbm:s0], s1  }
0x37: {  	s0 =	simm.s32 @!p0 $0x1  }
0x38: {  	_ =	swait.ge @!p0 [sflag:s0], s1  }
0x39: {  	s1 =	ssub.s32 @!p0 $0x0, s1;
	[sflag:s0] =	ssyncset.done @!p0 $0x0  }
0x3a: {  	[sflag:s0] =	ssyncadd.s32 @!p0 s1  }
0x3b: {  	[bflag:$0x3] =	sbarrier.arrive $0xFFFF  }
0x3c: {  	_ =	shalt  }

</sc_bundles>
